<compile_context>
chip_gen: v7x
topology: tpu7x:2x2x1
jax: 0.10.2.dev20260603
libtpu: 0.0.44.dev20260713+nightly
codegen_flags: <defaults>
</compile_context>

<pallas_src>
import functools

import jax
import jax.numpy as jnp
from jax import lax
from jax.experimental import pallas as pl
from jax.experimental.pallas import tpu as pltpu
from jax.experimental.pallas import tpu_sc as plsc

N = 10000
D = 128
E = 320000
OUT = 10

NC = 2
NS = 16
NW = NC * NS

CH = 128
CTOT = 2592
CREAL = E // CH
K0 = 78
K1 = (CTOT - NS * K0) // NS
NPAD = 10112
ROWS_PER_TILE = NPAD // NS
RING = 3


def _start_idx_load(edge_hbm, pads_hbm, row, J, dstbuf, sem):
    @pl.when(J < CREAL)
    def _():
        pltpu.async_copy(edge_hbm.at[row, pl.ds(J * CH, CH)], dstbuf, sem)

    @pl.when(J >= CREAL)
    def _():
        pltpu.async_copy(pads_hbm.at[row, J - CREAL], dstbuf, sem)


def _sc_aggregate_body(h_hbm, edge_hbm, pads_hbm, zeros_hbm, out_hbm,
                       bufs, sidxs, didx, acc, sems, isems, dsems):
    cid = lax.axis_index("c")
    sid = lax.axis_index("s")

    kc = jnp.where(cid == 0, K0, K1)
    base = jnp.where(cid == 0, sid * K0, NS * K0 + sid * K1)

    def wait_idx(dstbuf, sem):
        pltpu.make_async_copy(pads_hbm.at[0, 0], dstbuf, sem).wait()

    for b in range(RING):
        _start_idx_load(edge_hbm, pads_hbm, 1, base + b, didx.at[b], dsems[b])
        _start_idx_load(edge_hbm, pads_hbm, 0, base + b, sidxs[b], isems[b])
    for b in range(RING):
        wait_idx(sidxs[b], isems[b])
        pltpu.async_copy(h_hbm.at[sidxs[b]], bufs[b], sems[b])
    pltpu.sync_copy(zeros_hbm, acc.at[pl.ds(sid * ROWS_PER_TILE, ROWS_PER_TILE)])
    plsc.subcore_barrier()

    def body(i, carry):
        j0 = i * RING
        for b in range(RING):
            j = j0 + b
            pltpu.make_async_copy(h_hbm.at[sidxs[b]], bufs[b], sems[b]).wait()

            @pl.when(j + RING < kc)
            def _():
                _start_idx_load(edge_hbm, pads_hbm, 0, base + j + RING,
                                sidxs[b], isems[b])

            wait_idx(didx.at[b], dsems[b])
            pltpu.sync_copy(bufs[b], acc.at[didx.at[b]], add=True)

            @pl.when(j + RING < kc)
            def _():
                _start_idx_load(edge_hbm, pads_hbm, 1, base + j + RING,
                                didx.at[b], dsems[b])
                wait_idx(sidxs[b], isems[b])
                pltpu.async_copy(h_hbm.at[sidxs[b]], bufs[b], sems[b])
        return carry

    lax.fori_loop(0, kc // RING, body, 0)

    plsc.subcore_barrier()
    pltpu.sync_copy(acc.at[pl.ds(sid * ROWS_PER_TILE, ROWS_PER_TILE)],
                    out_hbm.at[cid, pl.ds(sid * ROWS_PER_TILE, ROWS_PER_TILE)])


@functools.cache
def _sc_aggregate():
    mesh = plsc.VectorSubcoreMesh(core_axis_name="c", subcore_axis_name="s")
    return pl.kernel(
        _sc_aggregate_body,
        mesh=mesh,
        out_type=jax.ShapeDtypeStruct((NC, NPAD, D), jnp.float32),
        scratch_types=[
            [pltpu.VMEM((CH, D), jnp.float32) for _ in range(RING)],
            [pltpu.VMEM((CH,), jnp.int32) for _ in range(RING)],
            pltpu.VMEM((RING, CH), jnp.int32),
            pltpu.VMEM_SHARED((NPAD, D), jnp.float32),
            [pltpu.SemaphoreType.DMA for _ in range(RING)],
            [pltpu.SemaphoreType.DMA for _ in range(RING)],
            [pltpu.SemaphoreType.DMA for _ in range(RING)],
        ],
    )


_BR = 2000


def _layer_body(acc_ref, w_ref, b_ref, o_ref):
    s = acc_ref[0] + acc_ref[1]
    o_ref[...] = jnp.tanh(
        jnp.dot(s, w_ref[...], preferred_element_type=jnp.float32) + b_ref[...])


def _tc_layer(acc, W, b):
    return pl.pallas_call(
        _layer_body,
        grid=(N // _BR,),
        in_specs=[
            pl.BlockSpec((NC, _BR, D), lambda i: (0, i, 0)),
            pl.BlockSpec((D, D), lambda i: (0, 0)),
            pl.BlockSpec((1, D), lambda i: (0, 0)),
        ],
        out_specs=pl.BlockSpec((_BR, D), lambda i: (i, 0)),
        out_shape=jax.ShapeDtypeStruct((N, D), jnp.float32),
    )(acc, W, b.reshape(1, D))


def _final_body(acc_ref, w_ref, b_ref, wr_ref, br_ref, o_ref, sum_ref):
    i = pl.program_id(0)

    @pl.when(i == 0)
    def _():
        sum_ref[...] = jnp.zeros_like(sum_ref)

    s = acc_ref[0] + acc_ref[1]
    t = jnp.tanh(
        jnp.dot(s, w_ref[...], preferred_element_type=jnp.float32) + b_ref[...])
    sum_ref[...] += jnp.sum(t, axis=0, keepdims=True)
    m = sum_ref[...] * (1.0 / N)
    o_ref[...] = jnp.tanh(
        jnp.dot(m, wr_ref[...], preferred_element_type=jnp.float32) + br_ref[...])


def _tc_final(acc, W, b, Wr_pad, br_pad):
    return pl.pallas_call(
        _final_body,
        grid=(N // _BR,),
        in_specs=[
            pl.BlockSpec((NC, _BR, D), lambda i: (0, i, 0)),
            pl.BlockSpec((D, D), lambda i: (0, 0)),
            pl.BlockSpec((1, D), lambda i: (0, 0)),
            pl.BlockSpec((D, D), lambda i: (0, 0)),
            pl.BlockSpec((1, D), lambda i: (0, 0)),
        ],
        out_specs=pl.BlockSpec((1, D), lambda i: (0, 0)),
        out_shape=jax.ShapeDtypeStruct((1, D), jnp.float32),
        scratch_shapes=[pltpu.VMEM((1, D), jnp.float32)],
    )(acc, W, b.reshape(1, D), Wr_pad, br_pad)


def kernel(x, edge_index, W1, b1, W2, b2, W3, b3, Wr, br, pos):
    del pos
    pad_e = (CTOT - CREAL) * CH
    pad_i = jnp.arange(pad_e, dtype=jnp.int32)
    pads = jnp.stack([pad_i % N, N + pad_i % (NPAD - N)]).reshape(
        2, CTOT - CREAL, CH)

    zeros = jnp.zeros((ROWS_PER_TILE, D), jnp.float32)
    Wr_pad = jnp.pad(Wr, ((0, 0), (0, D - OUT)))
    br_pad = jnp.pad(br, (0, D - OUT)).reshape(1, D)

    agg = _sc_aggregate()
    acc1 = agg(x, edge_index, pads, zeros)
    h1 = _tc_layer(acc1, W1, b1)
    acc2 = agg(h1, edge_index, pads, zeros)
    h2 = _tc_layer(acc2, W2, b2)
    acc3 = agg(h2, edge_index, pads, zeros)
    g = _tc_final(acc3, W3, b3, Wr_pad, br_pad)
    return g[0, :OUT]

# --- scband reference (transcript-rebuilt; emitter-appended) ---
"""Pipeline reference for scband-graph-net-original-9964324127505 (READ-ONLY COPY).

The authoritative reference and input builder live on the scoring server;
editing this copy changes nothing except your own understanding.
"""

import jax, jax.numpy as jnp
import numpy as np

N = 10000   # n_nodes
E = 320000  # n_edges = N * avg_degree(32)
D = 128     # n_node_features
OUT = 10    # graph_data.num_classes (resize layer out_features)


def setup_inputs(seed: int = 0) -> dict:
    key = jax.random.key(seed)
    ks = jax.random.split(key, 12)
    x = jax.random.normal(ks[0], (N, D), dtype=jnp.float32)
    # edge_index values in [0, N); int32 used so module runs without x64 mode
    edge_index = jax.random.randint(ks[1], (2, E), 0, N, dtype=jnp.int32)
    s = 1.0 / np.sqrt(D)
    W1 = jax.random.normal(ks[2], (D, D), dtype=jnp.float32) * s
    b1 = jax.random.normal(ks[3], (D,), dtype=jnp.float32) * 0.01
    W2 = jax.random.normal(ks[4], (D, D), dtype=jnp.float32) * s
    b2 = jax.random.normal(ks[5], (D,), dtype=jnp.float32) * 0.01
    W3 = jax.random.normal(ks[6], (D, D), dtype=jnp.float32) * s
    b3 = jax.random.normal(ks[7], (D,), dtype=jnp.float32) * 0.01
    Wr = jax.random.normal(ks[8], (D, OUT), dtype=jnp.float32) * s
    br = jax.random.normal(ks[9], (OUT,), dtype=jnp.float32) * 0.01
    return {"x": x, "edge_index": edge_index, "W1": W1, "b1": b1,
            "W2": W2, "b2": b2, "W3": W3, "b3": b3,
            "Wr": Wr, "br": br, "pos": 0}


def reference(x, edge_index, W1, b1, W2, b2, W3, b3, Wr, br, pos=0):
    # pos selects a graph in the original dataset container; here a single graph
    # is materialized, so pos is an ignored constant index.
    src = edge_index[0]
    dst = edge_index[1]

    def conv(h, W, b):
        # GraphConvLayer: gather source node features along edges,
        # scatter-add into destination nodes, affine transform, tanh (self.af)
        msgs = jnp.take(h, src, axis=0)                     # [E, D] gather
        agg = jax.ops.segment_sum(msgs, dst, num_segments=h.shape[0])  # [N, D] scatter-add
        return jnp.tanh(agg @ W + b)

    h = conv(x, W1, b1)   # af(l1(x, pos))
    h = conv(h, W2, b2)   # af(l2(x, pos))
    h = conv(h, W3, b3)   # af(l3(x, pos))
    # GraphResizeLayer: pool node features to graph level, resize to num_classes
    g = jnp.tanh(jnp.mean(h, axis=0) @ Wr + br)  # af(lr(x, pos)) -> [OUT]
    return g

if __name__ == "__main__":
    import jax
    _d = setup_inputs()
    print(jax.jit(kernel)(*tuple(_d.values())))

</pallas_src>

<mosaic_0001>
#map = affine_map<(d0, d1) -> (0, 0)>
#map1 = affine_map<(d0, d1) -> (0, 0, 0)>
module attributes {stable_mosaic.version = 14 : i64} {
  func.func @_sc_aggregate_body(%arg0: i32, %arg1: i32, %arg2: memref<10000x128xf32, #tpu.memory_space<hbm>>, %arg3: memref<2x320000xi32, #tpu.memory_space<hbm>>, %arg4: memref<2x92x128xi32, #tpu.memory_space<hbm>>, %arg5: memref<632x128xf32, #tpu.memory_space<hbm>>, %arg6: memref<2x10112x128xf32, #tpu.memory_space<hbm>>, %arg7: memref<128x128xf32, #tpu.memory_space<vmem>>, %arg8: memref<128x128xf32, #tpu.memory_space<vmem>>, %arg9: memref<128x128xf32, #tpu.memory_space<vmem>>, %arg10: memref<128xi32, #tpu.memory_space<vmem>>, %arg11: memref<128xi32, #tpu.memory_space<vmem>>, %arg12: memref<128xi32, #tpu.memory_space<vmem>>, %arg13: memref<3x128xi32, #tpu.memory_space<vmem>>, %arg14: memref<10112x128xf32, #tpu.memory_space<vmem_shared>>, %arg15: memref<!tpu.dma_semaphore, #tpu.memory_space<semaphore_mem>>, %arg16: memref<!tpu.dma_semaphore, #tpu.memory_space<semaphore_mem>>, %arg17: memref<!tpu.dma_semaphore, #tpu.memory_space<semaphore_mem>>, %arg18: memref<!tpu.dma_semaphore, #tpu.memory_space<semaphore_mem>>, %arg19: memref<!tpu.dma_semaphore, #tpu.memory_space<semaphore_mem>>, %arg20: memref<!tpu.dma_semaphore, #tpu.memory_space<semaphore_mem>>, %arg21: memref<!tpu.dma_semaphore, #tpu.memory_space<semaphore_mem>>, %arg22: memref<!tpu.dma_semaphore, #tpu.memory_space<semaphore_mem>>, %arg23: memref<!tpu.dma_semaphore, #tpu.memory_space<semaphore_mem>>) attributes {dimension_semantics = [#tpu.dimension_semantics<core_parallel>, #tpu.dimension_semantics<subcore_parallel>], iteration_bounds = array<i64: 2, 16>, scalar_prefetch = 0 : i64, scratch_operands = 17 : i64, tpu.core_type = #tpu.core_type<sc_vector_subcore>, window_params = [{transform_indices = #map}, {transform_indices = #map}, {transform_indices = #map1}, {transform_indices = #map}, {transform_indices = #map1}]} {
    %eq3A = arith.constant 0 : i32
    %eq3A_0 = arith.cmpi eq, %arg0, %eq3A : i32
    %jit3A = arith.constant 78 : i32
    %jit3A_1 = arith.constant 84 : i32
    %select_n3A = arith.select %eq3A_0, %jit3A, %jit3A_1 : i32
    %eq3A_2 = arith.constant 0 : i32
    %eq3A_3 = arith.cmpi eq, %arg0, %eq3A_2 : i32
    %mul3A = arith.constant 78 : i32
    %mul3A_4 = arith.muli %arg1, %mul3A : i32
    %mul3A_5 = arith.constant 84 : i32
    %mul3A_6 = arith.muli %arg1, %mul3A_5 : i32
    %add3A = arith.constant 1248 : i32
    %add3A_7 = arith.addi %add3A, %mul3A_6 : i32
    %select_n3A_8 = arith.select %eq3A_3, %mul3A_4, %add3A_7 : i32
    %add3A_9 = arith.constant 0 : i32
    %add3A_10 = arith.addi %select_n3A_8, %add3A_9 : i32
    %lt3A = arith.constant 2500 : i32
    %lt3A_11 = arith.cmpi slt, %add3A_10, %lt3A : i32
    %convert_element_type3A = arith.extui %lt3A_11 : i1 to i32
    %cond3A = arith.constant 0 : i32
    %cond3A_12 = arith.constant 0 : i32
    %cond3A_13 = arith.cmpi ne, %convert_element_type3A, %cond3A_12 : i32
    scf.if %cond3A_13 {
      %mul3A_148 = arith.constant 128 : i32
      %mul3A_149 = arith.muli %add3A_10, %mul3A_148 : i32
      %dma_start3A_150 = arith.constant 1 : i32
      %dma_start3A_151 = arith.constant 0 : i32
      %dma_start3A_152 = tpu.memref_slice %arg13[%cond3A, %dma_start3A_151] : memref<3x128xi32, #tpu.memory_space<vmem>> -> memref<1x128xi32, #tpu.memory_space<vmem>>
      %dma_start3A_153 = tpu.memref_squeeze %dma_start3A_152 : memref<1x128xi32, #tpu.memory_space<vmem>> -> memref<128xi32, #tpu.memory_space<vmem>>
      %dma_start3A_154 = tpu.memref_slice %arg3[%dma_start3A_150, %mul3A_149] : memref<2x320000xi32, #tpu.memory_space<hbm>> -> memref<1x128xi32, #tpu.memory_space<hbm>>
      %dma_start3A_155 = tpu.memref_squeeze %dma_start3A_154 : memref<1x128xi32, #tpu.memory_space<hbm>> -> memref<128xi32, #tpu.memory_space<hbm>>
      %dma_start3A_156 = arith.constant 0 : i32
      %dma_start3A_157 = tpu.memref_slice %arg13[%cond3A, %dma_start3A_156] : memref<3x128xi32, #tpu.memory_space<vmem>> -> memref<1x128xi32, #tpu.memory_space<vmem>>
      %dma_start3A_158 = tpu.memref_squeeze %dma_start3A_157 : memref<1x128xi32, #tpu.memory_space<vmem>> -> memref<128xi32, #tpu.memory_space<vmem>>
      %dma_start3A_159 = tpu.memref_slice %arg3[%dma_start3A_150, %mul3A_149] : memref<2x320000xi32, #tpu.memory_space<hbm>> -> memref<1x128xi32, #tpu.memory_space<hbm>>
      %dma_start3A_160 = tpu.memref_squeeze %dma_start3A_159 : memref<1x128xi32, #tpu.memory_space<hbm>> -> memref<128xi32, #tpu.memory_space<hbm>>
      tpu.enqueue_dma source(%dma_start3A_160 : memref<128xi32, #tpu.memory_space<hbm>>) target(%dma_start3A_158 : memref<128xi32, #tpu.memory_space<vmem>>) target_semaphore(%arg21 : memref<!tpu.dma_semaphore, #tpu.memory_space<semaphore_mem>>)
    } else {
    }
    %ge3A = arith.constant 2500 : i32
    %ge3A_14 = arith.cmpi sge, %add3A_10, %ge3A : i32
    %convert_element_type3A_15 = arith.extui %ge3A_14 : i1 to i32
    %cond3A_16 = arith.constant 0 : i32
    %cond3A_17 = arith.constant 0 : i32
    %cond3A_18 = arith.cmpi ne, %convert_element_type3A_15, %cond3A_17 : i32
    scf.if %cond3A_18 {
      %sub3A_148 = arith.constant 2500 : i32
      %sub3A_149 = arith.subi %add3A_10, %sub3A_148 : i32
      %dma_start3A_150 = arith.constant 1 : i32
      %dma_start3A_151 = arith.constant 0 : i32
      %dma_start3A_152 = tpu.memref_slice %arg13[%cond3A_16, %dma_start3A_151] : memref<3x128xi32, #tpu.memory_space<vmem>> -> memref<1x128xi32, #tpu.memory_space<vmem>>
      %dma_start3A_153 = tpu.memref_squeeze %dma_start3A_152 : memref<1x128xi32, #tpu.memory_space<vmem>> -> memref<128xi32, #tpu.memory_space<vmem>>
      %dma_start3A_154 = arith.constant 0 : i32
      %dma_start3A_155 = tpu.memref_slice %arg4[%dma_start3A_150, %sub3A_149, %dma_start3A_154] : memref<2x92x128xi32, #tpu.memory_space<hbm>> -> memref<1x1x128xi32, #tpu.memory_space<hbm>>
      %dma_start3A_156 = tpu.memref_squeeze %dma_start3A_155 : memref<1x1x128xi32, #tpu.memory_space<hbm>> -> memref<128xi32, #tpu.memory_space<hbm>>
      %dma_start3A_157 = arith.constant 0 : i32
      %dma_start3A_158 = tpu.memref_slice %arg13[%cond3A_16, %dma_start3A_157] : memref<3x128xi32, #tpu.memory_space<vmem>> -> memref<1x128xi32, #tpu.memory_space<vmem>>
      %dma_start3A_159 = tpu.memref_squeeze %dma_start3A_158 : memref<1x128xi32, #tpu.memory_space<vmem>> -> memref<128xi32, #tpu.memory_space<vmem>>
      %dma_start3A_160 = arith.constant 0 : i32
      %dma_start3A_161 = tpu.memref_slice %arg4[%dma_start3A_150, %sub3A_149, %dma_start3A_160] : memref<2x92x128xi32, #tpu.memory_space<hbm>> -> memref<1x1x128xi32, #tpu.memory_space<hbm>>
      %dma_start3A_162 = tpu.memref_squeeze %dma_start3A_161 : memref<1x1x128xi32, #tpu.memory_space<hbm>> -> memref<128xi32, #tpu.memory_space<hbm>>
      tpu.enqueue_dma source(%dma_start3A_162 : memref<128xi32, #tpu.memory_space<hbm>>) target(%dma_start3A_159 : memref<128xi32, #tpu.memory_space<vmem>>) target_semaphore(%arg21 : memref<!tpu.dma_semaphore, #tpu.memory_space<semaphore_mem>>)
    } else {
    }
    %add3A_19 = arith.constant 0 : i32
    %add3A_20 = arith.addi %select_n3A_8, %add3A_19 : i32
    %lt3A_21 = arith.constant 2500 : i32
    %lt3A_22 = arith.cmpi slt, %add3A_20, %lt3A_21 : i32
    %convert_element_type3A_23 = arith.extui %lt3A_22 : i1 to i32
    %cond3A_24 = arith.constant 0 : i32
    %cond3A_25 = arith.cmpi ne, %convert_element_type3A_23, %cond3A_24 : i32
    scf.if %cond3A_25 {
      %mul3A_148 = arith.constant 128 : i32
      %mul3A_149 = arith.muli %add3A_20, %mul3A_148 : i32
      %dma_start3A_150 = arith.constant 0 : i32
      %dma_start3A_151 = tpu.memref_slice %arg3[%dma_start3A_150, %mul3A_149] : memref<2x320000xi32, #tpu.memory_space<hbm>> -> memref<1x128xi32, #tpu.memory_space<hbm>>
      %dma_start3A_152 = tpu.memref_squeeze %dma_start3A_151 : memref<1x128xi32, #tpu.memory_space<hbm>> -> memref<128xi32, #tpu.memory_space<hbm>>
      %dma_start3A_153 = tpu.memref_slice %arg3[%dma_start3A_150, %mul3A_149] : memref<2x320000xi32, #tpu.memory_space<hbm>> -> memref<1x128xi32, #tpu.memory_space<hbm>>
      %dma_start3A_154 = tpu.memref_squeeze %dma_start3A_153 : memref<1x128xi32, #tpu.memory_space<hbm>> -> memref<128xi32, #tpu.memory_space<hbm>>
      tpu.enqueue_dma source(%dma_start3A_154 : memref<128xi32, #tpu.memory_space<hbm>>) target(%arg10 : memref<128xi32, #tpu.memory_space<vmem>>) target_semaphore(%arg18 : memref<!tpu.dma_semaphore, #tpu.memory_space<semaphore_mem>>)
    } else {
    }
    %ge3A_26 = arith.constant 2500 : i32
    %ge3A_27 = arith.cmpi sge, %add3A_20, %ge3A_26 : i32
    %convert_element_type3A_28 = arith.extui %ge3A_27 : i1 to i32
    %cond3A_29 = arith.constant 0 : i32
    %cond3A_30 = arith.cmpi ne, %convert_element_type3A_28, %cond3A_29 : i32
    scf.if %cond3A_30 {
      %sub3A_148 = arith.constant 2500 : i32
      %sub3A_149 = arith.subi %add3A_20, %sub3A_148 : i32
      %dma_start3A_150 = arith.constant 0 : i32
      %dma_start3A_151 = arith.constant 0 : i32
      %dma_start3A_152 = tpu.memref_slice %arg4[%dma_start3A_150, %sub3A_149, %dma_start3A_151] : memref<2x92x128xi32, #tpu.memory_space<hbm>> -> memref<1x1x128xi32, #tpu.memory_space<hbm>>
      %dma_start3A_153 = tpu.memref_squeeze %dma_start3A_152 : memref<1x1x128xi32, #tpu.memory_space<hbm>> -> memref<128xi32, #tpu.memory_space<hbm>>
      %dma_start3A_154 = arith.constant 0 : i32
      %dma_start3A_155 = tpu.memref_slice %arg4[%dma_start3A_150, %sub3A_149, %dma_start3A_154] : memref<2x92x128xi32, #tpu.memory_space<hbm>> -> memref<1x1x128xi32, #tpu.memory_space<hbm>>
      %dma_start3A_156 = tpu.memref_squeeze %dma_start3A_155 : memref<1x1x128xi32, #tpu.memory_space<hbm>> -> memref<128xi32, #tpu.memory_space<hbm>>
      tpu.enqueue_dma source(%dma_start3A_156 : memref<128xi32, #tpu.memory_space<hbm>>) target(%arg10 : memref<128xi32, #tpu.memory_space<vmem>>) target_semaphore(%arg18 : memref<!tpu.dma_semaphore, #tpu.memory_space<semaphore_mem>>)
    } else {
    }
    %add3A_31 = arith.constant 1 : i32
    %add3A_32 = arith.addi %select_n3A_8, %add3A_31 : i32
    %lt3A_33 = arith.constant 2500 : i32
    %lt3A_34 = arith.cmpi slt, %add3A_32, %lt3A_33 : i32
    %convert_element_type3A_35 = arith.extui %lt3A_34 : i1 to i32
    %cond3A_36 = arith.constant 1 : i32
    %cond3A_37 = arith.constant 0 : i32
    %cond3A_38 = arith.cmpi ne, %convert_element_type3A_35, %cond3A_37 : i32
    scf.if %cond3A_38 {
      %mul3A_148 = arith.constant 128 : i32
      %mul3A_149 = arith.muli %add3A_32, %mul3A_148 : i32
      %dma_start3A_150 = arith.constant 1 : i32
      %dma_start3A_151 = arith.constant 0 : i32
      %dma_start3A_152 = tpu.memref_slice %arg13[%cond3A_36, %dma_start3A_151] : memref<3x128xi32, #tpu.memory_space<vmem>> -> memref<1x128xi32, #tpu.memory_space<vmem>>
      %dma_start3A_153 = tpu.memref_squeeze %dma_start3A_152 : memref<1x128xi32, #tpu.memory_space<vmem>> -> memref<128xi32, #tpu.memory_space<vmem>>
      %dma_start3A_154 = tpu.memref_slice %arg3[%dma_start3A_150, %mul3A_149] : memref<2x320000xi32, #tpu.memory_space<hbm>> -> memref<1x128xi32, #tpu.memory_space<hbm>>
      %dma_start3A_155 = tpu.memref_squeeze %dma_start3A_154 : memref<1x128xi32, #tpu.memory_space<hbm>> -> memref<128xi32, #tpu.memory_space<hbm>>
      %dma_start3A_156 = arith.constant 0 : i32
      %dma_start3A_157 = tpu.memref_slice %arg13[%cond3A_36, %dma_start3A_156] : memref<3x128xi32, #tpu.memory_space<vmem>> -> memref<1x128xi32, #tpu.memory_space<vmem>>
      %dma_start3A_158 = tpu.memref_squeeze %dma_start3A_157 : memref<1x128xi32, #tpu.memory_space<vmem>> -> memref<128xi32, #tpu.memory_space<vmem>>
      %dma_start3A_159 = tpu.memref_slice %arg3[%dma_start3A_150, %mul3A_149] : memref<2x320000xi32, #tpu.memory_space<hbm>> -> memref<1x128xi32, #tpu.memory_space<hbm>>
      %dma_start3A_160 = tpu.memref_squeeze %dma_start3A_159 : memref<1x128xi32, #tpu.memory_space<hbm>> -> memref<128xi32, #tpu.memory_space<hbm>>
      tpu.enqueue_dma source(%dma_start3A_160 : memref<128xi32, #tpu.memory_space<hbm>>) target(%dma_start3A_158 : memref<128xi32, #tpu.memory_space<vmem>>) target_semaphore(%arg22 : memref<!tpu.dma_semaphore, #tpu.memory_space<semaphore_mem>>)
    } else {
    }
    %ge3A_39 = arith.constant 2500 : i32
    %ge3A_40 = arith.cmpi sge, %add3A_32, %ge3A_39 : i32
    %convert_element_type3A_41 = arith.extui %ge3A_40 : i1 to i32
    %cond3A_42 = arith.constant 1 : i32
    %cond3A_43 = arith.constant 0 : i32
    %cond3A_44 = arith.cmpi ne, %convert_element_type3A_41, %cond3A_43 : i32
    scf.if %cond3A_44 {
      %sub3A_148 = arith.constant 2500 : i32
      %sub3A_149 = arith.subi %add3A_32, %sub3A_148 : i32
      %dma_start3A_150 = arith.constant 1 : i32
      %dma_start3A_151 = arith.constant 0 : i32
      %dma_start3A_152 = tpu.memref_slice %arg13[%cond3A_42, %dma_start3A_151] : memref<3x128xi32, #tpu.memory_space<vmem>> -> memref<1x128xi32, #tpu.memory_space<vmem>>
      %dma_start3A_153 = tpu.memref_squeeze %dma_start3A_152 : memref<1x128xi32, #tpu.memory_space<vmem>> -> memref<128xi32, #tpu.memory_space<vmem>>
      %dma_start3A_154 = arith.constant 0 : i32
      %dma_start3A_155 = tpu.memref_slice %arg4[%dma_start3A_150, %sub3A_149, %dma_start3A_154] : memref<2x92x128xi32, #tpu.memory_space<hbm>> -> memref<1x1x128xi32, #tpu.memory_space<hbm>>
      %dma_start3A_156 = tpu.memref_squeeze %dma_start3A_155 : memref<1x1x128xi32, #tpu.memory_space<hbm>> -> memref<128xi32, #tpu.memory_space<hbm>>
      %dma_start3A_157 = arith.constant 0 : i32
      %dma_start3A_158 = tpu.memref_slice %arg13[%cond3A_42, %dma_start3A_157] : memref<3x128xi32, #tpu.memory_space<vmem>> -> memref<1x128xi32, #tpu.memory_space<vmem>>
      %dma_start3A_159 = tpu.memref_squeeze %dma_start3A_158 : memref<1x128xi32, #tpu.memory_space<vmem>> -> memref<128xi32, #tpu.memory_space<vmem>>
      %dma_start3A_160 = arith.constant 0 : i32
      %dma_start3A_161 = tpu.memref_slice %arg4[%dma_start3A_150, %sub3A_149, %dma_start3A_160] : memref<2x92x128xi32, #tpu.memory_space<hbm>> -> memref<1x1x128xi32, #tpu.memory_space<hbm>>
      %dma_start3A_162 = tpu.memref_squeeze %dma_start3A_161 : memref<1x1x128xi32, #tpu.memory_space<hbm>> -> memref<128xi32, #tpu.memory_space<hbm>>
      tpu.enqueue_dma source(%dma_start3A_162 : memref<128xi32, #tpu.memory_space<hbm>>) target(%dma_start3A_159 : memref<128xi32, #tpu.memory_space<vmem>>) target_semaphore(%arg22 : memref<!tpu.dma_semaphore, #tpu.memory_space<semaphore_mem>>)
    } else {
    }
    %add3A_45 = arith.constant 1 : i32
    %add3A_46 = arith.addi %select_n3A_8, %add3A_45 : i32
    %lt3A_47 = arith.constant 2500 : i32
    %lt3A_48 = arith.cmpi slt, %add3A_46, %lt3A_47 : i32
    %convert_element_type3A_49 = arith.extui %lt3A_48 : i1 to i32
    %cond3A_50 = arith.constant 0 : i32
    %cond3A_51 = arith.cmpi ne, %convert_element_type3A_49, %cond3A_50 : i32
    scf.if %cond3A_51 {
      %mul3A_148 = arith.constant 128 : i32
      %mul3A_149 = arith.muli %add3A_46, %mul3A_148 : i32
      %dma_start3A_150 = arith.constant 0 : i32
      %dma_start3A_151 = tpu.memref_slice %arg3[%dma_start3A_150, %mul3A_149] : memref<2x320000xi32, #tpu.memory_space<hbm>> -> memref<1x128xi32, #tpu.memory_space<hbm>>
      %dma_start3A_152 = tpu.memref_squeeze %dma_start3A_151 : memref<1x128xi32, #tpu.memory_space<hbm>> -> memref<128xi32, #tpu.memory_space<hbm>>
      %dma_start3A_153 = tpu.memref_slice %arg3[%dma_start3A_150, %mul3A_149] : memref<2x320000xi32, #tpu.memory_space<hbm>> -> memref<1x128xi32, #tpu.memory_space<hbm>>
      %dma_start3A_154 = tpu.memref_squeeze %dma_start3A_153 : memref<1x128xi32, #tpu.memory_space<hbm>> -> memref<128xi32, #tpu.memory_space<hbm>>
      tpu.enqueue_dma source(%dma_start3A_154 : memref<128xi32, #tpu.memory_space<hbm>>) target(%arg11 : memref<128xi32, #tpu.memory_space<vmem>>) target_semaphore(%arg19 : memref<!tpu.dma_semaphore, #tpu.memory_space<semaphore_mem>>)
    } else {
    }
    %ge3A_52 = arith.constant 2500 : i32
    %ge3A_53 = arith.cmpi sge, %add3A_46, %ge3A_52 : i32
    %convert_element_type3A_54 = arith.extui %ge3A_53 : i1 to i32
    %cond3A_55 = arith.constant 0 : i32
    %cond3A_56 = arith.cmpi ne, %convert_element_type3A_54, %cond3A_55 : i32
    scf.if %cond3A_56 {
      %sub3A_148 = arith.constant 2500 : i32
      %sub3A_149 = arith.subi %add3A_46, %sub3A_148 : i32
      %dma_start3A_150 = arith.constant 0 : i32
      %dma_start3A_151 = arith.constant 0 : i32
      %dma_start3A_152 = tpu.memref_slice %arg4[%dma_start3A_150, %sub3A_149, %dma_start3A_151] : memref<2x92x128xi32, #tpu.memory_space<hbm>> -> memref<1x1x128xi32, #tpu.memory_space<hbm>>
      %dma_start3A_153 = tpu.memref_squeeze %dma_start3A_152 : memref<1x1x128xi32, #tpu.memory_space<hbm>> -> memref<128xi32, #tpu.memory_space<hbm>>
      %dma_start3A_154 = arith.constant 0 : i32
      %dma_start3A_155 = tpu.memref_slice %arg4[%dma_start3A_150, %sub3A_149, %dma_start3A_154] : memref<2x92x128xi32, #tpu.memory_space<hbm>> -> memref<1x1x128xi32, #tpu.memory_space<hbm>>
      %dma_start3A_156 = tpu.memref_squeeze %dma_start3A_155 : memref<1x1x128xi32, #tpu.memory_space<hbm>> -> memref<128xi32, #tpu.memory_space<hbm>>
      tpu.enqueue_dma source(%dma_start3A_156 : memref<128xi32, #tpu.memory_space<hbm>>) target(%arg11 : memref<128xi32, #tpu.memory_space<vmem>>) target_semaphore(%arg19 : memref<!tpu.dma_semaphore, #tpu.memory_space<semaphore_mem>>)
    } else {
    }
    %add3A_57 = arith.constant 2 : i32
    %add3A_58 = arith.addi %select_n3A_8, %add3A_57 : i32
    %lt3A_59 = arith.constant 2500 : i32
    %lt3A_60 = arith.cmpi slt, %add3A_58, %lt3A_59 : i32
    %convert_element_type3A_61 = arith.extui %lt3A_60 : i1 to i32
    %cond3A_62 = arith.constant 2 : i32
    %cond3A_63 = arith.constant 0 : i32
    %cond3A_64 = arith.cmpi ne, %convert_element_type3A_61, %cond3A_63 : i32
    scf.if %cond3A_64 {
      %mul3A_148 = arith.constant 128 : i32
      %mul3A_149 = arith.muli %add3A_58, %mul3A_148 : i32
      %dma_start3A_150 = arith.constant 1 : i32
      %dma_start3A_151 = arith.constant 0 : i32
      %dma_start3A_152 = tpu.memref_slice %arg13[%cond3A_62, %dma_start3A_151] : memref<3x128xi32, #tpu.memory_space<vmem>> -> memref<1x128xi32, #tpu.memory_space<vmem>>
      %dma_start3A_153 = tpu.memref_squeeze %dma_start3A_152 : memref<1x128xi32, #tpu.memory_space<vmem>> -> memref<128xi32, #tpu.memory_space<vmem>>
      %dma_start3A_154 = tpu.memref_slice %arg3[%dma_start3A_150, %mul3A_149] : memref<2x320000xi32, #tpu.memory_space<hbm>> -> memref<1x128xi32, #tpu.memory_space<hbm>>
      %dma_start3A_155 = tpu.memref_squeeze %dma_start3A_154 : memref<1x128xi32, #tpu.memory_space<hbm>> -> memref<128xi32, #tpu.memory_space<hbm>>
      %dma_start3A_156 = arith.constant 0 : i32
      %dma_start3A_157 = tpu.memref_slice %arg13[%cond3A_62, %dma_start3A_156] : memref<3x128xi32, #tpu.memory_space<vmem>> -> memref<1x128xi32, #tpu.memory_space<vmem>>
      %dma_start3A_158 = tpu.memref_squeeze %dma_start3A_157 : memref<1x128xi32, #tpu.memory_space<vmem>> -> memref<128xi32, #tpu.memory_space<vmem>>
      %dma_start3A_159 = tpu.memref_slice %arg3[%dma_start3A_150, %mul3A_149] : memref<2x320000xi32, #tpu.memory_space<hbm>> -> memref<1x128xi32, #tpu.memory_space<hbm>>
      %dma_start3A_160 = tpu.memref_squeeze %dma_start3A_159 : memref<1x128xi32, #tpu.memory_space<hbm>> -> memref<128xi32, #tpu.memory_space<hbm>>
      tpu.enqueue_dma source(%dma_start3A_160 : memref<128xi32, #tpu.memory_space<hbm>>) target(%dma_start3A_158 : memref<128xi32, #tpu.memory_space<vmem>>) target_semaphore(%arg23 : memref<!tpu.dma_semaphore, #tpu.memory_space<semaphore_mem>>)
    } else {
    }
    %ge3A_65 = arith.constant 2500 : i32
    %ge3A_66 = arith.cmpi sge, %add3A_58, %ge3A_65 : i32
    %convert_element_type3A_67 = arith.extui %ge3A_66 : i1 to i32
    %cond3A_68 = arith.constant 2 : i32
    %cond3A_69 = arith.constant 0 : i32
    %cond3A_70 = arith.cmpi ne, %convert_element_type3A_67, %cond3A_69 : i32
    scf.if %cond3A_70 {
      %sub3A_148 = arith.constant 2500 : i32
      %sub3A_149 = arith.subi %add3A_58, %sub3A_148 : i32
      %dma_start3A_150 = arith.constant 1 : i32
      %dma_start3A_151 = arith.constant 0 : i32
      %dma_start3A_152 = tpu.memref_slice %arg13[%cond3A_68, %dma_start3A_151] : memref<3x128xi32, #tpu.memory_space<vmem>> -> memref<1x128xi32, #tpu.memory_space<vmem>>
      %dma_start3A_153 = tpu.memref_squeeze %dma_start3A_152 : memref<1x128xi32, #tpu.memory_space<vmem>> -> memref<128xi32, #tpu.memory_space<vmem>>
      %dma_start3A_154 = arith.constant 0 : i32
      %dma_start3A_155 = tpu.memref_slice %arg4[%dma_start3A_150, %sub3A_149, %dma_start3A_154] : memref<2x92x128xi32, #tpu.memory_space<hbm>> -> memref<1x1x128xi32, #tpu.memory_space<hbm>>
      %dma_start3A_156 = tpu.memref_squeeze %dma_start3A_155 : memref<1x1x128xi32, #tpu.memory_space<hbm>> -> memref<128xi32, #tpu.memory_space<hbm>>
      %dma_start3A_157 = arith.constant 0 : i32
      %dma_start3A_158 = tpu.memref_slice %arg13[%cond3A_68, %dma_start3A_157] : memref<3x128xi32, #tpu.memory_space<vmem>> -> memref<1x128xi32, #tpu.memory_space<vmem>>
      %dma_start3A_159 = tpu.memref_squeeze %dma_start3A_158 : memref<1x128xi32, #tpu.memory_space<vmem>> -> memref<128xi32, #tpu.memory_space<vmem>>
      %dma_start3A_160 = arith.constant 0 : i32
      %dma_start3A_161 = tpu.memref_slice %arg4[%dma_start3A_150, %sub3A_149, %dma_start3A_160] : memref<2x92x128xi32, #tpu.memory_space<hbm>> -> memref<1x1x128xi32, #tpu.memory_space<hbm>>
      %dma_start3A_162 = tpu.memref_squeeze %dma_start3A_161 : memref<1x1x128xi32, #tpu.memory_space<hbm>> -> memref<128xi32, #tpu.memory_space<hbm>>
      tpu.enqueue_dma source(%dma_start3A_162 : memref<128xi32, #tpu.memory_space<hbm>>) target(%dma_start3A_159 : memref<128xi32, #tpu.memory_space<vmem>>) target_semaphore(%arg23 : memref<!tpu.dma_semaphore, #tpu.memory_space<semaphore_mem>>)
    } else {
    }
    %add3A_71 = arith.constant 2 : i32
    %add3A_72 = arith.addi %select_n3A_8, %add3A_71 : i32
    %lt3A_73 = arith.constant 2500 : i32
    %lt3A_74 = arith.cmpi slt, %add3A_72, %lt3A_73 : i32
    %convert_element_type3A_75 = arith.extui %lt3A_74 : i1 to i32
    %cond3A_76 = arith.constant 0 : i32
    %cond3A_77 = arith.cmpi ne, %convert_element_type3A_75, %cond3A_76 : i32
    scf.if %cond3A_77 {
      %mul3A_148 = arith.constant 128 : i32
      %mul3A_149 = arith.muli %add3A_72, %mul3A_148 : i32
      %dma_start3A_150 = arith.constant 0 : i32
      %dma_start3A_151 = tpu.memref_slice %arg3[%dma_start3A_150, %mul3A_149] : memref<2x320000xi32, #tpu.memory_space<hbm>> -> memref<1x128xi32, #tpu.memory_space<hbm>>
      %dma_start3A_152 = tpu.memref_squeeze %dma_start3A_151 : memref<1x128xi32, #tpu.memory_space<hbm>> -> memref<128xi32, #tpu.memory_space<hbm>>
      %dma_start3A_153 = tpu.memref_slice %arg3[%dma_start3A_150, %mul3A_149] : memref<2x320000xi32, #tpu.memory_space<hbm>> -> memref<1x128xi32, #tpu.memory_space<hbm>>
      %dma_start3A_154 = tpu.memref_squeeze %dma_start3A_153 : memref<1x128xi32, #tpu.memory_space<hbm>> -> memref<128xi32, #tpu.memory_space<hbm>>
      tpu.enqueue_dma source(%dma_start3A_154 : memref<128xi32, #tpu.memory_space<hbm>>) target(%arg12 : memref<128xi32, #tpu.memory_space<vmem>>) target_semaphore(%arg20 : memref<!tpu.dma_semaphore, #tpu.memory_space<semaphore_mem>>)
    } else {
    }
    %ge3A_78 = arith.constant 2500 : i32
    %ge3A_79 = arith.cmpi sge, %add3A_72, %ge3A_78 : i32
    %convert_element_type3A_80 = arith.extui %ge3A_79 : i1 to i32
    %cond3A_81 = arith.constant 0 : i32
    %cond3A_82 = arith.cmpi ne, %convert_element_type3A_80, %cond3A_81 : i32
    scf.if %cond3A_82 {
      %sub3A_148 = arith.constant 2500 : i32
      %sub3A_149 = arith.subi %add3A_72, %sub3A_148 : i32
      %dma_start3A_150 = arith.constant 0 : i32
      %dma_start3A_151 = arith.constant 0 : i32
      %dma_start3A_152 = tpu.memref_slice %arg4[%dma_start3A_150, %sub3A_149, %dma_start3A_151] : memref<2x92x128xi32, #tpu.memory_space<hbm>> -> memref<1x1x128xi32, #tpu.memory_space<hbm>>
      %dma_start3A_153 = tpu.memref_squeeze %dma_start3A_152 : memref<1x1x128xi32, #tpu.memory_space<hbm>> -> memref<128xi32, #tpu.memory_space<hbm>>
      %dma_start3A_154 = arith.constant 0 : i32
      %dma_start3A_155 = tpu.memref_slice %arg4[%dma_start3A_150, %sub3A_149, %dma_start3A_154] : memref<2x92x128xi32, #tpu.memory_space<hbm>> -> memref<1x1x128xi32, #tpu.memory_space<hbm>>
      %dma_start3A_156 = tpu.memref_squeeze %dma_start3A_155 : memref<1x1x128xi32, #tpu.memory_space<hbm>> -> memref<128xi32, #tpu.memory_space<hbm>>
      tpu.enqueue_dma source(%dma_start3A_156 : memref<128xi32, #tpu.memory_space<hbm>>) target(%arg12 : memref<128xi32, #tpu.memory_space<vmem>>) target_semaphore(%arg20 : memref<!tpu.dma_semaphore, #tpu.memory_space<semaphore_mem>>)
    } else {
    }
    %dma_wait3A = arith.constant 0 : i32
    %dma_wait3A_83 = arith.constant 0 : i32
    %dma_wait3A_84 = arith.constant 0 : i32
    %dma_wait3A_85 = tpu.memref_slice %arg4[%dma_wait3A, %dma_wait3A_83, %dma_wait3A_84] : memref<2x92x128xi32, #tpu.memory_space<hbm>> -> memref<1x1x128xi32, #tpu.memory_space<hbm>>
    %dma_wait3A_86 = tpu.memref_squeeze %dma_wait3A_85 : memref<1x1x128xi32, #tpu.memory_space<hbm>> -> memref<128xi32, #tpu.memory_space<hbm>>
    %dma_wait3A_87 = arith.constant 0 : i32
    %dma_wait3A_88 = tpu.memref_slice %arg4[%dma_wait3A, %dma_wait3A_83, %dma_wait3A_87] : memref<2x92x128xi32, #tpu.memory_space<hbm>> -> memref<1x1x128xi32, #tpu.memory_space<hbm>>
    %dma_wait3A_89 = tpu.memref_squeeze %dma_wait3A_88 : memref<1x1x128xi32, #tpu.memory_space<hbm>> -> memref<128xi32, #tpu.memory_space<hbm>>
    tpu.wait_dma2 semaphore(%arg18 : memref<!tpu.dma_semaphore, #tpu.memory_space<semaphore_mem>>) src(%dma_wait3A_89 : memref<128xi32, #tpu.memory_space<hbm>>) dst(%arg10 : memref<128xi32, #tpu.memory_space<vmem>>)
    %dma_start3A = arith.constant 0 : i32
    %dma_start3A_90 = arith.constant 0 : i32
    %dma_start3A_91 = tpu.memref_slice %arg2[%dma_start3A, %dma_start3A_90] : memref<10000x128xf32, #tpu.memory_space<hbm>> -> memref<10000x128xf32, #tpu.memory_space<hbm>>
    tpu.enqueue_indirect_dma source(%dma_start3A_91 : memref<10000x128xf32, #tpu.memory_space<hbm>>) target(%arg7 : memref<128x128xf32, #tpu.memory_space<vmem>>) offsets(%arg10 : memref<128xi32, #tpu.memory_space<vmem>>) semaphore(%arg15 : memref<!tpu.dma_semaphore, #tpu.memory_space<semaphore_mem>>)
    %dma_wait3A_92 = arith.constant 0 : i32
    %dma_wait3A_93 = arith.constant 0 : i32
    %dma_wait3A_94 = arith.constant 0 : i32
    %dma_wait3A_95 = tpu.memref_slice %arg4[%dma_wait3A_92, %dma_wait3A_93, %dma_wait3A_94] : memref<2x92x128xi32, #tpu.memory_space<hbm>> -> memref<1x1x128xi32, #tpu.memory_space<hbm>>
    %dma_wait3A_96 = tpu.memref_squeeze %dma_wait3A_95 : memref<1x1x128xi32, #tpu.memory_space<hbm>> -> memref<128xi32, #tpu.memory_space<hbm>>
    %dma_wait3A_97 = arith.constant 0 : i32
    %dma_wait3A_98 = tpu.memref_slice %arg4[%dma_wait3A_92, %dma_wait3A_93, %dma_wait3A_97] : memref<2x92x128xi32, #tpu.memory_space<hbm>> -> memref<1x1x128xi32, #tpu.memory_space<hbm>>
    %dma_wait3A_99 = tpu.memref_squeeze %dma_wait3A_98 : memref<1x1x128xi32, #tpu.memory_space<hbm>> -> memref<128xi32, #tpu.memory_space<hbm>>
    tpu.wait_dma2 semaphore(%arg19 : memref<!tpu.dma_semaphore, #tpu.memory_space<semaphore_mem>>) src(%dma_wait3A_99 : memref<128xi32, #tpu.memory_space<hbm>>) dst(%arg11 : memref<128xi32, #tpu.memory_space<vmem>>)
    %dma_start3A_100 = arith.constant 0 : i32
    %dma_start3A_101 = arith.constant 0 : i32
    %dma_start3A_102 = tpu.memref_slice %arg2[%dma_start3A_100, %dma_start3A_101] : memref<10000x128xf32, #tpu.memory_space<hbm>> -> memref<10000x128xf32, #tpu.memory_space<hbm>>
    tpu.enqueue_indirect_dma source(%dma_start3A_102 : memref<10000x128xf32, #tpu.memory_space<hbm>>) target(%arg8 : memref<128x128xf32, #tpu.memory_space<vmem>>) offsets(%arg11 : memref<128xi32, #tpu.memory_space<vmem>>) semaphore(%arg16 : memref<!tpu.dma_semaphore, #tpu.memory_space<semaphore_mem>>)
    %dma_wait3A_103 = arith.constant 0 : i32
    %dma_wait3A_104 = arith.constant 0 : i32
    %dma_wait3A_105 = arith.constant 0 : i32
    %dma_wait3A_106 = tpu.memref_slice %arg4[%dma_wait3A_103, %dma_wait3A_104, %dma_wait3A_105] : memref<2x92x128xi32, #tpu.memory_space<hbm>> -> memref<1x1x128xi32, #tpu.memory_space<hbm>>
    %dma_wait3A_107 = tpu.memref_squeeze %dma_wait3A_106 : memref<1x1x128xi32, #tpu.memory_space<hbm>> -> memref<128xi32, #tpu.memory_space<hbm>>
    %dma_wait3A_108 = arith.constant 0 : i32
    %dma_wait3A_109 = tpu.memref_slice %arg4[%dma_wait3A_103, %dma_wait3A_104, %dma_wait3A_108] : memref<2x92x128xi32, #tpu.memory_space<hbm>> -> memref<1x1x128xi32, #tpu.memory_space<hbm>>
    %dma_wait3A_110 = tpu.memref_squeeze %dma_wait3A_109 : memref<1x1x128xi32, #tpu.memory_space<hbm>> -> memref<128xi32, #tpu.memory_space<hbm>>
    tpu.wait_dma2 semaphore(%arg20 : memref<!tpu.dma_semaphore, #tpu.memory_space<semaphore_mem>>) src(%dma_wait3A_110 : memref<128xi32, #tpu.memory_space<hbm>>) dst(%arg12 : memref<128xi32, #tpu.memory_space<vmem>>)
    %dma_start3A_111 = arith.constant 0 : i32
    %dma_start3A_112 = arith.constant 0 : i32
    %dma_start3A_113 = tpu.memref_slice %arg2[%dma_start3A_111, %dma_start3A_112] : memref<10000x128xf32, #tpu.memory_space<hbm>> -> memref<10000x128xf32, #tpu.memory_space<hbm>>
    tpu.enqueue_indirect_dma source(%dma_start3A_113 : memref<10000x128xf32, #tpu.memory_space<hbm>>) target(%arg9 : memref<128x128xf32, #tpu.memory_space<vmem>>) offsets(%arg12 : memref<128xi32, #tpu.memory_space<vmem>>) semaphore(%arg17 : memref<!tpu.dma_semaphore, #tpu.memory_space<semaphore_mem>>)
    %mul3A_114 = arith.constant 632 : i32
    %mul3A_115 = arith.muli %arg1, %mul3A_114 : i32
    "tpu.region"() ({
      %run_scoped3A = tpu.sem_alloc : memref<!tpu.dma_semaphore, #tpu.memory_space<semaphore_mem>>
      %dma_start3A_148 = arith.constant 0 : i32
      %dma_start3A_149 = tpu.memref_slice %arg14[%mul3A_115, %dma_start3A_148] : memref<10112x128xf32, #tpu.memory_space<vmem_shared>> -> memref<632x128xf32, #tpu.memory_space<vmem_shared>>
      tpu.enqueue_dma source(%arg5 : memref<632x128xf32, #tpu.memory_space<hbm>>) target(%dma_start3A_149 : memref<632x128xf32, #tpu.memory_space<vmem_shared>>) target_semaphore(%run_scoped3A : memref<!tpu.dma_semaphore, #tpu.memory_space<semaphore_mem>>)
      %dma_wait3A_150 = arith.constant 0 : i32
      %dma_wait3A_151 = tpu.memref_slice %arg14[%mul3A_115, %dma_wait3A_150] : memref<10112x128xf32, #tpu.memory_space<vmem_shared>> -> memref<632x128xf32, #tpu.memory_space<vmem_shared>>
      tpu.wait_dma2 semaphore(%run_scoped3A : memref<!tpu.dma_semaphore, #tpu.memory_space<semaphore_mem>>) src(%arg5 : memref<632x128xf32, #tpu.memory_space<hbm>>) dst(%dma_wait3A_151 : memref<632x128xf32, #tpu.memory_space<vmem_shared>>)
      tpu.yield
    }) : () -> ()
    %barrier3A = arith.constant 0 : index
    tpu.barrier barrier_id(%barrier3A)
    %jit3A_116 = arith.constant 3 : i32
    %div3A = arith.divsi %select_n3A, %jit3A_116 : i32
    %sign3A = arith.constant 0 : i32
    %sign3A_117 = arith.cmpi sgt, %select_n3A, %sign3A : i32
    %sign3A_118 = arith.extui %sign3A_117 : i1 to i32
    %sign3A_119 = arith.constant 0 : i32
    %sign3A_120 = arith.cmpi slt, %select_n3A, %sign3A_119 : i32
    %sign3A_121 = arith.extui %sign3A_120 : i1 to i32
    %sign3A_122 = arith.subi %sign3A_118, %sign3A_121 : i32
    %sign3A_123 = arith.constant 0 : i32
    %sign3A_124 = arith.cmpi sgt, %jit3A_116, %sign3A_123 : i32
    %sign3A_125 = arith.extui %sign3A_124 : i1 to i32
    %sign3A_126 = arith.constant 0 : i32
    %sign3A_127 = arith.cmpi slt, %jit3A_116, %sign3A_126 : i32
    %sign3A_128 = arith.extui %sign3A_127 : i1 to i32
    %sign3A_129 = arith.subi %sign3A_125, %sign3A_128 : i32
    %ne3A = arith.cmpi ne, %sign3A_122, %sign3A_129 : i32
    %rem3A = arith.remsi %select_n3A, %jit3A_116 : i32
    %ne3A_130 = arith.constant 0 : i32
    %ne3A_131 = arith.cmpi ne, %rem3A, %ne3A_130 : i32
    %and3A = arith.andi %ne3A, %ne3A_131 : i1
    %sub3A = arith.constant 1 : i32
    %sub3A_132 = arith.subi %div3A, %sub3A : i32
    %select_n3A_133 = arith.select %and3A, %sub3A_132, %div3A : i32
    %while3A = arith.constant 0 : i32
    %while3A_134 = arith.constant 0 : i32
    %while3A_135 = arith.subi %select_n3A_133, %while3A_134 : i32
    %while3A_136 = arith.addi %while3A_134, %while3A_135 : i32
    %while3A_137 = arith.constant 1 : i32
    %while3A_138 = arith.divsi %while3A_135, %while3A_137 : i32
    %while3A_139 = arith.muli %while3A_138, %while3A_137 : i32
    %while3A_140 = arith.addi %while3A_134, %while3A_139 : i32
    %while3A_141 = arith.constant 1 : i32
    scf.for %while3A_148 = %while3A_134 to %while3A_140 step %while3A_141  : i32 {
      %mul3A_149 = arith.constant 3 : i32
      %mul3A_150 = arith.muli %while3A_148, %mul3A_149 : i32
      %add3A_151 = arith.constant 0 : i32
      %add3A_152 = arith.addi %mul3A_150, %add3A_151 : i32
      %dma_wait3A_153 = arith.constant 0 : i32
      %dma_wait3A_154 = arith.constant 0 : i32
      %dma_wait3A_155 = tpu.memref_slice %arg2[%dma_wait3A_153, %dma_wait3A_154] : memref<10000x128xf32, #tpu.memory_space<hbm>> -> memref<10000x128xf32, #tpu.memory_space<hbm>>
      tpu.wait_indirect_dma semaphore(%arg15 : memref<!tpu.dma_semaphore, #tpu.memory_space<semaphore_mem>>) src(%dma_wait3A_155 : memref<10000x128xf32, #tpu.memory_space<hbm>>) dst(%arg7 : memref<128x128xf32, #tpu.memory_space<vmem>>)
      %add3A_156 = arith.constant 3 : i32
      %add3A_157 = arith.addi %add3A_152, %add3A_156 : i32
      %lt3A_158 = arith.cmpi slt, %add3A_157, %select_n3A : i32
      %convert_element_type3A_159 = arith.extui %lt3A_158 : i1 to i32
      %cond3A_160 = arith.constant 0 : i32
      %cond3A_161 = arith.cmpi ne, %convert_element_type3A_159, %cond3A_160 : i32
      scf.if %cond3A_161 {
        %add3A_249 = arith.addi %select_n3A_8, %add3A_152 : i32
        %add3A_250 = arith.constant 3 : i32
        %add3A_251 = arith.addi %add3A_249, %add3A_250 : i32
        %lt3A_252 = arith.constant 2500 : i32
        %lt3A_253 = arith.cmpi slt, %add3A_251, %lt3A_252 : i32
        %convert_element_type3A_254 = arith.extui %lt3A_253 : i1 to i32
        %cond3A_255 = arith.constant 0 : i32
        %cond3A_256 = arith.cmpi ne, %convert_element_type3A_254, %cond3A_255 : i32
        scf.if %cond3A_256 {
          %mul3A_262 = arith.constant 128 : i32
          %mul3A_263 = arith.muli %add3A_251, %mul3A_262 : i32
          %dma_start3A_264 = arith.constant 0 : i32
          %dma_start3A_265 = tpu.memref_slice %arg3[%dma_start3A_264, %mul3A_263] : memref<2x320000xi32, #tpu.memory_space<hbm>> -> memref<1x128xi32, #tpu.memory_space<hbm>>
          %dma_start3A_266 = tpu.memref_squeeze %dma_start3A_265 : memref<1x128xi32, #tpu.memory_space<hbm>> -> memref<128xi32, #tpu.memory_space<hbm>>
          %dma_start3A_267 = tpu.memref_slice %arg3[%dma_start3A_264, %mul3A_263] : memref<2x320000xi32, #tpu.memory_space<hbm>> -> memref<1x128xi32, #tpu.memory_space<hbm>>
          %dma_start3A_268 = tpu.memref_squeeze %dma_start3A_267 : memref<1x128xi32, #tpu.memory_space<hbm>> -> memref<128xi32, #tpu.memory_space<hbm>>
          tpu.enqueue_dma source(%dma_start3A_268 : memref<128xi32, #tpu.memory_space<hbm>>) target(%arg10 : memref<128xi32, #tpu.memory_space<vmem>>) target_semaphore(%arg18 : memref<!tpu.dma_semaphore, #tpu.memory_space<semaphore_mem>>)
        } else {
        }
        %ge3A_257 = arith.constant 2500 : i32
        %ge3A_258 = arith.cmpi sge, %add3A_251, %ge3A_257 : i32
        %convert_element_type3A_259 = arith.extui %ge3A_258 : i1 to i32
        %cond3A_260 = arith.constant 0 : i32
        %cond3A_261 = arith.cmpi ne, %convert_element_type3A_259, %cond3A_260 : i32
        scf.if %cond3A_261 {
          %sub3A_262 = arith.constant 2500 : i32
          %sub3A_263 = arith.subi %add3A_251, %sub3A_262 : i32
          %dma_start3A_264 = arith.constant 0 : i32
          %dma_start3A_265 = arith.constant 0 : i32
          %dma_start3A_266 = tpu.memref_slice %arg4[%dma_start3A_264, %sub3A_263, %dma_start3A_265] : memref<2x92x128xi32, #tpu.memory_space<hbm>> -> memref<1x1x128xi32, #tpu.memory_space<hbm>>
          %dma_start3A_267 = tpu.memref_squeeze %dma_start3A_266 : memref<1x1x128xi32, #tpu.memory_space<hbm>> -> memref<128xi32, #tpu.memory_space<hbm>>
          %dma_start3A_268 = arith.constant 0 : i32
          %dma_start3A_269 = tpu.memref_slice %arg4[%dma_start3A_264, %sub3A_263, %dma_start3A_268] : memref<2x92x128xi32, #tpu.memory_space<hbm>> -> memref<1x1x128xi32, #tpu.memory_space<hbm>>
          %dma_start3A_270 = tpu.memref_squeeze %dma_start3A_269 : memref<1x1x128xi32, #tpu.memory_space<hbm>> -> memref<128xi32, #tpu.memory_space<hbm>>
          tpu.enqueue_dma source(%dma_start3A_270 : memref<128xi32, #tpu.memory_space<hbm>>) target(%arg10 : memref<128xi32, #tpu.memory_space<vmem>>) target_semaphore(%arg18 : memref<!tpu.dma_semaphore, #tpu.memory_space<semaphore_mem>>)
        } else {
        }
      } else {
      }
      %dma_wait3A_162 = arith.constant 0 : i32
      %dma_wait3A_163 = arith.constant 0 : i32
      %dma_wait3A_164 = arith.constant 0 : i32
      %dma_wait3A_165 = arith.constant 0 : i32
      %dma_wait3A_166 = tpu.memref_slice %arg13[%dma_wait3A_164, %dma_wait3A_165] : memref<3x128xi32, #tpu.memory_space<vmem>> -> memref<1x128xi32, #tpu.memory_space<vmem>>
      %dma_wait3A_167 = tpu.memref_squeeze %dma_wait3A_166 : memref<1x128xi32, #tpu.memory_space<vmem>> -> memref<128xi32, #tpu.memory_space<vmem>>
      %dma_wait3A_168 = arith.constant 0 : i32
      %dma_wait3A_169 = tpu.memref_slice %arg4[%dma_wait3A_162, %dma_wait3A_163, %dma_wait3A_168] : memref<2x92x128xi32, #tpu.memory_space<hbm>> -> memref<1x1x128xi32, #tpu.memory_space<hbm>>
      %dma_wait3A_170 = tpu.memref_squeeze %dma_wait3A_169 : memref<1x1x128xi32, #tpu.memory_space<hbm>> -> memref<128xi32, #tpu.memory_space<hbm>>
      %dma_wait3A_171 = arith.constant 0 : i32
      %dma_wait3A_172 = tpu.memref_slice %arg13[%dma_wait3A_164, %dma_wait3A_171] : memref<3x128xi32, #tpu.memory_space<vmem>> -> memref<1x128xi32, #tpu.memory_space<vmem>>
      %dma_wait3A_173 = tpu.memref_squeeze %dma_wait3A_172 : memref<1x128xi32, #tpu.memory_space<vmem>> -> memref<128xi32, #tpu.memory_space<vmem>>
      %dma_wait3A_174 = arith.constant 0 : i32
      %dma_wait3A_175 = tpu.memref_slice %arg4[%dma_wait3A_162, %dma_wait3A_163, %dma_wait3A_174] : memref<2x92x128xi32, #tpu.memory_space<hbm>> -> memref<1x1x128xi32, #tpu.memory_space<hbm>>
      %dma_wait3A_176 = tpu.memref_squeeze %dma_wait3A_175 : memref<1x1x128xi32, #tpu.memory_space<hbm>> -> memref<128xi32, #tpu.memory_space<hbm>>
      tpu.wait_dma2 semaphore(%arg21 : memref<!tpu.dma_semaphore, #tpu.memory_space<semaphore_mem>>) src(%dma_wait3A_176 : memref<128xi32, #tpu.memory_space<hbm>>) dst(%dma_wait3A_173 : memref<128xi32, #tpu.memory_space<vmem>>)
      %run_scoped3A = arith.constant 0 : i32
      "tpu.region"() ({
        %run_scoped3A_249 = tpu.sem_alloc : memref<!tpu.dma_semaphore, #tpu.memory_space<semaphore_mem>>
        %dma_start3A_250 = arith.constant 0 : i32
        %dma_start3A_251 = tpu.memref_slice %arg13[%run_scoped3A, %dma_start3A_250] : memref<3x128xi32, #tpu.memory_space<vmem>> -> memref<1x128xi32, #tpu.memory_space<vmem>>
        %dma_start3A_252 = tpu.memref_squeeze %dma_start3A_251 : memref<1x128xi32, #tpu.memory_space<vmem>> -> memref<128xi32, #tpu.memory_space<vmem>>
        %dma_start3A_253 = arith.constant 0 : i32
        %dma_start3A_254 = arith.constant 0 : i32
        %dma_start3A_255 = tpu.memref_slice %arg14[%dma_start3A_253, %dma_start3A_254] : memref<10112x128xf32, #tpu.memory_space<vmem_shared>> -> memref<10112x128xf32, #tpu.memory_space<vmem_shared>>
        tpu.enqueue_indirect_dma source(%arg7 : memref<128x128xf32, #tpu.memory_space<vmem>>) target(%dma_start3A_255 : memref<10112x128xf32, #tpu.memory_space<vmem_shared>>) offsets(%dma_start3A_252 : memref<128xi32, #tpu.memory_space<vmem>>) semaphore(%run_scoped3A_249 : memref<!tpu.dma_semaphore, #tpu.memory_space<semaphore_mem>>) {add = true}
        %dma_wait3A_256 = arith.constant 0 : i32
        %dma_wait3A_257 = tpu.memref_slice %arg13[%run_scoped3A, %dma_wait3A_256] : memref<3x128xi32, #tpu.memory_space<vmem>> -> memref<1x128xi32, #tpu.memory_space<vmem>>
        %dma_wait3A_258 = tpu.memref_squeeze %dma_wait3A_257 : memref<1x128xi32, #tpu.memory_space<vmem>> -> memref<128xi32, #tpu.memory_space<vmem>>
        %dma_wait3A_259 = arith.constant 0 : i32
        %dma_wait3A_260 = arith.constant 0 : i32
        %dma_wait3A_261 = tpu.memref_slice %arg14[%dma_wait3A_259, %dma_wait3A_260] : memref<10112x128xf32, #tpu.memory_space<vmem_shared>> -> memref<10112x128xf32, #tpu.memory_space<vmem_shared>>
        tpu.wait_indirect_dma semaphore(%run_scoped3A_249 : memref<!tpu.dma_semaphore, #tpu.memory_space<semaphore_mem>>) src(%arg7 : memref<128x128xf32, #tpu.memory_space<vmem>>) dst(%dma_wait3A_261 : memref<10112x128xf32, #tpu.memory_space<vmem_shared>>)
        tpu.yield
      }) : () -> ()
      %add3A_177 = arith.constant 3 : i32
      %add3A_178 = arith.addi %add3A_152, %add3A_177 : i32
      %lt3A_179 = arith.cmpi slt, %add3A_178, %select_n3A : i32
      %convert_element_type3A_180 = arith.extui %lt3A_179 : i1 to i32
      %cond3A_181 = arith.constant 0 : i32
      %cond3A_182 = arith.cmpi ne, %convert_element_type3A_180, %cond3A_181 : i32
      scf.if %cond3A_182 {
        %add3A_249 = arith.addi %select_n3A_8, %add3A_152 : i32
        %add3A_250 = arith.constant 3 : i32
        %add3A_251 = arith.addi %add3A_249, %add3A_250 : i32
        %lt3A_252 = arith.constant 2500 : i32
        %lt3A_253 = arith.cmpi slt, %add3A_251, %lt3A_252 : i32
        %convert_element_type3A_254 = arith.extui %lt3A_253 : i1 to i32
        %cond3A_255 = arith.constant 0 : i32
        %cond3A_256 = arith.constant 0 : i32
        %cond3A_257 = arith.cmpi ne, %convert_element_type3A_254, %cond3A_256 : i32
        scf.if %cond3A_257 {
          %mul3A_275 = arith.constant 128 : i32
          %mul3A_276 = arith.muli %add3A_251, %mul3A_275 : i32
          %dma_start3A_277 = arith.constant 1 : i32
          %dma_start3A_278 = arith.constant 0 : i32
          %dma_start3A_279 = tpu.memref_slice %arg13[%cond3A_255, %dma_start3A_278] : memref<3x128xi32, #tpu.memory_space<vmem>> -> memref<1x128xi32, #tpu.memory_space<vmem>>
          %dma_start3A_280 = tpu.memref_squeeze %dma_start3A_279 : memref<1x128xi32, #tpu.memory_space<vmem>> -> memref<128xi32, #tpu.memory_space<vmem>>
          %dma_start3A_281 = tpu.memref_slice %arg3[%dma_start3A_277, %mul3A_276] : memref<2x320000xi32, #tpu.memory_space<hbm>> -> memref<1x128xi32, #tpu.memory_space<hbm>>
          %dma_start3A_282 = tpu.memref_squeeze %dma_start3A_281 : memref<1x128xi32, #tpu.memory_space<hbm>> -> memref<128xi32, #tpu.memory_space<hbm>>
          %dma_start3A_283 = arith.constant 0 : i32
          %dma_start3A_284 = tpu.memref_slice %arg13[%cond3A_255, %dma_start3A_283] : memref<3x128xi32, #tpu.memory_space<vmem>> -> memref<1x128xi32, #tpu.memory_space<vmem>>
          %dma_start3A_285 = tpu.memref_squeeze %dma_start3A_284 : memref<1x128xi32, #tpu.memory_space<vmem>> -> memref<128xi32, #tpu.memory_space<vmem>>
          %dma_start3A_286 = tpu.memref_slice %arg3[%dma_start3A_277, %mul3A_276] : memref<2x320000xi32, #tpu.memory_space<hbm>> -> memref<1x128xi32, #tpu.memory_space<hbm>>
          %dma_start3A_287 = tpu.memref_squeeze %dma_start3A_286 : memref<1x128xi32, #tpu.memory_space<hbm>> -> memref<128xi32, #tpu.memory_space<hbm>>
          tpu.enqueue_dma source(%dma_start3A_287 : memref<128xi32, #tpu.memory_space<hbm>>) target(%dma_start3A_285 : memref<128xi32, #tpu.memory_space<vmem>>) target_semaphore(%arg21 : memref<!tpu.dma_semaphore, #tpu.memory_space<semaphore_mem>>)
        } else {
        }
        %ge3A_258 = arith.constant 2500 : i32
        %ge3A_259 = arith.cmpi sge, %add3A_251, %ge3A_258 : i32
        %convert_element_type3A_260 = arith.extui %ge3A_259 : i1 to i32
        %cond3A_261 = arith.constant 0 : i32
        %cond3A_262 = arith.constant 0 : i32
        %cond3A_263 = arith.cmpi ne, %convert_element_type3A_260, %cond3A_262 : i32
        scf.if %cond3A_263 {
          %sub3A_275 = arith.constant 2500 : i32
          %sub3A_276 = arith.subi %add3A_251, %sub3A_275 : i32
          %dma_start3A_277 = arith.constant 1 : i32
          %dma_start3A_278 = arith.constant 0 : i32
          %dma_start3A_279 = tpu.memref_slice %arg13[%cond3A_261, %dma_start3A_278] : memref<3x128xi32, #tpu.memory_space<vmem>> -> memref<1x128xi32, #tpu.memory_space<vmem>>
          %dma_start3A_280 = tpu.memref_squeeze %dma_start3A_279 : memref<1x128xi32, #tpu.memory_space<vmem>> -> memref<128xi32, #tpu.memory_space<vmem>>
          %dma_start3A_281 = arith.constant 0 : i32
          %dma_start3A_282 = tpu.memref_slice %arg4[%dma_start3A_277, %sub3A_276, %dma_start3A_281] : memref<2x92x128xi32, #tpu.memory_space<hbm>> -> memref<1x1x128xi32, #tpu.memory_space<hbm>>
          %dma_start3A_283 = tpu.memref_squeeze %dma_start3A_282 : memref<1x1x128xi32, #tpu.memory_space<hbm>> -> memref<128xi32, #tpu.memory_space<hbm>>
          %dma_start3A_284 = arith.constant 0 : i32
          %dma_start3A_285 = tpu.memref_slice %arg13[%cond3A_261, %dma_start3A_284] : memref<3x128xi32, #tpu.memory_space<vmem>> -> memref<1x128xi32, #tpu.memory_space<vmem>>
          %dma_start3A_286 = tpu.memref_squeeze %dma_start3A_285 : memref<1x128xi32, #tpu.memory_space<vmem>> -> memref<128xi32, #tpu.memory_space<vmem>>
          %dma_start3A_287 = arith.constant 0 : i32
          %dma_start3A_288 = tpu.memref_slice %arg4[%dma_start3A_277, %sub3A_276, %dma_start3A_287] : memref<2x92x128xi32, #tpu.memory_space<hbm>> -> memref<1x1x128xi32, #tpu.memory_space<hbm>>
          %dma_start3A_289 = tpu.memref_squeeze %dma_start3A_288 : memref<1x1x128xi32, #tpu.memory_space<hbm>> -> memref<128xi32, #tpu.memory_space<hbm>>
          tpu.enqueue_dma source(%dma_start3A_289 : memref<128xi32, #tpu.memory_space<hbm>>) target(%dma_start3A_286 : memref<128xi32, #tpu.memory_space<vmem>>) target_semaphore(%arg21 : memref<!tpu.dma_semaphore, #tpu.memory_space<semaphore_mem>>)
        } else {
        }
        %dma_wait3A_264 = arith.constant 0 : i32
        %dma_wait3A_265 = arith.constant 0 : i32
        %dma_wait3A_266 = arith.constant 0 : i32
        %dma_wait3A_267 = tpu.memref_slice %arg4[%dma_wait3A_264, %dma_wait3A_265, %dma_wait3A_266] : memref<2x92x128xi32, #tpu.memory_space<hbm>> -> memref<1x1x128xi32, #tpu.memory_space<hbm>>
        %dma_wait3A_268 = tpu.memref_squeeze %dma_wait3A_267 : memref<1x1x128xi32, #tpu.memory_space<hbm>> -> memref<128xi32, #tpu.memory_space<hbm>>
        %dma_wait3A_269 = arith.constant 0 : i32
        %dma_wait3A_270 = tpu.memref_slice %arg4[%dma_wait3A_264, %dma_wait3A_265, %dma_wait3A_269] : memref<2x92x128xi32, #tpu.memory_space<hbm>> -> memref<1x1x128xi32, #tpu.memory_space<hbm>>
        %dma_wait3A_271 = tpu.memref_squeeze %dma_wait3A_270 : memref<1x1x128xi32, #tpu.memory_space<hbm>> -> memref<128xi32, #tpu.memory_space<hbm>>
        tpu.wait_dma2 semaphore(%arg18 : memref<!tpu.dma_semaphore, #tpu.memory_space<semaphore_mem>>) src(%dma_wait3A_271 : memref<128xi32, #tpu.memory_space<hbm>>) dst(%arg10 : memref<128xi32, #tpu.memory_space<vmem>>)
        %dma_start3A_272 = arith.constant 0 : i32
        %dma_start3A_273 = arith.constant 0 : i32
        %dma_start3A_274 = tpu.memref_slice %arg2[%dma_start3A_272, %dma_start3A_273] : memref<10000x128xf32, #tpu.memory_space<hbm>> -> memref<10000x128xf32, #tpu.memory_space<hbm>>
        tpu.enqueue_indirect_dma source(%dma_start3A_274 : memref<10000x128xf32, #tpu.memory_space<hbm>>) target(%arg7 : memref<128x128xf32, #tpu.memory_space<vmem>>) offsets(%arg10 : memref<128xi32, #tpu.memory_space<vmem>>) semaphore(%arg15 : memref<!tpu.dma_semaphore, #tpu.memory_space<semaphore_mem>>)
      } else {
      }
      %add3A_183 = arith.constant 1 : i32
      %add3A_184 = arith.addi %mul3A_150, %add3A_183 : i32
      %dma_wait3A_185 = arith.constant 0 : i32
      %dma_wait3A_186 = arith.constant 0 : i32
      %dma_wait3A_187 = tpu.memref_slice %arg2[%dma_wait3A_185, %dma_wait3A_186] : memref<10000x128xf32, #tpu.memory_space<hbm>> -> memref<10000x128xf32, #tpu.memory_space<hbm>>
      tpu.wait_indirect_dma semaphore(%arg16 : memref<!tpu.dma_semaphore, #tpu.memory_space<semaphore_mem>>) src(%dma_wait3A_187 : memref<10000x128xf32, #tpu.memory_space<hbm>>) dst(%arg8 : memref<128x128xf32, #tpu.memory_space<vmem>>)
      %add3A_188 = arith.constant 3 : i32
      %add3A_189 = arith.addi %add3A_184, %add3A_188 : i32
      %lt3A_190 = arith.cmpi slt, %add3A_189, %select_n3A : i32
      %convert_element_type3A_191 = arith.extui %lt3A_190 : i1 to i32
      %cond3A_192 = arith.constant 0 : i32
      %cond3A_193 = arith.cmpi ne, %convert_element_type3A_191, %cond3A_192 : i32
      scf.if %cond3A_193 {
        %add3A_249 = arith.addi %select_n3A_8, %add3A_184 : i32
        %add3A_250 = arith.constant 3 : i32
        %add3A_251 = arith.addi %add3A_249, %add3A_250 : i32
        %lt3A_252 = arith.constant 2500 : i32
        %lt3A_253 = arith.cmpi slt, %add3A_251, %lt3A_252 : i32
        %convert_element_type3A_254 = arith.extui %lt3A_253 : i1 to i32
        %cond3A_255 = arith.constant 0 : i32
        %cond3A_256 = arith.cmpi ne, %convert_element_type3A_254, %cond3A_255 : i32
        scf.if %cond3A_256 {
          %mul3A_262 = arith.constant 128 : i32
          %mul3A_263 = arith.muli %add3A_251, %mul3A_262 : i32
          %dma_start3A_264 = arith.constant 0 : i32
          %dma_start3A_265 = tpu.memref_slice %arg3[%dma_start3A_264, %mul3A_263] : memref<2x320000xi32, #tpu.memory_space<hbm>> -> memref<1x128xi32, #tpu.memory_space<hbm>>
          %dma_start3A_266 = tpu.memref_squeeze %dma_start3A_265 : memref<1x128xi32, #tpu.memory_space<hbm>> -> memref<128xi32, #tpu.memory_space<hbm>>
          %dma_start3A_267 = tpu.memref_slice %arg3[%dma_start3A_264, %mul3A_263] : memref<2x320000xi32, #tpu.memory_space<hbm>> -> memref<1x128xi32, #tpu.memory_space<hbm>>
          %dma_start3A_268 = tpu.memref_squeeze %dma_start3A_267 : memref<1x128xi32, #tpu.memory_space<hbm>> -> memref<128xi32, #tpu.memory_space<hbm>>
          tpu.enqueue_dma source(%dma_start3A_268 : memref<128xi32, #tpu.memory_space<hbm>>) target(%arg11 : memref<128xi32, #tpu.memory_space<vmem>>) target_semaphore(%arg19 : memref<!tpu.dma_semaphore, #tpu.memory_space<semaphore_mem>>)
        } else {
        }
        %ge3A_257 = arith.constant 2500 : i32
        %ge3A_258 = arith.cmpi sge, %add3A_251, %ge3A_257 : i32
        %convert_element_type3A_259 = arith.extui %ge3A_258 : i1 to i32
        %cond3A_260 = arith.constant 0 : i32
        %cond3A_261 = arith.cmpi ne, %convert_element_type3A_259, %cond3A_260 : i32
        scf.if %cond3A_261 {
          %sub3A_262 = arith.constant 2500 : i32
          %sub3A_263 = arith.subi %add3A_251, %sub3A_262 : i32
          %dma_start3A_264 = arith.constant 0 : i32
          %dma_start3A_265 = arith.constant 0 : i32
          %dma_start3A_266 = tpu.memref_slice %arg4[%dma_start3A_264, %sub3A_263, %dma_start3A_265] : memref<2x92x128xi32, #tpu.memory_space<hbm>> -> memref<1x1x128xi32, #tpu.memory_space<hbm>>
          %dma_start3A_267 = tpu.memref_squeeze %dma_start3A_266 : memref<1x1x128xi32, #tpu.memory_space<hbm>> -> memref<128xi32, #tpu.memory_space<hbm>>
          %dma_start3A_268 = arith.constant 0 : i32
          %dma_start3A_269 = tpu.memref_slice %arg4[%dma_start3A_264, %sub3A_263, %dma_start3A_268] : memref<2x92x128xi32, #tpu.memory_space<hbm>> -> memref<1x1x128xi32, #tpu.memory_space<hbm>>
          %dma_start3A_270 = tpu.memref_squeeze %dma_start3A_269 : memref<1x1x128xi32, #tpu.memory_space<hbm>> -> memref<128xi32, #tpu.memory_space<hbm>>
          tpu.enqueue_dma source(%dma_start3A_270 : memref<128xi32, #tpu.memory_space<hbm>>) target(%arg11 : memref<128xi32, #tpu.memory_space<vmem>>) target_semaphore(%arg19 : memref<!tpu.dma_semaphore, #tpu.memory_space<semaphore_mem>>)
        } else {
        }
      } else {
      }
      %dma_wait3A_194 = arith.constant 0 : i32
      %dma_wait3A_195 = arith.constant 0 : i32
      %dma_wait3A_196 = arith.constant 1 : i32
      %dma_wait3A_197 = arith.constant 0 : i32
      %dma_wait3A_198 = tpu.memref_slice %arg13[%dma_wait3A_196, %dma_wait3A_197] : memref<3x128xi32, #tpu.memory_space<vmem>> -> memref<1x128xi32, #tpu.memory_space<vmem>>
      %dma_wait3A_199 = tpu.memref_squeeze %dma_wait3A_198 : memref<1x128xi32, #tpu.memory_space<vmem>> -> memref<128xi32, #tpu.memory_space<vmem>>
      %dma_wait3A_200 = arith.constant 0 : i32
      %dma_wait3A_201 = tpu.memref_slice %arg4[%dma_wait3A_194, %dma_wait3A_195, %dma_wait3A_200] : memref<2x92x128xi32, #tpu.memory_space<hbm>> -> memref<1x1x128xi32, #tpu.memory_space<hbm>>
      %dma_wait3A_202 = tpu.memref_squeeze %dma_wait3A_201 : memref<1x1x128xi32, #tpu.memory_space<hbm>> -> memref<128xi32, #tpu.memory_space<hbm>>
      %dma_wait3A_203 = arith.constant 0 : i32
      %dma_wait3A_204 = tpu.memref_slice %arg13[%dma_wait3A_196, %dma_wait3A_203] : memref<3x128xi32, #tpu.memory_space<vmem>> -> memref<1x128xi32, #tpu.memory_space<vmem>>
      %dma_wait3A_205 = tpu.memref_squeeze %dma_wait3A_204 : memref<1x128xi32, #tpu.memory_space<vmem>> -> memref<128xi32, #tpu.memory_space<vmem>>
      %dma_wait3A_206 = arith.constant 0 : i32
      %dma_wait3A_207 = tpu.memref_slice %arg4[%dma_wait3A_194, %dma_wait3A_195, %dma_wait3A_206] : memref<2x92x128xi32, #tpu.memory_space<hbm>> -> memref<1x1x128xi32, #tpu.memory_space<hbm>>
      %dma_wait3A_208 = tpu.memref_squeeze %dma_wait3A_207 : memref<1x1x128xi32, #tpu.memory_space<hbm>> -> memref<128xi32, #tpu.memory_space<hbm>>
      tpu.wait_dma2 semaphore(%arg22 : memref<!tpu.dma_semaphore, #tpu.memory_space<semaphore_mem>>) src(%dma_wait3A_208 : memref<128xi32, #tpu.memory_space<hbm>>) dst(%dma_wait3A_205 : memref<128xi32, #tpu.memory_space<vmem>>)
      %run_scoped3A_209 = arith.constant 1 : i32
      "tpu.region"() ({
        %run_scoped3A_249 = tpu.sem_alloc : memref<!tpu.dma_semaphore, #tpu.memory_space<semaphore_mem>>
        %dma_start3A_250 = arith.constant 0 : i32
        %dma_start3A_251 = tpu.memref_slice %arg13[%run_scoped3A_209, %dma_start3A_250] : memref<3x128xi32, #tpu.memory_space<vmem>> -> memref<1x128xi32, #tpu.memory_space<vmem>>
        %dma_start3A_252 = tpu.memref_squeeze %dma_start3A_251 : memref<1x128xi32, #tpu.memory_space<vmem>> -> memref<128xi32, #tpu.memory_space<vmem>>
        %dma_start3A_253 = arith.constant 0 : i32
        %dma_start3A_254 = arith.constant 0 : i32
        %dma_start3A_255 = tpu.memref_slice %arg14[%dma_start3A_253, %dma_start3A_254] : memref<10112x128xf32, #tpu.memory_space<vmem_shared>> -> memref<10112x128xf32, #tpu.memory_space<vmem_shared>>
        tpu.enqueue_indirect_dma source(%arg8 : memref<128x128xf32, #tpu.memory_space<vmem>>) target(%dma_start3A_255 : memref<10112x128xf32, #tpu.memory_space<vmem_shared>>) offsets(%dma_start3A_252 : memref<128xi32, #tpu.memory_space<vmem>>) semaphore(%run_scoped3A_249 : memref<!tpu.dma_semaphore, #tpu.memory_space<semaphore_mem>>) {add = true}
        %dma_wait3A_256 = arith.constant 0 : i32
        %dma_wait3A_257 = tpu.memref_slice %arg13[%run_scoped3A_209, %dma_wait3A_256] : memref<3x128xi32, #tpu.memory_space<vmem>> -> memref<1x128xi32, #tpu.memory_space<vmem>>
        %dma_wait3A_258 = tpu.memref_squeeze %dma_wait3A_257 : memref<1x128xi32, #tpu.memory_space<vmem>> -> memref<128xi32, #tpu.memory_space<vmem>>
        %dma_wait3A_259 = arith.constant 0 : i32
        %dma_wait3A_260 = arith.constant 0 : i32
        %dma_wait3A_261 = tpu.memref_slice %arg14[%dma_wait3A_259, %dma_wait3A_260] : memref<10112x128xf32, #tpu.memory_space<vmem_shared>> -> memref<10112x128xf32, #tpu.memory_space<vmem_shared>>
        tpu.wait_indirect_dma semaphore(%run_scoped3A_249 : memref<!tpu.dma_semaphore, #tpu.memory_space<semaphore_mem>>) src(%arg8 : memref<128x128xf32, #tpu.memory_space<vmem>>) dst(%dma_wait3A_261 : memref<10112x128xf32, #tpu.memory_space<vmem_shared>>)
        tpu.yield
      }) : () -> ()
      %add3A_210 = arith.constant 3 : i32
      %add3A_211 = arith.addi %add3A_184, %add3A_210 : i32
      %lt3A_212 = arith.cmpi slt, %add3A_211, %select_n3A : i32
      %convert_element_type3A_213 = arith.extui %lt3A_212 : i1 to i32
      %cond3A_214 = arith.constant 0 : i32
      %cond3A_215 = arith.cmpi ne, %convert_element_type3A_213, %cond3A_214 : i32
      scf.if %cond3A_215 {
        %add3A_249 = arith.addi %select_n3A_8, %add3A_184 : i32
        %add3A_250 = arith.constant 3 : i32
        %add3A_251 = arith.addi %add3A_249, %add3A_250 : i32
        %lt3A_252 = arith.constant 2500 : i32
        %lt3A_253 = arith.cmpi slt, %add3A_251, %lt3A_252 : i32
        %convert_element_type3A_254 = arith.extui %lt3A_253 : i1 to i32
        %cond3A_255 = arith.constant 1 : i32
        %cond3A_256 = arith.constant 0 : i32
        %cond3A_257 = arith.cmpi ne, %convert_element_type3A_254, %cond3A_256 : i32
        scf.if %cond3A_257 {
          %mul3A_275 = arith.constant 128 : i32
          %mul3A_276 = arith.muli %add3A_251, %mul3A_275 : i32
          %dma_start3A_277 = arith.constant 1 : i32
          %dma_start3A_278 = arith.constant 0 : i32
          %dma_start3A_279 = tpu.memref_slice %arg13[%cond3A_255, %dma_start3A_278] : memref<3x128xi32, #tpu.memory_space<vmem>> -> memref<1x128xi32, #tpu.memory_space<vmem>>
          %dma_start3A_280 = tpu.memref_squeeze %dma_start3A_279 : memref<1x128xi32, #tpu.memory_space<vmem>> -> memref<128xi32, #tpu.memory_space<vmem>>
          %dma_start3A_281 = tpu.memref_slice %arg3[%dma_start3A_277, %mul3A_276] : memref<2x320000xi32, #tpu.memory_space<hbm>> -> memref<1x128xi32, #tpu.memory_space<hbm>>
          %dma_start3A_282 = tpu.memref_squeeze %dma_start3A_281 : memref<1x128xi32, #tpu.memory_space<hbm>> -> memref<128xi32, #tpu.memory_space<hbm>>
          %dma_start3A_283 = arith.constant 0 : i32
          %dma_start3A_284 = tpu.memref_slice %arg13[%cond3A_255, %dma_start3A_283] : memref<3x128xi32, #tpu.memory_space<vmem>> -> memref<1x128xi32, #tpu.memory_space<vmem>>
          %dma_start3A_285 = tpu.memref_squeeze %dma_start3A_284 : memref<1x128xi32, #tpu.memory_space<vmem>> -> memref<128xi32, #tpu.memory_space<vmem>>
          %dma_start3A_286 = tpu.memref_slice %arg3[%dma_start3A_277, %mul3A_276] : memref<2x320000xi32, #tpu.memory_space<hbm>> -> memref<1x128xi32, #tpu.memory_space<hbm>>
          %dma_start3A_287 = tpu.memref_squeeze %dma_start3A_286 : memref<1x128xi32, #tpu.memory_space<hbm>> -> memref<128xi32, #tpu.memory_space<hbm>>
          tpu.enqueue_dma source(%dma_start3A_287 : memref<128xi32, #tpu.memory_space<hbm>>) target(%dma_start3A_285 : memref<128xi32, #tpu.memory_space<vmem>>) target_semaphore(%arg22 : memref<!tpu.dma_semaphore, #tpu.memory_space<semaphore_mem>>)
        } else {
        }
        %ge3A_258 = arith.constant 2500 : i32
        %ge3A_259 = arith.cmpi sge, %add3A_251, %ge3A_258 : i32
        %convert_element_type3A_260 = arith.extui %ge3A_259 : i1 to i32
        %cond3A_261 = arith.constant 1 : i32
        %cond3A_262 = arith.constant 0 : i32
        %cond3A_263 = arith.cmpi ne, %convert_element_type3A_260, %cond3A_262 : i32
        scf.if %cond3A_263 {
          %sub3A_275 = arith.constant 2500 : i32
          %sub3A_276 = arith.subi %add3A_251, %sub3A_275 : i32
          %dma_start3A_277 = arith.constant 1 : i32
          %dma_start3A_278 = arith.constant 0 : i32
          %dma_start3A_279 = tpu.memref_slice %arg13[%cond3A_261, %dma_start3A_278] : memref<3x128xi32, #tpu.memory_space<vmem>> -> memref<1x128xi32, #tpu.memory_space<vmem>>
          %dma_start3A_280 = tpu.memref_squeeze %dma_start3A_279 : memref<1x128xi32, #tpu.memory_space<vmem>> -> memref<128xi32, #tpu.memory_space<vmem>>
          %dma_start3A_281 = arith.constant 0 : i32
          %dma_start3A_282 = tpu.memref_slice %arg4[%dma_start3A_277, %sub3A_276, %dma_start3A_281] : memref<2x92x128xi32, #tpu.memory_space<hbm>> -> memref<1x1x128xi32, #tpu.memory_space<hbm>>
          %dma_start3A_283 = tpu.memref_squeeze %dma_start3A_282 : memref<1x1x128xi32, #tpu.memory_space<hbm>> -> memref<128xi32, #tpu.memory_space<hbm>>
          %dma_start3A_284 = arith.constant 0 : i32
          %dma_start3A_285 = tpu.memref_slice %arg13[%cond3A_261, %dma_start3A_284] : memref<3x128xi32, #tpu.memory_space<vmem>> -> memref<1x128xi32, #tpu.memory_space<vmem>>
          %dma_start3A_286 = tpu.memref_squeeze %dma_start3A_285 : memref<1x128xi32, #tpu.memory_space<vmem>> -> memref<128xi32, #tpu.memory_space<vmem>>
          %dma_start3A_287 = arith.constant 0 : i32
          %dma_start3A_288 = tpu.memref_slice %arg4[%dma_start3A_277, %sub3A_276, %dma_start3A_287] : memref<2x92x128xi32, #tpu.memory_space<hbm>> -> memref<1x1x128xi32, #tpu.memory_space<hbm>>
          %dma_start3A_289 = tpu.memref_squeeze %dma_start3A_288 : memref<1x1x128xi32, #tpu.memory_space<hbm>> -> memref<128xi32, #tpu.memory_space<hbm>>
          tpu.enqueue_dma source(%dma_start3A_289 : memref<128xi32, #tpu.memory_space<hbm>>) target(%dma_start3A_286 : memref<128xi32, #tpu.memory_space<vmem>>) target_semaphore(%arg22 : memref<!tpu.dma_semaphore, #tpu.memory_space<semaphore_mem>>)
        } else {
        }
        %dma_wait3A_264 = arith.constant 0 : i32
        %dma_wait3A_265 = arith.constant 0 : i32
        %dma_wait3A_266 = arith.constant 0 : i32
        %dma_wait3A_267 = tpu.memref_slice %arg4[%dma_wait3A_264, %dma_wait3A_265, %dma_wait3A_266] : memref<2x92x128xi32, #tpu.memory_space<hbm>> -> memref<1x1x128xi32, #tpu.memory_space<hbm>>
        %dma_wait3A_268 = tpu.memref_squeeze %dma_wait3A_267 : memref<1x1x128xi32, #tpu.memory_space<hbm>> -> memref<128xi32, #tpu.memory_space<hbm>>
        %dma_wait3A_269 = arith.constant 0 : i32
        %dma_wait3A_270 = tpu.memref_slice %arg4[%dma_wait3A_264, %dma_wait3A_265, %dma_wait3A_269] : memref<2x92x128xi32, #tpu.memory_space<hbm>> -> memref<1x1x128xi32, #tpu.memory_space<hbm>>
        %dma_wait3A_271 = tpu.memref_squeeze %dma_wait3A_270 : memref<1x1x128xi32, #tpu.memory_space<hbm>> -> memref<128xi32, #tpu.memory_space<hbm>>
        tpu.wait_dma2 semaphore(%arg19 : memref<!tpu.dma_semaphore, #tpu.memory_space<semaphore_mem>>) src(%dma_wait3A_271 : memref<128xi32, #tpu.memory_space<hbm>>) dst(%arg11 : memref<128xi32, #tpu.memory_space<vmem>>)
        %dma_start3A_272 = arith.constant 0 : i32
        %dma_start3A_273 = arith.constant 0 : i32
        %dma_start3A_274 = tpu.memref_slice %arg2[%dma_start3A_272, %dma_start3A_273] : memref<10000x128xf32, #tpu.memory_space<hbm>> -> memref<10000x128xf32, #tpu.memory_space<hbm>>
        tpu.enqueue_indirect_dma source(%dma_start3A_274 : memref<10000x128xf32, #tpu.memory_space<hbm>>) target(%arg8 : memref<128x128xf32, #tpu.memory_space<vmem>>) offsets(%arg11 : memref<128xi32, #tpu.memory_space<vmem>>) semaphore(%arg16 : memref<!tpu.dma_semaphore, #tpu.memory_space<semaphore_mem>>)
      } else {
      }
      %add3A_216 = arith.constant 2 : i32
      %add3A_217 = arith.addi %mul3A_150, %add3A_216 : i32
      %dma_wait3A_218 = arith.constant 0 : i32
      %dma_wait3A_219 = arith.constant 0 : i32
      %dma_wait3A_220 = tpu.memref_slice %arg2[%dma_wait3A_218, %dma_wait3A_219] : memref<10000x128xf32, #tpu.memory_space<hbm>> -> memref<10000x128xf32, #tpu.memory_space<hbm>>
      tpu.wait_indirect_dma semaphore(%arg17 : memref<!tpu.dma_semaphore, #tpu.memory_space<semaphore_mem>>) src(%dma_wait3A_220 : memref<10000x128xf32, #tpu.memory_space<hbm>>) dst(%arg9 : memref<128x128xf32, #tpu.memory_space<vmem>>)
      %add3A_221 = arith.constant 3 : i32
      %add3A_222 = arith.addi %add3A_217, %add3A_221 : i32
      %lt3A_223 = arith.cmpi slt, %add3A_222, %select_n3A : i32
      %convert_element_type3A_224 = arith.extui %lt3A_223 : i1 to i32
      %cond3A_225 = arith.constant 0 : i32
      %cond3A_226 = arith.cmpi ne, %convert_element_type3A_224, %cond3A_225 : i32
      scf.if %cond3A_226 {
        %add3A_249 = arith.addi %select_n3A_8, %add3A_217 : i32
        %add3A_250 = arith.constant 3 : i32
        %add3A_251 = arith.addi %add3A_249, %add3A_250 : i32
        %lt3A_252 = arith.constant 2500 : i32
        %lt3A_253 = arith.cmpi slt, %add3A_251, %lt3A_252 : i32
        %convert_element_type3A_254 = arith.extui %lt3A_253 : i1 to i32
        %cond3A_255 = arith.constant 0 : i32
        %cond3A_256 = arith.cmpi ne, %convert_element_type3A_254, %cond3A_255 : i32
        scf.if %cond3A_256 {
          %mul3A_262 = arith.constant 128 : i32
          %mul3A_263 = arith.muli %add3A_251, %mul3A_262 : i32
          %dma_start3A_264 = arith.constant 0 : i32
          %dma_start3A_265 = tpu.memref_slice %arg3[%dma_start3A_264, %mul3A_263] : memref<2x320000xi32, #tpu.memory_space<hbm>> -> memref<1x128xi32, #tpu.memory_space<hbm>>
          %dma_start3A_266 = tpu.memref_squeeze %dma_start3A_265 : memref<1x128xi32, #tpu.memory_space<hbm>> -> memref<128xi32, #tpu.memory_space<hbm>>
          %dma_start3A_267 = tpu.memref_slice %arg3[%dma_start3A_264, %mul3A_263] : memref<2x320000xi32, #tpu.memory_space<hbm>> -> memref<1x128xi32, #tpu.memory_space<hbm>>
          %dma_start3A_268 = tpu.memref_squeeze %dma_start3A_267 : memref<1x128xi32, #tpu.memory_space<hbm>> -> memref<128xi32, #tpu.memory_space<hbm>>
          tpu.enqueue_dma source(%dma_start3A_268 : memref<128xi32, #tpu.memory_space<hbm>>) target(%arg12 : memref<128xi32, #tpu.memory_space<vmem>>) target_semaphore(%arg20 : memref<!tpu.dma_semaphore, #tpu.memory_space<semaphore_mem>>)
        } else {
        }
        %ge3A_257 = arith.constant 2500 : i32
        %ge3A_258 = arith.cmpi sge, %add3A_251, %ge3A_257 : i32
        %convert_element_type3A_259 = arith.extui %ge3A_258 : i1 to i32
        %cond3A_260 = arith.constant 0 : i32
        %cond3A_261 = arith.cmpi ne, %convert_element_type3A_259, %cond3A_260 : i32
        scf.if %cond3A_261 {
          %sub3A_262 = arith.constant 2500 : i32
          %sub3A_263 = arith.subi %add3A_251, %sub3A_262 : i32
          %dma_start3A_264 = arith.constant 0 : i32
          %dma_start3A_265 = arith.constant 0 : i32
          %dma_start3A_266 = tpu.memref_slice %arg4[%dma_start3A_264, %sub3A_263, %dma_start3A_265] : memref<2x92x128xi32, #tpu.memory_space<hbm>> -> memref<1x1x128xi32, #tpu.memory_space<hbm>>
          %dma_start3A_267 = tpu.memref_squeeze %dma_start3A_266 : memref<1x1x128xi32, #tpu.memory_space<hbm>> -> memref<128xi32, #tpu.memory_space<hbm>>
          %dma_start3A_268 = arith.constant 0 : i32
          %dma_start3A_269 = tpu.memref_slice %arg4[%dma_start3A_264, %sub3A_263, %dma_start3A_268] : memref<2x92x128xi32, #tpu.memory_space<hbm>> -> memref<1x1x128xi32, #tpu.memory_space<hbm>>
          %dma_start3A_270 = tpu.memref_squeeze %dma_start3A_269 : memref<1x1x128xi32, #tpu.memory_space<hbm>> -> memref<128xi32, #tpu.memory_space<hbm>>
          tpu.enqueue_dma source(%dma_start3A_270 : memref<128xi32, #tpu.memory_space<hbm>>) target(%arg12 : memref<128xi32, #tpu.memory_space<vmem>>) target_semaphore(%arg20 : memref<!tpu.dma_semaphore, #tpu.memory_space<semaphore_mem>>)
        } else {
        }
      } else {
      }
      %dma_wait3A_227 = arith.constant 0 : i32
      %dma_wait3A_228 = arith.constant 0 : i32
      %dma_wait3A_229 = arith.constant 2 : i32
      %dma_wait3A_230 = arith.constant 0 : i32
      %dma_wait3A_231 = tpu.memref_slice %arg13[%dma_wait3A_229, %dma_wait3A_230] : memref<3x128xi32, #tpu.memory_space<vmem>> -> memref<1x128xi32, #tpu.memory_space<vmem>>
      %dma_wait3A_232 = tpu.memref_squeeze %dma_wait3A_231 : memref<1x128xi32, #tpu.memory_space<vmem>> -> memref<128xi32, #tpu.memory_space<vmem>>
      %dma_wait3A_233 = arith.constant 0 : i32
      %dma_wait3A_234 = tpu.memref_slice %arg4[%dma_wait3A_227, %dma_wait3A_228, %dma_wait3A_233] : memref<2x92x128xi32, #tpu.memory_space<hbm>> -> memref<1x1x128xi32, #tpu.memory_space<hbm>>
      %dma_wait3A_235 = tpu.memref_squeeze %dma_wait3A_234 : memref<1x1x128xi32, #tpu.memory_space<hbm>> -> memref<128xi32, #tpu.memory_space<hbm>>
      %dma_wait3A_236 = arith.constant 0 : i32
      %dma_wait3A_237 = tpu.memref_slice %arg13[%dma_wait3A_229, %dma_wait3A_236] : memref<3x128xi32, #tpu.memory_space<vmem>> -> memref<1x128xi32, #tpu.memory_space<vmem>>
      %dma_wait3A_238 = tpu.memref_squeeze %dma_wait3A_237 : memref<1x128xi32, #tpu.memory_space<vmem>> -> memref<128xi32, #tpu.memory_space<vmem>>
      %dma_wait3A_239 = arith.constant 0 : i32
      %dma_wait3A_240 = tpu.memref_slice %arg4[%dma_wait3A_227, %dma_wait3A_228, %dma_wait3A_239] : memref<2x92x128xi32, #tpu.memory_space<hbm>> -> memref<1x1x128xi32, #tpu.memory_space<hbm>>
      %dma_wait3A_241 = tpu.memref_squeeze %dma_wait3A_240 : memref<1x1x128xi32, #tpu.memory_space<hbm>> -> memref<128xi32, #tpu.memory_space<hbm>>
      tpu.wait_dma2 semaphore(%arg23 : memref<!tpu.dma_semaphore, #tpu.memory_space<semaphore_mem>>) src(%dma_wait3A_241 : memref<128xi32, #tpu.memory_space<hbm>>) dst(%dma_wait3A_238 : memref<128xi32, #tpu.memory_space<vmem>>)
      %run_scoped3A_242 = arith.constant 2 : i32
      "tpu.region"() ({
        %run_scoped3A_249 = tpu.sem_alloc : memref<!tpu.dma_semaphore, #tpu.memory_space<semaphore_mem>>
        %dma_start3A_250 = arith.constant 0 : i32
        %dma_start3A_251 = tpu.memref_slice %arg13[%run_scoped3A_242, %dma_start3A_250] : memref<3x128xi32, #tpu.memory_space<vmem>> -> memref<1x128xi32, #tpu.memory_space<vmem>>
        %dma_start3A_252 = tpu.memref_squeeze %dma_start3A_251 : memref<1x128xi32, #tpu.memory_space<vmem>> -> memref<128xi32, #tpu.memory_space<vmem>>
        %dma_start3A_253 = arith.constant 0 : i32
        %dma_start3A_254 = arith.constant 0 : i32
        %dma_start3A_255 = tpu.memref_slice %arg14[%dma_start3A_253, %dma_start3A_254] : memref<10112x128xf32, #tpu.memory_space<vmem_shared>> -> memref<10112x128xf32, #tpu.memory_space<vmem_shared>>
        tpu.enqueue_indirect_dma source(%arg9 : memref<128x128xf32, #tpu.memory_space<vmem>>) target(%dma_start3A_255 : memref<10112x128xf32, #tpu.memory_space<vmem_shared>>) offsets(%dma_start3A_252 : memref<128xi32, #tpu.memory_space<vmem>>) semaphore(%run_scoped3A_249 : memref<!tpu.dma_semaphore, #tpu.memory_space<semaphore_mem>>) {add = true}
        %dma_wait3A_256 = arith.constant 0 : i32
        %dma_wait3A_257 = tpu.memref_slice %arg13[%run_scoped3A_242, %dma_wait3A_256] : memref<3x128xi32, #tpu.memory_space<vmem>> -> memref<1x128xi32, #tpu.memory_space<vmem>>
        %dma_wait3A_258 = tpu.memref_squeeze %dma_wait3A_257 : memref<1x128xi32, #tpu.memory_space<vmem>> -> memref<128xi32, #tpu.memory_space<vmem>>
        %dma_wait3A_259 = arith.constant 0 : i32
        %dma_wait3A_260 = arith.constant 0 : i32
        %dma_wait3A_261 = tpu.memref_slice %arg14[%dma_wait3A_259, %dma_wait3A_260] : memref<10112x128xf32, #tpu.memory_space<vmem_shared>> -> memref<10112x128xf32, #tpu.memory_space<vmem_shared>>
        tpu.wait_indirect_dma semaphore(%run_scoped3A_249 : memref<!tpu.dma_semaphore, #tpu.memory_space<semaphore_mem>>) src(%arg9 : memref<128x128xf32, #tpu.memory_space<vmem>>) dst(%dma_wait3A_261 : memref<10112x128xf32, #tpu.memory_space<vmem_shared>>)
        tpu.yield
      }) : () -> ()
      %add3A_243 = arith.constant 3 : i32
      %add3A_244 = arith.addi %add3A_217, %add3A_243 : i32
      %lt3A_245 = arith.cmpi slt, %add3A_244, %select_n3A : i32
      %convert_element_type3A_246 = arith.extui %lt3A_245 : i1 to i32
      %cond3A_247 = arith.constant 0 : i32
      %cond3A_248 = arith.cmpi ne, %convert_element_type3A_246, %cond3A_247 : i32
      scf.if %cond3A_248 {
        %add3A_249 = arith.addi %select_n3A_8, %add3A_217 : i32
        %add3A_250 = arith.constant 3 : i32
        %add3A_251 = arith.addi %add3A_249, %add3A_250 : i32
        %lt3A_252 = arith.constant 2500 : i32
        %lt3A_253 = arith.cmpi slt, %add3A_251, %lt3A_252 : i32
        %convert_element_type3A_254 = arith.extui %lt3A_253 : i1 to i32
        %cond3A_255 = arith.constant 2 : i32
        %cond3A_256 = arith.constant 0 : i32
        %cond3A_257 = arith.cmpi ne, %convert_element_type3A_254, %cond3A_256 : i32
        scf.if %cond3A_257 {
          %mul3A_275 = arith.constant 128 : i32
          %mul3A_276 = arith.muli %add3A_251, %mul3A_275 : i32
          %dma_start3A_277 = arith.constant 1 : i32
          %dma_start3A_278 = arith.constant 0 : i32
          %dma_start3A_279 = tpu.memref_slice %arg13[%cond3A_255, %dma_start3A_278] : memref<3x128xi32, #tpu.memory_space<vmem>> -> memref<1x128xi32, #tpu.memory_space<vmem>>
          %dma_start3A_280 = tpu.memref_squeeze %dma_start3A_279 : memref<1x128xi32, #tpu.memory_space<vmem>> -> memref<128xi32, #tpu.memory_space<vmem>>
          %dma_start3A_281 = tpu.memref_slice %arg3[%dma_start3A_277, %mul3A_276] : memref<2x320000xi32, #tpu.memory_space<hbm>> -> memref<1x128xi32, #tpu.memory_space<hbm>>
          %dma_start3A_282 = tpu.memref_squeeze %dma_start3A_281 : memref<1x128xi32, #tpu.memory_space<hbm>> -> memref<128xi32, #tpu.memory_space<hbm>>
          %dma_start3A_283 = arith.constant 0 : i32
          %dma_start3A_284 = tpu.memref_slice %arg13[%cond3A_255, %dma_start3A_283] : memref<3x128xi32, #tpu.memory_space<vmem>> -> memref<1x128xi32, #tpu.memory_space<vmem>>
          %dma_start3A_285 = tpu.memref_squeeze %dma_start3A_284 : memref<1x128xi32, #tpu.memory_space<vmem>> -> memref<128xi32, #tpu.memory_space<vmem>>
          %dma_start3A_286 = tpu.memref_slice %arg3[%dma_start3A_277, %mul3A_276] : memref<2x320000xi32, #tpu.memory_space<hbm>> -> memref<1x128xi32, #tpu.memory_space<hbm>>
          %dma_start3A_287 = tpu.memref_squeeze %dma_start3A_286 : memref<1x128xi32, #tpu.memory_space<hbm>> -> memref<128xi32, #tpu.memory_space<hbm>>
          tpu.enqueue_dma source(%dma_start3A_287 : memref<128xi32, #tpu.memory_space<hbm>>) target(%dma_start3A_285 : memref<128xi32, #tpu.memory_space<vmem>>) target_semaphore(%arg23 : memref<!tpu.dma_semaphore, #tpu.memory_space<semaphore_mem>>)
        } else {
        }
        %ge3A_258 = arith.constant 2500 : i32
        %ge3A_259 = arith.cmpi sge, %add3A_251, %ge3A_258 : i32
        %convert_element_type3A_260 = arith.extui %ge3A_259 : i1 to i32
        %cond3A_261 = arith.constant 2 : i32
        %cond3A_262 = arith.constant 0 : i32
        %cond3A_263 = arith.cmpi ne, %convert_element_type3A_260, %cond3A_262 : i32
        scf.if %cond3A_263 {
          %sub3A_275 = arith.constant 2500 : i32
          %sub3A_276 = arith.subi %add3A_251, %sub3A_275 : i32
          %dma_start3A_277 = arith.constant 1 : i32
          %dma_start3A_278 = arith.constant 0 : i32
          %dma_start3A_279 = tpu.memref_slice %arg13[%cond3A_261, %dma_start3A_278] : memref<3x128xi32, #tpu.memory_space<vmem>> -> memref<1x128xi32, #tpu.memory_space<vmem>>
          %dma_start3A_280 = tpu.memref_squeeze %dma_start3A_279 : memref<1x128xi32, #tpu.memory_space<vmem>> -> memref<128xi32, #tpu.memory_space<vmem>>
          %dma_start3A_281 = arith.constant 0 : i32
          %dma_start3A_282 = tpu.memref_slice %arg4[%dma_start3A_277, %sub3A_276, %dma_start3A_281] : memref<2x92x128xi32, #tpu.memory_space<hbm>> -> memref<1x1x128xi32, #tpu.memory_space<hbm>>
          %dma_start3A_283 = tpu.memref_squeeze %dma_start3A_282 : memref<1x1x128xi32, #tpu.memory_space<hbm>> -> memref<128xi32, #tpu.memory_space<hbm>>
          %dma_start3A_284 = arith.constant 0 : i32
          %dma_start3A_285 = tpu.memref_slice %arg13[%cond3A_261, %dma_start3A_284] : memref<3x128xi32, #tpu.memory_space<vmem>> -> memref<1x128xi32, #tpu.memory_space<vmem>>
          %dma_start3A_286 = tpu.memref_squeeze %dma_start3A_285 : memref<1x128xi32, #tpu.memory_space<vmem>> -> memref<128xi32, #tpu.memory_space<vmem>>
          %dma_start3A_287 = arith.constant 0 : i32
          %dma_start3A_288 = tpu.memref_slice %arg4[%dma_start3A_277, %sub3A_276, %dma_start3A_287] : memref<2x92x128xi32, #tpu.memory_space<hbm>> -> memref<1x1x128xi32, #tpu.memory_space<hbm>>
          %dma_start3A_289 = tpu.memref_squeeze %dma_start3A_288 : memref<1x1x128xi32, #tpu.memory_space<hbm>> -> memref<128xi32, #tpu.memory_space<hbm>>
          tpu.enqueue_dma source(%dma_start3A_289 : memref<128xi32, #tpu.memory_space<hbm>>) target(%dma_start3A_286 : memref<128xi32, #tpu.memory_space<vmem>>) target_semaphore(%arg23 : memref<!tpu.dma_semaphore, #tpu.memory_space<semaphore_mem>>)
        } else {
        }
        %dma_wait3A_264 = arith.constant 0 : i32
        %dma_wait3A_265 = arith.constant 0 : i32
        %dma_wait3A_266 = arith.constant 0 : i32
        %dma_wait3A_267 = tpu.memref_slice %arg4[%dma_wait3A_264, %dma_wait3A_265, %dma_wait3A_266] : memref<2x92x128xi32, #tpu.memory_space<hbm>> -> memref<1x1x128xi32, #tpu.memory_space<hbm>>
        %dma_wait3A_268 = tpu.memref_squeeze %dma_wait3A_267 : memref<1x1x128xi32, #tpu.memory_space<hbm>> -> memref<128xi32, #tpu.memory_space<hbm>>
        %dma_wait3A_269 = arith.constant 0 : i32
        %dma_wait3A_270 = tpu.memref_slice %arg4[%dma_wait3A_264, %dma_wait3A_265, %dma_wait3A_269] : memref<2x92x128xi32, #tpu.memory_space<hbm>> -> memref<1x1x128xi32, #tpu.memory_space<hbm>>
        %dma_wait3A_271 = tpu.memref_squeeze %dma_wait3A_270 : memref<1x1x128xi32, #tpu.memory_space<hbm>> -> memref<128xi32, #tpu.memory_space<hbm>>
        tpu.wait_dma2 semaphore(%arg20 : memref<!tpu.dma_semaphore, #tpu.memory_space<semaphore_mem>>) src(%dma_wait3A_271 : memref<128xi32, #tpu.memory_space<hbm>>) dst(%arg12 : memref<128xi32, #tpu.memory_space<vmem>>)
        %dma_start3A_272 = arith.constant 0 : i32
        %dma_start3A_273 = arith.constant 0 : i32
        %dma_start3A_274 = tpu.memref_slice %arg2[%dma_start3A_272, %dma_start3A_273] : memref<10000x128xf32, #tpu.memory_space<hbm>> -> memref<10000x128xf32, #tpu.memory_space<hbm>>
        tpu.enqueue_indirect_dma source(%dma_start3A_274 : memref<10000x128xf32, #tpu.memory_space<hbm>>) target(%arg9 : memref<128x128xf32, #tpu.memory_space<vmem>>) offsets(%arg12 : memref<128xi32, #tpu.memory_space<vmem>>) semaphore(%arg17 : memref<!tpu.dma_semaphore, #tpu.memory_space<semaphore_mem>>)
      } else {
      }
    }
    %while3A_142 = arith.constant 1 : i32
    scf.for %while3A_148 = %while3A_140 to %while3A_136 step %while3A_142  : i32 {
      %mul3A_149 = arith.constant 3 : i32
      %mul3A_150 = arith.muli %while3A_148, %mul3A_149 : i32
      %add3A_151 = arith.constant 0 : i32
      %add3A_152 = arith.addi %mul3A_150, %add3A_151 : i32
      %dma_wait3A_153 = arith.constant 0 : i32
      %dma_wait3A_154 = arith.constant 0 : i32
      %dma_wait3A_155 = tpu.memref_slice %arg2[%dma_wait3A_153, %dma_wait3A_154] : memref<10000x128xf32, #tpu.memory_space<hbm>> -> memref<10000x128xf32, #tpu.memory_space<hbm>>
      tpu.wait_indirect_dma semaphore(%arg15 : memref<!tpu.dma_semaphore, #tpu.memory_space<semaphore_mem>>) src(%dma_wait3A_155 : memref<10000x128xf32, #tpu.memory_space<hbm>>) dst(%arg7 : memref<128x128xf32, #tpu.memory_space<vmem>>)
      %add3A_156 = arith.constant 3 : i32
      %add3A_157 = arith.addi %add3A_152, %add3A_156 : i32
      %lt3A_158 = arith.cmpi slt, %add3A_157, %select_n3A : i32
      %convert_element_type3A_159 = arith.extui %lt3A_158 : i1 to i32
      %cond3A_160 = arith.constant 0 : i32
      %cond3A_161 = arith.cmpi ne, %convert_element_type3A_159, %cond3A_160 : i32
      scf.if %cond3A_161 {
        %add3A_249 = arith.addi %select_n3A_8, %add3A_152 : i32
        %add3A_250 = arith.constant 3 : i32
        %add3A_251 = arith.addi %add3A_249, %add3A_250 : i32
        %lt3A_252 = arith.constant 2500 : i32
        %lt3A_253 = arith.cmpi slt, %add3A_251, %lt3A_252 : i32
        %convert_element_type3A_254 = arith.extui %lt3A_253 : i1 to i32
        %cond3A_255 = arith.constant 0 : i32
        %cond3A_256 = arith.cmpi ne, %convert_element_type3A_254, %cond3A_255 : i32
        scf.if %cond3A_256 {
          %mul3A_262 = arith.constant 128 : i32
          %mul3A_263 = arith.muli %add3A_251, %mul3A_262 : i32
          %dma_start3A_264 = arith.constant 0 : i32
          %dma_start3A_265 = tpu.memref_slice %arg3[%dma_start3A_264, %mul3A_263] : memref<2x320000xi32, #tpu.memory_space<hbm>> -> memref<1x128xi32, #tpu.memory_space<hbm>>
          %dma_start3A_266 = tpu.memref_squeeze %dma_start3A_265 : memref<1x128xi32, #tpu.memory_space<hbm>> -> memref<128xi32, #tpu.memory_space<hbm>>
          %dma_start3A_267 = tpu.memref_slice %arg3[%dma_start3A_264, %mul3A_263] : memref<2x320000xi32, #tpu.memory_space<hbm>> -> memref<1x128xi32, #tpu.memory_space<hbm>>
          %dma_start3A_268 = tpu.memref_squeeze %dma_start3A_267 : memref<1x128xi32, #tpu.memory_space<hbm>> -> memref<128xi32, #tpu.memory_space<hbm>>
          tpu.enqueue_dma source(%dma_start3A_268 : memref<128xi32, #tpu.memory_space<hbm>>) target(%arg10 : memref<128xi32, #tpu.memory_space<vmem>>) target_semaphore(%arg18 : memref<!tpu.dma_semaphore, #tpu.memory_space<semaphore_mem>>)
        } else {
        }
        %ge3A_257 = arith.constant 2500 : i32
        %ge3A_258 = arith.cmpi sge, %add3A_251, %ge3A_257 : i32
        %convert_element_type3A_259 = arith.extui %ge3A_258 : i1 to i32
        %cond3A_260 = arith.constant 0 : i32
        %cond3A_261 = arith.cmpi ne, %convert_element_type3A_259, %cond3A_260 : i32
        scf.if %cond3A_261 {
          %sub3A_262 = arith.constant 2500 : i32
          %sub3A_263 = arith.subi %add3A_251, %sub3A_262 : i32
          %dma_start3A_264 = arith.constant 0 : i32
          %dma_start3A_265 = arith.constant 0 : i32
          %dma_start3A_266 = tpu.memref_slice %arg4[%dma_start3A_264, %sub3A_263, %dma_start3A_265] : memref<2x92x128xi32, #tpu.memory_space<hbm>> -> memref<1x1x128xi32, #tpu.memory_space<hbm>>
          %dma_start3A_267 = tpu.memref_squeeze %dma_start3A_266 : memref<1x1x128xi32, #tpu.memory_space<hbm>> -> memref<128xi32, #tpu.memory_space<hbm>>
          %dma_start3A_268 = arith.constant 0 : i32
          %dma_start3A_269 = tpu.memref_slice %arg4[%dma_start3A_264, %sub3A_263, %dma_start3A_268] : memref<2x92x128xi32, #tpu.memory_space<hbm>> -> memref<1x1x128xi32, #tpu.memory_space<hbm>>
          %dma_start3A_270 = tpu.memref_squeeze %dma_start3A_269 : memref<1x1x128xi32, #tpu.memory_space<hbm>> -> memref<128xi32, #tpu.memory_space<hbm>>
          tpu.enqueue_dma source(%dma_start3A_270 : memref<128xi32, #tpu.memory_space<hbm>>) target(%arg10 : memref<128xi32, #tpu.memory_space<vmem>>) target_semaphore(%arg18 : memref<!tpu.dma_semaphore, #tpu.memory_space<semaphore_mem>>)
        } else {
        }
      } else {
      }
      %dma_wait3A_162 = arith.constant 0 : i32
      %dma_wait3A_163 = arith.constant 0 : i32
      %dma_wait3A_164 = arith.constant 0 : i32
      %dma_wait3A_165 = arith.constant 0 : i32
      %dma_wait3A_166 = tpu.memref_slice %arg13[%dma_wait3A_164, %dma_wait3A_165] : memref<3x128xi32, #tpu.memory_space<vmem>> -> memref<1x128xi32, #tpu.memory_space<vmem>>
      %dma_wait3A_167 = tpu.memref_squeeze %dma_wait3A_166 : memref<1x128xi32, #tpu.memory_space<vmem>> -> memref<128xi32, #tpu.memory_space<vmem>>
      %dma_wait3A_168 = arith.constant 0 : i32
      %dma_wait3A_169 = tpu.memref_slice %arg4[%dma_wait3A_162, %dma_wait3A_163, %dma_wait3A_168] : memref<2x92x128xi32, #tpu.memory_space<hbm>> -> memref<1x1x128xi32, #tpu.memory_space<hbm>>
      %dma_wait3A_170 = tpu.memref_squeeze %dma_wait3A_169 : memref<1x1x128xi32, #tpu.memory_space<hbm>> -> memref<128xi32, #tpu.memory_space<hbm>>
      %dma_wait3A_171 = arith.constant 0 : i32
      %dma_wait3A_172 = tpu.memref_slice %arg13[%dma_wait3A_164, %dma_wait3A_171] : memref<3x128xi32, #tpu.memory_space<vmem>> -> memref<1x128xi32, #tpu.memory_space<vmem>>
      %dma_wait3A_173 = tpu.memref_squeeze %dma_wait3A_172 : memref<1x128xi32, #tpu.memory_space<vmem>> -> memref<128xi32, #tpu.memory_space<vmem>>
      %dma_wait3A_174 = arith.constant 0 : i32
      %dma_wait3A_175 = tpu.memref_slice %arg4[%dma_wait3A_162, %dma_wait3A_163, %dma_wait3A_174] : memref<2x92x128xi32, #tpu.memory_space<hbm>> -> memref<1x1x128xi32, #tpu.memory_space<hbm>>
      %dma_wait3A_176 = tpu.memref_squeeze %dma_wait3A_175 : memref<1x1x128xi32, #tpu.memory_space<hbm>> -> memref<128xi32, #tpu.memory_space<hbm>>
      tpu.wait_dma2 semaphore(%arg21 : memref<!tpu.dma_semaphore, #tpu.memory_space<semaphore_mem>>) src(%dma_wait3A_176 : memref<128xi32, #tpu.memory_space<hbm>>) dst(%dma_wait3A_173 : memref<128xi32, #tpu.memory_space<vmem>>)
      %run_scoped3A = arith.constant 0 : i32
      "tpu.region"() ({
        %run_scoped3A_249 = tpu.sem_alloc : memref<!tpu.dma_semaphore, #tpu.memory_space<semaphore_mem>>
        %dma_start3A_250 = arith.constant 0 : i32
        %dma_start3A_251 = tpu.memref_slice %arg13[%run_scoped3A, %dma_start3A_250] : memref<3x128xi32, #tpu.memory_space<vmem>> -> memref<1x128xi32, #tpu.memory_space<vmem>>
        %dma_start3A_252 = tpu.memref_squeeze %dma_start3A_251 : memref<1x128xi32, #tpu.memory_space<vmem>> -> memref<128xi32, #tpu.memory_space<vmem>>
        %dma_start3A_253 = arith.constant 0 : i32
        %dma_start3A_254 = arith.constant 0 : i32
        %dma_start3A_255 = tpu.memref_slice %arg14[%dma_start3A_253, %dma_start3A_254] : memref<10112x128xf32, #tpu.memory_space<vmem_shared>> -> memref<10112x128xf32, #tpu.memory_space<vmem_shared>>
        tpu.enqueue_indirect_dma source(%arg7 : memref<128x128xf32, #tpu.memory_space<vmem>>) target(%dma_start3A_255 : memref<10112x128xf32, #tpu.memory_space<vmem_shared>>) offsets(%dma_start3A_252 : memref<128xi32, #tpu.memory_space<vmem>>) semaphore(%run_scoped3A_249 : memref<!tpu.dma_semaphore, #tpu.memory_space<semaphore_mem>>) {add = true}
        %dma_wait3A_256 = arith.constant 0 : i32
        %dma_wait3A_257 = tpu.memref_slice %arg13[%run_scoped3A, %dma_wait3A_256] : memref<3x128xi32, #tpu.memory_space<vmem>> -> memref<1x128xi32, #tpu.memory_space<vmem>>
        %dma_wait3A_258 = tpu.memref_squeeze %dma_wait3A_257 : memref<1x128xi32, #tpu.memory_space<vmem>> -> memref<128xi32, #tpu.memory_space<vmem>>
        %dma_wait3A_259 = arith.constant 0 : i32
        %dma_wait3A_260 = arith.constant 0 : i32
        %dma_wait3A_261 = tpu.memref_slice %arg14[%dma_wait3A_259, %dma_wait3A_260] : memref<10112x128xf32, #tpu.memory_space<vmem_shared>> -> memref<10112x128xf32, #tpu.memory_space<vmem_shared>>
        tpu.wait_indirect_dma semaphore(%run_scoped3A_249 : memref<!tpu.dma_semaphore, #tpu.memory_space<semaphore_mem>>) src(%arg7 : memref<128x128xf32, #tpu.memory_space<vmem>>) dst(%dma_wait3A_261 : memref<10112x128xf32, #tpu.memory_space<vmem_shared>>)
        tpu.yield
      }) : () -> ()
      %add3A_177 = arith.constant 3 : i32
      %add3A_178 = arith.addi %add3A_152, %add3A_177 : i32
      %lt3A_179 = arith.cmpi slt, %add3A_178, %select_n3A : i32
      %convert_element_type3A_180 = arith.extui %lt3A_179 : i1 to i32
      %cond3A_181 = arith.constant 0 : i32
      %cond3A_182 = arith.cmpi ne, %convert_element_type3A_180, %cond3A_181 : i32
      scf.if %cond3A_182 {
        %add3A_249 = arith.addi %select_n3A_8, %add3A_152 : i32
        %add3A_250 = arith.constant 3 : i32
        %add3A_251 = arith.addi %add3A_249, %add3A_250 : i32
        %lt3A_252 = arith.constant 2500 : i32
        %lt3A_253 = arith.cmpi slt, %add3A_251, %lt3A_252 : i32
        %convert_element_type3A_254 = arith.extui %lt3A_253 : i1 to i32
        %cond3A_255 = arith.constant 0 : i32
        %cond3A_256 = arith.constant 0 : i32
        %cond3A_257 = arith.cmpi ne, %convert_element_type3A_254, %cond3A_256 : i32
        scf.if %cond3A_257 {
          %mul3A_275 = arith.constant 128 : i32
          %mul3A_276 = arith.muli %add3A_251, %mul3A_275 : i32
          %dma_start3A_277 = arith.constant 1 : i32
          %dma_start3A_278 = arith.constant 0 : i32
          %dma_start3A_279 = tpu.memref_slice %arg13[%cond3A_255, %dma_start3A_278] : memref<3x128xi32, #tpu.memory_space<vmem>> -> memref<1x128xi32, #tpu.memory_space<vmem>>
          %dma_start3A_280 = tpu.memref_squeeze %dma_start3A_279 : memref<1x128xi32, #tpu.memory_space<vmem>> -> memref<128xi32, #tpu.memory_space<vmem>>
          %dma_start3A_281 = tpu.memref_slice %arg3[%dma_start3A_277, %mul3A_276] : memref<2x320000xi32, #tpu.memory_space<hbm>> -> memref<1x128xi32, #tpu.memory_space<hbm>>
          %dma_start3A_282 = tpu.memref_squeeze %dma_start3A_281 : memref<1x128xi32, #tpu.memory_space<hbm>> -> memref<128xi32, #tpu.memory_space<hbm>>
          %dma_start3A_283 = arith.constant 0 : i32
          %dma_start3A_284 = tpu.memref_slice %arg13[%cond3A_255, %dma_start3A_283] : memref<3x128xi32, #tpu.memory_space<vmem>> -> memref<1x128xi32, #tpu.memory_space<vmem>>
          %dma_start3A_285 = tpu.memref_squeeze %dma_start3A_284 : memref<1x128xi32, #tpu.memory_space<vmem>> -> memref<128xi32, #tpu.memory_space<vmem>>
          %dma_start3A_286 = tpu.memref_slice %arg3[%dma_start3A_277, %mul3A_276] : memref<2x320000xi32, #tpu.memory_space<hbm>> -> memref<1x128xi32, #tpu.memory_space<hbm>>
          %dma_start3A_287 = tpu.memref_squeeze %dma_start3A_286 : memref<1x128xi32, #tpu.memory_space<hbm>> -> memref<128xi32, #tpu.memory_space<hbm>>
          tpu.enqueue_dma source(%dma_start3A_287 : memref<128xi32, #tpu.memory_space<hbm>>) target(%dma_start3A_285 : memref<128xi32, #tpu.memory_space<vmem>>) target_semaphore(%arg21 : memref<!tpu.dma_semaphore, #tpu.memory_space<semaphore_mem>>)
        } else {
        }
        %ge3A_258 = arith.constant 2500 : i32
        %ge3A_259 = arith.cmpi sge, %add3A_251, %ge3A_258 : i32
        %convert_element_type3A_260 = arith.extui %ge3A_259 : i1 to i32
        %cond3A_261 = arith.constant 0 : i32
        %cond3A_262 = arith.constant 0 : i32
        %cond3A_263 = arith.cmpi ne, %convert_element_type3A_260, %cond3A_262 : i32
        scf.if %cond3A_263 {
          %sub3A_275 = arith.constant 2500 : i32
          %sub3A_276 = arith.subi %add3A_251, %sub3A_275 : i32
          %dma_start3A_277 = arith.constant 1 : i32
          %dma_start3A_278 = arith.constant 0 : i32
          %dma_start3A_279 = tpu.memref_slice %arg13[%cond3A_261, %dma_start3A_278] : memref<3x128xi32, #tpu.memory_space<vmem>> -> memref<1x128xi32, #tpu.memory_space<vmem>>
          %dma_start3A_280 = tpu.memref_squeeze %dma_start3A_279 : memref<1x128xi32, #tpu.memory_space<vmem>> -> memref<128xi32, #tpu.memory_space<vmem>>
          %dma_start3A_281 = arith.constant 0 : i32
          %dma_start3A_282 = tpu.memref_slice %arg4[%dma_start3A_277, %sub3A_276, %dma_start3A_281] : memref<2x92x128xi32, #tpu.memory_space<hbm>> -> memref<1x1x128xi32, #tpu.memory_space<hbm>>
          %dma_start3A_283 = tpu.memref_squeeze %dma_start3A_282 : memref<1x1x128xi32, #tpu.memory_space<hbm>> -> memref<128xi32, #tpu.memory_space<hbm>>
          %dma_start3A_284 = arith.constant 0 : i32
          %dma_start3A_285 = tpu.memref_slice %arg13[%cond3A_261, %dma_start3A_284] : memref<3x128xi32, #tpu.memory_space<vmem>> -> memref<1x128xi32, #tpu.memory_space<vmem>>
          %dma_start3A_286 = tpu.memref_squeeze %dma_start3A_285 : memref<1x128xi32, #tpu.memory_space<vmem>> -> memref<128xi32, #tpu.memory_space<vmem>>
          %dma_start3A_287 = arith.constant 0 : i32
          %dma_start3A_288 = tpu.memref_slice %arg4[%dma_start3A_277, %sub3A_276, %dma_start3A_287] : memref<2x92x128xi32, #tpu.memory_space<hbm>> -> memref<1x1x128xi32, #tpu.memory_space<hbm>>
          %dma_start3A_289 = tpu.memref_squeeze %dma_start3A_288 : memref<1x1x128xi32, #tpu.memory_space<hbm>> -> memref<128xi32, #tpu.memory_space<hbm>>
          tpu.enqueue_dma source(%dma_start3A_289 : memref<128xi32, #tpu.memory_space<hbm>>) target(%dma_start3A_286 : memref<128xi32, #tpu.memory_space<vmem>>) target_semaphore(%arg21 : memref<!tpu.dma_semaphore, #tpu.memory_space<semaphore_mem>>)
        } else {
        }
        %dma_wait3A_264 = arith.constant 0 : i32
        %dma_wait3A_265 = arith.constant 0 : i32
        %dma_wait3A_266 = arith.constant 0 : i32
        %dma_wait3A_267 = tpu.memref_slice %arg4[%dma_wait3A_264, %dma_wait3A_265, %dma_wait3A_266] : memref<2x92x128xi32, #tpu.memory_space<hbm>> -> memref<1x1x128xi32, #tpu.memory_space<hbm>>
        %dma_wait3A_268 = tpu.memref_squeeze %dma_wait3A_267 : memref<1x1x128xi32, #tpu.memory_space<hbm>> -> memref<128xi32, #tpu.memory_space<hbm>>
        %dma_wait3A_269 = arith.constant 0 : i32
        %dma_wait3A_270 = tpu.memref_slice %arg4[%dma_wait3A_264, %dma_wait3A_265, %dma_wait3A_269] : memref<2x92x128xi32, #tpu.memory_space<hbm>> -> memref<1x1x128xi32, #tpu.memory_space<hbm>>
        %dma_wait3A_271 = tpu.memref_squeeze %dma_wait3A_270 : memref<1x1x128xi32, #tpu.memory_space<hbm>> -> memref<128xi32, #tpu.memory_space<hbm>>
        tpu.wait_dma2 semaphore(%arg18 : memref<!tpu.dma_semaphore, #tpu.memory_space<semaphore_mem>>) src(%dma_wait3A_271 : memref<128xi32, #tpu.memory_space<hbm>>) dst(%arg10 : memref<128xi32, #tpu.memory_space<vmem>>)
        %dma_start3A_272 = arith.constant 0 : i32
        %dma_start3A_273 = arith.constant 0 : i32
        %dma_start3A_274 = tpu.memref_slice %arg2[%dma_start3A_272, %dma_start3A_273] : memref<10000x128xf32, #tpu.memory_space<hbm>> -> memref<10000x128xf32, #tpu.memory_space<hbm>>
        tpu.enqueue_indirect_dma source(%dma_start3A_274 : memref<10000x128xf32, #tpu.memory_space<hbm>>) target(%arg7 : memref<128x128xf32, #tpu.memory_space<vmem>>) offsets(%arg10 : memref<128xi32, #tpu.memory_space<vmem>>) semaphore(%arg15 : memref<!tpu.dma_semaphore, #tpu.memory_space<semaphore_mem>>)
      } else {
      }
      %add3A_183 = arith.constant 1 : i32
      %add3A_184 = arith.addi %mul3A_150, %add3A_183 : i32
      %dma_wait3A_185 = arith.constant 0 : i32
      %dma_wait3A_186 = arith.constant 0 : i32
      %dma_wait3A_187 = tpu.memref_slice %arg2[%dma_wait3A_185, %dma_wait3A_186] : memref<10000x128xf32, #tpu.memory_space<hbm>> -> memref<10000x128xf32, #tpu.memory_space<hbm>>
      tpu.wait_indirect_dma semaphore(%arg16 : memref<!tpu.dma_semaphore, #tpu.memory_space<semaphore_mem>>) src(%dma_wait3A_187 : memref<10000x128xf32, #tpu.memory_space<hbm>>) dst(%arg8 : memref<128x128xf32, #tpu.memory_space<vmem>>)
      %add3A_188 = arith.constant 3 : i32
      %add3A_189 = arith.addi %add3A_184, %add3A_188 : i32
      %lt3A_190 = arith.cmpi slt, %add3A_189, %select_n3A : i32
      %convert_element_type3A_191 = arith.extui %lt3A_190 : i1 to i32
      %cond3A_192 = arith.constant 0 : i32
      %cond3A_193 = arith.cmpi ne, %convert_element_type3A_191, %cond3A_192 : i32
      scf.if %cond3A_193 {
        %add3A_249 = arith.addi %select_n3A_8, %add3A_184 : i32
        %add3A_250 = arith.constant 3 : i32
        %add3A_251 = arith.addi %add3A_249, %add3A_250 : i32
        %lt3A_252 = arith.constant 2500 : i32
        %lt3A_253 = arith.cmpi slt, %add3A_251, %lt3A_252 : i32
        %convert_element_type3A_254 = arith.extui %lt3A_253 : i1 to i32
        %cond3A_255 = arith.constant 0 : i32
        %cond3A_256 = arith.cmpi ne, %convert_element_type3A_254, %cond3A_255 : i32
        scf.if %cond3A_256 {
          %mul3A_262 = arith.constant 128 : i32
          %mul3A_263 = arith.muli %add3A_251, %mul3A_262 : i32
          %dma_start3A_264 = arith.constant 0 : i32
          %dma_start3A_265 = tpu.memref_slice %arg3[%dma_start3A_264, %mul3A_263] : memref<2x320000xi32, #tpu.memory_space<hbm>> -> memref<1x128xi32, #tpu.memory_space<hbm>>
          %dma_start3A_266 = tpu.memref_squeeze %dma_start3A_265 : memref<1x128xi32, #tpu.memory_space<hbm>> -> memref<128xi32, #tpu.memory_space<hbm>>
          %dma_start3A_267 = tpu.memref_slice %arg3[%dma_start3A_264, %mul3A_263] : memref<2x320000xi32, #tpu.memory_space<hbm>> -> memref<1x128xi32, #tpu.memory_space<hbm>>
          %dma_start3A_268 = tpu.memref_squeeze %dma_start3A_267 : memref<1x128xi32, #tpu.memory_space<hbm>> -> memref<128xi32, #tpu.memory_space<hbm>>
          tpu.enqueue_dma source(%dma_start3A_268 : memref<128xi32, #tpu.memory_space<hbm>>) target(%arg11 : memref<128xi32, #tpu.memory_space<vmem>>) target_semaphore(%arg19 : memref<!tpu.dma_semaphore, #tpu.memory_space<semaphore_mem>>)
        } else {
        }
        %ge3A_257 = arith.constant 2500 : i32
        %ge3A_258 = arith.cmpi sge, %add3A_251, %ge3A_257 : i32
        %convert_element_type3A_259 = arith.extui %ge3A_258 : i1 to i32
        %cond3A_260 = arith.constant 0 : i32
        %cond3A_261 = arith.cmpi ne, %convert_element_type3A_259, %cond3A_260 : i32
        scf.if %cond3A_261 {
          %sub3A_262 = arith.constant 2500 : i32
          %sub3A_263 = arith.subi %add3A_251, %sub3A_262 : i32
          %dma_start3A_264 = arith.constant 0 : i32
          %dma_start3A_265 = arith.constant 0 : i32
          %dma_start3A_266 = tpu.memref_slice %arg4[%dma_start3A_264, %sub3A_263, %dma_start3A_265] : memref<2x92x128xi32, #tpu.memory_space<hbm>> -> memref<1x1x128xi32, #tpu.memory_space<hbm>>
          %dma_start3A_267 = tpu.memref_squeeze %dma_start3A_266 : memref<1x1x128xi32, #tpu.memory_space<hbm>> -> memref<128xi32, #tpu.memory_space<hbm>>
          %dma_start3A_268 = arith.constant 0 : i32
          %dma_start3A_269 = tpu.memref_slice %arg4[%dma_start3A_264, %sub3A_263, %dma_start3A_268] : memref<2x92x128xi32, #tpu.memory_space<hbm>> -> memref<1x1x128xi32, #tpu.memory_space<hbm>>
          %dma_start3A_270 = tpu.memref_squeeze %dma_start3A_269 : memref<1x1x128xi32, #tpu.memory_space<hbm>> -> memref<128xi32, #tpu.memory_space<hbm>>
          tpu.enqueue_dma source(%dma_start3A_270 : memref<128xi32, #tpu.memory_space<hbm>>) target(%arg11 : memref<128xi32, #tpu.memory_space<vmem>>) target_semaphore(%arg19 : memref<!tpu.dma_semaphore, #tpu.memory_space<semaphore_mem>>)
        } else {
        }
      } else {
      }
      %dma_wait3A_194 = arith.constant 0 : i32
      %dma_wait3A_195 = arith.constant 0 : i32
      %dma_wait3A_196 = arith.constant 1 : i32
      %dma_wait3A_197 = arith.constant 0 : i32
      %dma_wait3A_198 = tpu.memref_slice %arg13[%dma_wait3A_196, %dma_wait3A_197] : memref<3x128xi32, #tpu.memory_space<vmem>> -> memref<1x128xi32, #tpu.memory_space<vmem>>
      %dma_wait3A_199 = tpu.memref_squeeze %dma_wait3A_198 : memref<1x128xi32, #tpu.memory_space<vmem>> -> memref<128xi32, #tpu.memory_space<vmem>>
      %dma_wait3A_200 = arith.constant 0 : i32
      %dma_wait3A_201 = tpu.memref_slice %arg4[%dma_wait3A_194, %dma_wait3A_195, %dma_wait3A_200] : memref<2x92x128xi32, #tpu.memory_space<hbm>> -> memref<1x1x128xi32, #tpu.memory_space<hbm>>
      %dma_wait3A_202 = tpu.memref_squeeze %dma_wait3A_201 : memref<1x1x128xi32, #tpu.memory_space<hbm>> -> memref<128xi32, #tpu.memory_space<hbm>>
      %dma_wait3A_203 = arith.constant 0 : i32
      %dma_wait3A_204 = tpu.memref_slice %arg13[%dma_wait3A_196, %dma_wait3A_203] : memref<3x128xi32, #tpu.memory_space<vmem>> -> memref<1x128xi32, #tpu.memory_space<vmem>>
      %dma_wait3A_205 = tpu.memref_squeeze %dma_wait3A_204 : memref<1x128xi32, #tpu.memory_space<vmem>> -> memref<128xi32, #tpu.memory_space<vmem>>
      %dma_wait3A_206 = arith.constant 0 : i32
      %dma_wait3A_207 = tpu.memref_slice %arg4[%dma_wait3A_194, %dma_wait3A_195, %dma_wait3A_206] : memref<2x92x128xi32, #tpu.memory_space<hbm>> -> memref<1x1x128xi32, #tpu.memory_space<hbm>>
      %dma_wait3A_208 = tpu.memref_squeeze %dma_wait3A_207 : memref<1x1x128xi32, #tpu.memory_space<hbm>> -> memref<128xi32, #tpu.memory_space<hbm>>
      tpu.wait_dma2 semaphore(%arg22 : memref<!tpu.dma_semaphore, #tpu.memory_space<semaphore_mem>>) src(%dma_wait3A_208 : memref<128xi32, #tpu.memory_space<hbm>>) dst(%dma_wait3A_205 : memref<128xi32, #tpu.memory_space<vmem>>)
      %run_scoped3A_209 = arith.constant 1 : i32
      "tpu.region"() ({
        %run_scoped3A_249 = tpu.sem_alloc : memref<!tpu.dma_semaphore, #tpu.memory_space<semaphore_mem>>
        %dma_start3A_250 = arith.constant 0 : i32
        %dma_start3A_251 = tpu.memref_slice %arg13[%run_scoped3A_209, %dma_start3A_250] : memref<3x128xi32, #tpu.memory_space<vmem>> -> memref<1x128xi32, #tpu.memory_space<vmem>>
        %dma_start3A_252 = tpu.memref_squeeze %dma_start3A_251 : memref<1x128xi32, #tpu.memory_space<vmem>> -> memref<128xi32, #tpu.memory_space<vmem>>
        %dma_start3A_253 = arith.constant 0 : i32
        %dma_start3A_254 = arith.constant 0 : i32
        %dma_start3A_255 = tpu.memref_slice %arg14[%dma_start3A_253, %dma_start3A_254] : memref<10112x128xf32, #tpu.memory_space<vmem_shared>> -> memref<10112x128xf32, #tpu.memory_space<vmem_shared>>
        tpu.enqueue_indirect_dma source(%arg8 : memref<128x128xf32, #tpu.memory_space<vmem>>) target(%dma_start3A_255 : memref<10112x128xf32, #tpu.memory_space<vmem_shared>>) offsets(%dma_start3A_252 : memref<128xi32, #tpu.memory_space<vmem>>) semaphore(%run_scoped3A_249 : memref<!tpu.dma_semaphore, #tpu.memory_space<semaphore_mem>>) {add = true}
        %dma_wait3A_256 = arith.constant 0 : i32
        %dma_wait3A_257 = tpu.memref_slice %arg13[%run_scoped3A_209, %dma_wait3A_256] : memref<3x128xi32, #tpu.memory_space<vmem>> -> memref<1x128xi32, #tpu.memory_space<vmem>>
        %dma_wait3A_258 = tpu.memref_squeeze %dma_wait3A_257 : memref<1x128xi32, #tpu.memory_space<vmem>> -> memref<128xi32, #tpu.memory_space<vmem>>
        %dma_wait3A_259 = arith.constant 0 : i32
        %dma_wait3A_260 = arith.constant 0 : i32
        %dma_wait3A_261 = tpu.memref_slice %arg14[%dma_wait3A_259, %dma_wait3A_260] : memref<10112x128xf32, #tpu.memory_space<vmem_shared>> -> memref<10112x128xf32, #tpu.memory_space<vmem_shared>>
        tpu.wait_indirect_dma semaphore(%run_scoped3A_249 : memref<!tpu.dma_semaphore, #tpu.memory_space<semaphore_mem>>) src(%arg8 : memref<128x128xf32, #tpu.memory_space<vmem>>) dst(%dma_wait3A_261 : memref<10112x128xf32, #tpu.memory_space<vmem_shared>>)
        tpu.yield
      }) : () -> ()
      %add3A_210 = arith.constant 3 : i32
      %add3A_211 = arith.addi %add3A_184, %add3A_210 : i32
      %lt3A_212 = arith.cmpi slt, %add3A_211, %select_n3A : i32
      %convert_element_type3A_213 = arith.extui %lt3A_212 : i1 to i32
      %cond3A_214 = arith.constant 0 : i32
      %cond3A_215 = arith.cmpi ne, %convert_element_type3A_213, %cond3A_214 : i32
      scf.if %cond3A_215 {
        %add3A_249 = arith.addi %select_n3A_8, %add3A_184 : i32
        %add3A_250 = arith.constant 3 : i32
        %add3A_251 = arith.addi %add3A_249, %add3A_250 : i32
        %lt3A_252 = arith.constant 2500 : i32
        %lt3A_253 = arith.cmpi slt, %add3A_251, %lt3A_252 : i32
        %convert_element_type3A_254 = arith.extui %lt3A_253 : i1 to i32
        %cond3A_255 = arith.constant 1 : i32
        %cond3A_256 = arith.constant 0 : i32
        %cond3A_257 = arith.cmpi ne, %convert_element_type3A_254, %cond3A_256 : i32
        scf.if %cond3A_257 {
          %mul3A_275 = arith.constant 128 : i32
          %mul3A_276 = arith.muli %add3A_251, %mul3A_275 : i32
          %dma_start3A_277 = arith.constant 1 : i32
          %dma_start3A_278 = arith.constant 0 : i32
          %dma_start3A_279 = tpu.memref_slice %arg13[%cond3A_255, %dma_start3A_278] : memref<3x128xi32, #tpu.memory_space<vmem>> -> memref<1x128xi32, #tpu.memory_space<vmem>>
          %dma_start3A_280 = tpu.memref_squeeze %dma_start3A_279 : memref<1x128xi32, #tpu.memory_space<vmem>> -> memref<128xi32, #tpu.memory_space<vmem>>
          %dma_start3A_281 = tpu.memref_slice %arg3[%dma_start3A_277, %mul3A_276] : memref<2x320000xi32, #tpu.memory_space<hbm>> -> memref<1x128xi32, #tpu.memory_space<hbm>>
          %dma_start3A_282 = tpu.memref_squeeze %dma_start3A_281 : memref<1x128xi32, #tpu.memory_space<hbm>> -> memref<128xi32, #tpu.memory_space<hbm>>
          %dma_start3A_283 = arith.constant 0 : i32
          %dma_start3A_284 = tpu.memref_slice %arg13[%cond3A_255, %dma_start3A_283] : memref<3x128xi32, #tpu.memory_space<vmem>> -> memref<1x128xi32, #tpu.memory_space<vmem>>
          %dma_start3A_285 = tpu.memref_squeeze %dma_start3A_284 : memref<1x128xi32, #tpu.memory_space<vmem>> -> memref<128xi32, #tpu.memory_space<vmem>>
          %dma_start3A_286 = tpu.memref_slice %arg3[%dma_start3A_277, %mul3A_276] : memref<2x320000xi32, #tpu.memory_space<hbm>> -> memref<1x128xi32, #tpu.memory_space<hbm>>
          %dma_start3A_287 = tpu.memref_squeeze %dma_start3A_286 : memref<1x128xi32, #tpu.memory_space<hbm>> -> memref<128xi32, #tpu.memory_space<hbm>>
          tpu.enqueue_dma source(%dma_start3A_287 : memref<128xi32, #tpu.memory_space<hbm>>) target(%dma_start3A_285 : memref<128xi32, #tpu.memory_space<vmem>>) target_semaphore(%arg22 : memref<!tpu.dma_semaphore, #tpu.memory_space<semaphore_mem>>)
        } else {
        }
        %ge3A_258 = arith.constant 2500 : i32
        %ge3A_259 = arith.cmpi sge, %add3A_251, %ge3A_258 : i32
        %convert_element_type3A_260 = arith.extui %ge3A_259 : i1 to i32
        %cond3A_261 = arith.constant 1 : i32
        %cond3A_262 = arith.constant 0 : i32
        %cond3A_263 = arith.cmpi ne, %convert_element_type3A_260, %cond3A_262 : i32
        scf.if %cond3A_263 {
          %sub3A_275 = arith.constant 2500 : i32
          %sub3A_276 = arith.subi %add3A_251, %sub3A_275 : i32
          %dma_start3A_277 = arith.constant 1 : i32
          %dma_start3A_278 = arith.constant 0 : i32
          %dma_start3A_279 = tpu.memref_slice %arg13[%cond3A_261, %dma_start3A_278] : memref<3x128xi32, #tpu.memory_space<vmem>> -> memref<1x128xi32, #tpu.memory_space<vmem>>
          %dma_start3A_280 = tpu.memref_squeeze %dma_start3A_279 : memref<1x128xi32, #tpu.memory_space<vmem>> -> memref<128xi32, #tpu.memory_space<vmem>>
          %dma_start3A_281 = arith.constant 0 : i32
          %dma_start3A_282 = tpu.memref_slice %arg4[%dma_start3A_277, %sub3A_276, %dma_start3A_281] : memref<2x92x128xi32, #tpu.memory_space<hbm>> -> memref<1x1x128xi32, #tpu.memory_space<hbm>>
          %dma_start3A_283 = tpu.memref_squeeze %dma_start3A_282 : memref<1x1x128xi32, #tpu.memory_space<hbm>> -> memref<128xi32, #tpu.memory_space<hbm>>
          %dma_start3A_284 = arith.constant 0 : i32
          %dma_start3A_285 = tpu.memref_slice %arg13[%cond3A_261, %dma_start3A_284] : memref<3x128xi32, #tpu.memory_space<vmem>> -> memref<1x128xi32, #tpu.memory_space<vmem>>
          %dma_start3A_286 = tpu.memref_squeeze %dma_start3A_285 : memref<1x128xi32, #tpu.memory_space<vmem>> -> memref<128xi32, #tpu.memory_space<vmem>>
          %dma_start3A_287 = arith.constant 0 : i32
          %dma_start3A_288 = tpu.memref_slice %arg4[%dma_start3A_277, %sub3A_276, %dma_start3A_287] : memref<2x92x128xi32, #tpu.memory_space<hbm>> -> memref<1x1x128xi32, #tpu.memory_space<hbm>>
          %dma_start3A_289 = tpu.memref_squeeze %dma_start3A_288 : memref<1x1x128xi32, #tpu.memory_space<hbm>> -> memref<128xi32, #tpu.memory_space<hbm>>
          tpu.enqueue_dma source(%dma_start3A_289 : memref<128xi32, #tpu.memory_space<hbm>>) target(%dma_start3A_286 : memref<128xi32, #tpu.memory_space<vmem>>) target_semaphore(%arg22 : memref<!tpu.dma_semaphore, #tpu.memory_space<semaphore_mem>>)
        } else {
        }
        %dma_wait3A_264 = arith.constant 0 : i32
        %dma_wait3A_265 = arith.constant 0 : i32
        %dma_wait3A_266 = arith.constant 0 : i32
        %dma_wait3A_267 = tpu.memref_slice %arg4[%dma_wait3A_264, %dma_wait3A_265, %dma_wait3A_266] : memref<2x92x128xi32, #tpu.memory_space<hbm>> -> memref<1x1x128xi32, #tpu.memory_space<hbm>>
        %dma_wait3A_268 = tpu.memref_squeeze %dma_wait3A_267 : memref<1x1x128xi32, #tpu.memory_space<hbm>> -> memref<128xi32, #tpu.memory_space<hbm>>
        %dma_wait3A_269 = arith.constant 0 : i32
        %dma_wait3A_270 = tpu.memref_slice %arg4[%dma_wait3A_264, %dma_wait3A_265, %dma_wait3A_269] : memref<2x92x128xi32, #tpu.memory_space<hbm>> -> memref<1x1x128xi32, #tpu.memory_space<hbm>>
        %dma_wait3A_271 = tpu.memref_squeeze %dma_wait3A_270 : memref<1x1x128xi32, #tpu.memory_space<hbm>> -> memref<128xi32, #tpu.memory_space<hbm>>
        tpu.wait_dma2 semaphore(%arg19 : memref<!tpu.dma_semaphore, #tpu.memory_space<semaphore_mem>>) src(%dma_wait3A_271 : memref<128xi32, #tpu.memory_space<hbm>>) dst(%arg11 : memref<128xi32, #tpu.memory_space<vmem>>)
        %dma_start3A_272 = arith.constant 0 : i32
        %dma_start3A_273 = arith.constant 0 : i32
        %dma_start3A_274 = tpu.memref_slice %arg2[%dma_start3A_272, %dma_start3A_273] : memref<10000x128xf32, #tpu.memory_space<hbm>> -> memref<10000x128xf32, #tpu.memory_space<hbm>>
        tpu.enqueue_indirect_dma source(%dma_start3A_274 : memref<10000x128xf32, #tpu.memory_space<hbm>>) target(%arg8 : memref<128x128xf32, #tpu.memory_space<vmem>>) offsets(%arg11 : memref<128xi32, #tpu.memory_space<vmem>>) semaphore(%arg16 : memref<!tpu.dma_semaphore, #tpu.memory_space<semaphore_mem>>)
      } else {
      }
      %add3A_216 = arith.constant 2 : i32
      %add3A_217 = arith.addi %mul3A_150, %add3A_216 : i32
      %dma_wait3A_218 = arith.constant 0 : i32
      %dma_wait3A_219 = arith.constant 0 : i32
      %dma_wait3A_220 = tpu.memref_slice %arg2[%dma_wait3A_218, %dma_wait3A_219] : memref<10000x128xf32, #tpu.memory_space<hbm>> -> memref<10000x128xf32, #tpu.memory_space<hbm>>
      tpu.wait_indirect_dma semaphore(%arg17 : memref<!tpu.dma_semaphore, #tpu.memory_space<semaphore_mem>>) src(%dma_wait3A_220 : memref<10000x128xf32, #tpu.memory_space<hbm>>) dst(%arg9 : memref<128x128xf32, #tpu.memory_space<vmem>>)
      %add3A_221 = arith.constant 3 : i32
      %add3A_222 = arith.addi %add3A_217, %add3A_221 : i32
      %lt3A_223 = arith.cmpi slt, %add3A_222, %select_n3A : i32
      %convert_element_type3A_224 = arith.extui %lt3A_223 : i1 to i32
      %cond3A_225 = arith.constant 0 : i32
      %cond3A_226 = arith.cmpi ne, %convert_element_type3A_224, %cond3A_225 : i32
      scf.if %cond3A_226 {
        %add3A_249 = arith.addi %select_n3A_8, %add3A_217 : i32
        %add3A_250 = arith.constant 3 : i32
        %add3A_251 = arith.addi %add3A_249, %add3A_250 : i32
        %lt3A_252 = arith.constant 2500 : i32
        %lt3A_253 = arith.cmpi slt, %add3A_251, %lt3A_252 : i32
        %convert_element_type3A_254 = arith.extui %lt3A_253 : i1 to i32
        %cond3A_255 = arith.constant 0 : i32
        %cond3A_256 = arith.cmpi ne, %convert_element_type3A_254, %cond3A_255 : i32
        scf.if %cond3A_256 {
          %mul3A_262 = arith.constant 128 : i32
          %mul3A_263 = arith.muli %add3A_251, %mul3A_262 : i32
          %dma_start3A_264 = arith.constant 0 : i32
          %dma_start3A_265 = tpu.memref_slice %arg3[%dma_start3A_264, %mul3A_263] : memref<2x320000xi32, #tpu.memory_space<hbm>> -> memref<1x128xi32, #tpu.memory_space<hbm>>
          %dma_start3A_266 = tpu.memref_squeeze %dma_start3A_265 : memref<1x128xi32, #tpu.memory_space<hbm>> -> memref<128xi32, #tpu.memory_space<hbm>>
          %dma_start3A_267 = tpu.memref_slice %arg3[%dma_start3A_264, %mul3A_263] : memref<2x320000xi32, #tpu.memory_space<hbm>> -> memref<1x128xi32, #tpu.memory_space<hbm>>
          %dma_start3A_268 = tpu.memref_squeeze %dma_start3A_267 : memref<1x128xi32, #tpu.memory_space<hbm>> -> memref<128xi32, #tpu.memory_space<hbm>>
          tpu.enqueue_dma source(%dma_start3A_268 : memref<128xi32, #tpu.memory_space<hbm>>) target(%arg12 : memref<128xi32, #tpu.memory_space<vmem>>) target_semaphore(%arg20 : memref<!tpu.dma_semaphore, #tpu.memory_space<semaphore_mem>>)
        } else {
        }
        %ge3A_257 = arith.constant 2500 : i32
        %ge3A_258 = arith.cmpi sge, %add3A_251, %ge3A_257 : i32
        %convert_element_type3A_259 = arith.extui %ge3A_258 : i1 to i32
        %cond3A_260 = arith.constant 0 : i32
        %cond3A_261 = arith.cmpi ne, %convert_element_type3A_259, %cond3A_260 : i32
        scf.if %cond3A_261 {
          %sub3A_262 = arith.constant 2500 : i32
          %sub3A_263 = arith.subi %add3A_251, %sub3A_262 : i32
          %dma_start3A_264 = arith.constant 0 : i32
          %dma_start3A_265 = arith.constant 0 : i32
          %dma_start3A_266 = tpu.memref_slice %arg4[%dma_start3A_264, %sub3A_263, %dma_start3A_265] : memref<2x92x128xi32, #tpu.memory_space<hbm>> -> memref<1x1x128xi32, #tpu.memory_space<hbm>>
          %dma_start3A_267 = tpu.memref_squeeze %dma_start3A_266 : memref<1x1x128xi32, #tpu.memory_space<hbm>> -> memref<128xi32, #tpu.memory_space<hbm>>
          %dma_start3A_268 = arith.constant 0 : i32
          %dma_start3A_269 = tpu.memref_slice %arg4[%dma_start3A_264, %sub3A_263, %dma_start3A_268] : memref<2x92x128xi32, #tpu.memory_space<hbm>> -> memref<1x1x128xi32, #tpu.memory_space<hbm>>
          %dma_start3A_270 = tpu.memref_squeeze %dma_start3A_269 : memref<1x1x128xi32, #tpu.memory_space<hbm>> -> memref<128xi32, #tpu.memory_space<hbm>>
          tpu.enqueue_dma source(%dma_start3A_270 : memref<128xi32, #tpu.memory_space<hbm>>) target(%arg12 : memref<128xi32, #tpu.memory_space<vmem>>) target_semaphore(%arg20 : memref<!tpu.dma_semaphore, #tpu.memory_space<semaphore_mem>>)
        } else {
        }
      } else {
      }
      %dma_wait3A_227 = arith.constant 0 : i32
      %dma_wait3A_228 = arith.constant 0 : i32
      %dma_wait3A_229 = arith.constant 2 : i32
      %dma_wait3A_230 = arith.constant 0 : i32
      %dma_wait3A_231 = tpu.memref_slice %arg13[%dma_wait3A_229, %dma_wait3A_230] : memref<3x128xi32, #tpu.memory_space<vmem>> -> memref<1x128xi32, #tpu.memory_space<vmem>>
      %dma_wait3A_232 = tpu.memref_squeeze %dma_wait3A_231 : memref<1x128xi32, #tpu.memory_space<vmem>> -> memref<128xi32, #tpu.memory_space<vmem>>
      %dma_wait3A_233 = arith.constant 0 : i32
      %dma_wait3A_234 = tpu.memref_slice %arg4[%dma_wait3A_227, %dma_wait3A_228, %dma_wait3A_233] : memref<2x92x128xi32, #tpu.memory_space<hbm>> -> memref<1x1x128xi32, #tpu.memory_space<hbm>>
      %dma_wait3A_235 = tpu.memref_squeeze %dma_wait3A_234 : memref<1x1x128xi32, #tpu.memory_space<hbm>> -> memref<128xi32, #tpu.memory_space<hbm>>
      %dma_wait3A_236 = arith.constant 0 : i32
      %dma_wait3A_237 = tpu.memref_slice %arg13[%dma_wait3A_229, %dma_wait3A_236] : memref<3x128xi32, #tpu.memory_space<vmem>> -> memref<1x128xi32, #tpu.memory_space<vmem>>
      %dma_wait3A_238 = tpu.memref_squeeze %dma_wait3A_237 : memref<1x128xi32, #tpu.memory_space<vmem>> -> memref<128xi32, #tpu.memory_space<vmem>>
      %dma_wait3A_239 = arith.constant 0 : i32
      %dma_wait3A_240 = tpu.memref_slice %arg4[%dma_wait3A_227, %dma_wait3A_228, %dma_wait3A_239] : memref<2x92x128xi32, #tpu.memory_space<hbm>> -> memref<1x1x128xi32, #tpu.memory_space<hbm>>
      %dma_wait3A_241 = tpu.memref_squeeze %dma_wait3A_240 : memref<1x1x128xi32, #tpu.memory_space<hbm>> -> memref<128xi32, #tpu.memory_space<hbm>>
      tpu.wait_dma2 semaphore(%arg23 : memref<!tpu.dma_semaphore, #tpu.memory_space<semaphore_mem>>) src(%dma_wait3A_241 : memref<128xi32, #tpu.memory_space<hbm>>) dst(%dma_wait3A_238 : memref<128xi32, #tpu.memory_space<vmem>>)
      %run_scoped3A_242 = arith.constant 2 : i32
      "tpu.region"() ({
        %run_scoped3A_249 = tpu.sem_alloc : memref<!tpu.dma_semaphore, #tpu.memory_space<semaphore_mem>>
        %dma_start3A_250 = arith.constant 0 : i32
        %dma_start3A_251 = tpu.memref_slice %arg13[%run_scoped3A_242, %dma_start3A_250] : memref<3x128xi32, #tpu.memory_space<vmem>> -> memref<1x128xi32, #tpu.memory_space<vmem>>
        %dma_start3A_252 = tpu.memref_squeeze %dma_start3A_251 : memref<1x128xi32, #tpu.memory_space<vmem>> -> memref<128xi32, #tpu.memory_space<vmem>>
        %dma_start3A_253 = arith.constant 0 : i32
        %dma_start3A_254 = arith.constant 0 : i32
        %dma_start3A_255 = tpu.memref_slice %arg14[%dma_start3A_253, %dma_start3A_254] : memref<10112x128xf32, #tpu.memory_space<vmem_shared>> -> memref<10112x128xf32, #tpu.memory_space<vmem_shared>>
        tpu.enqueue_indirect_dma source(%arg9 : memref<128x128xf32, #tpu.memory_space<vmem>>) target(%dma_start3A_255 : memref<10112x128xf32, #tpu.memory_space<vmem_shared>>) offsets(%dma_start3A_252 : memref<128xi32, #tpu.memory_space<vmem>>) semaphore(%run_scoped3A_249 : memref<!tpu.dma_semaphore, #tpu.memory_space<semaphore_mem>>) {add = true}
        %dma_wait3A_256 = arith.constant 0 : i32
        %dma_wait3A_257 = tpu.memref_slice %arg13[%run_scoped3A_242, %dma_wait3A_256] : memref<3x128xi32, #tpu.memory_space<vmem>> -> memref<1x128xi32, #tpu.memory_space<vmem>>
        %dma_wait3A_258 = tpu.memref_squeeze %dma_wait3A_257 : memref<1x128xi32, #tpu.memory_space<vmem>> -> memref<128xi32, #tpu.memory_space<vmem>>
        %dma_wait3A_259 = arith.constant 0 : i32
        %dma_wait3A_260 = arith.constant 0 : i32
        %dma_wait3A_261 = tpu.memref_slice %arg14[%dma_wait3A_259, %dma_wait3A_260] : memref<10112x128xf32, #tpu.memory_space<vmem_shared>> -> memref<10112x128xf32, #tpu.memory_space<vmem_shared>>
        tpu.wait_indirect_dma semaphore(%run_scoped3A_249 : memref<!tpu.dma_semaphore, #tpu.memory_space<semaphore_mem>>) src(%arg9 : memref<128x128xf32, #tpu.memory_space<vmem>>) dst(%dma_wait3A_261 : memref<10112x128xf32, #tpu.memory_space<vmem_shared>>)
        tpu.yield
      }) : () -> ()
      %add3A_243 = arith.constant 3 : i32
      %add3A_244 = arith.addi %add3A_217, %add3A_243 : i32
      %lt3A_245 = arith.cmpi slt, %add3A_244, %select_n3A : i32
      %convert_element_type3A_246 = arith.extui %lt3A_245 : i1 to i32
      %cond3A_247 = arith.constant 0 : i32
      %cond3A_248 = arith.cmpi ne, %convert_element_type3A_246, %cond3A_247 : i32
      scf.if %cond3A_248 {
        %add3A_249 = arith.addi %select_n3A_8, %add3A_217 : i32
        %add3A_250 = arith.constant 3 : i32
        %add3A_251 = arith.addi %add3A_249, %add3A_250 : i32
        %lt3A_252 = arith.constant 2500 : i32
        %lt3A_253 = arith.cmpi slt, %add3A_251, %lt3A_252 : i32
        %convert_element_type3A_254 = arith.extui %lt3A_253 : i1 to i32
        %cond3A_255 = arith.constant 2 : i32
        %cond3A_256 = arith.constant 0 : i32
        %cond3A_257 = arith.cmpi ne, %convert_element_type3A_254, %cond3A_256 : i32
        scf.if %cond3A_257 {
          %mul3A_275 = arith.constant 128 : i32
          %mul3A_276 = arith.muli %add3A_251, %mul3A_275 : i32
          %dma_start3A_277 = arith.constant 1 : i32
          %dma_start3A_278 = arith.constant 0 : i32
          %dma_start3A_279 = tpu.memref_slice %arg13[%cond3A_255, %dma_start3A_278] : memref<3x128xi32, #tpu.memory_space<vmem>> -> memref<1x128xi32, #tpu.memory_space<vmem>>
          %dma_start3A_280 = tpu.memref_squeeze %dma_start3A_279 : memref<1x128xi32, #tpu.memory_space<vmem>> -> memref<128xi32, #tpu.memory_space<vmem>>
          %dma_start3A_281 = tpu.memref_slice %arg3[%dma_start3A_277, %mul3A_276] : memref<2x320000xi32, #tpu.memory_space<hbm>> -> memref<1x128xi32, #tpu.memory_space<hbm>>
          %dma_start3A_282 = tpu.memref_squeeze %dma_start3A_281 : memref<1x128xi32, #tpu.memory_space<hbm>> -> memref<128xi32, #tpu.memory_space<hbm>>
          %dma_start3A_283 = arith.constant 0 : i32
          %dma_start3A_284 = tpu.memref_slice %arg13[%cond3A_255, %dma_start3A_283] : memref<3x128xi32, #tpu.memory_space<vmem>> -> memref<1x128xi32, #tpu.memory_space<vmem>>
          %dma_start3A_285 = tpu.memref_squeeze %dma_start3A_284 : memref<1x128xi32, #tpu.memory_space<vmem>> -> memref<128xi32, #tpu.memory_space<vmem>>
          %dma_start3A_286 = tpu.memref_slice %arg3[%dma_start3A_277, %mul3A_276] : memref<2x320000xi32, #tpu.memory_space<hbm>> -> memref<1x128xi32, #tpu.memory_space<hbm>>
          %dma_start3A_287 = tpu.memref_squeeze %dma_start3A_286 : memref<1x128xi32, #tpu.memory_space<hbm>> -> memref<128xi32, #tpu.memory_space<hbm>>
          tpu.enqueue_dma source(%dma_start3A_287 : memref<128xi32, #tpu.memory_space<hbm>>) target(%dma_start3A_285 : memref<128xi32, #tpu.memory_space<vmem>>) target_semaphore(%arg23 : memref<!tpu.dma_semaphore, #tpu.memory_space<semaphore_mem>>)
        } else {
        }
        %ge3A_258 = arith.constant 2500 : i32
        %ge3A_259 = arith.cmpi sge, %add3A_251, %ge3A_258 : i32
        %convert_element_type3A_260 = arith.extui %ge3A_259 : i1 to i32
        %cond3A_261 = arith.constant 2 : i32
        %cond3A_262 = arith.constant 0 : i32
        %cond3A_263 = arith.cmpi ne, %convert_element_type3A_260, %cond3A_262 : i32
        scf.if %cond3A_263 {
          %sub3A_275 = arith.constant 2500 : i32
          %sub3A_276 = arith.subi %add3A_251, %sub3A_275 : i32
          %dma_start3A_277 = arith.constant 1 : i32
          %dma_start3A_278 = arith.constant 0 : i32
          %dma_start3A_279 = tpu.memref_slice %arg13[%cond3A_261, %dma_start3A_278] : memref<3x128xi32, #tpu.memory_space<vmem>> -> memref<1x128xi32, #tpu.memory_space<vmem>>
          %dma_start3A_280 = tpu.memref_squeeze %dma_start3A_279 : memref<1x128xi32, #tpu.memory_space<vmem>> -> memref<128xi32, #tpu.memory_space<vmem>>
          %dma_start3A_281 = arith.constant 0 : i32
          %dma_start3A_282 = tpu.memref_slice %arg4[%dma_start3A_277, %sub3A_276, %dma_start3A_281] : memref<2x92x128xi32, #tpu.memory_space<hbm>> -> memref<1x1x128xi32, #tpu.memory_space<hbm>>
          %dma_start3A_283 = tpu.memref_squeeze %dma_start3A_282 : memref<1x1x128xi32, #tpu.memory_space<hbm>> -> memref<128xi32, #tpu.memory_space<hbm>>
          %dma_start3A_284 = arith.constant 0 : i32
          %dma_start3A_285 = tpu.memref_slice %arg13[%cond3A_261, %dma_start3A_284] : memref<3x128xi32, #tpu.memory_space<vmem>> -> memref<1x128xi32, #tpu.memory_space<vmem>>
          %dma_start3A_286 = tpu.memref_squeeze %dma_start3A_285 : memref<1x128xi32, #tpu.memory_space<vmem>> -> memref<128xi32, #tpu.memory_space<vmem>>
          %dma_start3A_287 = arith.constant 0 : i32
          %dma_start3A_288 = tpu.memref_slice %arg4[%dma_start3A_277, %sub3A_276, %dma_start3A_287] : memref<2x92x128xi32, #tpu.memory_space<hbm>> -> memref<1x1x128xi32, #tpu.memory_space<hbm>>
          %dma_start3A_289 = tpu.memref_squeeze %dma_start3A_288 : memref<1x1x128xi32, #tpu.memory_space<hbm>> -> memref<128xi32, #tpu.memory_space<hbm>>
          tpu.enqueue_dma source(%dma_start3A_289 : memref<128xi32, #tpu.memory_space<hbm>>) target(%dma_start3A_286 : memref<128xi32, #tpu.memory_space<vmem>>) target_semaphore(%arg23 : memref<!tpu.dma_semaphore, #tpu.memory_space<semaphore_mem>>)
        } else {
        }
        %dma_wait3A_264 = arith.constant 0 : i32
        %dma_wait3A_265 = arith.constant 0 : i32
        %dma_wait3A_266 = arith.constant 0 : i32
        %dma_wait3A_267 = tpu.memref_slice %arg4[%dma_wait3A_264, %dma_wait3A_265, %dma_wait3A_266] : memref<2x92x128xi32, #tpu.memory_space<hbm>> -> memref<1x1x128xi32, #tpu.memory_space<hbm>>
        %dma_wait3A_268 = tpu.memref_squeeze %dma_wait3A_267 : memref<1x1x128xi32, #tpu.memory_space<hbm>> -> memref<128xi32, #tpu.memory_space<hbm>>
        %dma_wait3A_269 = arith.constant 0 : i32
        %dma_wait3A_270 = tpu.memref_slice %arg4[%dma_wait3A_264, %dma_wait3A_265, %dma_wait3A_269] : memref<2x92x128xi32, #tpu.memory_space<hbm>> -> memref<1x1x128xi32, #tpu.memory_space<hbm>>
        %dma_wait3A_271 = tpu.memref_squeeze %dma_wait3A_270 : memref<1x1x128xi32, #tpu.memory_space<hbm>> -> memref<128xi32, #tpu.memory_space<hbm>>
        tpu.wait_dma2 semaphore(%arg20 : memref<!tpu.dma_semaphore, #tpu.memory_space<semaphore_mem>>) src(%dma_wait3A_271 : memref<128xi32, #tpu.memory_space<hbm>>) dst(%arg12 : memref<128xi32, #tpu.memory_space<vmem>>)
        %dma_start3A_272 = arith.constant 0 : i32
        %dma_start3A_273 = arith.constant 0 : i32
        %dma_start3A_274 = tpu.memref_slice %arg2[%dma_start3A_272, %dma_start3A_273] : memref<10000x128xf32, #tpu.memory_space<hbm>> -> memref<10000x128xf32, #tpu.memory_space<hbm>>
        tpu.enqueue_indirect_dma source(%dma_start3A_274 : memref<10000x128xf32, #tpu.memory_space<hbm>>) target(%arg9 : memref<128x128xf32, #tpu.memory_space<vmem>>) offsets(%arg12 : memref<128xi32, #tpu.memory_space<vmem>>) semaphore(%arg17 : memref<!tpu.dma_semaphore, #tpu.memory_space<semaphore_mem>>)
      } else {
      }
    }
    %barrier3A_143 = arith.constant 0 : index
    tpu.barrier barrier_id(%barrier3A_143)
    %mul3A_144 = arith.constant 632 : i32
    %mul3A_145 = arith.muli %arg1, %mul3A_144 : i32
    %mul3A_146 = arith.constant 632 : i32
    %mul3A_147 = arith.muli %arg1, %mul3A_146 : i32
    "tpu.region"() ({
      %run_scoped3A = tpu.sem_alloc : memref<!tpu.dma_semaphore, #tpu.memory_space<semaphore_mem>>
      %dma_start3A_148 = arith.constant 0 : i32
      %dma_start3A_149 = tpu.memref_slice %arg6[%arg0, %mul3A_147, %dma_start3A_148] : memref<2x10112x128xf32, #tpu.memory_space<hbm>> -> memref<1x632x128xf32, #tpu.memory_space<hbm>>
      %dma_start3A_150 = tpu.memref_squeeze %dma_start3A_149 : memref<1x632x128xf32, #tpu.memory_space<hbm>> -> memref<632x128xf32, #tpu.memory_space<hbm>>
      %dma_start3A_151 = arith.constant 0 : i32
      %dma_start3A_152 = tpu.memref_slice %arg14[%mul3A_145, %dma_start3A_151] : memref<10112x128xf32, #tpu.memory_space<vmem_shared>> -> memref<632x128xf32, #tpu.memory_space<vmem_shared>>
      tpu.enqueue_dma source(%dma_start3A_152 : memref<632x128xf32, #tpu.memory_space<vmem_shared>>) target(%dma_start3A_150 : memref<632x128xf32, #tpu.memory_space<hbm>>) target_semaphore(%run_scoped3A : memref<!tpu.dma_semaphore, #tpu.memory_space<semaphore_mem>>)
      %dma_wait3A_153 = arith.constant 0 : i32
      %dma_wait3A_154 = tpu.memref_slice %arg6[%arg0, %mul3A_147, %dma_wait3A_153] : memref<2x10112x128xf32, #tpu.memory_space<hbm>> -> memref<1x632x128xf32, #tpu.memory_space<hbm>>
      %dma_wait3A_155 = tpu.memref_squeeze %dma_wait3A_154 : memref<1x632x128xf32, #tpu.memory_space<hbm>> -> memref<632x128xf32, #tpu.memory_space<hbm>>
      %dma_wait3A_156 = arith.constant 0 : i32
      %dma_wait3A_157 = tpu.memref_slice %arg14[%mul3A_145, %dma_wait3A_156] : memref<10112x128xf32, #tpu.memory_space<vmem_shared>> -> memref<632x128xf32, #tpu.memory_space<vmem_shared>>
      tpu.wait_dma2 semaphore(%run_scoped3A : memref<!tpu.dma_semaphore, #tpu.memory_space<semaphore_mem>>) src(%dma_wait3A_157 : memref<632x128xf32, #tpu.memory_space<vmem_shared>>) dst(%dma_wait3A_155 : memref<632x128xf32, #tpu.memory_space<hbm>>)
      tpu.yield
    }) : () -> ()
    return
  }
}

#map = affine_map<(d0, d1) -> (0, 0)>
#map1 = affine_map<(d0, d1) -> (0, 0, 0)>
module attributes {stable_mosaic.version = 14 : i64} {
  func.func @_sc_aggregate_body(%arg0: i32, %arg1: i32, %arg2: memref<10000x128xf32, #tpu.memory_space<hbm>>, %arg3: memref<2x320000xi32, #tpu.memory_space<hbm>>, %arg4: memref<2x92x128xi32, #tpu.memory_space<hbm>>, %arg5: memref<632x128xf32, #tpu.memory_space<hbm>>, %arg6: memref<2x10112x128xf32, #tpu.memory_space<hbm>>, %arg7: memref<128x128xf32, #tpu.memory_space<vmem>>, %arg8: memref<128x128xf32, #tpu.memory_space<vmem>>, %arg9: memref<128x128xf32, #tpu.memory_space<vmem>>, %arg10: memref<128xi32, #tpu.memory_space<vmem>>, %arg11: memref<128xi32, #tpu.memory_space<vmem>>, %arg12: memref<128xi32, #tpu.memory_space<vmem>>, %arg13: memref<3x128xi32, #tpu.memory_space<vmem>>, %arg14: memref<10112x128xf32, #tpu.memory_space<vmem_shared>>, %arg15: memref<!tpu.dma_semaphore, #tpu.memory_space<semaphore_mem>>, %arg16: memref<!tpu.dma_semaphore, #tpu.memory_space<semaphore_mem>>, %arg17: memref<!tpu.dma_semaphore, #tpu.memory_space<semaphore_mem>>, %arg18: memref<!tpu.dma_semaphore, #tpu.memory_space<semaphore_mem>>, %arg19: memref<!tpu.dma_semaphore, #tpu.memory_space<semaphore_mem>>, %arg20: memref<!tpu.dma_semaphore, #tpu.memory_space<semaphore_mem>>, %arg21: memref<!tpu.dma_semaphore, #tpu.memory_space<semaphore_mem>>, %arg22: memref<!tpu.dma_semaphore, #tpu.memory_space<semaphore_mem>>, %arg23: memref<!tpu.dma_semaphore, #tpu.memory_space<semaphore_mem>>) attributes {dimension_semantics = [#tpu.dimension_semantics<core_parallel>, #tpu.dimension_semantics<subcore_parallel>], iteration_bounds = array<i64: 2, 16>, scalar_prefetch = 0 : i64, scratch_operands = 17 : i64, tpu.core_type = #tpu.core_type<sc_vector_subcore>, window_params = [{transform_indices = #map}, {transform_indices = #map}, {transform_indices = #map1}, {transform_indices = #map}, {transform_indices = #map1}]} {
    %eq3A = arith.constant 0 : i32
    %eq3A_0 = arith.cmpi eq, %arg0, %eq3A : i32
    %jit3A = arith.constant 78 : i32
    %jit3A_1 = arith.constant 84 : i32
    %select_n3A = arith.select %eq3A_0, %jit3A, %jit3A_1 : i32
    %eq3A_2 = arith.constant 0 : i32
    %eq3A_3 = arith.cmpi eq, %arg0, %eq3A_2 : i32
    %mul3A = arith.constant 78 : i32
    %mul3A_4 = arith.muli %arg1, %mul3A : i32
    %mul3A_5 = arith.constant 84 : i32
    %mul3A_6 = arith.muli %arg1, %mul3A_5 : i32
    %add3A = arith.constant 1248 : i32
    %add3A_7 = arith.addi %add3A, %mul3A_6 : i32
    %select_n3A_8 = arith.select %eq3A_3, %mul3A_4, %add3A_7 : i32
    %add3A_9 = arith.constant 0 : i32
    %add3A_10 = arith.addi %select_n3A_8, %add3A_9 : i32
    %lt3A = arith.constant 2500 : i32
    %lt3A_11 = arith.cmpi slt, %add3A_10, %lt3A : i32
    %convert_element_type3A = arith.extui %lt3A_11 : i1 to i32
    %cond3A = arith.constant 0 : i32
    %cond3A_12 = arith.constant 0 : i32
    %cond3A_13 = arith.cmpi ne, %convert_element_type3A, %cond3A_12 : i32
    scf.if %cond3A_13 {
      %mul3A_148 = arith.constant 128 : i32
      %mul3A_149 = arith.muli %add3A_10, %mul3A_148 : i32
      %dma_start3A_150 = arith.constant 1 : i32
      %dma_start3A_151 = arith.constant 0 : i32
      %dma_start3A_152 = tpu.memref_slice %arg13[%cond3A, %dma_start3A_151] : memref<3x128xi32, #tpu.memory_space<vmem>> -> memref<1x128xi32, #tpu.memory_space<vmem>>
      %dma_start3A_153 = tpu.memref_squeeze %dma_start3A_152 : memref<1x128xi32, #tpu.memory_space<vmem>> -> memref<128xi32, #tpu.memory_space<vmem>>
      %dma_start3A_154 = tpu.memref_slice %arg3[%dma_start3A_150, %mul3A_149] : memref<2x320000xi32, #tpu.memory_space<hbm>> -> memref<1x128xi32, #tpu.memory_space<hbm>>
      %dma_start3A_155 = tpu.memref_squeeze %dma_start3A_154 : memref<1x128xi32, #tpu.memory_space<hbm>> -> memref<128xi32, #tpu.memory_space<hbm>>
      %dma_start3A_156 = arith.constant 0 : i32
      %dma_start3A_157 = tpu.memref_slice %arg13[%cond3A, %dma_start3A_156] : memref<3x128xi32, #tpu.memory_space<vmem>> -> memref<1x128xi32, #tpu.memory_space<vmem>>
      %dma_start3A_158 = tpu.memref_squeeze %dma_start3A_157 : memref<1x128xi32, #tpu.memory_space<vmem>> -> memref<128xi32, #tpu.memory_space<vmem>>
      %dma_start3A_159 = tpu.memref_slice %arg3[%dma_start3A_150, %mul3A_149] : memref<2x320000xi32, #tpu.memory_space<hbm>> -> memref<1x128xi32, #tpu.memory_space<hbm>>
      %dma_start3A_160 = tpu.memref_squeeze %dma_start3A_159 : memref<1x128xi32, #tpu.memory_space<hbm>> -> memref<128xi32, #tpu.memory_space<hbm>>
      tpu.enqueue_dma source(%dma_start3A_160 : memref<128xi32, #tpu.memory_space<hbm>>) target(%dma_start3A_158 : memref<128xi32, #tpu.memory_space<vmem>>) target_semaphore(%arg21 : memref<!tpu.dma_semaphore, #tpu.memory_space<semaphore_mem>>)
    } else {
    }
    %ge3A = arith.constant 2500 : i32
    %ge3A_14 = arith.cmpi sge, %add3A_10, %ge3A : i32
    %convert_element_type3A_15 = arith.extui %ge3A_14 : i1 to i32
    %cond3A_16 = arith.constant 0 : i32
    %cond3A_17 = arith.constant 0 : i32
    %cond3A_18 = arith.cmpi ne, %convert_element_type3A_15, %cond3A_17 : i32
    scf.if %cond3A_18 {
      %sub3A_148 = arith.constant 2500 : i32
      %sub3A_149 = arith.subi %add3A_10, %sub3A_148 : i32
      %dma_start3A_150 = arith.constant 1 : i32
      %dma_start3A_151 = arith.constant 0 : i32
      %dma_start3A_152 = tpu.memref_slice %arg13[%cond3A_16, %dma_start3A_151] : memref<3x128xi32, #tpu.memory_space<vmem>> -> memref<1x128xi32, #tpu.memory_space<vmem>>
      %dma_start3A_153 = tpu.memref_squeeze %dma_start3A_152 : memref<1x128xi32, #tpu.memory_space<vmem>> -> memref<128xi32, #tpu.memory_space<vmem>>
      %dma_start3A_154 = arith.constant 0 : i32
      %dma_start3A_155 = tpu.memref_slice %arg4[%dma_start3A_150, %sub3A_149, %dma_start3A_154] : memref<2x92x128xi32, #tpu.memory_space<hbm>> -> memref<1x1x128xi32, #tpu.memory_space<hbm>>
      %dma_start3A_156 = tpu.memref_squeeze %dma_start3A_155 : memref<1x1x128xi32, #tpu.memory_space<hbm>> -> memref<128xi32, #tpu.memory_space<hbm>>
      %dma_start3A_157 = arith.constant 0 : i32
      %dma_start3A_158 = tpu.memref_slice %arg13[%cond3A_16, %dma_start3A_157] : memref<3x128xi32, #tpu.memory_space<vmem>> -> memref<1x128xi32, #tpu.memory_space<vmem>>
      %dma_start3A_159 = tpu.memref_squeeze %dma_start3A_158 : memref<1x128xi32, #tpu.memory_space<vmem>> -> memref<128xi32, #tpu.memory_space<vmem>>
      %dma_start3A_160 = arith.constant 0 : i32
      %dma_start3A_161 = tpu.memref_slice %arg4[%dma_start3A_150, %sub3A_149, %dma_start3A_160] : memref<2x92x128xi32, #tpu.memory_space<hbm>> -> memref<1x1x128xi32, #tpu.memory_space<hbm>>
      %dma_start3A_162 = tpu.memref_squeeze %dma_start3A_161 : memref<1x1x128xi32, #tpu.memory_space<hbm>> -> memref<128xi32, #tpu.memory_space<hbm>>
      tpu.enqueue_dma source(%dma_start3A_162 : memref<128xi32, #tpu.memory_space<hbm>>) target(%dma_start3A_159 : memref<128xi32, #tpu.memory_space<vmem>>) target_semaphore(%arg21 : memref<!tpu.dma_semaphore, #tpu.memory_space<semaphore_mem>>)
    } else {
    }
    %add3A_19 = arith.constant 0 : i32
    %add3A_20 = arith.addi %select_n3A_8, %add3A_19 : i32
    %lt3A_21 = arith.constant 2500 : i32
    %lt3A_22 = arith.cmpi slt, %add3A_20, %lt3A_21 : i32
    %convert_element_type3A_23 = arith.extui %lt3A_22 : i1 to i32
    %cond3A_24 = arith.constant 0 : i32
    %cond3A_25 = arith.cmpi ne, %convert_element_type3A_23, %cond3A_24 : i32
    scf.if %cond3A_25 {
      %mul3A_148 = arith.constant 128 : i32
      %mul3A_149 = arith.muli %add3A_20, %mul3A_148 : i32
      %dma_start3A_150 = arith.constant 0 : i32
      %dma_start3A_151 = tpu.memref_slice %arg3[%dma_start3A_150, %mul3A_149] : memref<2x320000xi32, #tpu.memory_space<hbm>> -> memref<1x128xi32, #tpu.memory_space<hbm>>
      %dma_start3A_152 = tpu.memref_squeeze %dma_start3A_151 : memref<1x128xi32, #tpu.memory_space<hbm>> -> memref<128xi32, #tpu.memory_space<hbm>>
      %dma_start3A_153 = tpu.memref_slice %arg3[%dma_start3A_150, %mul3A_149] : memref<2x320000xi32, #tpu.memory_space<hbm>> -> memref<1x128xi32, #tpu.memory_space<hbm>>
      %dma_start3A_154 = tpu.memref_squeeze %dma_start3A_153 : memref<1x128xi32, #tpu.memory_space<hbm>> -> memref<128xi32, #tpu.memory_space<hbm>>
      tpu.enqueue_dma source(%dma_start3A_154 : memref<128xi32, #tpu.memory_space<hbm>>) target(%arg10 : memref<128xi32, #tpu.memory_space<vmem>>) target_semaphore(%arg18 : memref<!tpu.dma_semaphore, #tpu.memory_space<semaphore_mem>>)
    } else {
    }
    %ge3A_26 = arith.constant 2500 : i32
    %ge3A_27 = arith.cmpi sge, %add3A_20, %ge3A_26 : i32
    %convert_element_type3A_28 = arith.extui %ge3A_27 : i1 to i32
    %cond3A_29 = arith.constant 0 : i32
    %cond3A_30 = arith.cmpi ne, %convert_element_type3A_28, %cond3A_29 : i32
    scf.if %cond3A_30 {
      %sub3A_148 = arith.constant 2500 : i32
      %sub3A_149 = arith.subi %add3A_20, %sub3A_148 : i32
      %dma_start3A_150 = arith.constant 0 : i32
      %dma_start3A_151 = arith.constant 0 : i32
      %dma_start3A_152 = tpu.memref_slice %arg4[%dma_start3A_150, %sub3A_149, %dma_start3A_151] : memref<2x92x128xi32, #tpu.memory_space<hbm>> -> memref<1x1x128xi32, #tpu.memory_space<hbm>>
      %dma_start3A_153 = tpu.memref_squeeze %dma_start3A_152 : memref<1x1x128xi32, #tpu.memory_space<hbm>> -> memref<128xi32, #tpu.memory_space<hbm>>
      %dma_start3A_154 = arith.constant 0 : i32
      %dma_start3A_155 = tpu.memref_slice %arg4[%dma_start3A_150, %sub3A_149, %dma_start3A_154] : memref<2x92x128xi32, #tpu.memory_space<hbm>> -> memref<1x1x128xi32, #tpu.memory_space<hbm>>
      %dma_start3A_156 = tpu.memref_squeeze %dma_start3A_155 : memref<1x1x128xi32, #tpu.memory_space<hbm>> -> memref<128xi32, #tpu.memory_space<hbm>>
      tpu.enqueue_dma source(%dma_start3A_156 : memref<128xi32, #tpu.memory_space<hbm>>) target(%arg10 : memref<128xi32, #tpu.memory_space<vmem>>) target_semaphore(%arg18 : memref<!tpu.dma_semaphore, #tpu.memory_space<semaphore_mem>>)
    } else {
    }
    %add3A_31 = arith.constant 1 : i32
    %add3A_32 = arith.addi %select_n3A_8, %add3A_31 : i32
    %lt3A_33 = arith.constant 2500 : i32
    %lt3A_34 = arith.cmpi slt, %add3A_32, %lt3A_33 : i32
    %convert_element_type3A_35 = arith.extui %lt3A_34 : i1 to i32
    %cond3A_36 = arith.constant 1 : i32
    %cond3A_37 = arith.constant 0 : i32
    %cond3A_38 = arith.cmpi ne, %convert_element_type3A_35, %cond3A_37 : i32
    scf.if %cond3A_38 {
      %mul3A_148 = arith.constant 128 : i32
      %mul3A_149 = arith.muli %add3A_32, %mul3A_148 : i32
      %dma_start3A_150 = arith.constant 1 : i32
      %dma_start3A_151 = arith.constant 0 : i32
      %dma_start3A_152 = tpu.memref_slice %arg13[%cond3A_36, %dma_start3A_151] : memref<3x128xi32, #tpu.memory_space<vmem>> -> memref<1x128xi32, #tpu.memory_space<vmem>>
      %dma_start3A_153 = tpu.memref_squeeze %dma_start3A_152 : memref<1x128xi32, #tpu.memory_space<vmem>> -> memref<128xi32, #tpu.memory_space<vmem>>
      %dma_start3A_154 = tpu.memref_slice %arg3[%dma_start3A_150, %mul3A_149] : memref<2x320000xi32, #tpu.memory_space<hbm>> -> memref<1x128xi32, #tpu.memory_space<hbm>>
      %dma_start3A_155 = tpu.memref_squeeze %dma_start3A_154 : memref<1x128xi32, #tpu.memory_space<hbm>> -> memref<128xi32, #tpu.memory_space<hbm>>
      %dma_start3A_156 = arith.constant 0 : i32
      %dma_start3A_157 = tpu.memref_slice %arg13[%cond3A_36, %dma_start3A_156] : memref<3x128xi32, #tpu.memory_space<vmem>> -> memref<1x128xi32, #tpu.memory_space<vmem>>
      %dma_start3A_158 = tpu.memref_squeeze %dma_start3A_157 : memref<1x128xi32, #tpu.memory_space<vmem>> -> memref<128xi32, #tpu.memory_space<vmem>>
      %dma_start3A_159 = tpu.memref_slice %arg3[%dma_start3A_150, %mul3A_149] : memref<2x320000xi32, #tpu.memory_space<hbm>> -> memref<1x128xi32, #tpu.memory_space<hbm>>
      %dma_start3A_160 = tpu.memref_squeeze %dma_start3A_159 : memref<1x128xi32, #tpu.memory_space<hbm>> -> memref<128xi32, #tpu.memory_space<hbm>>
      tpu.enqueue_dma source(%dma_start3A_160 : memref<128xi32, #tpu.memory_space<hbm>>) target(%dma_start3A_158 : memref<128xi32, #tpu.memory_space<vmem>>) target_semaphore(%arg22 : memref<!tpu.dma_semaphore, #tpu.memory_space<semaphore_mem>>)
    } else {
    }
    %ge3A_39 = arith.constant 2500 : i32
    %ge3A_40 = arith.cmpi sge, %add3A_32, %ge3A_39 : i32
    %convert_element_type3A_41 = arith.extui %ge3A_40 : i1 to i32
    %cond3A_42 = arith.constant 1 : i32
    %cond3A_43 = arith.constant 0 : i32
    %cond3A_44 = arith.cmpi ne, %convert_element_type3A_41, %cond3A_43 : i32
    scf.if %cond3A_44 {
      %sub3A_148 = arith.constant 2500 : i32
      %sub3A_149 = arith.subi %add3A_32, %sub3A_148 : i32
      %dma_start3A_150 = arith.constant 1 : i32
      %dma_start3A_151 = arith.constant 0 : i32
      %dma_start3A_152 = tpu.memref_slice %arg13[%cond3A_42, %dma_start3A_151] : memref<3x128xi32, #tpu.memory_space<vmem>> -> memref<1x128xi32, #tpu.memory_space<vmem>>
      %dma_start3A_153 = tpu.memref_squeeze %dma_start3A_152 : memref<1x128xi32, #tpu.memory_space<vmem>> -> memref<128xi32, #tpu.memory_space<vmem>>
      %dma_start3A_154 = arith.constant 0 : i32
      %dma_start3A_155 = tpu.memref_slice %arg4[%dma_start3A_150, %sub3A_149, %dma_start3A_154] : memref<2x92x128xi32, #tpu.memory_space<hbm>> -> memref<1x1x128xi32, #tpu.memory_space<hbm>>
      %dma_start3A_156 = tpu.memref_squeeze %dma_start3A_155 : memref<1x1x128xi32, #tpu.memory_space<hbm>> -> memref<128xi32, #tpu.memory_space<hbm>>
      %dma_start3A_157 = arith.constant 0 : i32
      %dma_start3A_158 = tpu.memref_slice %arg13[%cond3A_42, %dma_start3A_157] : memref<3x128xi32, #tpu.memory_space<vmem>> -> memref<1x128xi32, #tpu.memory_space<vmem>>
      %dma_start3A_159 = tpu.memref_squeeze %dma_start3A_158 : memref<1x128xi32, #tpu.memory_space<vmem>> -> memref<128xi32, #tpu.memory_space<vmem>>
      %dma_start3A_160 = arith.constant 0 : i32
      %dma_start3A_161 = tpu.memref_slice %arg4[%dma_start3A_150, %sub3A_149, %dma_start3A_160] : memref<2x92x128xi32, #tpu.memory_space<hbm>> -> memref<1x1x128xi32, #tpu.memory_space<hbm>>
      %dma_start3A_162 = tpu.memref_squeeze %dma_start3A_161 : memref<1x1x128xi32, #tpu.memory_space<hbm>> -> memref<128xi32, #tpu.memory_space<hbm>>
      tpu.enqueue_dma source(%dma_start3A_162 : memref<128xi32, #tpu.memory_space<hbm>>) target(%dma_start3A_159 : memref<128xi32, #tpu.memory_space<vmem>>) target_semaphore(%arg22 : memref<!tpu.dma_semaphore, #tpu.memory_space<semaphore_mem>>)
    } else {
    }
    %add3A_45 = arith.constant 1 : i32
    %add3A_46 = arith.addi %select_n3A_8, %add3A_45 : i32
    %lt3A_47 = arith.constant 2500 : i32
    %lt3A_48 = arith.cmpi slt, %add3A_46, %lt3A_47 : i32
    %convert_element_type3A_49 = arith.extui %lt3A_48 : i1 to i32
    %cond3A_50 = arith.constant 0 : i32
    %cond3A_51 = arith.cmpi ne, %convert_element_type3A_49, %cond3A_50 : i32
    scf.if %cond3A_51 {
      %mul3A_148 = arith.constant 128 : i32
      %mul3A_149 = arith.muli %add3A_46, %mul3A_148 : i32
      %dma_start3A_150 = arith.constant 0 : i32
      %dma_start3A_151 = tpu.memref_slice %arg3[%dma_start3A_150, %mul3A_149] : memref<2x320000xi32, #tpu.memory_space<hbm>> -> memref<1x128xi32, #tpu.memory_space<hbm>>
      %dma_start3A_152 = tpu.memref_squeeze %dma_start3A_151 : memref<1x128xi32, #tpu.memory_space<hbm>> -> memref<128xi32, #tpu.memory_space<hbm>>
      %dma_start3A_153 = tpu.memref_slice %arg3[%dma_start3A_150, %mul3A_149] : memref<2x320000xi32, #tpu.memory_space<hbm>> -> memref<1x128xi32, #tpu.memory_space<hbm>>
      %dma_start3A_154 = tpu.memref_squeeze %dma_start3A_153 : memref<1x128xi32, #tpu.memory_space<hbm>> -> memref<128xi32, #tpu.memory_space<hbm>>
      tpu.enqueue_dma source(%dma_start3A_154 : memref<128xi32, #tpu.memory_space<hbm>>) target(%arg11 : memref<128xi32, #tpu.memory_space<vmem>>) target_semaphore(%arg19 : memref<!tpu.dma_semaphore, #tpu.memory_space<semaphore_mem>>)
    } else {
    }
    %ge3A_52 = arith.constant 2500 : i32
    %ge3A_53 = arith.cmpi sge, %add3A_46, %ge3A_52 : i32
    %convert_element_type3A_54 = arith.extui %ge3A_53 : i1 to i32
    %cond3A_55 = arith.constant 0 : i32
    %cond3A_56 = arith.cmpi ne, %convert_element_type3A_54, %cond3A_55 : i32
    scf.if %cond3A_56 {
      %sub3A_148 = arith.constant 2500 : i32
      %sub3A_149 = arith.subi %add3A_46, %sub3A_148 : i32
      %dma_start3A_150 = arith.constant 0 : i32
      %dma_start3A_151 = arith.constant 0 : i32
      %dma_start3A_152 = tpu.memref_slice %arg4[%dma_start3A_150, %sub3A_149, %dma_start3A_151] : memref<2x92x128xi32, #tpu.memory_space<hbm>> -> memref<1x1x128xi32, #tpu.memory_space<hbm>>
      %dma_start3A_153 = tpu.memref_squeeze %dma_start3A_152 : memref<1x1x128xi32, #tpu.memory_space<hbm>> -> memref<128xi32, #tpu.memory_space<hbm>>
      %dma_start3A_154 = arith.constant 0 : i32
      %dma_start3A_155 = tpu.memref_slice %arg4[%dma_start3A_150, %sub3A_149, %dma_start3A_154] : memref<2x92x128xi32, #tpu.memory_space<hbm>> -> memref<1x1x128xi32, #tpu.memory_space<hbm>>
      %dma_start3A_156 = tpu.memref_squeeze %dma_start3A_155 : memref<1x1x128xi32, #tpu.memory_space<hbm>> -> memref<128xi32, #tpu.memory_space<hbm>>
      tpu.enqueue_dma source(%dma_start3A_156 : memref<128xi32, #tpu.memory_space<hbm>>) target(%arg11 : memref<128xi32, #tpu.memory_space<vmem>>) target_semaphore(%arg19 : memref<!tpu.dma_semaphore, #tpu.memory_space<semaphore_mem>>)
    } else {
    }
    %add3A_57 = arith.constant 2 : i32
    %add3A_58 = arith.addi %select_n3A_8, %add3A_57 : i32
    %lt3A_59 = arith.constant 2500 : i32
    %lt3A_60 = arith.cmpi slt, %add3A_58, %lt3A_59 : i32
    %convert_element_type3A_61 = arith.extui %lt3A_60 : i1 to i32
    %cond3A_62 = arith.constant 2 : i32
    %cond3A_63 = arith.constant 0 : i32
    %cond3A_64 = arith.cmpi ne, %convert_element_type3A_61, %cond3A_63 : i32
    scf.if %cond3A_64 {
      %mul3A_148 = arith.constant 128 : i32
      %mul3A_149 = arith.muli %add3A_58, %mul3A_148 : i32
      %dma_start3A_150 = arith.constant 1 : i32
      %dma_start3A_151 = arith.constant 0 : i32
      %dma_start3A_152 = tpu.memref_slice %arg13[%cond3A_62, %dma_start3A_151] : memref<3x128xi32, #tpu.memory_space<vmem>> -> memref<1x128xi32, #tpu.memory_space<vmem>>
      %dma_start3A_153 = tpu.memref_squeeze %dma_start3A_152 : memref<1x128xi32, #tpu.memory_space<vmem>> -> memref<128xi32, #tpu.memory_space<vmem>>
      %dma_start3A_154 = tpu.memref_slice %arg3[%dma_start3A_150, %mul3A_149] : memref<2x320000xi32, #tpu.memory_space<hbm>> -> memref<1x128xi32, #tpu.memory_space<hbm>>
      %dma_start3A_155 = tpu.memref_squeeze %dma_start3A_154 : memref<1x128xi32, #tpu.memory_space<hbm>> -> memref<128xi32, #tpu.memory_space<hbm>>
      %dma_start3A_156 = arith.constant 0 : i32
      %dma_start3A_157 = tpu.memref_slice %arg13[%cond3A_62, %dma_start3A_156] : memref<3x128xi32, #tpu.memory_space<vmem>> -> memref<1x128xi32, #tpu.memory_space<vmem>>
      %dma_start3A_158 = tpu.memref_squeeze %dma_start3A_157 : memref<1x128xi32, #tpu.memory_space<vmem>> -> memref<128xi32, #tpu.memory_space<vmem>>
      %dma_start3A_159 = tpu.memref_slice %arg3[%dma_start3A_150, %mul3A_149] : memref<2x320000xi32, #tpu.memory_space<hbm>> -> memref<1x128xi32, #tpu.memory_space<hbm>>
      %dma_start3A_160 = tpu.memref_squeeze %dma_start3A_159 : memref<1x128xi32, #tpu.memory_space<hbm>> -> memref<128xi32, #tpu.memory_space<hbm>>
      tpu.enqueue_dma source(%dma_start3A_160 : memref<128xi32, #tpu.memory_space<hbm>>) target(%dma_start3A_158 : memref<128xi32, #tpu.memory_space<vmem>>) target_semaphore(%arg23 : memref<!tpu.dma_semaphore, #tpu.memory_space<semaphore_mem>>)
    } else {
    }
    %ge3A_65 = arith.constant 2500 : i32
    %ge3A_66 = arith.cmpi sge, %add3A_58, %ge3A_65 : i32
    %convert_element_type3A_67 = arith.extui %ge3A_66 : i1 to i32
    %cond3A_68 = arith.constant 2 : i32
    %cond3A_69 = arith.constant 0 : i32
    %cond3A_70 = arith.cmpi ne, %convert_element_type3A_67, %cond3A_69 : i32
    scf.if %cond3A_70 {
      %sub3A_148 = arith.constant 2500 : i32
      %sub3A_149 = arith.subi %add3A_58, %sub3A_148 : i32
      %dma_start3A_150 = arith.constant 1 : i32
      %dma_start3A_151 = arith.constant 0 : i32
      %dma_start3A_152 = tpu.memref_slice %arg13[%cond3A_68, %dma_start3A_151] : memref<3x128xi32, #tpu.memory_space<vmem>> -> memref<1x128xi32, #tpu.memory_space<vmem>>
      %dma_start3A_153 = tpu.memref_squeeze %dma_start3A_152 : memref<1x128xi32, #tpu.memory_space<vmem>> -> memref<128xi32, #tpu.memory_space<vmem>>
      %dma_start3A_154 = arith.constant 0 : i32
      %dma_start3A_155 = tpu.memref_slice %arg4[%dma_start3A_150, %sub3A_149, %dma_start3A_154] : memref<2x92x128xi32, #tpu.memory_space<hbm>> -> memref<1x1x128xi32, #tpu.memory_space<hbm>>
      %dma_start3A_156 = tpu.memref_squeeze %dma_start3A_155 : memref<1x1x128xi32, #tpu.memory_space<hbm>> -> memref<128xi32, #tpu.memory_space<hbm>>
      %dma_start3A_157 = arith.constant 0 : i32
      %dma_start3A_158 = tpu.memref_slice %arg13[%cond3A_68, %dma_start3A_157] : memref<3x128xi32, #tpu.memory_space<vmem>> -> memref<1x128xi32, #tpu.memory_space<vmem>>
      %dma_start3A_159 = tpu.memref_squeeze %dma_start3A_158 : memref<1x128xi32, #tpu.memory_space<vmem>> -> memref<128xi32, #tpu.memory_space<vmem>>
      %dma_start3A_160 = arith.constant 0 : i32
      %dma_start3A_161 = tpu.memref_slice %arg4[%dma_start3A_150, %sub3A_149, %dma_start3A_160] : memref<2x92x128xi32, #tpu.memory_space<hbm>> -> memref<1x1x128xi32, #tpu.memory_space<hbm>>
      %dma_start3A_162 = tpu.memref_squeeze %dma_start3A_161 : memref<1x1x128xi32, #tpu.memory_space<hbm>> -> memref<128xi32, #tpu.memory_space<hbm>>
      tpu.enqueue_dma source(%dma_start3A_162 : memref<128xi32, #tpu.memory_space<hbm>>) target(%dma_start3A_159 : memref<128xi32, #tpu.memory_space<vmem>>) target_semaphore(%arg23 : memref<!tpu.dma_semaphore, #tpu.memory_space<semaphore_mem>>)
    } else {
    }
    %add3A_71 = arith.constant 2 : i32
    %add3A_72 = arith.addi %select_n3A_8, %add3A_71 : i32
    %lt3A_73 = arith.constant 2500 : i32
    %lt3A_74 = arith.cmpi slt, %add3A_72, %lt3A_73 : i32
    %convert_element_type3A_75 = arith.extui %lt3A_74 : i1 to i32
    %cond3A_76 = arith.constant 0 : i32
    %cond3A_77 = arith.cmpi ne, %convert_element_type3A_75, %cond3A_76 : i32
    scf.if %cond3A_77 {
      %mul3A_148 = arith.constant 128 : i32
      %mul3A_149 = arith.muli %add3A_72, %mul3A_148 : i32
      %dma_start3A_150 = arith.constant 0 : i32
      %dma_start3A_151 = tpu.memref_slice %arg3[%dma_start3A_150, %mul3A_149] : memref<2x320000xi32, #tpu.memory_space<hbm>> -> memref<1x128xi32, #tpu.memory_space<hbm>>
      %dma_start3A_152 = tpu.memref_squeeze %dma_start3A_151 : memref<1x128xi32, #tpu.memory_space<hbm>> -> memref<128xi32, #tpu.memory_space<hbm>>
      %dma_start3A_153 = tpu.memref_slice %arg3[%dma_start3A_150, %mul3A_149] : memref<2x320000xi32, #tpu.memory_space<hbm>> -> memref<1x128xi32, #tpu.memory_space<hbm>>
      %dma_start3A_154 = tpu.memref_squeeze %dma_start3A_153 : memref<1x128xi32, #tpu.memory_space<hbm>> -> memref<128xi32, #tpu.memory_space<hbm>>
      tpu.enqueue_dma source(%dma_start3A_154 : memref<128xi32, #tpu.memory_space<hbm>>) target(%arg12 : memref<128xi32, #tpu.memory_space<vmem>>) target_semaphore(%arg20 : memref<!tpu.dma_semaphore, #tpu.memory_space<semaphore_mem>>)
    } else {
    }
    %ge3A_78 = arith.constant 2500 : i32
    %ge3A_79 = arith.cmpi sge, %add3A_72, %ge3A_78 : i32
    %convert_element_type3A_80 = arith.extui %ge3A_79 : i1 to i32
    %cond3A_81 = arith.constant 0 : i32
    %cond3A_82 = arith.cmpi ne, %convert_element_type3A_80, %cond3A_81 : i32
    scf.if %cond3A_82 {
      %sub3A_148 = arith.constant 2500 : i32
      %sub3A_149 = arith.subi %add3A_72, %sub3A_148 : i32
      %dma_start3A_150 = arith.constant 0 : i32
      %dma_start3A_151 = arith.constant 0 : i32
      %dma_start3A_152 = tpu.memref_slice %arg4[%dma_start3A_150, %sub3A_149, %dma_start3A_151] : memref<2x92x128xi32, #tpu.memory_space<hbm>> -> memref<1x1x128xi32, #tpu.memory_space<hbm>>
      %dma_start3A_153 = tpu.memref_squeeze %dma_start3A_152 : memref<1x1x128xi32, #tpu.memory_space<hbm>> -> memref<128xi32, #tpu.memory_space<hbm>>
      %dma_start3A_154 = arith.constant 0 : i32
      %dma_start3A_155 = tpu.memref_slice %arg4[%dma_start3A_150, %sub3A_149, %dma_start3A_154] : memref<2x92x128xi32, #tpu.memory_space<hbm>> -> memref<1x1x128xi32, #tpu.memory_space<hbm>>
      %dma_start3A_156 = tpu.memref_squeeze %dma_start3A_155 : memref<1x1x128xi32, #tpu.memory_space<hbm>> -> memref<128xi32, #tpu.memory_space<hbm>>
      tpu.enqueue_dma source(%dma_start3A_156 : memref<128xi32, #tpu.memory_space<hbm>>) target(%arg12 : memref<128xi32, #tpu.memory_space<vmem>>) target_semaphore(%arg20 : memref<!tpu.dma_semaphore, #tpu.memory_space<semaphore_mem>>)
    } else {
    }
    %dma_wait3A = arith.constant 0 : i32
    %dma_wait3A_83 = arith.constant 0 : i32
    %dma_wait3A_84 = arith.constant 0 : i32
    %dma_wait3A_85 = tpu.memref_slice %arg4[%dma_wait3A, %dma_wait3A_83, %dma_wait3A_84] : memref<2x92x128xi32, #tpu.memory_space<hbm>> -> memref<1x1x128xi32, #tpu.memory_space<hbm>>
    %dma_wait3A_86 = tpu.memref_squeeze %dma_wait3A_85 : memref<1x1x128xi32, #tpu.memory_space<hbm>> -> memref<128xi32, #tpu.memory_space<hbm>>
    %dma_wait3A_87 = arith.constant 0 : i32
    %dma_wait3A_88 = tpu.memref_slice %arg4[%dma_wait3A, %dma_wait3A_83, %dma_wait3A_87] : memref<2x92x128xi32, #tpu.memory_space<hbm>> -> memref<1x1x128xi32, #tpu.memory_space<hbm>>
    %dma_wait3A_89 = tpu.memref_squeeze %dma_wait3A_88 : memref<1x1x128xi32, #tpu.memory_space<hbm>> -> memref<128xi32, #tpu.memory_space<hbm>>
    tpu.wait_dma2 semaphore(%arg18 : memref<!tpu.dma_semaphore, #tpu.memory_space<semaphore_mem>>) src(%dma_wait3A_89 : memref<128xi32, #tpu.memory_space<hbm>>) dst(%arg10 : memref<128xi32, #tpu.memory_space<vmem>>)
    %dma_start3A = arith.constant 0 : i32
    %dma_start3A_90 = arith.constant 0 : i32
    %dma_start3A_91 = tpu.memref_slice %arg2[%dma_start3A, %dma_start3A_90] : memref<10000x128xf32, #tpu.memory_space<hbm>> -> memref<10000x128xf32, #tpu.memory_space<hbm>>
    tpu.enqueue_indirect_dma source(%dma_start3A_91 : memref<10000x128xf32, #tpu.memory_space<hbm>>) target(%arg7 : memref<128x128xf32, #tpu.memory_space<vmem>>) offsets(%arg10 : memref<128xi32, #tpu.memory_space<vmem>>) semaphore(%arg15 : memref<!tpu.dma_semaphore, #tpu.memory_space<semaphore_mem>>)
    %dma_wait3A_92 = arith.constant 0 : i32
    %dma_wait3A_93 = arith.constant 0 : i32
    %dma_wait3A_94 = arith.constant 0 : i32
    %dma_wait3A_95 = tpu.memref_slice %arg4[%dma_wait3A_92, %dma_wait3A_93, %dma_wait3A_94] : memref<2x92x128xi32, #tpu.memory_space<hbm>> -> memref<1x1x128xi32, #tpu.memory_space<hbm>>
    %dma_wait3A_96 = tpu.memref_squeeze %dma_wait3A_95 : memref<1x1x128xi32, #tpu.memory_space<hbm>> -> memref<128xi32, #tpu.memory_space<hbm>>
    %dma_wait3A_97 = arith.constant 0 : i32
    %dma_wait3A_98 = tpu.memref_slice %arg4[%dma_wait3A_92, %dma_wait3A_93, %dma_wait3A_97] : memref<2x92x128xi32, #tpu.memory_space<hbm>> -> memref<1x1x128xi32, #tpu.memory_space<hbm>>
    %dma_wait3A_99 = tpu.memref_squeeze %dma_wait3A_98 : memref<1x1x128xi32, #tpu.memory_space<hbm>> -> memref<128xi32, #tpu.memory_space<hbm>>
    tpu.wait_dma2 semaphore(%arg19 : memref<!tpu.dma_semaphore, #tpu.memory_space<semaphore_mem>>) src(%dma_wait3A_99 : memref<128xi32, #tpu.memory_space<hbm>>) dst(%arg11 : memref<128xi32, #tpu.memory_space<vmem>>)
    %dma_start3A_100 = arith.constant 0 : i32
    %dma_start3A_101 = arith.constant 0 : i32
    %dma_start3A_102 = tpu.memref_slice %arg2[%dma_start3A_100, %dma_start3A_101] : memref<10000x128xf32, #tpu.memory_space<hbm>> -> memref<10000x128xf32, #tpu.memory_space<hbm>>
    tpu.enqueue_indirect_dma source(%dma_start3A_102 : memref<10000x128xf32, #tpu.memory_space<hbm>>) target(%arg8 : memref<128x128xf32, #tpu.memory_space<vmem>>) offsets(%arg11 : memref<128xi32, #tpu.memory_space<vmem>>) semaphore(%arg16 : memref<!tpu.dma_semaphore, #tpu.memory_space<semaphore_mem>>)
    %dma_wait3A_103 = arith.constant 0 : i32
    %dma_wait3A_104 = arith.constant 0 : i32
    %dma_wait3A_105 = arith.constant 0 : i32
    %dma_wait3A_106 = tpu.memref_slice %arg4[%dma_wait3A_103, %dma_wait3A_104, %dma_wait3A_105] : memref<2x92x128xi32, #tpu.memory_space<hbm>> -> memref<1x1x128xi32, #tpu.memory_space<hbm>>
    %dma_wait3A_107 = tpu.memref_squeeze %dma_wait3A_106 : memref<1x1x128xi32, #tpu.memory_space<hbm>> -> memref<128xi32, #tpu.memory_space<hbm>>
    %dma_wait3A_108 = arith.constant 0 : i32
    %dma_wait3A_109 = tpu.memref_slice %arg4[%dma_wait3A_103, %dma_wait3A_104, %dma_wait3A_108] : memref<2x92x128xi32, #tpu.memory_space<hbm>> -> memref<1x1x128xi32, #tpu.memory_space<hbm>>
    %dma_wait3A_110 = tpu.memref_squeeze %dma_wait3A_109 : memref<1x1x128xi32, #tpu.memory_space<hbm>> -> memref<128xi32, #tpu.memory_space<hbm>>
    tpu.wait_dma2 semaphore(%arg20 : memref<!tpu.dma_semaphore, #tpu.memory_space<semaphore_mem>>) src(%dma_wait3A_110 : memref<128xi32, #tpu.memory_space<hbm>>) dst(%arg12 : memref<128xi32, #tpu.memory_space<vmem>>)
    %dma_start3A_111 = arith.constant 0 : i32
    %dma_start3A_112 = arith.constant 0 : i32
    %dma_start3A_113 = tpu.memref_slice %arg2[%dma_start3A_111, %dma_start3A_112] : memref<10000x128xf32, #tpu.memory_space<hbm>> -> memref<10000x128xf32, #tpu.memory_space<hbm>>
    tpu.enqueue_indirect_dma source(%dma_start3A_113 : memref<10000x128xf32, #tpu.memory_space<hbm>>) target(%arg9 : memref<128x128xf32, #tpu.memory_space<vmem>>) offsets(%arg12 : memref<128xi32, #tpu.memory_space<vmem>>) semaphore(%arg17 : memref<!tpu.dma_semaphore, #tpu.memory_space<semaphore_mem>>)
    %mul3A_114 = arith.constant 632 : i32
    %mul3A_115 = arith.muli %arg1, %mul3A_114 : i32
    "tpu.region"() ({
      %run_scoped3A = tpu.sem_alloc : memref<!tpu.dma_semaphore, #tpu.memory_space<semaphore_mem>>
      %dma_start3A_148 = arith.constant 0 : i32
      %dma_start3A_149 = tpu.memref_slice %arg14[%mul3A_115, %dma_start3A_148] : memref<10112x128xf32, #tpu.memory_space<vmem_shared>> -> memref<632x128xf32, #tpu.memory_space<vmem_shared>>
      tpu.enqueue_dma source(%arg5 : memref<632x128xf32, #tpu.memory_space<hbm>>) target(%dma_start3A_149 : memref<632x128xf32, #tpu.memory_space<vmem_shared>>) target_semaphore(%run_scoped3A : memref<!tpu.dma_semaphore, #tpu.memory_space<semaphore_mem>>)
      %dma_wait3A_150 = arith.constant 0 : i32
      %dma_wait3A_151 = tpu.memref_slice %arg14[%mul3A_115, %dma_wait3A_150] : memref<10112x128xf32, #tpu.memory_space<vmem_shared>> -> memref<632x128xf32, #tpu.memory_space<vmem_shared>>
      tpu.wait_dma2 semaphore(%run_scoped3A : memref<!tpu.dma_semaphore, #tpu.memory_space<semaphore_mem>>) src(%arg5 : memref<632x128xf32, #tpu.memory_space<hbm>>) dst(%dma_wait3A_151 : memref<632x128xf32, #tpu.memory_space<vmem_shared>>)
      tpu.yield
    }) : () -> ()
    %barrier3A = arith.constant 0 : index
    tpu.barrier barrier_id(%barrier3A)
    %jit3A_116 = arith.constant 3 : i32
    %div3A = arith.divsi %select_n3A, %jit3A_116 : i32
    %sign3A = arith.constant 0 : i32
    %sign3A_117 = arith.cmpi sgt, %select_n3A, %sign3A : i32
    %sign3A_118 = arith.extui %sign3A_117 : i1 to i32
    %sign3A_119 = arith.constant 0 : i32
    %sign3A_120 = arith.cmpi slt, %select_n3A, %sign3A_119 : i32
    %sign3A_121 = arith.extui %sign3A_120 : i1 to i32
    %sign3A_122 = arith.subi %sign3A_118, %sign3A_121 : i32
    %sign3A_123 = arith.constant 0 : i32
    %sign3A_124 = arith.cmpi sgt, %jit3A_116, %sign3A_123 : i32
    %sign3A_125 = arith.extui %sign3A_124 : i1 to i32
    %sign3A_126 = arith.constant 0 : i32
    %sign3A_127 = arith.cmpi slt, %jit3A_116, %sign3A_126 : i32
    %sign3A_128 = arith.extui %sign3A_127 : i1 to i32
    %sign3A_129 = arith.subi %sign3A_125, %sign3A_128 : i32
    %ne3A = arith.cmpi ne, %sign3A_122, %sign3A_129 : i32
    %rem3A = arith.remsi %select_n3A, %jit3A_116 : i32
    %ne3A_130 = arith.constant 0 : i32
    %ne3A_131 = arith.cmpi ne, %rem3A, %ne3A_130 : i32
    %and3A = arith.andi %ne3A, %ne3A_131 : i1
    %sub3A = arith.constant 1 : i32
    %sub3A_132 = arith.subi %div3A, %sub3A : i32
    %select_n3A_133 = arith.select %and3A, %sub3A_132, %div3A : i32
    %while3A = arith.constant 0 : i32
    %while3A_134 = arith.constant 0 : i32
    %while3A_135 = arith.subi %select_n3A_133, %while3A_134 : i32
    %while3A_136 = arith.addi %while3A_134, %while3A_135 : i32
    %while3A_137 = arith.constant 1 : i32
    %while3A_138 = arith.divsi %while3A_135, %while3A_137 : i32
    %while3A_139 = arith.muli %while3A_138, %while3A_137 : i32
    %while3A_140 = arith.addi %while3A_134, %while3A_139 : i32
    %while3A_141 = arith.constant 1 : i32
    scf.for %while3A_148 = %while3A_134 to %while3A_140 step %while3A_141  : i32 {
      %mul3A_149 = arith.constant 3 : i32
      %mul3A_150 = arith.muli %while3A_148, %mul3A_149 : i32
      %add3A_151 = arith.constant 0 : i32
      %add3A_152 = arith.addi %mul3A_150, %add3A_151 : i32
      %dma_wait3A_153 = arith.constant 0 : i32
      %dma_wait3A_154 = arith.constant 0 : i32
      %dma_wait3A_155 = tpu.memref_slice %arg2[%dma_wait3A_153, %dma_wait3A_154] : memref<10000x128xf32, #tpu.memory_space<hbm>> -> memref<10000x128xf32, #tpu.memory_space<hbm>>
      tpu.wait_indirect_dma semaphore(%arg15 : memref<!tpu.dma_semaphore, #tpu.memory_space<semaphore_mem>>) src(%dma_wait3A_155 : memref<10000x128xf32, #tpu.memory_space<hbm>>) dst(%arg7 : memref<128x128xf32, #tpu.memory_space<vmem>>)
      %add3A_156 = arith.constant 3 : i32
      %add3A_157 = arith.addi %add3A_152, %add3A_156 : i32
      %lt3A_158 = arith.cmpi slt, %add3A_157, %select_n3A : i32
      %convert_element_type3A_159 = arith.extui %lt3A_158 : i1 to i32
      %cond3A_160 = arith.constant 0 : i32
      %cond3A_161 = arith.cmpi ne, %convert_element_type3A_159, %cond3A_160 : i32
      scf.if %cond3A_161 {
        %add3A_249 = arith.addi %select_n3A_8, %add3A_152 : i32
        %add3A_250 = arith.constant 3 : i32
        %add3A_251 = arith.addi %add3A_249, %add3A_250 : i32
        %lt3A_252 = arith.constant 2500 : i32
        %lt3A_253 = arith.cmpi slt, %add3A_251, %lt3A_252 : i32
        %convert_element_type3A_254 = arith.extui %lt3A_253 : i1 to i32
        %cond3A_255 = arith.constant 0 : i32
        %cond3A_256 = arith.cmpi ne, %convert_element_type3A_254, %cond3A_255 : i32
        scf.if %cond3A_256 {
          %mul3A_262 = arith.constant 128 : i32
          %mul3A_263 = arith.muli %add3A_251, %mul3A_262 : i32
          %dma_start3A_264 = arith.constant 0 : i32
          %dma_start3A_265 = tpu.memref_slice %arg3[%dma_start3A_264, %mul3A_263] : memref<2x320000xi32, #tpu.memory_space<hbm>> -> memref<1x128xi32, #tpu.memory_space<hbm>>
          %dma_start3A_266 = tpu.memref_squeeze %dma_start3A_265 : memref<1x128xi32, #tpu.memory_space<hbm>> -> memref<128xi32, #tpu.memory_space<hbm>>
          %dma_start3A_267 = tpu.memref_slice %arg3[%dma_start3A_264, %mul3A_263] : memref<2x320000xi32, #tpu.memory_space<hbm>> -> memref<1x128xi32, #tpu.memory_space<hbm>>
          %dma_start3A_268 = tpu.memref_squeeze %dma_start3A_267 : memref<1x128xi32, #tpu.memory_space<hbm>> -> memref<128xi32, #tpu.memory_space<hbm>>
          tpu.enqueue_dma source(%dma_start3A_268 : memref<128xi32, #tpu.memory_space<hbm>>) target(%arg10 : memref<128xi32, #tpu.memory_space<vmem>>) target_semaphore(%arg18 : memref<!tpu.dma_semaphore, #tpu.memory_space<semaphore_mem>>)
        } else {
        }
        %ge3A_257 = arith.constant 2500 : i32
        %ge3A_258 = arith.cmpi sge, %add3A_251, %ge3A_257 : i32
        %convert_element_type3A_259 = arith.extui %ge3A_258 : i1 to i32
        %cond3A_260 = arith.constant 0 : i32
        %cond3A_261 = arith.cmpi ne, %convert_element_type3A_259, %cond3A_260 : i32
        scf.if %cond3A_261 {
          %sub3A_262 = arith.constant 2500 : i32
          %sub3A_263 = arith.subi %add3A_251, %sub3A_262 : i32
          %dma_start3A_264 = arith.constant 0 : i32
          %dma_start3A_265 = arith.constant 0 : i32
          %dma_start3A_266 = tpu.memref_slice %arg4[%dma_start3A_264, %sub3A_263, %dma_start3A_265] : memref<2x92x128xi32, #tpu.memory_space<hbm>> -> memref<1x1x128xi32, #tpu.memory_space<hbm>>
          %dma_start3A_267 = tpu.memref_squeeze %dma_start3A_266 : memref<1x1x128xi32, #tpu.memory_space<hbm>> -> memref<128xi32, #tpu.memory_space<hbm>>
          %dma_start3A_268 = arith.constant 0 : i32
          %dma_start3A_269 = tpu.memref_slice %arg4[%dma_start3A_264, %sub3A_263, %dma_start3A_268] : memref<2x92x128xi32, #tpu.memory_space<hbm>> -> memref<1x1x128xi32, #tpu.memory_space<hbm>>
          %dma_start3A_270 = tpu.memref_squeeze %dma_start3A_269 : memref<1x1x128xi32, #tpu.memory_space<hbm>> -> memref<128xi32, #tpu.memory_space<hbm>>
          tpu.enqueue_dma source(%dma_start3A_270 : memref<128xi32, #tpu.memory_space<hbm>>) target(%arg10 : memref<128xi32, #tpu.memory_space<vmem>>) target_semaphore(%arg18 : memref<!tpu.dma_semaphore, #tpu.memory_space<semaphore_mem>>)
        } else {
        }
      } else {
      }
      %dma_wait3A_162 = arith.constant 0 : i32
      %dma_wait3A_163 = arith.constant 0 : i32
      %dma_wait3A_164 = arith.constant 0 : i32
      %dma_wait3A_165 = arith.constant 0 : i32
      %dma_wait3A_166 = tpu.memref_slice %arg13[%dma_wait3A_164, %dma_wait3A_165] : memref<3x128xi32, #tpu.memory_space<vmem>> -> memref<1x128xi32, #tpu.memory_space<vmem>>
      %dma_wait3A_167 = tpu.memref_squeeze %dma_wait3A_166 : memref<1x128xi32, #tpu.memory_space<vmem>> -> memref<128xi32, #tpu.memory_space<vmem>>
      %dma_wait3A_168 = arith.constant 0 : i32
      %dma_wait3A_169 = tpu.memref_slice %arg4[%dma_wait3A_162, %dma_wait3A_163, %dma_wait3A_168] : memref<2x92x128xi32, #tpu.memory_space<hbm>> -> memref<1x1x128xi32, #tpu.memory_space<hbm>>
      %dma_wait3A_170 = tpu.memref_squeeze %dma_wait3A_169 : memref<1x1x128xi32, #tpu.memory_space<hbm>> -> memref<128xi32, #tpu.memory_space<hbm>>
      %dma_wait3A_171 = arith.constant 0 : i32
      %dma_wait3A_172 = tpu.memref_slice %arg13[%dma_wait3A_164, %dma_wait3A_171] : memref<3x128xi32, #tpu.memory_space<vmem>> -> memref<1x128xi32, #tpu.memory_space<vmem>>
      %dma_wait3A_173 = tpu.memref_squeeze %dma_wait3A_172 : memref<1x128xi32, #tpu.memory_space<vmem>> -> memref<128xi32, #tpu.memory_space<vmem>>
      %dma_wait3A_174 = arith.constant 0 : i32
      %dma_wait3A_175 = tpu.memref_slice %arg4[%dma_wait3A_162, %dma_wait3A_163, %dma_wait3A_174] : memref<2x92x128xi32, #tpu.memory_space<hbm>> -> memref<1x1x128xi32, #tpu.memory_space<hbm>>
      %dma_wait3A_176 = tpu.memref_squeeze %dma_wait3A_175 : memref<1x1x128xi32, #tpu.memory_space<hbm>> -> memref<128xi32, #tpu.memory_space<hbm>>
      tpu.wait_dma2 semaphore(%arg21 : memref<!tpu.dma_semaphore, #tpu.memory_space<semaphore_mem>>) src(%dma_wait3A_176 : memref<128xi32, #tpu.memory_space<hbm>>) dst(%dma_wait3A_173 : memref<128xi32, #tpu.memory_space<vmem>>)
      %run_scoped3A = arith.constant 0 : i32
      "tpu.region"() ({
        %run_scoped3A_249 = tpu.sem_alloc : memref<!tpu.dma_semaphore, #tpu.memory_space<semaphore_mem>>
        %dma_start3A_250 = arith.constant 0 : i32
        %dma_start3A_251 = tpu.memref_slice %arg13[%run_scoped3A, %dma_start3A_250] : memref<3x128xi32, #tpu.memory_space<vmem>> -> memref<1x128xi32, #tpu.memory_space<vmem>>
        %dma_start3A_252 = tpu.memref_squeeze %dma_start3A_251 : memref<1x128xi32, #tpu.memory_space<vmem>> -> memref<128xi32, #tpu.memory_space<vmem>>
        %dma_start3A_253 = arith.constant 0 : i32
        %dma_start3A_254 = arith.constant 0 : i32
        %dma_start3A_255 = tpu.memref_slice %arg14[%dma_start3A_253, %dma_start3A_254] : memref<10112x128xf32, #tpu.memory_space<vmem_shared>> -> memref<10112x128xf32, #tpu.memory_space<vmem_shared>>
        tpu.enqueue_indirect_dma source(%arg7 : memref<128x128xf32, #tpu.memory_space<vmem>>) target(%dma_start3A_255 : memref<10112x128xf32, #tpu.memory_space<vmem_shared>>) offsets(%dma_start3A_252 : memref<128xi32, #tpu.memory_space<vmem>>) semaphore(%run_scoped3A_249 : memref<!tpu.dma_semaphore, #tpu.memory_space<semaphore_mem>>) {add = true}
        %dma_wait3A_256 = arith.constant 0 : i32
        %dma_wait3A_257 = tpu.memref_slice %arg13[%run_scoped3A, %dma_wait3A_256] : memref<3x128xi32, #tpu.memory_space<vmem>> -> memref<1x128xi32, #tpu.memory_space<vmem>>
        %dma_wait3A_258 = tpu.memref_squeeze %dma_wait3A_257 : memref<1x128xi32, #tpu.memory_space<vmem>> -> memref<128xi32, #tpu.memory_space<vmem>>
        %dma_wait3A_259 = arith.constant 0 : i32
        %dma_wait3A_260 = arith.constant 0 : i32
        %dma_wait3A_261 = tpu.memref_slice %arg14[%dma_wait3A_259, %dma_wait3A_260] : memref<10112x128xf32, #tpu.memory_space<vmem_shared>> -> memref<10112x128xf32, #tpu.memory_space<vmem_shared>>
        tpu.wait_indirect_dma semaphore(%run_scoped3A_249 : memref<!tpu.dma_semaphore, #tpu.memory_space<semaphore_mem>>) src(%arg7 : memref<128x128xf32, #tpu.memory_space<vmem>>) dst(%dma_wait3A_261 : memref<10112x128xf32, #tpu.memory_space<vmem_shared>>)
        tpu.yield
      }) : () -> ()
      %add3A_177 = arith.constant 3 : i32
      %add3A_178 = arith.addi %add3A_152, %add3A_177 : i32
      %lt3A_179 = arith.cmpi slt, %add3A_178, %select_n3A : i32
      %convert_element_type3A_180 = arith.extui %lt3A_179 : i1 to i32
      %cond3A_181 = arith.constant 0 : i32
      %cond3A_182 = arith.cmpi ne, %convert_element_type3A_180, %cond3A_181 : i32
      scf.if %cond3A_182 {
        %add3A_249 = arith.addi %select_n3A_8, %add3A_152 : i32
        %add3A_250 = arith.constant 3 : i32
        %add3A_251 = arith.addi %add3A_249, %add3A_250 : i32
        %lt3A_252 = arith.constant 2500 : i32
        %lt3A_253 = arith.cmpi slt, %add3A_251, %lt3A_252 : i32
        %convert_element_type3A_254 = arith.extui %lt3A_253 : i1 to i32
        %cond3A_255 = arith.constant 0 : i32
        %cond3A_256 = arith.constant 0 : i32
        %cond3A_257 = arith.cmpi ne, %convert_element_type3A_254, %cond3A_256 : i32
        scf.if %cond3A_257 {
          %mul3A_275 = arith.constant 128 : i32
          %mul3A_276 = arith.muli %add3A_251, %mul3A_275 : i32
          %dma_start3A_277 = arith.constant 1 : i32
          %dma_start3A_278 = arith.constant 0 : i32
          %dma_start3A_279 = tpu.memref_slice %arg13[%cond3A_255, %dma_start3A_278] : memref<3x128xi32, #tpu.memory_space<vmem>> -> memref<1x128xi32, #tpu.memory_space<vmem>>
          %dma_start3A_280 = tpu.memref_squeeze %dma_start3A_279 : memref<1x128xi32, #tpu.memory_space<vmem>> -> memref<128xi32, #tpu.memory_space<vmem>>
          %dma_start3A_281 = tpu.memref_slice %arg3[%dma_start3A_277, %mul3A_276] : memref<2x320000xi32, #tpu.memory_space<hbm>> -> memref<1x128xi32, #tpu.memory_space<hbm>>
          %dma_start3A_282 = tpu.memref_squeeze %dma_start3A_281 : memref<1x128xi32, #tpu.memory_space<hbm>> -> memref<128xi32, #tpu.memory_space<hbm>>
          %dma_start3A_283 = arith.constant 0 : i32
          %dma_start3A_284 = tpu.memref_slice %arg13[%cond3A_255, %dma_start3A_283] : memref<3x128xi32, #tpu.memory_space<vmem>> -> memref<1x128xi32, #tpu.memory_space<vmem>>
          %dma_start3A_285 = tpu.memref_squeeze %dma_start3A_284 : memref<1x128xi32, #tpu.memory_space<vmem>> -> memref<128xi32, #tpu.memory_space<vmem>>
          %dma_start3A_286 = tpu.memref_slice %arg3[%dma_start3A_277, %mul3A_276] : memref<2x320000xi32, #tpu.memory_space<hbm>> -> memref<1x128xi32, #tpu.memory_space<hbm>>
          %dma_start3A_287 = tpu.memref_squeeze %dma_start3A_286 : memref<1x128xi32, #tpu.memory_space<hbm>> -> memref<128xi32, #tpu.memory_space<hbm>>
          tpu.enqueue_dma source(%dma_start3A_287 : memref<128xi32, #tpu.memory_space<hbm>>) target(%dma_start3A_285 : memref<128xi32, #tpu.memory_space<vmem>>) target_semaphore(%arg21 : memref<!tpu.dma_semaphore, #tpu.memory_space<semaphore_mem>>)
        } else {
        }
        %ge3A_258 = arith.constant 2500 : i32
        %ge3A_259 = arith.cmpi sge, %add3A_251, %ge3A_258 : i32
        %convert_element_type3A_260 = arith.extui %ge3A_259 : i1 to i32
        %cond3A_261 = arith.constant 0 : i32
        %cond3A_262 = arith.constant 0 : i32
        %cond3A_263 = arith.cmpi ne, %convert_element_type3A_260, %cond3A_262 : i32
        scf.if %cond3A_263 {
          %sub3A_275 = arith.constant 2500 : i32
          %sub3A_276 = arith.subi %add3A_251, %sub3A_275 : i32
          %dma_start3A_277 = arith.constant 1 : i32
          %dma_start3A_278 = arith.constant 0 : i32
          %dma_start3A_279 = tpu.memref_slice %arg13[%cond3A_261, %dma_start3A_278] : memref<3x128xi32, #tpu.memory_space<vmem>> -> memref<1x128xi32, #tpu.memory_space<vmem>>
          %dma_start3A_280 = tpu.memref_squeeze %dma_start3A_279 : memref<1x128xi32, #tpu.memory_space<vmem>> -> memref<128xi32, #tpu.memory_space<vmem>>
          %dma_start3A_281 = arith.constant 0 : i32
          %dma_start3A_282 = tpu.memref_slice %arg4[%dma_start3A_277, %sub3A_276, %dma_start3A_281] : memref<2x92x128xi32, #tpu.memory_space<hbm>> -> memref<1x1x128xi32, #tpu.memory_space<hbm>>
          %dma_start3A_283 = tpu.memref_squeeze %dma_start3A_282 : memref<1x1x128xi32, #tpu.memory_space<hbm>> -> memref<128xi32, #tpu.memory_space<hbm>>
          %dma_start3A_284 = arith.constant 0 : i32
          %dma_start3A_285 = tpu.memref_slice %arg13[%cond3A_261, %dma_start3A_284] : memref<3x128xi32, #tpu.memory_space<vmem>> -> memref<1x128xi32, #tpu.memory_space<vmem>>
          %dma_start3A_286 = tpu.memref_squeeze %dma_start3A_285 : memref<1x128xi32, #tpu.memory_space<vmem>> -> memref<128xi32, #tpu.memory_space<vmem>>
          %dma_start3A_287 = arith.constant 0 : i32
          %dma_start3A_288 = tpu.memref_slice %arg4[%dma_start3A_277, %sub3A_276, %dma_start3A_287] : memref<2x92x128xi32, #tpu.memory_space<hbm>> -> memref<1x1x128xi32, #tpu.memory_space<hbm>>
          %dma_start3A_289 = tpu.memref_squeeze %dma_start3A_288 : memref<1x1x128xi32, #tpu.memory_space<hbm>> -> memref<128xi32, #tpu.memory_space<hbm>>
          tpu.enqueue_dma source(%dma_start3A_289 : memref<128xi32, #tpu.memory_space<hbm>>) target(%dma_start3A_286 : memref<128xi32, #tpu.memory_space<vmem>>) target_semaphore(%arg21 : memref<!tpu.dma_semaphore, #tpu.memory_space<semaphore_mem>>)
        } else {
        }
        %dma_wait3A_264 = arith.constant 0 : i32
        %dma_wait3A_265 = arith.constant 0 : i32
        %dma_wait3A_266 = arith.constant 0 : i32
        %dma_wait3A_267 = tpu.memref_slice %arg4[%dma_wait3A_264, %dma_wait3A_265, %dma_wait3A_266] : memref<2x92x128xi32, #tpu.memory_space<hbm>> -> memref<1x1x128xi32, #tpu.memory_space<hbm>>
        %dma_wait3A_268 = tpu.memref_squeeze %dma_wait3A_267 : memref<1x1x128xi32, #tpu.memory_space<hbm>> -> memref<128xi32, #tpu.memory_space<hbm>>
        %dma_wait3A_269 = arith.constant 0 : i32
        %dma_wait3A_270 = tpu.memref_slice %arg4[%dma_wait3A_264, %dma_wait3A_265, %dma_wait3A_269] : memref<2x92x128xi32, #tpu.memory_space<hbm>> -> memref<1x1x128xi32, #tpu.memory_space<hbm>>
        %dma_wait3A_271 = tpu.memref_squeeze %dma_wait3A_270 : memref<1x1x128xi32, #tpu.memory_space<hbm>> -> memref<128xi32, #tpu.memory_space<hbm>>
        tpu.wait_dma2 semaphore(%arg18 : memref<!tpu.dma_semaphore, #tpu.memory_space<semaphore_mem>>) src(%dma_wait3A_271 : memref<128xi32, #tpu.memory_space<hbm>>) dst(%arg10 : memref<128xi32, #tpu.memory_space<vmem>>)
        %dma_start3A_272 = arith.constant 0 : i32
        %dma_start3A_273 = arith.constant 0 : i32
        %dma_start3A_274 = tpu.memref_slice %arg2[%dma_start3A_272, %dma_start3A_273] : memref<10000x128xf32, #tpu.memory_space<hbm>> -> memref<10000x128xf32, #tpu.memory_space<hbm>>
        tpu.enqueue_indirect_dma source(%dma_start3A_274 : memref<10000x128xf32, #tpu.memory_space<hbm>>) target(%arg7 : memref<128x128xf32, #tpu.memory_space<vmem>>) offsets(%arg10 : memref<128xi32, #tpu.memory_space<vmem>>) semaphore(%arg15 : memref<!tpu.dma_semaphore, #tpu.memory_space<semaphore_mem>>)
      } else {
      }
      %add3A_183 = arith.constant 1 : i32
      %add3A_184 = arith.addi %mul3A_150, %add3A_183 : i32
      %dma_wait3A_185 = arith.constant 0 : i32
      %dma_wait3A_186 = arith.constant 0 : i32
      %dma_wait3A_187 = tpu.memref_slice %arg2[%dma_wait3A_185, %dma_wait3A_186] : memref<10000x128xf32, #tpu.memory_space<hbm>> -> memref<10000x128xf32, #tpu.memory_space<hbm>>
      tpu.wait_indirect_dma semaphore(%arg16 : memref<!tpu.dma_semaphore, #tpu.memory_space<semaphore_mem>>) src(%dma_wait3A_187 : memref<10000x128xf32, #tpu.memory_space<hbm>>) dst(%arg8 : memref<128x128xf32, #tpu.memory_space<vmem>>)
      %add3A_188 = arith.constant 3 : i32
      %add3A_189 = arith.addi %add3A_184, %add3A_188 : i32
      %lt3A_190 = arith.cmpi slt, %add3A_189, %select_n3A : i32
      %convert_element_type3A_191 = arith.extui %lt3A_190 : i1 to i32
      %cond3A_192 = arith.constant 0 : i32
      %cond3A_193 = arith.cmpi ne, %convert_element_type3A_191, %cond3A_192 : i32
      scf.if %cond3A_193 {
        %add3A_249 = arith.addi %select_n3A_8, %add3A_184 : i32
        %add3A_250 = arith.constant 3 : i32
        %add3A_251 = arith.addi %add3A_249, %add3A_250 : i32
        %lt3A_252 = arith.constant 2500 : i32
        %lt3A_253 = arith.cmpi slt, %add3A_251, %lt3A_252 : i32
        %convert_element_type3A_254 = arith.extui %lt3A_253 : i1 to i32
        %cond3A_255 = arith.constant 0 : i32
        %cond3A_256 = arith.cmpi ne, %convert_element_type3A_254, %cond3A_255 : i32
        scf.if %cond3A_256 {
          %mul3A_262 = arith.constant 128 : i32
          %mul3A_263 = arith.muli %add3A_251, %mul3A_262 : i32
          %dma_start3A_264 = arith.constant 0 : i32
          %dma_start3A_265 = tpu.memref_slice %arg3[%dma_start3A_264, %mul3A_263] : memref<2x320000xi32, #tpu.memory_space<hbm>> -> memref<1x128xi32, #tpu.memory_space<hbm>>
          %dma_start3A_266 = tpu.memref_squeeze %dma_start3A_265 : memref<1x128xi32, #tpu.memory_space<hbm>> -> memref<128xi32, #tpu.memory_space<hbm>>
          %dma_start3A_267 = tpu.memref_slice %arg3[%dma_start3A_264, %mul3A_263] : memref<2x320000xi32, #tpu.memory_space<hbm>> -> memref<1x128xi32, #tpu.memory_space<hbm>>
          %dma_start3A_268 = tpu.memref_squeeze %dma_start3A_267 : memref<1x128xi32, #tpu.memory_space<hbm>> -> memref<128xi32, #tpu.memory_space<hbm>>
          tpu.enqueue_dma source(%dma_start3A_268 : memref<128xi32, #tpu.memory_space<hbm>>) target(%arg11 : memref<128xi32, #tpu.memory_space<vmem>>) target_semaphore(%arg19 : memref<!tpu.dma_semaphore, #tpu.memory_space<semaphore_mem>>)
        } else {
        }
        %ge3A_257 = arith.constant 2500 : i32
        %ge3A_258 = arith.cmpi sge, %add3A_251, %ge3A_257 : i32
        %convert_element_type3A_259 = arith.extui %ge3A_258 : i1 to i32
        %cond3A_260 = arith.constant 0 : i32
        %cond3A_261 = arith.cmpi ne, %convert_element_type3A_259, %cond3A_260 : i32
        scf.if %cond3A_261 {
          %sub3A_262 = arith.constant 2500 : i32
          %sub3A_263 = arith.subi %add3A_251, %sub3A_262 : i32
          %dma_start3A_264 = arith.constant 0 : i32
          %dma_start3A_265 = arith.constant 0 : i32
          %dma_start3A_266 = tpu.memref_slice %arg4[%dma_start3A_264, %sub3A_263, %dma_start3A_265] : memref<2x92x128xi32, #tpu.memory_space<hbm>> -> memref<1x1x128xi32, #tpu.memory_space<hbm>>
          %dma_start3A_267 = tpu.memref_squeeze %dma_start3A_266 : memref<1x1x128xi32, #tpu.memory_space<hbm>> -> memref<128xi32, #tpu.memory_space<hbm>>
          %dma_start3A_268 = arith.constant 0 : i32
          %dma_start3A_269 = tpu.memref_slice %arg4[%dma_start3A_264, %sub3A_263, %dma_start3A_268] : memref<2x92x128xi32, #tpu.memory_space<hbm>> -> memref<1x1x128xi32, #tpu.memory_space<hbm>>
          %dma_start3A_270 = tpu.memref_squeeze %dma_start3A_269 : memref<1x1x128xi32, #tpu.memory_space<hbm>> -> memref<128xi32, #tpu.memory_space<hbm>>
          tpu.enqueue_dma source(%dma_start3A_270 : memref<128xi32, #tpu.memory_space<hbm>>) target(%arg11 : memref<128xi32, #tpu.memory_space<vmem>>) target_semaphore(%arg19 : memref<!tpu.dma_semaphore, #tpu.memory_space<semaphore_mem>>)
        } else {
        }
      } else {
      }
      %dma_wait3A_194 = arith.constant 0 : i32
      %dma_wait3A_195 = arith.constant 0 : i32
      %dma_wait3A_196 = arith.constant 1 : i32
      %dma_wait3A_197 = arith.constant 0 : i32
      %dma_wait3A_198 = tpu.memref_slice %arg13[%dma_wait3A_196, %dma_wait3A_197] : memref<3x128xi32, #tpu.memory_space<vmem>> -> memref<1x128xi32, #tpu.memory_space<vmem>>
      %dma_wait3A_199 = tpu.memref_squeeze %dma_wait3A_198 : memref<1x128xi32, #tpu.memory_space<vmem>> -> memref<128xi32, #tpu.memory_space<vmem>>
      %dma_wait3A_200 = arith.constant 0 : i32
      %dma_wait3A_201 = tpu.memref_slice %arg4[%dma_wait3A_194, %dma_wait3A_195, %dma_wait3A_200] : memref<2x92x128xi32, #tpu.memory_space<hbm>> -> memref<1x1x128xi32, #tpu.memory_space<hbm>>
      %dma_wait3A_202 = tpu.memref_squeeze %dma_wait3A_201 : memref<1x1x128xi32, #tpu.memory_space<hbm>> -> memref<128xi32, #tpu.memory_space<hbm>>
      %dma_wait3A_203 = arith.constant 0 : i32
      %dma_wait3A_204 = tpu.memref_slice %arg13[%dma_wait3A_196, %dma_wait3A_203] : memref<3x128xi32, #tpu.memory_space<vmem>> -> memref<1x128xi32, #tpu.memory_space<vmem>>
      %dma_wait3A_205 = tpu.memref_squeeze %dma_wait3A_204 : memref<1x128xi32, #tpu.memory_space<vmem>> -> memref<128xi32, #tpu.memory_space<vmem>>
      %dma_wait3A_206 = arith.constant 0 : i32
      %dma_wait3A_207 = tpu.memref_slice %arg4[%dma_wait3A_194, %dma_wait3A_195, %dma_wait3A_206] : memref<2x92x128xi32, #tpu.memory_space<hbm>> -> memref<1x1x128xi32, #tpu.memory_space<hbm>>
      %dma_wait3A_208 = tpu.memref_squeeze %dma_wait3A_207 : memref<1x1x128xi32, #tpu.memory_space<hbm>> -> memref<128xi32, #tpu.memory_space<hbm>>
      tpu.wait_dma2 semaphore(%arg22 : memref<!tpu.dma_semaphore, #tpu.memory_space<semaphore_mem>>) src(%dma_wait3A_208 : memref<128xi32, #tpu.memory_space<hbm>>) dst(%dma_wait3A_205 : memref<128xi32, #tpu.memory_space<vmem>>)
      %run_scoped3A_209 = arith.constant 1 : i32
      "tpu.region"() ({
        %run_scoped3A_249 = tpu.sem_alloc : memref<!tpu.dma_semaphore, #tpu.memory_space<semaphore_mem>>
        %dma_start3A_250 = arith.constant 0 : i32
        %dma_start3A_251 = tpu.memref_slice %arg13[%run_scoped3A_209, %dma_start3A_250] : memref<3x128xi32, #tpu.memory_space<vmem>> -> memref<1x128xi32, #tpu.memory_space<vmem>>
        %dma_start3A_252 = tpu.memref_squeeze %dma_start3A_251 : memref<1x128xi32, #tpu.memory_space<vmem>> -> memref<128xi32, #tpu.memory_space<vmem>>
        %dma_start3A_253 = arith.constant 0 : i32
        %dma_start3A_254 = arith.constant 0 : i32
        %dma_start3A_255 = tpu.memref_slice %arg14[%dma_start3A_253, %dma_start3A_254] : memref<10112x128xf32, #tpu.memory_space<vmem_shared>> -> memref<10112x128xf32, #tpu.memory_space<vmem_shared>>
        tpu.enqueue_indirect_dma source(%arg8 : memref<128x128xf32, #tpu.memory_space<vmem>>) target(%dma_start3A_255 : memref<10112x128xf32, #tpu.memory_space<vmem_shared>>) offsets(%dma_start3A_252 : memref<128xi32, #tpu.memory_space<vmem>>) semaphore(%run_scoped3A_249 : memref<!tpu.dma_semaphore, #tpu.memory_space<semaphore_mem>>) {add = true}
        %dma_wait3A_256 = arith.constant 0 : i32
        %dma_wait3A_257 = tpu.memref_slice %arg13[%run_scoped3A_209, %dma_wait3A_256] : memref<3x128xi32, #tpu.memory_space<vmem>> -> memref<1x128xi32, #tpu.memory_space<vmem>>
        %dma_wait3A_258 = tpu.memref_squeeze %dma_wait3A_257 : memref<1x128xi32, #tpu.memory_space<vmem>> -> memref<128xi32, #tpu.memory_space<vmem>>
        %dma_wait3A_259 = arith.constant 0 : i32
        %dma_wait3A_260 = arith.constant 0 : i32
        %dma_wait3A_261 = tpu.memref_slice %arg14[%dma_wait3A_259, %dma_wait3A_260] : memref<10112x128xf32, #tpu.memory_space<vmem_shared>> -> memref<10112x128xf32, #tpu.memory_space<vmem_shared>>
        tpu.wait_indirect_dma semaphore(%run_scoped3A_249 : memref<!tpu.dma_semaphore, #tpu.memory_space<semaphore_mem>>) src(%arg8 : memref<128x128xf32, #tpu.memory_space<vmem>>) dst(%dma_wait3A_261 : memref<10112x128xf32, #tpu.memory_space<vmem_shared>>)
        tpu.yield
      }) : () -> ()
      %add3A_210 = arith.constant 3 : i32
      %add3A_211 = arith.addi %add3A_184, %add3A_210 : i32
      %lt3A_212 = arith.cmpi slt, %add3A_211, %select_n3A : i32
      %convert_element_type3A_213 = arith.extui %lt3A_212 : i1 to i32
      %cond3A_214 = arith.constant 0 : i32
      %cond3A_215 = arith.cmpi ne, %convert_element_type3A_213, %cond3A_214 : i32
      scf.if %cond3A_215 {
        %add3A_249 = arith.addi %select_n3A_8, %add3A_184 : i32
        %add3A_250 = arith.constant 3 : i32
        %add3A_251 = arith.addi %add3A_249, %add3A_250 : i32
        %lt3A_252 = arith.constant 2500 : i32
        %lt3A_253 = arith.cmpi slt, %add3A_251, %lt3A_252 : i32
        %convert_element_type3A_254 = arith.extui %lt3A_253 : i1 to i32
        %cond3A_255 = arith.constant 1 : i32
        %cond3A_256 = arith.constant 0 : i32
        %cond3A_257 = arith.cmpi ne, %convert_element_type3A_254, %cond3A_256 : i32
        scf.if %cond3A_257 {
          %mul3A_275 = arith.constant 128 : i32
          %mul3A_276 = arith.muli %add3A_251, %mul3A_275 : i32
          %dma_start3A_277 = arith.constant 1 : i32
          %dma_start3A_278 = arith.constant 0 : i32
          %dma_start3A_279 = tpu.memref_slice %arg13[%cond3A_255, %dma_start3A_278] : memref<3x128xi32, #tpu.memory_space<vmem>> -> memref<1x128xi32, #tpu.memory_space<vmem>>
          %dma_start3A_280 = tpu.memref_squeeze %dma_start3A_279 : memref<1x128xi32, #tpu.memory_space<vmem>> -> memref<128xi32, #tpu.memory_space<vmem>>
          %dma_start3A_281 = tpu.memref_slice %arg3[%dma_start3A_277, %mul3A_276] : memref<2x320000xi32, #tpu.memory_space<hbm>> -> memref<1x128xi32, #tpu.memory_space<hbm>>
          %dma_start3A_282 = tpu.memref_squeeze %dma_start3A_281 : memref<1x128xi32, #tpu.memory_space<hbm>> -> memref<128xi32, #tpu.memory_space<hbm>>
          %dma_start3A_283 = arith.constant 0 : i32
          %dma_start3A_284 = tpu.memref_slice %arg13[%cond3A_255, %dma_start3A_283] : memref<3x128xi32, #tpu.memory_space<vmem>> -> memref<1x128xi32, #tpu.memory_space<vmem>>
          %dma_start3A_285 = tpu.memref_squeeze %dma_start3A_284 : memref<1x128xi32, #tpu.memory_space<vmem>> -> memref<128xi32, #tpu.memory_space<vmem>>
          %dma_start3A_286 = tpu.memref_slice %arg3[%dma_start3A_277, %mul3A_276] : memref<2x320000xi32, #tpu.memory_space<hbm>> -> memref<1x128xi32, #tpu.memory_space<hbm>>
          %dma_start3A_287 = tpu.memref_squeeze %dma_start3A_286 : memref<1x128xi32, #tpu.memory_space<hbm>> -> memref<128xi32, #tpu.memory_space<hbm>>
          tpu.enqueue_dma source(%dma_start3A_287 : memref<128xi32, #tpu.memory_space<hbm>>) target(%dma_start3A_285 : memref<128xi32, #tpu.memory_space<vmem>>) target_semaphore(%arg22 : memref<!tpu.dma_semaphore, #tpu.memory_space<semaphore_mem>>)
        } else {
        }
        %ge3A_258 = arith.constant 2500 : i32
        %ge3A_259 = arith.cmpi sge, %add3A_251, %ge3A_258 : i32
        %convert_element_type3A_260 = arith.extui %ge3A_259 : i1 to i32
        %cond3A_261 = arith.constant 1 : i32
        %cond3A_262 = arith.constant 0 : i32
        %cond3A_263 = arith.cmpi ne, %convert_element_type3A_260, %cond3A_262 : i32
        scf.if %cond3A_263 {
          %sub3A_275 = arith.constant 2500 : i32
          %sub3A_276 = arith.subi %add3A_251, %sub3A_275 : i32
          %dma_start3A_277 = arith.constant 1 : i32
          %dma_start3A_278 = arith.constant 0 : i32
          %dma_start3A_279 = tpu.memref_slice %arg13[%cond3A_261, %dma_start3A_278] : memref<3x128xi32, #tpu.memory_space<vmem>> -> memref<1x128xi32, #tpu.memory_space<vmem>>
          %dma_start3A_280 = tpu.memref_squeeze %dma_start3A_279 : memref<1x128xi32, #tpu.memory_space<vmem>> -> memref<128xi32, #tpu.memory_space<vmem>>
          %dma_start3A_281 = arith.constant 0 : i32
          %dma_start3A_282 = tpu.memref_slice %arg4[%dma_start3A_277, %sub3A_276, %dma_start3A_281] : memref<2x92x128xi32, #tpu.memory_space<hbm>> -> memref<1x1x128xi32, #tpu.memory_space<hbm>>
          %dma_start3A_283 = tpu.memref_squeeze %dma_start3A_282 : memref<1x1x128xi32, #tpu.memory_space<hbm>> -> memref<128xi32, #tpu.memory_space<hbm>>
          %dma_start3A_284 = arith.constant 0 : i32
          %dma_start3A_285 = tpu.memref_slice %arg13[%cond3A_261, %dma_start3A_284] : memref<3x128xi32, #tpu.memory_space<vmem>> -> memref<1x128xi32, #tpu.memory_space<vmem>>
          %dma_start3A_286 = tpu.memref_squeeze %dma_start3A_285 : memref<1x128xi32, #tpu.memory_space<vmem>> -> memref<128xi32, #tpu.memory_space<vmem>>
          %dma_start3A_287 = arith.constant 0 : i32
          %dma_start3A_288 = tpu.memref_slice %arg4[%dma_start3A_277, %sub3A_276, %dma_start3A_287] : memref<2x92x128xi32, #tpu.memory_space<hbm>> -> memref<1x1x128xi32, #tpu.memory_space<hbm>>
          %dma_start3A_289 = tpu.memref_squeeze %dma_start3A_288 : memref<1x1x128xi32, #tpu.memory_space<hbm>> -> memref<128xi32, #tpu.memory_space<hbm>>
          tpu.enqueue_dma source(%dma_start3A_289 : memref<128xi32, #tpu.memory_space<hbm>>) target(%dma_start3A_286 : memref<128xi32, #tpu.memory_space<vmem>>) target_semaphore(%arg22 : memref<!tpu.dma_semaphore, #tpu.memory_space<semaphore_mem>>)
        } else {
        }
        %dma_wait3A_264 = arith.constant 0 : i32
        %dma_wait3A_265 = arith.constant 0 : i32
        %dma_wait3A_266 = arith.constant 0 : i32
        %dma_wait3A_267 = tpu.memref_slice %arg4[%dma_wait3A_264, %dma_wait3A_265, %dma_wait3A_266] : memref<2x92x128xi32, #tpu.memory_space<hbm>> -> memref<1x1x128xi32, #tpu.memory_space<hbm>>
        %dma_wait3A_268 = tpu.memref_squeeze %dma_wait3A_267 : memref<1x1x128xi32, #tpu.memory_space<hbm>> -> memref<128xi32, #tpu.memory_space<hbm>>
        %dma_wait3A_269 = arith.constant 0 : i32
        %dma_wait3A_270 = tpu.memref_slice %arg4[%dma_wait3A_264, %dma_wait3A_265, %dma_wait3A_269] : memref<2x92x128xi32, #tpu.memory_space<hbm>> -> memref<1x1x128xi32, #tpu.memory_space<hbm>>
        %dma_wait3A_271 = tpu.memref_squeeze %dma_wait3A_270 : memref<1x1x128xi32, #tpu.memory_space<hbm>> -> memref<128xi32, #tpu.memory_space<hbm>>
        tpu.wait_dma2 semaphore(%arg19 : memref<!tpu.dma_semaphore, #tpu.memory_space<semaphore_mem>>) src(%dma_wait3A_271 : memref<128xi32, #tpu.memory_space<hbm>>) dst(%arg11 : memref<128xi32, #tpu.memory_space<vmem>>)
        %dma_start3A_272 = arith.constant 0 : i32
        %dma_start3A_273 = arith.constant 0 : i32
        %dma_start3A_274 = tpu.memref_slice %arg2[%dma_start3A_272, %dma_start3A_273] : memref<10000x128xf32, #tpu.memory_space<hbm>> -> memref<10000x128xf32, #tpu.memory_space<hbm>>
        tpu.enqueue_indirect_dma source(%dma_start3A_274 : memref<10000x128xf32, #tpu.memory_space<hbm>>) target(%arg8 : memref<128x128xf32, #tpu.memory_space<vmem>>) offsets(%arg11 : memref<128xi32, #tpu.memory_space<vmem>>) semaphore(%arg16 : memref<!tpu.dma_semaphore, #tpu.memory_space<semaphore_mem>>)
      } else {
      }
      %add3A_216 = arith.constant 2 : i32
      %add3A_217 = arith.addi %mul3A_150, %add3A_216 : i32
      %dma_wait3A_218 = arith.constant 0 : i32
      %dma_wait3A_219 = arith.constant 0 : i32
      %dma_wait3A_220 = tpu.memref_slice %arg2[%dma_wait3A_218, %dma_wait3A_219] : memref<10000x128xf32, #tpu.memory_space<hbm>> -> memref<10000x128xf32, #tpu.memory_space<hbm>>
      tpu.wait_indirect_dma semaphore(%arg17 : memref<!tpu.dma_semaphore, #tpu.memory_space<semaphore_mem>>) src(%dma_wait3A_220 : memref<10000x128xf32, #tpu.memory_space<hbm>>) dst(%arg9 : memref<128x128xf32, #tpu.memory_space<vmem>>)
      %add3A_221 = arith.constant 3 : i32
      %add3A_222 = arith.addi %add3A_217, %add3A_221 : i32
      %lt3A_223 = arith.cmpi slt, %add3A_222, %select_n3A : i32
      %convert_element_type3A_224 = arith.extui %lt3A_223 : i1 to i32
      %cond3A_225 = arith.constant 0 : i32
      %cond3A_226 = arith.cmpi ne, %convert_element_type3A_224, %cond3A_225 : i32
      scf.if %cond3A_226 {
        %add3A_249 = arith.addi %select_n3A_8, %add3A_217 : i32
        %add3A_250 = arith.constant 3 : i32
        %add3A_251 = arith.addi %add3A_249, %add3A_250 : i32
        %lt3A_252 = arith.constant 2500 : i32
        %lt3A_253 = arith.cmpi slt, %add3A_251, %lt3A_252 : i32
        %convert_element_type3A_254 = arith.extui %lt3A_253 : i1 to i32
        %cond3A_255 = arith.constant 0 : i32
        %cond3A_256 = arith.cmpi ne, %convert_element_type3A_254, %cond3A_255 : i32
        scf.if %cond3A_256 {
          %mul3A_262 = arith.constant 128 : i32
          %mul3A_263 = arith.muli %add3A_251, %mul3A_262 : i32
          %dma_start3A_264 = arith.constant 0 : i32
          %dma_start3A_265 = tpu.memref_slice %arg3[%dma_start3A_264, %mul3A_263] : memref<2x320000xi32, #tpu.memory_space<hbm>> -> memref<1x128xi32, #tpu.memory_space<hbm>>
          %dma_start3A_266 = tpu.memref_squeeze %dma_start3A_265 : memref<1x128xi32, #tpu.memory_space<hbm>> -> memref<128xi32, #tpu.memory_space<hbm>>
          %dma_start3A_267 = tpu.memref_slice %arg3[%dma_start3A_264, %mul3A_263] : memref<2x320000xi32, #tpu.memory_space<hbm>> -> memref<1x128xi32, #tpu.memory_space<hbm>>
          %dma_start3A_268 = tpu.memref_squeeze %dma_start3A_267 : memref<1x128xi32, #tpu.memory_space<hbm>> -> memref<128xi32, #tpu.memory_space<hbm>>
          tpu.enqueue_dma source(%dma_start3A_268 : memref<128xi32, #tpu.memory_space<hbm>>) target(%arg12 : memref<128xi32, #tpu.memory_space<vmem>>) target_semaphore(%arg20 : memref<!tpu.dma_semaphore, #tpu.memory_space<semaphore_mem>>)
        } else {
        }
        %ge3A_257 = arith.constant 2500 : i32
        %ge3A_258 = arith.cmpi sge, %add3A_251, %ge3A_257 : i32
        %convert_element_type3A_259 = arith.extui %ge3A_258 : i1 to i32
        %cond3A_260 = arith.constant 0 : i32
        %cond3A_261 = arith.cmpi ne, %convert_element_type3A_259, %cond3A_260 : i32
        scf.if %cond3A_261 {
          %sub3A_262 = arith.constant 2500 : i32
          %sub3A_263 = arith.subi %add3A_251, %sub3A_262 : i32
          %dma_start3A_264 = arith.constant 0 : i32
          %dma_start3A_265 = arith.constant 0 : i32
          %dma_start3A_266 = tpu.memref_slice %arg4[%dma_start3A_264, %sub3A_263, %dma_start3A_265] : memref<2x92x128xi32, #tpu.memory_space<hbm>> -> memref<1x1x128xi32, #tpu.memory_space<hbm>>
          %dma_start3A_267 = tpu.memref_squeeze %dma_start3A_266 : memref<1x1x128xi32, #tpu.memory_space<hbm>> -> memref<128xi32, #tpu.memory_space<hbm>>
          %dma_start3A_268 = arith.constant 0 : i32
          %dma_start3A_269 = tpu.memref_slice %arg4[%dma_start3A_264, %sub3A_263, %dma_start3A_268] : memref<2x92x128xi32, #tpu.memory_space<hbm>> -> memref<1x1x128xi32, #tpu.memory_space<hbm>>
          %dma_start3A_270 = tpu.memref_squeeze %dma_start3A_269 : memref<1x1x128xi32, #tpu.memory_space<hbm>> -> memref<128xi32, #tpu.memory_space<hbm>>
          tpu.enqueue_dma source(%dma_start3A_270 : memref<128xi32, #tpu.memory_space<hbm>>) target(%arg12 : memref<128xi32, #tpu.memory_space<vmem>>) target_semaphore(%arg20 : memref<!tpu.dma_semaphore, #tpu.memory_space<semaphore_mem>>)
        } else {
        }
      } else {
      }
      %dma_wait3A_227 = arith.constant 0 : i32
      %dma_wait3A_228 = arith.constant 0 : i32
      %dma_wait3A_229 = arith.constant 2 : i32
      %dma_wait3A_230 = arith.constant 0 : i32
      %dma_wait3A_231 = tpu.memref_slice %arg13[%dma_wait3A_229, %dma_wait3A_230] : memref<3x128xi32, #tpu.memory_space<vmem>> -> memref<1x128xi32, #tpu.memory_space<vmem>>
      %dma_wait3A_232 = tpu.memref_squeeze %dma_wait3A_231 : memref<1x128xi32, #tpu.memory_space<vmem>> -> memref<128xi32, #tpu.memory_space<vmem>>
      %dma_wait3A_233 = arith.constant 0 : i32
      %dma_wait3A_234 = tpu.memref_slice %arg4[%dma_wait3A_227, %dma_wait3A_228, %dma_wait3A_233] : memref<2x92x128xi32, #tpu.memory_space<hbm>> -> memref<1x1x128xi32, #tpu.memory_space<hbm>>
      %dma_wait3A_235 = tpu.memref_squeeze %dma_wait3A_234 : memref<1x1x128xi32, #tpu.memory_space<hbm>> -> memref<128xi32, #tpu.memory_space<hbm>>
      %dma_wait3A_236 = arith.constant 0 : i32
      %dma_wait3A_237 = tpu.memref_slice %arg13[%dma_wait3A_229, %dma_wait3A_236] : memref<3x128xi32, #tpu.memory_space<vmem>> -> memref<1x128xi32, #tpu.memory_space<vmem>>
      %dma_wait3A_238 = tpu.memref_squeeze %dma_wait3A_237 : memref<1x128xi32, #tpu.memory_space<vmem>> -> memref<128xi32, #tpu.memory_space<vmem>>
      %dma_wait3A_239 = arith.constant 0 : i32
      %dma_wait3A_240 = tpu.memref_slice %arg4[%dma_wait3A_227, %dma_wait3A_228, %dma_wait3A_239] : memref<2x92x128xi32, #tpu.memory_space<hbm>> -> memref<1x1x128xi32, #tpu.memory_space<hbm>>
      %dma_wait3A_241 = tpu.memref_squeeze %dma_wait3A_240 : memref<1x1x128xi32, #tpu.memory_space<hbm>> -> memref<128xi32, #tpu.memory_space<hbm>>
      tpu.wait_dma2 semaphore(%arg23 : memref<!tpu.dma_semaphore, #tpu.memory_space<semaphore_mem>>) src(%dma_wait3A_241 : memref<128xi32, #tpu.memory_space<hbm>>) dst(%dma_wait3A_238 : memref<128xi32, #tpu.memory_space<vmem>>)
      %run_scoped3A_242 = arith.constant 2 : i32
      "tpu.region"() ({
        %run_scoped3A_249 = tpu.sem_alloc : memref<!tpu.dma_semaphore, #tpu.memory_space<semaphore_mem>>
        %dma_start3A_250 = arith.constant 0 : i32
        %dma_start3A_251 = tpu.memref_slice %arg13[%run_scoped3A_242, %dma_start3A_250] : memref<3x128xi32, #tpu.memory_space<vmem>> -> memref<1x128xi32, #tpu.memory_space<vmem>>
        %dma_start3A_252 = tpu.memref_squeeze %dma_start3A_251 : memref<1x128xi32, #tpu.memory_space<vmem>> -> memref<128xi32, #tpu.memory_space<vmem>>
        %dma_start3A_253 = arith.constant 0 : i32
        %dma_start3A_254 = arith.constant 0 : i32
        %dma_start3A_255 = tpu.memref_slice %arg14[%dma_start3A_253, %dma_start3A_254] : memref<10112x128xf32, #tpu.memory_space<vmem_shared>> -> memref<10112x128xf32, #tpu.memory_space<vmem_shared>>
        tpu.enqueue_indirect_dma source(%arg9 : memref<128x128xf32, #tpu.memory_space<vmem>>) target(%dma_start3A_255 : memref<10112x128xf32, #tpu.memory_space<vmem_shared>>) offsets(%dma_start3A_252 : memref<128xi32, #tpu.memory_space<vmem>>) semaphore(%run_scoped3A_249 : memref<!tpu.dma_semaphore, #tpu.memory_space<semaphore_mem>>) {add = true}
        %dma_wait3A_256 = arith.constant 0 : i32
        %dma_wait3A_257 = tpu.memref_slice %arg13[%run_scoped3A_242, %dma_wait3A_256] : memref<3x128xi32, #tpu.memory_space<vmem>> -> memref<1x128xi32, #tpu.memory_space<vmem>>
        %dma_wait3A_258 = tpu.memref_squeeze %dma_wait3A_257 : memref<1x128xi32, #tpu.memory_space<vmem>> -> memref<128xi32, #tpu.memory_space<vmem>>
        %dma_wait3A_259 = arith.constant 0 : i32
        %dma_wait3A_260 = arith.constant 0 : i32
        %dma_wait3A_261 = tpu.memref_slice %arg14[%dma_wait3A_259, %dma_wait3A_260] : memref<10112x128xf32, #tpu.memory_space<vmem_shared>> -> memref<10112x128xf32, #tpu.memory_space<vmem_shared>>
        tpu.wait_indirect_dma semaphore(%run_scoped3A_249 : memref<!tpu.dma_semaphore, #tpu.memory_space<semaphore_mem>>) src(%arg9 : memref<128x128xf32, #tpu.memory_space<vmem>>) dst(%dma_wait3A_261 : memref<10112x128xf32, #tpu.memory_space<vmem_shared>>)
        tpu.yield
      }) : () -> ()
      %add3A_243 = arith.constant 3 : i32
      %add3A_244 = arith.addi %add3A_217, %add3A_243 : i32
      %lt3A_245 = arith.cmpi slt, %add3A_244, %select_n3A : i32
      %convert_element_type3A_246 = arith.extui %lt3A_245 : i1 to i32
      %cond3A_247 = arith.constant 0 : i32
      %cond3A_248 = arith.cmpi ne, %convert_element_type3A_246, %cond3A_247 : i32
      scf.if %cond3A_248 {
        %add3A_249 = arith.addi %select_n3A_8, %add3A_217 : i32
        %add3A_250 = arith.constant 3 : i32
        %add3A_251 = arith.addi %add3A_249, %add3A_250 : i32
        %lt3A_252 = arith.constant 2500 : i32
        %lt3A_253 = arith.cmpi slt, %add3A_251, %lt3A_252 : i32
        %convert_element_type3A_254 = arith.extui %lt3A_253 : i1 to i32
        %cond3A_255 = arith.constant 2 : i32
        %cond3A_256 = arith.constant 0 : i32
        %cond3A_257 = arith.cmpi ne, %convert_element_type3A_254, %cond3A_256 : i32
        scf.if %cond3A_257 {
          %mul3A_275 = arith.constant 128 : i32
          %mul3A_276 = arith.muli %add3A_251, %mul3A_275 : i32
          %dma_start3A_277 = arith.constant 1 : i32
          %dma_start3A_278 = arith.constant 0 : i32
          %dma_start3A_279 = tpu.memref_slice %arg13[%cond3A_255, %dma_start3A_278] : memref<3x128xi32, #tpu.memory_space<vmem>> -> memref<1x128xi32, #tpu.memory_space<vmem>>
          %dma_start3A_280 = tpu.memref_squeeze %dma_start3A_279 : memref<1x128xi32, #tpu.memory_space<vmem>> -> memref<128xi32, #tpu.memory_space<vmem>>
          %dma_start3A_281 = tpu.memref_slice %arg3[%dma_start3A_277, %mul3A_276] : memref<2x320000xi32, #tpu.memory_space<hbm>> -> memref<1x128xi32, #tpu.memory_space<hbm>>
          %dma_start3A_282 = tpu.memref_squeeze %dma_start3A_281 : memref<1x128xi32, #tpu.memory_space<hbm>> -> memref<128xi32, #tpu.memory_space<hbm>>
          %dma_start3A_283 = arith.constant 0 : i32
          %dma_start3A_284 = tpu.memref_slice %arg13[%cond3A_255, %dma_start3A_283] : memref<3x128xi32, #tpu.memory_space<vmem>> -> memref<1x128xi32, #tpu.memory_space<vmem>>
          %dma_start3A_285 = tpu.memref_squeeze %dma_start3A_284 : memref<1x128xi32, #tpu.memory_space<vmem>> -> memref<128xi32, #tpu.memory_space<vmem>>
          %dma_start3A_286 = tpu.memref_slice %arg3[%dma_start3A_277, %mul3A_276] : memref<2x320000xi32, #tpu.memory_space<hbm>> -> memref<1x128xi32, #tpu.memory_space<hbm>>
          %dma_start3A_287 = tpu.memref_squeeze %dma_start3A_286 : memref<1x128xi32, #tpu.memory_space<hbm>> -> memref<128xi32, #tpu.memory_space<hbm>>
          tpu.enqueue_dma source(%dma_start3A_287 : memref<128xi32, #tpu.memory_space<hbm>>) target(%dma_start3A_285 : memref<128xi32, #tpu.memory_space<vmem>>) target_semaphore(%arg23 : memref<!tpu.dma_semaphore, #tpu.memory_space<semaphore_mem>>)
        } else {
        }
        %ge3A_258 = arith.constant 2500 : i32
        %ge3A_259 = arith.cmpi sge, %add3A_251, %ge3A_258 : i32
        %convert_element_type3A_260 = arith.extui %ge3A_259 : i1 to i32
        %cond3A_261 = arith.constant 2 : i32
        %cond3A_262 = arith.constant 0 : i32
        %cond3A_263 = arith.cmpi ne, %convert_element_type3A_260, %cond3A_262 : i32
        scf.if %cond3A_263 {
          %sub3A_275 = arith.constant 2500 : i32
          %sub3A_276 = arith.subi %add3A_251, %sub3A_275 : i32
          %dma_start3A_277 = arith.constant 1 : i32
          %dma_start3A_278 = arith.constant 0 : i32
          %dma_start3A_279 = tpu.memref_slice %arg13[%cond3A_261, %dma_start3A_278] : memref<3x128xi32, #tpu.memory_space<vmem>> -> memref<1x128xi32, #tpu.memory_space<vmem>>
          %dma_start3A_280 = tpu.memref_squeeze %dma_start3A_279 : memref<1x128xi32, #tpu.memory_space<vmem>> -> memref<128xi32, #tpu.memory_space<vmem>>
          %dma_start3A_281 = arith.constant 0 : i32
          %dma_start3A_282 = tpu.memref_slice %arg4[%dma_start3A_277, %sub3A_276, %dma_start3A_281] : memref<2x92x128xi32, #tpu.memory_space<hbm>> -> memref<1x1x128xi32, #tpu.memory_space<hbm>>
          %dma_start3A_283 = tpu.memref_squeeze %dma_start3A_282 : memref<1x1x128xi32, #tpu.memory_space<hbm>> -> memref<128xi32, #tpu.memory_space<hbm>>
          %dma_start3A_284 = arith.constant 0 : i32
          %dma_start3A_285 = tpu.memref_slice %arg13[%cond3A_261, %dma_start3A_284] : memref<3x128xi32, #tpu.memory_space<vmem>> -> memref<1x128xi32, #tpu.memory_space<vmem>>
          %dma_start3A_286 = tpu.memref_squeeze %dma_start3A_285 : memref<1x128xi32, #tpu.memory_space<vmem>> -> memref<128xi32, #tpu.memory_space<vmem>>
          %dma_start3A_287 = arith.constant 0 : i32
          %dma_start3A_288 = tpu.memref_slice %arg4[%dma_start3A_277, %sub3A_276, %dma_start3A_287] : memref<2x92x128xi32, #tpu.memory_space<hbm>> -> memref<1x1x128xi32, #tpu.memory_space<hbm>>
          %dma_start3A_289 = tpu.memref_squeeze %dma_start3A_288 : memref<1x1x128xi32, #tpu.memory_space<hbm>> -> memref<128xi32, #tpu.memory_space<hbm>>
          tpu.enqueue_dma source(%dma_start3A_289 : memref<128xi32, #tpu.memory_space<hbm>>) target(%dma_start3A_286 : memref<128xi32, #tpu.memory_space<vmem>>) target_semaphore(%arg23 : memref<!tpu.dma_semaphore, #tpu.memory_space<semaphore_mem>>)
        } else {
        }
        %dma_wait3A_264 = arith.constant 0 : i32
        %dma_wait3A_265 = arith.constant 0 : i32
        %dma_wait3A_266 = arith.constant 0 : i32
        %dma_wait3A_267 = tpu.memref_slice %arg4[%dma_wait3A_264, %dma_wait3A_265, %dma_wait3A_266] : memref<2x92x128xi32, #tpu.memory_space<hbm>> -> memref<1x1x128xi32, #tpu.memory_space<hbm>>
        %dma_wait3A_268 = tpu.memref_squeeze %dma_wait3A_267 : memref<1x1x128xi32, #tpu.memory_space<hbm>> -> memref<128xi32, #tpu.memory_space<hbm>>
        %dma_wait3A_269 = arith.constant 0 : i32
        %dma_wait3A_270 = tpu.memref_slice %arg4[%dma_wait3A_264, %dma_wait3A_265, %dma_wait3A_269] : memref<2x92x128xi32, #tpu.memory_space<hbm>> -> memref<1x1x128xi32, #tpu.memory_space<hbm>>
        %dma_wait3A_271 = tpu.memref_squeeze %dma_wait3A_270 : memref<1x1x128xi32, #tpu.memory_space<hbm>> -> memref<128xi32, #tpu.memory_space<hbm>>
        tpu.wait_dma2 semaphore(%arg20 : memref<!tpu.dma_semaphore, #tpu.memory_space<semaphore_mem>>) src(%dma_wait3A_271 : memref<128xi32, #tpu.memory_space<hbm>>) dst(%arg12 : memref<128xi32, #tpu.memory_space<vmem>>)
        %dma_start3A_272 = arith.constant 0 : i32
        %dma_start3A_273 = arith.constant 0 : i32
        %dma_start3A_274 = tpu.memref_slice %arg2[%dma_start3A_272, %dma_start3A_273] : memref<10000x128xf32, #tpu.memory_space<hbm>> -> memref<10000x128xf32, #tpu.memory_space<hbm>>
        tpu.enqueue_indirect_dma source(%dma_start3A_274 : memref<10000x128xf32, #tpu.memory_space<hbm>>) target(%arg9 : memref<128x128xf32, #tpu.memory_space<vmem>>) offsets(%arg12 : memref<128xi32, #tpu.memory_space<vmem>>) semaphore(%arg17 : memref<!tpu.dma_semaphore, #tpu.memory_space<semaphore_mem>>)
      } else {
      }
    }
    %while3A_142 = arith.constant 1 : i32
    scf.for %while3A_148 = %while3A_140 to %while3A_136 step %while3A_142  : i32 {
      %mul3A_149 = arith.constant 3 : i32
      %mul3A_150 = arith.muli %while3A_148, %mul3A_149 : i32
      %add3A_151 = arith.constant 0 : i32
      %add3A_152 = arith.addi %mul3A_150, %add3A_151 : i32
      %dma_wait3A_153 = arith.constant 0 : i32
      %dma_wait3A_154 = arith.constant 0 : i32
      %dma_wait3A_155 = tpu.memref_slice %arg2[%dma_wait3A_153, %dma_wait3A_154] : memref<10000x128xf32, #tpu.memory_space<hbm>> -> memref<10000x128xf32, #tpu.memory_space<hbm>>
      tpu.wait_indirect_dma semaphore(%arg15 : memref<!tpu.dma_semaphore, #tpu.memory_space<semaphore_mem>>) src(%dma_wait3A_155 : memref<10000x128xf32, #tpu.memory_space<hbm>>) dst(%arg7 : memref<128x128xf32, #tpu.memory_space<vmem>>)
      %add3A_156 = arith.constant 3 : i32
      %add3A_157 = arith.addi %add3A_152, %add3A_156 : i32
      %lt3A_158 = arith.cmpi slt, %add3A_157, %select_n3A : i32
      %convert_element_type3A_159 = arith.extui %lt3A_158 : i1 to i32
      %cond3A_160 = arith.constant 0 : i32
      %cond3A_161 = arith.cmpi ne, %convert_element_type3A_159, %cond3A_160 : i32
      scf.if %cond3A_161 {
        %add3A_249 = arith.addi %select_n3A_8, %add3A_152 : i32
        %add3A_250 = arith.constant 3 : i32
        %add3A_251 = arith.addi %add3A_249, %add3A_250 : i32
        %lt3A_252 = arith.constant 2500 : i32
        %lt3A_253 = arith.cmpi slt, %add3A_251, %lt3A_252 : i32
        %convert_element_type3A_254 = arith.extui %lt3A_253 : i1 to i32
        %cond3A_255 = arith.constant 0 : i32
        %cond3A_256 = arith.cmpi ne, %convert_element_type3A_254, %cond3A_255 : i32
        scf.if %cond3A_256 {
          %mul3A_262 = arith.constant 128 : i32
          %mul3A_263 = arith.muli %add3A_251, %mul3A_262 : i32
          %dma_start3A_264 = arith.constant 0 : i32
          %dma_start3A_265 = tpu.memref_slice %arg3[%dma_start3A_264, %mul3A_263] : memref<2x320000xi32, #tpu.memory_space<hbm>> -> memref<1x128xi32, #tpu.memory_space<hbm>>
          %dma_start3A_266 = tpu.memref_squeeze %dma_start3A_265 : memref<1x128xi32, #tpu.memory_space<hbm>> -> memref<128xi32, #tpu.memory_space<hbm>>
          %dma_start3A_267 = tpu.memref_slice %arg3[%dma_start3A_264, %mul3A_263] : memref<2x320000xi32, #tpu.memory_space<hbm>> -> memref<1x128xi32, #tpu.memory_space<hbm>>
          %dma_start3A_268 = tpu.memref_squeeze %dma_start3A_267 : memref<1x128xi32, #tpu.memory_space<hbm>> -> memref<128xi32, #tpu.memory_space<hbm>>
          tpu.enqueue_dma source(%dma_start3A_268 : memref<128xi32, #tpu.memory_space<hbm>>) target(%arg10 : memref<128xi32, #tpu.memory_space<vmem>>) target_semaphore(%arg18 : memref<!tpu.dma_semaphore, #tpu.memory_space<semaphore_mem>>)
        } else {
        }
        %ge3A_257 = arith.constant 2500 : i32
        %ge3A_258 = arith.cmpi sge, %add3A_251, %ge3A_257 : i32
        %convert_element_type3A_259 = arith.extui %ge3A_258 : i1 to i32
        %cond3A_260 = arith.constant 0 : i32
        %cond3A_261 = arith.cmpi ne, %convert_element_type3A_259, %cond3A_260 : i32
        scf.if %cond3A_261 {
          %sub3A_262 = arith.constant 2500 : i32
          %sub3A_263 = arith.subi %add3A_251, %sub3A_262 : i32
          %dma_start3A_264 = arith.constant 0 : i32
          %dma_start3A_265 = arith.constant 0 : i32
          %dma_start3A_266 = tpu.memref_slice %arg4[%dma_start3A_264, %sub3A_263, %dma_start3A_265] : memref<2x92x128xi32, #tpu.memory_space<hbm>> -> memref<1x1x128xi32, #tpu.memory_space<hbm>>
          %dma_start3A_267 = tpu.memref_squeeze %dma_start3A_266 : memref<1x1x128xi32, #tpu.memory_space<hbm>> -> memref<128xi32, #tpu.memory_space<hbm>>
          %dma_start3A_268 = arith.constant 0 : i32
          %dma_start3A_269 = tpu.memref_slice %arg4[%dma_start3A_264, %sub3A_263, %dma_start3A_268] : memref<2x92x128xi32, #tpu.memory_space<hbm>> -> memref<1x1x128xi32, #tpu.memory_space<hbm>>
          %dma_start3A_270 = tpu.memref_squeeze %dma_start3A_269 : memref<1x1x128xi32, #tpu.memory_space<hbm>> -> memref<128xi32, #tpu.memory_space<hbm>>
          tpu.enqueue_dma source(%dma_start3A_270 : memref<128xi32, #tpu.memory_space<hbm>>) target(%arg10 : memref<128xi32, #tpu.memory_space<vmem>>) target_semaphore(%arg18 : memref<!tpu.dma_semaphore, #tpu.memory_space<semaphore_mem>>)
        } else {
        }
      } else {
      }
      %dma_wait3A_162 = arith.constant 0 : i32
      %dma_wait3A_163 = arith.constant 0 : i32
      %dma_wait3A_164 = arith.constant 0 : i32
      %dma_wait3A_165 = arith.constant 0 : i32
      %dma_wait3A_166 = tpu.memref_slice %arg13[%dma_wait3A_164, %dma_wait3A_165] : memref<3x128xi32, #tpu.memory_space<vmem>> -> memref<1x128xi32, #tpu.memory_space<vmem>>
      %dma_wait3A_167 = tpu.memref_squeeze %dma_wait3A_166 : memref<1x128xi32, #tpu.memory_space<vmem>> -> memref<128xi32, #tpu.memory_space<vmem>>
      %dma_wait3A_168 = arith.constant 0 : i32
      %dma_wait3A_169 = tpu.memref_slice %arg4[%dma_wait3A_162, %dma_wait3A_163, %dma_wait3A_168] : memref<2x92x128xi32, #tpu.memory_space<hbm>> -> memref<1x1x128xi32, #tpu.memory_space<hbm>>
      %dma_wait3A_170 = tpu.memref_squeeze %dma_wait3A_169 : memref<1x1x128xi32, #tpu.memory_space<hbm>> -> memref<128xi32, #tpu.memory_space<hbm>>
      %dma_wait3A_171 = arith.constant 0 : i32
      %dma_wait3A_172 = tpu.memref_slice %arg13[%dma_wait3A_164, %dma_wait3A_171] : memref<3x128xi32, #tpu.memory_space<vmem>> -> memref<1x128xi32, #tpu.memory_space<vmem>>
      %dma_wait3A_173 = tpu.memref_squeeze %dma_wait3A_172 : memref<1x128xi32, #tpu.memory_space<vmem>> -> memref<128xi32, #tpu.memory_space<vmem>>
      %dma_wait3A_174 = arith.constant 0 : i32
      %dma_wait3A_175 = tpu.memref_slice %arg4[%dma_wait3A_162, %dma_wait3A_163, %dma_wait3A_174] : memref<2x92x128xi32, #tpu.memory_space<hbm>> -> memref<1x1x128xi32, #tpu.memory_space<hbm>>
      %dma_wait3A_176 = tpu.memref_squeeze %dma_wait3A_175 : memref<1x1x128xi32, #tpu.memory_space<hbm>> -> memref<128xi32, #tpu.memory_space<hbm>>
      tpu.wait_dma2 semaphore(%arg21 : memref<!tpu.dma_semaphore, #tpu.memory_space<semaphore_mem>>) src(%dma_wait3A_176 : memref<128xi32, #tpu.memory_space<hbm>>) dst(%dma_wait3A_173 : memref<128xi32, #tpu.memory_space<vmem>>)
      %run_scoped3A = arith.constant 0 : i32
      "tpu.region"() ({
        %run_scoped3A_249 = tpu.sem_alloc : memref<!tpu.dma_semaphore, #tpu.memory_space<semaphore_mem>>
        %dma_start3A_250 = arith.constant 0 : i32
        %dma_start3A_251 = tpu.memref_slice %arg13[%run_scoped3A, %dma_start3A_250] : memref<3x128xi32, #tpu.memory_space<vmem>> -> memref<1x128xi32, #tpu.memory_space<vmem>>
        %dma_start3A_252 = tpu.memref_squeeze %dma_start3A_251 : memref<1x128xi32, #tpu.memory_space<vmem>> -> memref<128xi32, #tpu.memory_space<vmem>>
        %dma_start3A_253 = arith.constant 0 : i32
        %dma_start3A_254 = arith.constant 0 : i32
        %dma_start3A_255 = tpu.memref_slice %arg14[%dma_start3A_253, %dma_start3A_254] : memref<10112x128xf32, #tpu.memory_space<vmem_shared>> -> memref<10112x128xf32, #tpu.memory_space<vmem_shared>>
        tpu.enqueue_indirect_dma source(%arg7 : memref<128x128xf32, #tpu.memory_space<vmem>>) target(%dma_start3A_255 : memref<10112x128xf32, #tpu.memory_space<vmem_shared>>) offsets(%dma_start3A_252 : memref<128xi32, #tpu.memory_space<vmem>>) semaphore(%run_scoped3A_249 : memref<!tpu.dma_semaphore, #tpu.memory_space<semaphore_mem>>) {add = true}
        %dma_wait3A_256 = arith.constant 0 : i32
        %dma_wait3A_257 = tpu.memref_slice %arg13[%run_scoped3A, %dma_wait3A_256] : memref<3x128xi32, #tpu.memory_space<vmem>> -> memref<1x128xi32, #tpu.memory_space<vmem>>
        %dma_wait3A_258 = tpu.memref_squeeze %dma_wait3A_257 : memref<1x128xi32, #tpu.memory_space<vmem>> -> memref<128xi32, #tpu.memory_space<vmem>>
        %dma_wait3A_259 = arith.constant 0 : i32
        %dma_wait3A_260 = arith.constant 0 : i32
        %dma_wait3A_261 = tpu.memref_slice %arg14[%dma_wait3A_259, %dma_wait3A_260] : memref<10112x128xf32, #tpu.memory_space<vmem_shared>> -> memref<10112x128xf32, #tpu.memory_space<vmem_shared>>
        tpu.wait_indirect_dma semaphore(%run_scoped3A_249 : memref<!tpu.dma_semaphore, #tpu.memory_space<semaphore_mem>>) src(%arg7 : memref<128x128xf32, #tpu.memory_space<vmem>>) dst(%dma_wait3A_261 : memref<10112x128xf32, #tpu.memory_space<vmem_shared>>)
        tpu.yield
      }) : () -> ()
      %add3A_177 = arith.constant 3 : i32
      %add3A_178 = arith.addi %add3A_152, %add3A_177 : i32
      %lt3A_179 = arith.cmpi slt, %add3A_178, %select_n3A : i32
      %convert_element_type3A_180 = arith.extui %lt3A_179 : i1 to i32
      %cond3A_181 = arith.constant 0 : i32
      %cond3A_182 = arith.cmpi ne, %convert_element_type3A_180, %cond3A_181 : i32
      scf.if %cond3A_182 {
        %add3A_249 = arith.addi %select_n3A_8, %add3A_152 : i32
        %add3A_250 = arith.constant 3 : i32
        %add3A_251 = arith.addi %add3A_249, %add3A_250 : i32
        %lt3A_252 = arith.constant 2500 : i32
        %lt3A_253 = arith.cmpi slt, %add3A_251, %lt3A_252 : i32
        %convert_element_type3A_254 = arith.extui %lt3A_253 : i1 to i32
        %cond3A_255 = arith.constant 0 : i32
        %cond3A_256 = arith.constant 0 : i32
        %cond3A_257 = arith.cmpi ne, %convert_element_type3A_254, %cond3A_256 : i32
        scf.if %cond3A_257 {
          %mul3A_275 = arith.constant 128 : i32
          %mul3A_276 = arith.muli %add3A_251, %mul3A_275 : i32
          %dma_start3A_277 = arith.constant 1 : i32
          %dma_start3A_278 = arith.constant 0 : i32
          %dma_start3A_279 = tpu.memref_slice %arg13[%cond3A_255, %dma_start3A_278] : memref<3x128xi32, #tpu.memory_space<vmem>> -> memref<1x128xi32, #tpu.memory_space<vmem>>
          %dma_start3A_280 = tpu.memref_squeeze %dma_start3A_279 : memref<1x128xi32, #tpu.memory_space<vmem>> -> memref<128xi32, #tpu.memory_space<vmem>>
          %dma_start3A_281 = tpu.memref_slice %arg3[%dma_start3A_277, %mul3A_276] : memref<2x320000xi32, #tpu.memory_space<hbm>> -> memref<1x128xi32, #tpu.memory_space<hbm>>
          %dma_start3A_282 = tpu.memref_squeeze %dma_start3A_281 : memref<1x128xi32, #tpu.memory_space<hbm>> -> memref<128xi32, #tpu.memory_space<hbm>>
          %dma_start3A_283 = arith.constant 0 : i32
          %dma_start3A_284 = tpu.memref_slice %arg13[%cond3A_255, %dma_start3A_283] : memref<3x128xi32, #tpu.memory_space<vmem>> -> memref<1x128xi32, #tpu.memory_space<vmem>>
          %dma_start3A_285 = tpu.memref_squeeze %dma_start3A_284 : memref<1x128xi32, #tpu.memory_space<vmem>> -> memref<128xi32, #tpu.memory_space<vmem>>
          %dma_start3A_286 = tpu.memref_slice %arg3[%dma_start3A_277, %mul3A_276] : memref<2x320000xi32, #tpu.memory_space<hbm>> -> memref<1x128xi32, #tpu.memory_space<hbm>>
          %dma_start3A_287 = tpu.memref_squeeze %dma_start3A_286 : memref<1x128xi32, #tpu.memory_space<hbm>> -> memref<128xi32, #tpu.memory_space<hbm>>
          tpu.enqueue_dma source(%dma_start3A_287 : memref<128xi32, #tpu.memory_space<hbm>>) target(%dma_start3A_285 : memref<128xi32, #tpu.memory_space<vmem>>) target_semaphore(%arg21 : memref<!tpu.dma_semaphore, #tpu.memory_space<semaphore_mem>>)
        } else {
        }
        %ge3A_258 = arith.constant 2500 : i32
        %ge3A_259 = arith.cmpi sge, %add3A_251, %ge3A_258 : i32
        %convert_element_type3A_260 = arith.extui %ge3A_259 : i1 to i32
        %cond3A_261 = arith.constant 0 : i32
        %cond3A_262 = arith.constant 0 : i32
        %cond3A_263 = arith.cmpi ne, %convert_element_type3A_260, %cond3A_262 : i32
        scf.if %cond3A_263 {
          %sub3A_275 = arith.constant 2500 : i32
          %sub3A_276 = arith.subi %add3A_251, %sub3A_275 : i32
          %dma_start3A_277 = arith.constant 1 : i32
          %dma_start3A_278 = arith.constant 0 : i32
          %dma_start3A_279 = tpu.memref_slice %arg13[%cond3A_261, %dma_start3A_278] : memref<3x128xi32, #tpu.memory_space<vmem>> -> memref<1x128xi32, #tpu.memory_space<vmem>>
          %dma_start3A_280 = tpu.memref_squeeze %dma_start3A_279 : memref<1x128xi32, #tpu.memory_space<vmem>> -> memref<128xi32, #tpu.memory_space<vmem>>
          %dma_start3A_281 = arith.constant 0 : i32
          %dma_start3A_282 = tpu.memref_slice %arg4[%dma_start3A_277, %sub3A_276, %dma_start3A_281] : memref<2x92x128xi32, #tpu.memory_space<hbm>> -> memref<1x1x128xi32, #tpu.memory_space<hbm>>
          %dma_start3A_283 = tpu.memref_squeeze %dma_start3A_282 : memref<1x1x128xi32, #tpu.memory_space<hbm>> -> memref<128xi32, #tpu.memory_space<hbm>>
          %dma_start3A_284 = arith.constant 0 : i32
          %dma_start3A_285 = tpu.memref_slice %arg13[%cond3A_261, %dma_start3A_284] : memref<3x128xi32, #tpu.memory_space<vmem>> -> memref<1x128xi32, #tpu.memory_space<vmem>>
          %dma_start3A_286 = tpu.memref_squeeze %dma_start3A_285 : memref<1x128xi32, #tpu.memory_space<vmem>> -> memref<128xi32, #tpu.memory_space<vmem>>
          %dma_start3A_287 = arith.constant 0 : i32
          %dma_start3A_288 = tpu.memref_slice %arg4[%dma_start3A_277, %sub3A_276, %dma_start3A_287] : memref<2x92x128xi32, #tpu.memory_space<hbm>> -> memref<1x1x128xi32, #tpu.memory_space<hbm>>
          %dma_start3A_289 = tpu.memref_squeeze %dma_start3A_288 : memref<1x1x128xi32, #tpu.memory_space<hbm>> -> memref<128xi32, #tpu.memory_space<hbm>>
          tpu.enqueue_dma source(%dma_start3A_289 : memref<128xi32, #tpu.memory_space<hbm>>) target(%dma_start3A_286 : memref<128xi32, #tpu.memory_space<vmem>>) target_semaphore(%arg21 : memref<!tpu.dma_semaphore, #tpu.memory_space<semaphore_mem>>)
        } else {
        }
        %dma_wait3A_264 = arith.constant 0 : i32
        %dma_wait3A_265 = arith.constant 0 : i32
        %dma_wait3A_266 = arith.constant 0 : i32
        %dma_wait3A_267 = tpu.memref_slice %arg4[%dma_wait3A_264, %dma_wait3A_265, %dma_wait3A_266] : memref<2x92x128xi32, #tpu.memory_space<hbm>> -> memref<1x1x128xi32, #tpu.memory_space<hbm>>
        %dma_wait3A_268 = tpu.memref_squeeze %dma_wait3A_267 : memref<1x1x128xi32, #tpu.memory_space<hbm>> -> memref<128xi32, #tpu.memory_space<hbm>>
        %dma_wait3A_269 = arith.constant 0 : i32
        %dma_wait3A_270 = tpu.memref_slice %arg4[%dma_wait3A_264, %dma_wait3A_265, %dma_wait3A_269] : memref<2x92x128xi32, #tpu.memory_space<hbm>> -> memref<1x1x128xi32, #tpu.memory_space<hbm>>
        %dma_wait3A_271 = tpu.memref_squeeze %dma_wait3A_270 : memref<1x1x128xi32, #tpu.memory_space<hbm>> -> memref<128xi32, #tpu.memory_space<hbm>>
        tpu.wait_dma2 semaphore(%arg18 : memref<!tpu.dma_semaphore, #tpu.memory_space<semaphore_mem>>) src(%dma_wait3A_271 : memref<128xi32, #tpu.memory_space<hbm>>) dst(%arg10 : memref<128xi32, #tpu.memory_space<vmem>>)
        %dma_start3A_272 = arith.constant 0 : i32
        %dma_start3A_273 = arith.constant 0 : i32
        %dma_start3A_274 = tpu.memref_slice %arg2[%dma_start3A_272, %dma_start3A_273] : memref<10000x128xf32, #tpu.memory_space<hbm>> -> memref<10000x128xf32, #tpu.memory_space<hbm>>
        tpu.enqueue_indirect_dma source(%dma_start3A_274 : memref<10000x128xf32, #tpu.memory_space<hbm>>) target(%arg7 : memref<128x128xf32, #tpu.memory_space<vmem>>) offsets(%arg10 : memref<128xi32, #tpu.memory_space<vmem>>) semaphore(%arg15 : memref<!tpu.dma_semaphore, #tpu.memory_space<semaphore_mem>>)
      } else {
      }
      %add3A_183 = arith.constant 1 : i32
      %add3A_184 = arith.addi %mul3A_150, %add3A_183 : i32
      %dma_wait3A_185 = arith.constant 0 : i32
      %dma_wait3A_186 = arith.constant 0 : i32
      %dma_wait3A_187 = tpu.memref_slice %arg2[%dma_wait3A_185, %dma_wait3A_186] : memref<10000x128xf32, #tpu.memory_space<hbm>> -> memref<10000x128xf32, #tpu.memory_space<hbm>>
      tpu.wait_indirect_dma semaphore(%arg16 : memref<!tpu.dma_semaphore, #tpu.memory_space<semaphore_mem>>) src(%dma_wait3A_187 : memref<10000x128xf32, #tpu.memory_space<hbm>>) dst(%arg8 : memref<128x128xf32, #tpu.memory_space<vmem>>)
      %add3A_188 = arith.constant 3 : i32
      %add3A_189 = arith.addi %add3A_184, %add3A_188 : i32
      %lt3A_190 = arith.cmpi slt, %add3A_189, %select_n3A : i32
      %convert_element_type3A_191 = arith.extui %lt3A_190 : i1 to i32
      %cond3A_192 = arith.constant 0 : i32
      %cond3A_193 = arith.cmpi ne, %convert_element_type3A_191, %cond3A_192 : i32
      scf.if %cond3A_193 {
        %add3A_249 = arith.addi %select_n3A_8, %add3A_184 : i32
        %add3A_250 = arith.constant 3 : i32
        %add3A_251 = arith.addi %add3A_249, %add3A_250 : i32
        %lt3A_252 = arith.constant 2500 : i32
        %lt3A_253 = arith.cmpi slt, %add3A_251, %lt3A_252 : i32
        %convert_element_type3A_254 = arith.extui %lt3A_253 : i1 to i32
        %cond3A_255 = arith.constant 0 : i32
        %cond3A_256 = arith.cmpi ne, %convert_element_type3A_254, %cond3A_255 : i32
        scf.if %cond3A_256 {
          %mul3A_262 = arith.constant 128 : i32
          %mul3A_263 = arith.muli %add3A_251, %mul3A_262 : i32
          %dma_start3A_264 = arith.constant 0 : i32
          %dma_start3A_265 = tpu.memref_slice %arg3[%dma_start3A_264, %mul3A_263] : memref<2x320000xi32, #tpu.memory_space<hbm>> -> memref<1x128xi32, #tpu.memory_space<hbm>>
          %dma_start3A_266 = tpu.memref_squeeze %dma_start3A_265 : memref<1x128xi32, #tpu.memory_space<hbm>> -> memref<128xi32, #tpu.memory_space<hbm>>
          %dma_start3A_267 = tpu.memref_slice %arg3[%dma_start3A_264, %mul3A_263] : memref<2x320000xi32, #tpu.memory_space<hbm>> -> memref<1x128xi32, #tpu.memory_space<hbm>>
          %dma_start3A_268 = tpu.memref_squeeze %dma_start3A_267 : memref<1x128xi32, #tpu.memory_space<hbm>> -> memref<128xi32, #tpu.memory_space<hbm>>
          tpu.enqueue_dma source(%dma_start3A_268 : memref<128xi32, #tpu.memory_space<hbm>>) target(%arg11 : memref<128xi32, #tpu.memory_space<vmem>>) target_semaphore(%arg19 : memref<!tpu.dma_semaphore, #tpu.memory_space<semaphore_mem>>)
        } else {
        }
        %ge3A_257 = arith.constant 2500 : i32
        %ge3A_258 = arith.cmpi sge, %add3A_251, %ge3A_257 : i32
        %convert_element_type3A_259 = arith.extui %ge3A_258 : i1 to i32
        %cond3A_260 = arith.constant 0 : i32
        %cond3A_261 = arith.cmpi ne, %convert_element_type3A_259, %cond3A_260 : i32
        scf.if %cond3A_261 {
          %sub3A_262 = arith.constant 2500 : i32
          %sub3A_263 = arith.subi %add3A_251, %sub3A_262 : i32
          %dma_start3A_264 = arith.constant 0 : i32
          %dma_start3A_265 = arith.constant 0 : i32
          %dma_start3A_266 = tpu.memref_slice %arg4[%dma_start3A_264, %sub3A_263, %dma_start3A_265] : memref<2x92x128xi32, #tpu.memory_space<hbm>> -> memref<1x1x128xi32, #tpu.memory_space<hbm>>
          %dma_start3A_267 = tpu.memref_squeeze %dma_start3A_266 : memref<1x1x128xi32, #tpu.memory_space<hbm>> -> memref<128xi32, #tpu.memory_space<hbm>>
          %dma_start3A_268 = arith.constant 0 : i32
          %dma_start3A_269 = tpu.memref_slice %arg4[%dma_start3A_264, %sub3A_263, %dma_start3A_268] : memref<2x92x128xi32, #tpu.memory_space<hbm>> -> memref<1x1x128xi32, #tpu.memory_space<hbm>>
          %dma_start3A_270 = tpu.memref_squeeze %dma_start3A_269 : memref<1x1x128xi32, #tpu.memory_space<hbm>> -> memref<128xi32, #tpu.memory_space<hbm>>
          tpu.enqueue_dma source(%dma_start3A_270 : memref<128xi32, #tpu.memory_space<hbm>>) target(%arg11 : memref<128xi32, #tpu.memory_space<vmem>>) target_semaphore(%arg19 : memref<!tpu.dma_semaphore, #tpu.memory_space<semaphore_mem>>)
        } else {
        }
      } else {
      }
      %dma_wait3A_194 = arith.constant 0 : i32
      %dma_wait3A_195 = arith.constant 0 : i32
      %dma_wait3A_196 = arith.constant 1 : i32
      %dma_wait3A_197 = arith.constant 0 : i32
      %dma_wait3A_198 = tpu.memref_slice %arg13[%dma_wait3A_196, %dma_wait3A_197] : memref<3x128xi32, #tpu.memory_space<vmem>> -> memref<1x128xi32, #tpu.memory_space<vmem>>
      %dma_wait3A_199 = tpu.memref_squeeze %dma_wait3A_198 : memref<1x128xi32, #tpu.memory_space<vmem>> -> memref<128xi32, #tpu.memory_space<vmem>>
      %dma_wait3A_200 = arith.constant 0 : i32
      %dma_wait3A_201 = tpu.memref_slice %arg4[%dma_wait3A_194, %dma_wait3A_195, %dma_wait3A_200] : memref<2x92x128xi32, #tpu.memory_space<hbm>> -> memref<1x1x128xi32, #tpu.memory_space<hbm>>
      %dma_wait3A_202 = tpu.memref_squeeze %dma_wait3A_201 : memref<1x1x128xi32, #tpu.memory_space<hbm>> -> memref<128xi32, #tpu.memory_space<hbm>>
      %dma_wait3A_203 = arith.constant 0 : i32
      %dma_wait3A_204 = tpu.memref_slice %arg13[%dma_wait3A_196, %dma_wait3A_203] : memref<3x128xi32, #tpu.memory_space<vmem>> -> memref<1x128xi32, #tpu.memory_space<vmem>>
      %dma_wait3A_205 = tpu.memref_squeeze %dma_wait3A_204 : memref<1x128xi32, #tpu.memory_space<vmem>> -> memref<128xi32, #tpu.memory_space<vmem>>
      %dma_wait3A_206 = arith.constant 0 : i32
      %dma_wait3A_207 = tpu.memref_slice %arg4[%dma_wait3A_194, %dma_wait3A_195, %dma_wait3A_206] : memref<2x92x128xi32, #tpu.memory_space<hbm>> -> memref<1x1x128xi32, #tpu.memory_space<hbm>>
      %dma_wait3A_208 = tpu.memref_squeeze %dma_wait3A_207 : memref<1x1x128xi32, #tpu.memory_space<hbm>> -> memref<128xi32, #tpu.memory_space<hbm>>
      tpu.wait_dma2 semaphore(%arg22 : memref<!tpu.dma_semaphore, #tpu.memory_space<semaphore_mem>>) src(%dma_wait3A_208 : memref<128xi32, #tpu.memory_space<hbm>>) dst(%dma_wait3A_205 : memref<128xi32, #tpu.memory_space<vmem>>)
      %run_scoped3A_209 = arith.constant 1 : i32
      "tpu.region"() ({
        %run_scoped3A_249 = tpu.sem_alloc : memref<!tpu.dma_semaphore, #tpu.memory_space<semaphore_mem>>
        %dma_start3A_250 = arith.constant 0 : i32
        %dma_start3A_251 = tpu.memref_slice %arg13[%run_scoped3A_209, %dma_start3A_250] : memref<3x128xi32, #tpu.memory_space<vmem>> -> memref<1x128xi32, #tpu.memory_space<vmem>>
        %dma_start3A_252 = tpu.memref_squeeze %dma_start3A_251 : memref<1x128xi32, #tpu.memory_space<vmem>> -> memref<128xi32, #tpu.memory_space<vmem>>
        %dma_start3A_253 = arith.constant 0 : i32
        %dma_start3A_254 = arith.constant 0 : i32
        %dma_start3A_255 = tpu.memref_slice %arg14[%dma_start3A_253, %dma_start3A_254] : memref<10112x128xf32, #tpu.memory_space<vmem_shared>> -> memref<10112x128xf32, #tpu.memory_space<vmem_shared>>
        tpu.enqueue_indirect_dma source(%arg8 : memref<128x128xf32, #tpu.memory_space<vmem>>) target(%dma_start3A_255 : memref<10112x128xf32, #tpu.memory_space<vmem_shared>>) offsets(%dma_start3A_252 : memref<128xi32, #tpu.memory_space<vmem>>) semaphore(%run_scoped3A_249 : memref<!tpu.dma_semaphore, #tpu.memory_space<semaphore_mem>>) {add = true}
        %dma_wait3A_256 = arith.constant 0 : i32
        %dma_wait3A_257 = tpu.memref_slice %arg13[%run_scoped3A_209, %dma_wait3A_256] : memref<3x128xi32, #tpu.memory_space<vmem>> -> memref<1x128xi32, #tpu.memory_space<vmem>>
        %dma_wait3A_258 = tpu.memref_squeeze %dma_wait3A_257 : memref<1x128xi32, #tpu.memory_space<vmem>> -> memref<128xi32, #tpu.memory_space<vmem>>
        %dma_wait3A_259 = arith.constant 0 : i32
        %dma_wait3A_260 = arith.constant 0 : i32
        %dma_wait3A_261 = tpu.memref_slice %arg14[%dma_wait3A_259, %dma_wait3A_260] : memref<10112x128xf32, #tpu.memory_space<vmem_shared>> -> memref<10112x128xf32, #tpu.memory_space<vmem_shared>>
        tpu.wait_indirect_dma semaphore(%run_scoped3A_249 : memref<!tpu.dma_semaphore, #tpu.memory_space<semaphore_mem>>) src(%arg8 : memref<128x128xf32, #tpu.memory_space<vmem>>) dst(%dma_wait3A_261 : memref<10112x128xf32, #tpu.memory_space<vmem_shared>>)
        tpu.yield
      }) : () -> ()
      %add3A_210 = arith.constant 3 : i32
      %add3A_211 = arith.addi %add3A_184, %add3A_210 : i32
      %lt3A_212 = arith.cmpi slt, %add3A_211, %select_n3A : i32
      %convert_element_type3A_213 = arith.extui %lt3A_212 : i1 to i32
      %cond3A_214 = arith.constant 0 : i32
      %cond3A_215 = arith.cmpi ne, %convert_element_type3A_213, %cond3A_214 : i32
      scf.if %cond3A_215 {
        %add3A_249 = arith.addi %select_n3A_8, %add3A_184 : i32
        %add3A_250 = arith.constant 3 : i32
        %add3A_251 = arith.addi %add3A_249, %add3A_250 : i32
        %lt3A_252 = arith.constant 2500 : i32
        %lt3A_253 = arith.cmpi slt, %add3A_251, %lt3A_252 : i32
        %convert_element_type3A_254 = arith.extui %lt3A_253 : i1 to i32
        %cond3A_255 = arith.constant 1 : i32
        %cond3A_256 = arith.constant 0 : i32
        %cond3A_257 = arith.cmpi ne, %convert_element_type3A_254, %cond3A_256 : i32
        scf.if %cond3A_257 {
          %mul3A_275 = arith.constant 128 : i32
          %mul3A_276 = arith.muli %add3A_251, %mul3A_275 : i32
          %dma_start3A_277 = arith.constant 1 : i32
          %dma_start3A_278 = arith.constant 0 : i32
          %dma_start3A_279 = tpu.memref_slice %arg13[%cond3A_255, %dma_start3A_278] : memref<3x128xi32, #tpu.memory_space<vmem>> -> memref<1x128xi32, #tpu.memory_space<vmem>>
          %dma_start3A_280 = tpu.memref_squeeze %dma_start3A_279 : memref<1x128xi32, #tpu.memory_space<vmem>> -> memref<128xi32, #tpu.memory_space<vmem>>
          %dma_start3A_281 = tpu.memref_slice %arg3[%dma_start3A_277, %mul3A_276] : memref<2x320000xi32, #tpu.memory_space<hbm>> -> memref<1x128xi32, #tpu.memory_space<hbm>>
          %dma_start3A_282 = tpu.memref_squeeze %dma_start3A_281 : memref<1x128xi32, #tpu.memory_space<hbm>> -> memref<128xi32, #tpu.memory_space<hbm>>
          %dma_start3A_283 = arith.constant 0 : i32
          %dma_start3A_284 = tpu.memref_slice %arg13[%cond3A_255, %dma_start3A_283] : memref<3x128xi32, #tpu.memory_space<vmem>> -> memref<1x128xi32, #tpu.memory_space<vmem>>
          %dma_start3A_285 = tpu.memref_squeeze %dma_start3A_284 : memref<1x128xi32, #tpu.memory_space<vmem>> -> memref<128xi32, #tpu.memory_space<vmem>>
          %dma_start3A_286 = tpu.memref_slice %arg3[%dma_start3A_277, %mul3A_276] : memref<2x320000xi32, #tpu.memory_space<hbm>> -> memref<1x128xi32, #tpu.memory_space<hbm>>
          %dma_start3A_287 = tpu.memref_squeeze %dma_start3A_286 : memref<1x128xi32, #tpu.memory_space<hbm>> -> memref<128xi32, #tpu.memory_space<hbm>>
          tpu.enqueue_dma source(%dma_start3A_287 : memref<128xi32, #tpu.memory_space<hbm>>) target(%dma_start3A_285 : memref<128xi32, #tpu.memory_space<vmem>>) target_semaphore(%arg22 : memref<!tpu.dma_semaphore, #tpu.memory_space<semaphore_mem>>)
        } else {
        }
        %ge3A_258 = arith.constant 2500 : i32
        %ge3A_259 = arith.cmpi sge, %add3A_251, %ge3A_258 : i32
        %convert_element_type3A_260 = arith.extui %ge3A_259 : i1 to i32
        %cond3A_261 = arith.constant 1 : i32
        %cond3A_262 = arith.constant 0 : i32
        %cond3A_263 = arith.cmpi ne, %convert_element_type3A_260, %cond3A_262 : i32
        scf.if %cond3A_263 {
          %sub3A_275 = arith.constant 2500 : i32
          %sub3A_276 = arith.subi %add3A_251, %sub3A_275 : i32
          %dma_start3A_277 = arith.constant 1 : i32
          %dma_start3A_278 = arith.constant 0 : i32
          %dma_start3A_279 = tpu.memref_slice %arg13[%cond3A_261, %dma_start3A_278] : memref<3x128xi32, #tpu.memory_space<vmem>> -> memref<1x128xi32, #tpu.memory_space<vmem>>
          %dma_start3A_280 = tpu.memref_squeeze %dma_start3A_279 : memref<1x128xi32, #tpu.memory_space<vmem>> -> memref<128xi32, #tpu.memory_space<vmem>>
          %dma_start3A_281 = arith.constant 0 : i32
          %dma_start3A_282 = tpu.memref_slice %arg4[%dma_start3A_277, %sub3A_276, %dma_start3A_281] : memref<2x92x128xi32, #tpu.memory_space<hbm>> -> memref<1x1x128xi32, #tpu.memory_space<hbm>>
          %dma_start3A_283 = tpu.memref_squeeze %dma_start3A_282 : memref<1x1x128xi32, #tpu.memory_space<hbm>> -> memref<128xi32, #tpu.memory_space<hbm>>
          %dma_start3A_284 = arith.constant 0 : i32
          %dma_start3A_285 = tpu.memref_slice %arg13[%cond3A_261, %dma_start3A_284] : memref<3x128xi32, #tpu.memory_space<vmem>> -> memref<1x128xi32, #tpu.memory_space<vmem>>
          %dma_start3A_286 = tpu.memref_squeeze %dma_start3A_285 : memref<1x128xi32, #tpu.memory_space<vmem>> -> memref<128xi32, #tpu.memory_space<vmem>>
          %dma_start3A_287 = arith.constant 0 : i32
          %dma_start3A_288 = tpu.memref_slice %arg4[%dma_start3A_277, %sub3A_276, %dma_start3A_287] : memref<2x92x128xi32, #tpu.memory_space<hbm>> -> memref<1x1x128xi32, #tpu.memory_space<hbm>>
          %dma_start3A_289 = tpu.memref_squeeze %dma_start3A_288 : memref<1x1x128xi32, #tpu.memory_space<hbm>> -> memref<128xi32, #tpu.memory_space<hbm>>
          tpu.enqueue_dma source(%dma_start3A_289 : memref<128xi32, #tpu.memory_space<hbm>>) target(%dma_start3A_286 : memref<128xi32, #tpu.memory_space<vmem>>) target_semaphore(%arg22 : memref<!tpu.dma_semaphore, #tpu.memory_space<semaphore_mem>>)
        } else {
        }
        %dma_wait3A_264 = arith.constant 0 : i32
        %dma_wait3A_265 = arith.constant 0 : i32
        %dma_wait3A_266 = arith.constant 0 : i32
        %dma_wait3A_267 = tpu.memref_slice %arg4[%dma_wait3A_264, %dma_wait3A_265, %dma_wait3A_266] : memref<2x92x128xi32, #tpu.memory_space<hbm>> -> memref<1x1x128xi32, #tpu.memory_space<hbm>>
        %dma_wait3A_268 = tpu.memref_squeeze %dma_wait3A_267 : memref<1x1x128xi32, #tpu.memory_space<hbm>> -> memref<128xi32, #tpu.memory_space<hbm>>
        %dma_wait3A_269 = arith.constant 0 : i32
        %dma_wait3A_270 = tpu.memref_slice %arg4[%dma_wait3A_264, %dma_wait3A_265, %dma_wait3A_269] : memref<2x92x128xi32, #tpu.memory_space<hbm>> -> memref<1x1x128xi32, #tpu.memory_space<hbm>>
        %dma_wait3A_271 = tpu.memref_squeeze %dma_wait3A_270 : memref<1x1x128xi32, #tpu.memory_space<hbm>> -> memref<128xi32, #tpu.memory_space<hbm>>
        tpu.wait_dma2 semaphore(%arg19 : memref<!tpu.dma_semaphore, #tpu.memory_space<semaphore_mem>>) src(%dma_wait3A_271 : memref<128xi32, #tpu.memory_space<hbm>>) dst(%arg11 : memref<128xi32, #tpu.memory_space<vmem>>)
        %dma_start3A_272 = arith.constant 0 : i32
        %dma_start3A_273 = arith.constant 0 : i32
        %dma_start3A_274 = tpu.memref_slice %arg2[%dma_start3A_272, %dma_start3A_273] : memref<10000x128xf32, #tpu.memory_space<hbm>> -> memref<10000x128xf32, #tpu.memory_space<hbm>>
        tpu.enqueue_indirect_dma source(%dma_start3A_274 : memref<10000x128xf32, #tpu.memory_space<hbm>>) target(%arg8 : memref<128x128xf32, #tpu.memory_space<vmem>>) offsets(%arg11 : memref<128xi32, #tpu.memory_space<vmem>>) semaphore(%arg16 : memref<!tpu.dma_semaphore, #tpu.memory_space<semaphore_mem>>)
      } else {
      }
      %add3A_216 = arith.constant 2 : i32
      %add3A_217 = arith.addi %mul3A_150, %add3A_216 : i32
      %dma_wait3A_218 = arith.constant 0 : i32
      %dma_wait3A_219 = arith.constant 0 : i32
      %dma_wait3A_220 = tpu.memref_slice %arg2[%dma_wait3A_218, %dma_wait3A_219] : memref<10000x128xf32, #tpu.memory_space<hbm>> -> memref<10000x128xf32, #tpu.memory_space<hbm>>
      tpu.wait_indirect_dma semaphore(%arg17 : memref<!tpu.dma_semaphore, #tpu.memory_space<semaphore_mem>>) src(%dma_wait3A_220 : memref<10000x128xf32, #tpu.memory_space<hbm>>) dst(%arg9 : memref<128x128xf32, #tpu.memory_space<vmem>>)
      %add3A_221 = arith.constant 3 : i32
      %add3A_222 = arith.addi %add3A_217, %add3A_221 : i32
      %lt3A_223 = arith.cmpi slt, %add3A_222, %select_n3A : i32
      %convert_element_type3A_224 = arith.extui %lt3A_223 : i1 to i32
      %cond3A_225 = arith.constant 0 : i32
      %cond3A_226 = arith.cmpi ne, %convert_element_type3A_224, %cond3A_225 : i32
      scf.if %cond3A_226 {
        %add3A_249 = arith.addi %select_n3A_8, %add3A_217 : i32
        %add3A_250 = arith.constant 3 : i32
        %add3A_251 = arith.addi %add3A_249, %add3A_250 : i32
        %lt3A_252 = arith.constant 2500 : i32
        %lt3A_253 = arith.cmpi slt, %add3A_251, %lt3A_252 : i32
        %convert_element_type3A_254 = arith.extui %lt3A_253 : i1 to i32
        %cond3A_255 = arith.constant 0 : i32
        %cond3A_256 = arith.cmpi ne, %convert_element_type3A_254, %cond3A_255 : i32
        scf.if %cond3A_256 {
          %mul3A_262 = arith.constant 128 : i32
          %mul3A_263 = arith.muli %add3A_251, %mul3A_262 : i32
          %dma_start3A_264 = arith.constant 0 : i32
          %dma_start3A_265 = tpu.memref_slice %arg3[%dma_start3A_264, %mul3A_263] : memref<2x320000xi32, #tpu.memory_space<hbm>> -> memref<1x128xi32, #tpu.memory_space<hbm>>
          %dma_start3A_266 = tpu.memref_squeeze %dma_start3A_265 : memref<1x128xi32, #tpu.memory_space<hbm>> -> memref<128xi32, #tpu.memory_space<hbm>>
          %dma_start3A_267 = tpu.memref_slice %arg3[%dma_start3A_264, %mul3A_263] : memref<2x320000xi32, #tpu.memory_space<hbm>> -> memref<1x128xi32, #tpu.memory_space<hbm>>
          %dma_start3A_268 = tpu.memref_squeeze %dma_start3A_267 : memref<1x128xi32, #tpu.memory_space<hbm>> -> memref<128xi32, #tpu.memory_space<hbm>>
          tpu.enqueue_dma source(%dma_start3A_268 : memref<128xi32, #tpu.memory_space<hbm>>) target(%arg12 : memref<128xi32, #tpu.memory_space<vmem>>) target_semaphore(%arg20 : memref<!tpu.dma_semaphore, #tpu.memory_space<semaphore_mem>>)
        } else {
        }
        %ge3A_257 = arith.constant 2500 : i32
        %ge3A_258 = arith.cmpi sge, %add3A_251, %ge3A_257 : i32
        %convert_element_type3A_259 = arith.extui %ge3A_258 : i1 to i32
        %cond3A_260 = arith.constant 0 : i32
        %cond3A_261 = arith.cmpi ne, %convert_element_type3A_259, %cond3A_260 : i32
        scf.if %cond3A_261 {
          %sub3A_262 = arith.constant 2500 : i32
          %sub3A_263 = arith.subi %add3A_251, %sub3A_262 : i32
          %dma_start3A_264 = arith.constant 0 : i32
          %dma_start3A_265 = arith.constant 0 : i32
          %dma_start3A_266 = tpu.memref_slice %arg4[%dma_start3A_264, %sub3A_263, %dma_start3A_265] : memref<2x92x128xi32, #tpu.memory_space<hbm>> -> memref<1x1x128xi32, #tpu.memory_space<hbm>>
          %dma_start3A_267 = tpu.memref_squeeze %dma_start3A_266 : memref<1x1x128xi32, #tpu.memory_space<hbm>> -> memref<128xi32, #tpu.memory_space<hbm>>
          %dma_start3A_268 = arith.constant 0 : i32
          %dma_start3A_269 = tpu.memref_slice %arg4[%dma_start3A_264, %sub3A_263, %dma_start3A_268] : memref<2x92x128xi32, #tpu.memory_space<hbm>> -> memref<1x1x128xi32, #tpu.memory_space<hbm>>
          %dma_start3A_270 = tpu.memref_squeeze %dma_start3A_269 : memref<1x1x128xi32, #tpu.memory_space<hbm>> -> memref<128xi32, #tpu.memory_space<hbm>>
          tpu.enqueue_dma source(%dma_start3A_270 : memref<128xi32, #tpu.memory_space<hbm>>) target(%arg12 : memref<128xi32, #tpu.memory_space<vmem>>) target_semaphore(%arg20 : memref<!tpu.dma_semaphore, #tpu.memory_space<semaphore_mem>>)
        } else {
        }
      } else {
      }
      %dma_wait3A_227 = arith.constant 0 : i32
      %dma_wait3A_228 = arith.constant 0 : i32
      %dma_wait3A_229 = arith.constant 2 : i32
      %dma_wait3A_230 = arith.constant 0 : i32
      %dma_wait3A_231 = tpu.memref_slice %arg13[%dma_wait3A_229, %dma_wait3A_230] : memref<3x128xi32, #tpu.memory_space<vmem>> -> memref<1x128xi32, #tpu.memory_space<vmem>>
      %dma_wait3A_232 = tpu.memref_squeeze %dma_wait3A_231 : memref<1x128xi32, #tpu.memory_space<vmem>> -> memref<128xi32, #tpu.memory_space<vmem>>
      %dma_wait3A_233 = arith.constant 0 : i32
      %dma_wait3A_234 = tpu.memref_slice %arg4[%dma_wait3A_227, %dma_wait3A_228, %dma_wait3A_233] : memref<2x92x128xi32, #tpu.memory_space<hbm>> -> memref<1x1x128xi32, #tpu.memory_space<hbm>>
      %dma_wait3A_235 = tpu.memref_squeeze %dma_wait3A_234 : memref<1x1x128xi32, #tpu.memory_space<hbm>> -> memref<128xi32, #tpu.memory_space<hbm>>
      %dma_wait3A_236 = arith.constant 0 : i32
      %dma_wait3A_237 = tpu.memref_slice %arg13[%dma_wait3A_229, %dma_wait3A_236] : memref<3x128xi32, #tpu.memory_space<vmem>> -> memref<1x128xi32, #tpu.memory_space<vmem>>
      %dma_wait3A_238 = tpu.memref_squeeze %dma_wait3A_237 : memref<1x128xi32, #tpu.memory_space<vmem>> -> memref<128xi32, #tpu.memory_space<vmem>>
      %dma_wait3A_239 = arith.constant 0 : i32
      %dma_wait3A_240 = tpu.memref_slice %arg4[%dma_wait3A_227, %dma_wait3A_228, %dma_wait3A_239] : memref<2x92x128xi32, #tpu.memory_space<hbm>> -> memref<1x1x128xi32, #tpu.memory_space<hbm>>
      %dma_wait3A_241 = tpu.memref_squeeze %dma_wait3A_240 : memref<1x1x128xi32, #tpu.memory_space<hbm>> -> memref<128xi32, #tpu.memory_space<hbm>>
      tpu.wait_dma2 semaphore(%arg23 : memref<!tpu.dma_semaphore, #tpu.memory_space<semaphore_mem>>) src(%dma_wait3A_241 : memref<128xi32, #tpu.memory_space<hbm>>) dst(%dma_wait3A_238 : memref<128xi32, #tpu.memory_space<vmem>>)
      %run_scoped3A_242 = arith.constant 2 : i32
      "tpu.region"() ({
        %run_scoped3A_249 = tpu.sem_alloc : memref<!tpu.dma_semaphore, #tpu.memory_space<semaphore_mem>>
        %dma_start3A_250 = arith.constant 0 : i32
        %dma_start3A_251 = tpu.memref_slice %arg13[%run_scoped3A_242, %dma_start3A_250] : memref<3x128xi32, #tpu.memory_space<vmem>> -> memref<1x128xi32, #tpu.memory_space<vmem>>
        %dma_start3A_252 = tpu.memref_squeeze %dma_start3A_251 : memref<1x128xi32, #tpu.memory_space<vmem>> -> memref<128xi32, #tpu.memory_space<vmem>>
        %dma_start3A_253 = arith.constant 0 : i32
        %dma_start3A_254 = arith.constant 0 : i32
        %dma_start3A_255 = tpu.memref_slice %arg14[%dma_start3A_253, %dma_start3A_254] : memref<10112x128xf32, #tpu.memory_space<vmem_shared>> -> memref<10112x128xf32, #tpu.memory_space<vmem_shared>>
        tpu.enqueue_indirect_dma source(%arg9 : memref<128x128xf32, #tpu.memory_space<vmem>>) target(%dma_start3A_255 : memref<10112x128xf32, #tpu.memory_space<vmem_shared>>) offsets(%dma_start3A_252 : memref<128xi32, #tpu.memory_space<vmem>>) semaphore(%run_scoped3A_249 : memref<!tpu.dma_semaphore, #tpu.memory_space<semaphore_mem>>) {add = true}
        %dma_wait3A_256 = arith.constant 0 : i32
        %dma_wait3A_257 = tpu.memref_slice %arg13[%run_scoped3A_242, %dma_wait3A_256] : memref<3x128xi32, #tpu.memory_space<vmem>> -> memref<1x128xi32, #tpu.memory_space<vmem>>
        %dma_wait3A_258 = tpu.memref_squeeze %dma_wait3A_257 : memref<1x128xi32, #tpu.memory_space<vmem>> -> memref<128xi32, #tpu.memory_space<vmem>>
        %dma_wait3A_259 = arith.constant 0 : i32
        %dma_wait3A_260 = arith.constant 0 : i32
        %dma_wait3A_261 = tpu.memref_slice %arg14[%dma_wait3A_259, %dma_wait3A_260] : memref<10112x128xf32, #tpu.memory_space<vmem_shared>> -> memref<10112x128xf32, #tpu.memory_space<vmem_shared>>
        tpu.wait_indirect_dma semaphore(%run_scoped3A_249 : memref<!tpu.dma_semaphore, #tpu.memory_space<semaphore_mem>>) src(%arg9 : memref<128x128xf32, #tpu.memory_space<vmem>>) dst(%dma_wait3A_261 : memref<10112x128xf32, #tpu.memory_space<vmem_shared>>)
        tpu.yield
      }) : () -> ()
      %add3A_243 = arith.constant 3 : i32
      %add3A_244 = arith.addi %add3A_217, %add3A_243 : i32
      %lt3A_245 = arith.cmpi slt, %add3A_244, %select_n3A : i32
      %convert_element_type3A_246 = arith.extui %lt3A_245 : i1 to i32
      %cond3A_247 = arith.constant 0 : i32
      %cond3A_248 = arith.cmpi ne, %convert_element_type3A_246, %cond3A_247 : i32
      scf.if %cond3A_248 {
        %add3A_249 = arith.addi %select_n3A_8, %add3A_217 : i32
        %add3A_250 = arith.constant 3 : i32
        %add3A_251 = arith.addi %add3A_249, %add3A_250 : i32
        %lt3A_252 = arith.constant 2500 : i32
        %lt3A_253 = arith.cmpi slt, %add3A_251, %lt3A_252 : i32
        %convert_element_type3A_254 = arith.extui %lt3A_253 : i1 to i32
        %cond3A_255 = arith.constant 2 : i32
        %cond3A_256 = arith.constant 0 : i32
        %cond3A_257 = arith.cmpi ne, %convert_element_type3A_254, %cond3A_256 : i32
        scf.if %cond3A_257 {
          %mul3A_275 = arith.constant 128 : i32
          %mul3A_276 = arith.muli %add3A_251, %mul3A_275 : i32
          %dma_start3A_277 = arith.constant 1 : i32
          %dma_start3A_278 = arith.constant 0 : i32
          %dma_start3A_279 = tpu.memref_slice %arg13[%cond3A_255, %dma_start3A_278] : memref<3x128xi32, #tpu.memory_space<vmem>> -> memref<1x128xi32, #tpu.memory_space<vmem>>
          %dma_start3A_280 = tpu.memref_squeeze %dma_start3A_279 : memref<1x128xi32, #tpu.memory_space<vmem>> -> memref<128xi32, #tpu.memory_space<vmem>>
          %dma_start3A_281 = tpu.memref_slice %arg3[%dma_start3A_277, %mul3A_276] : memref<2x320000xi32, #tpu.memory_space<hbm>> -> memref<1x128xi32, #tpu.memory_space<hbm>>
          %dma_start3A_282 = tpu.memref_squeeze %dma_start3A_281 : memref<1x128xi32, #tpu.memory_space<hbm>> -> memref<128xi32, #tpu.memory_space<hbm>>
          %dma_start3A_283 = arith.constant 0 : i32
          %dma_start3A_284 = tpu.memref_slice %arg13[%cond3A_255, %dma_start3A_283] : memref<3x128xi32, #tpu.memory_space<vmem>> -> memref<1x128xi32, #tpu.memory_space<vmem>>
          %dma_start3A_285 = tpu.memref_squeeze %dma_start3A_284 : memref<1x128xi32, #tpu.memory_space<vmem>> -> memref<128xi32, #tpu.memory_space<vmem>>
          %dma_start3A_286 = tpu.memref_slice %arg3[%dma_start3A_277, %mul3A_276] : memref<2x320000xi32, #tpu.memory_space<hbm>> -> memref<1x128xi32, #tpu.memory_space<hbm>>
          %dma_start3A_287 = tpu.memref_squeeze %dma_start3A_286 : memref<1x128xi32, #tpu.memory_space<hbm>> -> memref<128xi32, #tpu.memory_space<hbm>>
          tpu.enqueue_dma source(%dma_start3A_287 : memref<128xi32, #tpu.memory_space<hbm>>) target(%dma_start3A_285 : memref<128xi32, #tpu.memory_space<vmem>>) target_semaphore(%arg23 : memref<!tpu.dma_semaphore, #tpu.memory_space<semaphore_mem>>)
        } else {
        }
        %ge3A_258 = arith.constant 2500 : i32
        %ge3A_259 = arith.cmpi sge, %add3A_251, %ge3A_258 : i32
        %convert_element_type3A_260 = arith.extui %ge3A_259 : i1 to i32
        %cond3A_261 = arith.constant 2 : i32
        %cond3A_262 = arith.constant 0 : i32
        %cond3A_263 = arith.cmpi ne, %convert_element_type3A_260, %cond3A_262 : i32
        scf.if %cond3A_263 {
          %sub3A_275 = arith.constant 2500 : i32
          %sub3A_276 = arith.subi %add3A_251, %sub3A_275 : i32
          %dma_start3A_277 = arith.constant 1 : i32
          %dma_start3A_278 = arith.constant 0 : i32
          %dma_start3A_279 = tpu.memref_slice %arg13[%cond3A_261, %dma_start3A_278] : memref<3x128xi32, #tpu.memory_space<vmem>> -> memref<1x128xi32, #tpu.memory_space<vmem>>
          %dma_start3A_280 = tpu.memref_squeeze %dma_start3A_279 : memref<1x128xi32, #tpu.memory_space<vmem>> -> memref<128xi32, #tpu.memory_space<vmem>>
          %dma_start3A_281 = arith.constant 0 : i32
          %dma_start3A_282 = tpu.memref_slice %arg4[%dma_start3A_277, %sub3A_276, %dma_start3A_281] : memref<2x92x128xi32, #tpu.memory_space<hbm>> -> memref<1x1x128xi32, #tpu.memory_space<hbm>>
          %dma_start3A_283 = tpu.memref_squeeze %dma_start3A_282 : memref<1x1x128xi32, #tpu.memory_space<hbm>> -> memref<128xi32, #tpu.memory_space<hbm>>
          %dma_start3A_284 = arith.constant 0 : i32
          %dma_start3A_285 = tpu.memref_slice %arg13[%cond3A_261, %dma_start3A_284] : memref<3x128xi32, #tpu.memory_space<vmem>> -> memref<1x128xi32, #tpu.memory_space<vmem>>
          %dma_start3A_286 = tpu.memref_squeeze %dma_start3A_285 : memref<1x128xi32, #tpu.memory_space<vmem>> -> memref<128xi32, #tpu.memory_space<vmem>>
          %dma_start3A_287 = arith.constant 0 : i32
          %dma_start3A_288 = tpu.memref_slice %arg4[%dma_start3A_277, %sub3A_276, %dma_start3A_287] : memref<2x92x128xi32, #tpu.memory_space<hbm>> -> memref<1x1x128xi32, #tpu.memory_space<hbm>>
          %dma_start3A_289 = tpu.memref_squeeze %dma_start3A_288 : memref<1x1x128xi32, #tpu.memory_space<hbm>> -> memref<128xi32, #tpu.memory_space<hbm>>
          tpu.enqueue_dma source(%dma_start3A_289 : memref<128xi32, #tpu.memory_space<hbm>>) target(%dma_start3A_286 : memref<128xi32, #tpu.memory_space<vmem>>) target_semaphore(%arg23 : memref<!tpu.dma_semaphore, #tpu.memory_space<semaphore_mem>>)
        } else {
        }
        %dma_wait3A_264 = arith.constant 0 : i32
        %dma_wait3A_265 = arith.constant 0 : i32
        %dma_wait3A_266 = arith.constant 0 : i32
        %dma_wait3A_267 = tpu.memref_slice %arg4[%dma_wait3A_264, %dma_wait3A_265, %dma_wait3A_266] : memref<2x92x128xi32, #tpu.memory_space<hbm>> -> memref<1x1x128xi32, #tpu.memory_space<hbm>>
        %dma_wait3A_268 = tpu.memref_squeeze %dma_wait3A_267 : memref<1x1x128xi32, #tpu.memory_space<hbm>> -> memref<128xi32, #tpu.memory_space<hbm>>
        %dma_wait3A_269 = arith.constant 0 : i32
        %dma_wait3A_270 = tpu.memref_slice %arg4[%dma_wait3A_264, %dma_wait3A_265, %dma_wait3A_269] : memref<2x92x128xi32, #tpu.memory_space<hbm>> -> memref<1x1x128xi32, #tpu.memory_space<hbm>>
        %dma_wait3A_271 = tpu.memref_squeeze %dma_wait3A_270 : memref<1x1x128xi32, #tpu.memory_space<hbm>> -> memref<128xi32, #tpu.memory_space<hbm>>
        tpu.wait_dma2 semaphore(%arg20 : memref<!tpu.dma_semaphore, #tpu.memory_space<semaphore_mem>>) src(%dma_wait3A_271 : memref<128xi32, #tpu.memory_space<hbm>>) dst(%arg12 : memref<128xi32, #tpu.memory_space<vmem>>)
        %dma_start3A_272 = arith.constant 0 : i32
        %dma_start3A_273 = arith.constant 0 : i32
        %dma_start3A_274 = tpu.memref_slice %arg2[%dma_start3A_272, %dma_start3A_273] : memref<10000x128xf32, #tpu.memory_space<hbm>> -> memref<10000x128xf32, #tpu.memory_space<hbm>>
        tpu.enqueue_indirect_dma source(%dma_start3A_274 : memref<10000x128xf32, #tpu.memory_space<hbm>>) target(%arg9 : memref<128x128xf32, #tpu.memory_space<vmem>>) offsets(%arg12 : memref<128xi32, #tpu.memory_space<vmem>>) semaphore(%arg17 : memref<!tpu.dma_semaphore, #tpu.memory_space<semaphore_mem>>)
      } else {
      }
    }
    %barrier3A_143 = arith.constant 0 : index
    tpu.barrier barrier_id(%barrier3A_143)
    %mul3A_144 = arith.constant 632 : i32
    %mul3A_145 = arith.muli %arg1, %mul3A_144 : i32
    %mul3A_146 = arith.constant 632 : i32
    %mul3A_147 = arith.muli %arg1, %mul3A_146 : i32
    "tpu.region"() ({
      %run_scoped3A = tpu.sem_alloc : memref<!tpu.dma_semaphore, #tpu.memory_space<semaphore_mem>>
      %dma_start3A_148 = arith.constant 0 : i32
      %dma_start3A_149 = tpu.memref_slice %arg6[%arg0, %mul3A_147, %dma_start3A_148] : memref<2x10112x128xf32, #tpu.memory_space<hbm>> -> memref<1x632x128xf32, #tpu.memory_space<hbm>>
      %dma_start3A_150 = tpu.memref_squeeze %dma_start3A_149 : memref<1x632x128xf32, #tpu.memory_space<hbm>> -> memref<632x128xf32, #tpu.memory_space<hbm>>
      %dma_start3A_151 = arith.constant 0 : i32
      %dma_start3A_152 = tpu.memref_slice %arg14[%mul3A_145, %dma_start3A_151] : memref<10112x128xf32, #tpu.memory_space<vmem_shared>> -> memref<632x128xf32, #tpu.memory_space<vmem_shared>>
      tpu.enqueue_dma source(%dma_start3A_152 : memref<632x128xf32, #tpu.memory_space<vmem_shared>>) target(%dma_start3A_150 : memref<632x128xf32, #tpu.memory_space<hbm>>) target_semaphore(%run_scoped3A : memref<!tpu.dma_semaphore, #tpu.memory_space<semaphore_mem>>)
      %dma_wait3A_153 = arith.constant 0 : i32
      %dma_wait3A_154 = tpu.memref_slice %arg6[%arg0, %mul3A_147, %dma_wait3A_153] : memref<2x10112x128xf32, #tpu.memory_space<hbm>> -> memref<1x632x128xf32, #tpu.memory_space<hbm>>
      %dma_wait3A_155 = tpu.memref_squeeze %dma_wait3A_154 : memref<1x632x128xf32, #tpu.memory_space<hbm>> -> memref<632x128xf32, #tpu.memory_space<hbm>>
      %dma_wait3A_156 = arith.constant 0 : i32
      %dma_wait3A_157 = tpu.memref_slice %arg14[%mul3A_145, %dma_wait3A_156] : memref<10112x128xf32, #tpu.memory_space<vmem_shared>> -> memref<632x128xf32, #tpu.memory_space<vmem_shared>>
      tpu.wait_dma2 semaphore(%run_scoped3A : memref<!tpu.dma_semaphore, #tpu.memory_space<semaphore_mem>>) src(%dma_wait3A_157 : memref<632x128xf32, #tpu.memory_space<vmem_shared>>) dst(%dma_wait3A_155 : memref<632x128xf32, #tpu.memory_space<hbm>>)
      tpu.yield
    }) : () -> ()
    return
  }
}

#map = affine_map<(d0, d1) -> (0, 0)>
#map1 = affine_map<(d0, d1) -> (0, 0, 0)>
module attributes {stable_mosaic.version = 14 : i64} {
  func.func @_sc_aggregate_body(%arg0: i32, %arg1: i32, %arg2: memref<10000x128xf32, #tpu.memory_space<hbm>>, %arg3: memref<2x320000xi32, #tpu.memory_space<hbm>>, %arg4: memref<2x92x128xi32, #tpu.memory_space<hbm>>, %arg5: memref<632x128xf32, #tpu.memory_space<hbm>>, %arg6: memref<2x10112x128xf32, #tpu.memory_space<hbm>>, %arg7: memref<128x128xf32, #tpu.memory_space<vmem>>, %arg8: memref<128x128xf32, #tpu.memory_space<vmem>>, %arg9: memref<128x128xf32, #tpu.memory_space<vmem>>, %arg10: memref<128xi32, #tpu.memory_space<vmem>>, %arg11: memref<128xi32, #tpu.memory_space<vmem>>, %arg12: memref<128xi32, #tpu.memory_space<vmem>>, %arg13: memref<3x128xi32, #tpu.memory_space<vmem>>, %arg14: memref<10112x128xf32, #tpu.memory_space<vmem_shared>>, %arg15: memref<!tpu.dma_semaphore, #tpu.memory_space<semaphore_mem>>, %arg16: memref<!tpu.dma_semaphore, #tpu.memory_space<semaphore_mem>>, %arg17: memref<!tpu.dma_semaphore, #tpu.memory_space<semaphore_mem>>, %arg18: memref<!tpu.dma_semaphore, #tpu.memory_space<semaphore_mem>>, %arg19: memref<!tpu.dma_semaphore, #tpu.memory_space<semaphore_mem>>, %arg20: memref<!tpu.dma_semaphore, #tpu.memory_space<semaphore_mem>>, %arg21: memref<!tpu.dma_semaphore, #tpu.memory_space<semaphore_mem>>, %arg22: memref<!tpu.dma_semaphore, #tpu.memory_space<semaphore_mem>>, %arg23: memref<!tpu.dma_semaphore, #tpu.memory_space<semaphore_mem>>) attributes {dimension_semantics = [#tpu.dimension_semantics<core_parallel>, #tpu.dimension_semantics<subcore_parallel>], iteration_bounds = array<i64: 2, 16>, scalar_prefetch = 0 : i64, scratch_operands = 17 : i64, tpu.core_type = #tpu.core_type<sc_vector_subcore>, window_params = [{transform_indices = #map}, {transform_indices = #map}, {transform_indices = #map1}, {transform_indices = #map}, {transform_indices = #map1}]} {
    %eq3A = arith.constant 0 : i32
    %eq3A_0 = arith.cmpi eq, %arg0, %eq3A : i32
    %jit3A = arith.constant 78 : i32
    %jit3A_1 = arith.constant 84 : i32
    %select_n3A = arith.select %eq3A_0, %jit3A, %jit3A_1 : i32
    %eq3A_2 = arith.constant 0 : i32
    %eq3A_3 = arith.cmpi eq, %arg0, %eq3A_2 : i32
    %mul3A = arith.constant 78 : i32
    %mul3A_4 = arith.muli %arg1, %mul3A : i32
    %mul3A_5 = arith.constant 84 : i32
    %mul3A_6 = arith.muli %arg1, %mul3A_5 : i32
    %add3A = arith.constant 1248 : i32
    %add3A_7 = arith.addi %add3A, %mul3A_6 : i32
    %select_n3A_8 = arith.select %eq3A_3, %mul3A_4, %add3A_7 : i32
    %add3A_9 = arith.constant 0 : i32
    %add3A_10 = arith.addi %select_n3A_8, %add3A_9 : i32
    %lt3A = arith.constant 2500 : i32
    %lt3A_11 = arith.cmpi slt, %add3A_10, %lt3A : i32
    %convert_element_type3A = arith.extui %lt3A_11 : i1 to i32
    %cond3A = arith.constant 0 : i32
    %cond3A_12 = arith.constant 0 : i32
    %cond3A_13 = arith.cmpi ne, %convert_element_type3A, %cond3A_12 : i32
    scf.if %cond3A_13 {
      %mul3A_148 = arith.constant 128 : i32
      %mul3A_149 = arith.muli %add3A_10, %mul3A_148 : i32
      %dma_start3A_150 = arith.constant 1 : i32
      %dma_start3A_151 = arith.constant 0 : i32
      %dma_start3A_152 = tpu.memref_slice %arg13[%cond3A, %dma_start3A_151] : memref<3x128xi32, #tpu.memory_space<vmem>> -> memref<1x128xi32, #tpu.memory_space<vmem>>
      %dma_start3A_153 = tpu.memref_squeeze %dma_start3A_152 : memref<1x128xi32, #tpu.memory_space<vmem>> -> memref<128xi32, #tpu.memory_space<vmem>>
      %dma_start3A_154 = tpu.memref_slice %arg3[%dma_start3A_150, %mul3A_149] : memref<2x320000xi32, #tpu.memory_space<hbm>> -> memref<1x128xi32, #tpu.memory_space<hbm>>
      %dma_start3A_155 = tpu.memref_squeeze %dma_start3A_154 : memref<1x128xi32, #tpu.memory_space<hbm>> -> memref<128xi32, #tpu.memory_space<hbm>>
      %dma_start3A_156 = arith.constant 0 : i32
      %dma_start3A_157 = tpu.memref_slice %arg13[%cond3A, %dma_start3A_156] : memref<3x128xi32, #tpu.memory_space<vmem>> -> memref<1x128xi32, #tpu.memory_space<vmem>>
      %dma_start3A_158 = tpu.memref_squeeze %dma_start3A_157 : memref<1x128xi32, #tpu.memory_space<vmem>> -> memref<128xi32, #tpu.memory_space<vmem>>
      %dma_start3A_159 = tpu.memref_slice %arg3[%dma_start3A_150, %mul3A_149] : memref<2x320000xi32, #tpu.memory_space<hbm>> -> memref<1x128xi32, #tpu.memory_space<hbm>>
      %dma_start3A_160 = tpu.memref_squeeze %dma_start3A_159 : memref<1x128xi32, #tpu.memory_space<hbm>> -> memref<128xi32, #tpu.memory_space<hbm>>
      tpu.enqueue_dma source(%dma_start3A_160 : memref<128xi32, #tpu.memory_space<hbm>>) target(%dma_start3A_158 : memref<128xi32, #tpu.memory_space<vmem>>) target_semaphore(%arg21 : memref<!tpu.dma_semaphore, #tpu.memory_space<semaphore_mem>>)
    } else {
    }
    %ge3A = arith.constant 2500 : i32
    %ge3A_14 = arith.cmpi sge, %add3A_10, %ge3A : i32
    %convert_element_type3A_15 = arith.extui %ge3A_14 : i1 to i32
    %cond3A_16 = arith.constant 0 : i32
    %cond3A_17 = arith.constant 0 : i32
    %cond3A_18 = arith.cmpi ne, %convert_element_type3A_15, %cond3A_17 : i32
    scf.if %cond3A_18 {
      %sub3A_148 = arith.constant 2500 : i32
      %sub3A_149 = arith.subi %add3A_10, %sub3A_148 : i32
      %dma_start3A_150 = arith.constant 1 : i32
      %dma_start3A_151 = arith.constant 0 : i32
      %dma_start3A_152 = tpu.memref_slice %arg13[%cond3A_16, %dma_start3A_151] : memref<3x128xi32, #tpu.memory_space<vmem>> -> memref<1x128xi32, #tpu.memory_space<vmem>>
      %dma_start3A_153 = tpu.memref_squeeze %dma_start3A_152 : memref<1x128xi32, #tpu.memory_space<vmem>> -> memref<128xi32, #tpu.memory_space<vmem>>
      %dma_start3A_154 = arith.constant 0 : i32
      %dma_start3A_155 = tpu.memref_slice %arg4[%dma_start3A_150, %sub3A_149, %dma_start3A_154] : memref<2x92x128xi32, #tpu.memory_space<hbm>> -> memref<1x1x128xi32, #tpu.memory_space<hbm>>
      %dma_start3A_156 = tpu.memref_squeeze %dma_start3A_155 : memref<1x1x128xi32, #tpu.memory_space<hbm>> -> memref<128xi32, #tpu.memory_space<hbm>>
      %dma_start3A_157 = arith.constant 0 : i32
      %dma_start3A_158 = tpu.memref_slice %arg13[%cond3A_16, %dma_start3A_157] : memref<3x128xi32, #tpu.memory_space<vmem>> -> memref<1x128xi32, #tpu.memory_space<vmem>>
      %dma_start3A_159 = tpu.memref_squeeze %dma_start3A_158 : memref<1x128xi32, #tpu.memory_space<vmem>> -> memref<128xi32, #tpu.memory_space<vmem>>
      %dma_start3A_160 = arith.constant 0 : i32
      %dma_start3A_161 = tpu.memref_slice %arg4[%dma_start3A_150, %sub3A_149, %dma_start3A_160] : memref<2x92x128xi32, #tpu.memory_space<hbm>> -> memref<1x1x128xi32, #tpu.memory_space<hbm>>
      %dma_start3A_162 = tpu.memref_squeeze %dma_start3A_161 : memref<1x1x128xi32, #tpu.memory_space<hbm>> -> memref<128xi32, #tpu.memory_space<hbm>>
      tpu.enqueue_dma source(%dma_start3A_162 : memref<128xi32, #tpu.memory_space<hbm>>) target(%dma_start3A_159 : memref<128xi32, #tpu.memory_space<vmem>>) target_semaphore(%arg21 : memref<!tpu.dma_semaphore, #tpu.memory_space<semaphore_mem>>)
    } else {
    }
    %add3A_19 = arith.constant 0 : i32
    %add3A_20 = arith.addi %select_n3A_8, %add3A_19 : i32
    %lt3A_21 = arith.constant 2500 : i32
    %lt3A_22 = arith.cmpi slt, %add3A_20, %lt3A_21 : i32
    %convert_element_type3A_23 = arith.extui %lt3A_22 : i1 to i32
    %cond3A_24 = arith.constant 0 : i32
    %cond3A_25 = arith.cmpi ne, %convert_element_type3A_23, %cond3A_24 : i32
    scf.if %cond3A_25 {
      %mul3A_148 = arith.constant 128 : i32
      %mul3A_149 = arith.muli %add3A_20, %mul3A_148 : i32
      %dma_start3A_150 = arith.constant 0 : i32
      %dma_start3A_151 = tpu.memref_slice %arg3[%dma_start3A_150, %mul3A_149] : memref<2x320000xi32, #tpu.memory_space<hbm>> -> memref<1x128xi32, #tpu.memory_space<hbm>>
      %dma_start3A_152 = tpu.memref_squeeze %dma_start3A_151 : memref<1x128xi32, #tpu.memory_space<hbm>> -> memref<128xi32, #tpu.memory_space<hbm>>
      %dma_start3A_153 = tpu.memref_slice %arg3[%dma_start3A_150, %mul3A_149] : memref<2x320000xi32, #tpu.memory_space<hbm>> -> memref<1x128xi32, #tpu.memory_space<hbm>>
      %dma_start3A_154 = tpu.memref_squeeze %dma_start3A_153 : memref<1x128xi32, #tpu.memory_space<hbm>> -> memref<128xi32, #tpu.memory_space<hbm>>
      tpu.enqueue_dma source(%dma_start3A_154 : memref<128xi32, #tpu.memory_space<hbm>>) target(%arg10 : memref<128xi32, #tpu.memory_space<vmem>>) target_semaphore(%arg18 : memref<!tpu.dma_semaphore, #tpu.memory_space<semaphore_mem>>)
    } else {
    }
    %ge3A_26 = arith.constant 2500 : i32
    %ge3A_27 = arith.cmpi sge, %add3A_20, %ge3A_26 : i32
    %convert_element_type3A_28 = arith.extui %ge3A_27 : i1 to i32
    %cond3A_29 = arith.constant 0 : i32
    %cond3A_30 = arith.cmpi ne, %convert_element_type3A_28, %cond3A_29 : i32
    scf.if %cond3A_30 {
      %sub3A_148 = arith.constant 2500 : i32
      %sub3A_149 = arith.subi %add3A_20, %sub3A_148 : i32
      %dma_start3A_150 = arith.constant 0 : i32
      %dma_start3A_151 = arith.constant 0 : i32
      %dma_start3A_152 = tpu.memref_slice %arg4[%dma_start3A_150, %sub3A_149, %dma_start3A_151] : memref<2x92x128xi32, #tpu.memory_space<hbm>> -> memref<1x1x128xi32, #tpu.memory_space<hbm>>
      %dma_start3A_153 = tpu.memref_squeeze %dma_start3A_152 : memref<1x1x128xi32, #tpu.memory_space<hbm>> -> memref<128xi32, #tpu.memory_space<hbm>>
      %dma_start3A_154 = arith.constant 0 : i32
      %dma_start3A_155 = tpu.memref_slice %arg4[%dma_start3A_150, %sub3A_149, %dma_start3A_154] : memref<2x92x128xi32, #tpu.memory_space<hbm>> -> memref<1x1x128xi32, #tpu.memory_space<hbm>>
      %dma_start3A_156 = tpu.memref_squeeze %dma_start3A_155 : memref<1x1x128xi32, #tpu.memory_space<hbm>> -> memref<128xi32, #tpu.memory_space<hbm>>
      tpu.enqueue_dma source(%dma_start3A_156 : memref<128xi32, #tpu.memory_space<hbm>>) target(%arg10 : memref<128xi32, #tpu.memory_space<vmem>>) target_semaphore(%arg18 : memref<!tpu.dma_semaphore, #tpu.memory_space<semaphore_mem>>)
    } else {
    }
    %add3A_31 = arith.constant 1 : i32
    %add3A_32 = arith.addi %select_n3A_8, %add3A_31 : i32
    %lt3A_33 = arith.constant 2500 : i32
    %lt3A_34 = arith.cmpi slt, %add3A_32, %lt3A_33 : i32
    %convert_element_type3A_35 = arith.extui %lt3A_34 : i1 to i32
    %cond3A_36 = arith.constant 1 : i32
    %cond3A_37 = arith.constant 0 : i32
    %cond3A_38 = arith.cmpi ne, %convert_element_type3A_35, %cond3A_37 : i32
    scf.if %cond3A_38 {
      %mul3A_148 = arith.constant 128 : i32
      %mul3A_149 = arith.muli %add3A_32, %mul3A_148 : i32
      %dma_start3A_150 = arith.constant 1 : i32
      %dma_start3A_151 = arith.constant 0 : i32
      %dma_start3A_152 = tpu.memref_slice %arg13[%cond3A_36, %dma_start3A_151] : memref<3x128xi32, #tpu.memory_space<vmem>> -> memref<1x128xi32, #tpu.memory_space<vmem>>
      %dma_start3A_153 = tpu.memref_squeeze %dma_start3A_152 : memref<1x128xi32, #tpu.memory_space<vmem>> -> memref<128xi32, #tpu.memory_space<vmem>>
      %dma_start3A_154 = tpu.memref_slice %arg3[%dma_start3A_150, %mul3A_149] : memref<2x320000xi32, #tpu.memory_space<hbm>> -> memref<1x128xi32, #tpu.memory_space<hbm>>
      %dma_start3A_155 = tpu.memref_squeeze %dma_start3A_154 : memref<1x128xi32, #tpu.memory_space<hbm>> -> memref<128xi32, #tpu.memory_space<hbm>>
      %dma_start3A_156 = arith.constant 0 : i32
      %dma_start3A_157 = tpu.memref_slice %arg13[%cond3A_36, %dma_start3A_156] : memref<3x128xi32, #tpu.memory_space<vmem>> -> memref<1x128xi32, #tpu.memory_space<vmem>>
      %dma_start3A_158 = tpu.memref_squeeze %dma_start3A_157 : memref<1x128xi32, #tpu.memory_space<vmem>> -> memref<128xi32, #tpu.memory_space<vmem>>
      %dma_start3A_159 = tpu.memref_slice %arg3[%dma_start3A_150, %mul3A_149] : memref<2x320000xi32, #tpu.memory_space<hbm>> -> memref<1x128xi32, #tpu.memory_space<hbm>>
      %dma_start3A_160 = tpu.memref_squeeze %dma_start3A_159 : memref<1x128xi32, #tpu.memory_space<hbm>> -> memref<128xi32, #tpu.memory_space<hbm>>
      tpu.enqueue_dma source(%dma_start3A_160 : memref<128xi32, #tpu.memory_space<hbm>>) target(%dma_start3A_158 : memref<128xi32, #tpu.memory_space<vmem>>) target_semaphore(%arg22 : memref<!tpu.dma_semaphore, #tpu.memory_space<semaphore_mem>>)
    } else {
    }
    %ge3A_39 = arith.constant 2500 : i32
    %ge3A_40 = arith.cmpi sge, %add3A_32, %ge3A_39 : i32
    %convert_element_type3A_41 = arith.extui %ge3A_40 : i1 to i32
    %cond3A_42 = arith.constant 1 : i32
    %cond3A_43 = arith.constant 0 : i32
    %cond3A_44 = arith.cmpi ne, %convert_element_type3A_41, %cond3A_43 : i32
    scf.if %cond3A_44 {
      %sub3A_148 = arith.constant 2500 : i32
      %sub3A_149 = arith.subi %add3A_32, %sub3A_148 : i32
      %dma_start3A_150 = arith.constant 1 : i32
      %dma_start3A_151 = arith.constant 0 : i32
      %dma_start3A_152 = tpu.memref_slice %arg13[%cond3A_42, %dma_start3A_151] : memref<3x128xi32, #tpu.memory_space<vmem>> -> memref<1x128xi32, #tpu.memory_space<vmem>>
      %dma_start3A_153 = tpu.memref_squeeze %dma_start3A_152 : memref<1x128xi32, #tpu.memory_space<vmem>> -> memref<128xi32, #tpu.memory_space<vmem>>
      %dma_start3A_154 = arith.constant 0 : i32
      %dma_start3A_155 = tpu.memref_slice %arg4[%dma_start3A_150, %sub3A_149, %dma_start3A_154] : memref<2x92x128xi32, #tpu.memory_space<hbm>> -> memref<1x1x128xi32, #tpu.memory_space<hbm>>
      %dma_start3A_156 = tpu.memref_squeeze %dma_start3A_155 : memref<1x1x128xi32, #tpu.memory_space<hbm>> -> memref<128xi32, #tpu.memory_space<hbm>>
      %dma_start3A_157 = arith.constant 0 : i32
      %dma_start3A_158 = tpu.memref_slice %arg13[%cond3A_42, %dma_start3A_157] : memref<3x128xi32, #tpu.memory_space<vmem>> -> memref<1x128xi32, #tpu.memory_space<vmem>>
      %dma_start3A_159 = tpu.memref_squeeze %dma_start3A_158 : memref<1x128xi32, #tpu.memory_space<vmem>> -> memref<128xi32, #tpu.memory_space<vmem>>
      %dma_start3A_160 = arith.constant 0 : i32
      %dma_start3A_161 = tpu.memref_slice %arg4[%dma_start3A_150, %sub3A_149, %dma_start3A_160] : memref<2x92x128xi32, #tpu.memory_space<hbm>> -> memref<1x1x128xi32, #tpu.memory_space<hbm>>
      %dma_start3A_162 = tpu.memref_squeeze %dma_start3A_161 : memref<1x1x128xi32, #tpu.memory_space<hbm>> -> memref<128xi32, #tpu.memory_space<hbm>>
      tpu.enqueue_dma source(%dma_start3A_162 : memref<128xi32, #tpu.memory_space<hbm>>) target(%dma_start3A_159 : memref<128xi32, #tpu.memory_space<vmem>>) target_semaphore(%arg22 : memref<!tpu.dma_semaphore, #tpu.memory_space<semaphore_mem>>)
    } else {
    }
    %add3A_45 = arith.constant 1 : i32
    %add3A_46 = arith.addi %select_n3A_8, %add3A_45 : i32
    %lt3A_47 = arith.constant 2500 : i32
    %lt3A_48 = arith.cmpi slt, %add3A_46, %lt3A_47 : i32
    %convert_element_type3A_49 = arith.extui %lt3A_48 : i1 to i32
    %cond3A_50 = arith.constant 0 : i32
    %cond3A_51 = arith.cmpi ne, %convert_element_type3A_49, %cond3A_50 : i32
    scf.if %cond3A_51 {
      %mul3A_148 = arith.constant 128 : i32
      %mul3A_149 = arith.muli %add3A_46, %mul3A_148 : i32
      %dma_start3A_150 = arith.constant 0 : i32
      %dma_start3A_151 = tpu.memref_slice %arg3[%dma_start3A_150, %mul3A_149] : memref<2x320000xi32, #tpu.memory_space<hbm>> -> memref<1x128xi32, #tpu.memory_space<hbm>>
      %dma_start3A_152 = tpu.memref_squeeze %dma_start3A_151 : memref<1x128xi32, #tpu.memory_space<hbm>> -> memref<128xi32, #tpu.memory_space<hbm>>
      %dma_start3A_153 = tpu.memref_slice %arg3[%dma_start3A_150, %mul3A_149] : memref<2x320000xi32, #tpu.memory_space<hbm>> -> memref<1x128xi32, #tpu.memory_space<hbm>>
      %dma_start3A_154 = tpu.memref_squeeze %dma_start3A_153 : memref<1x128xi32, #tpu.memory_space<hbm>> -> memref<128xi32, #tpu.memory_space<hbm>>
      tpu.enqueue_dma source(%dma_start3A_154 : memref<128xi32, #tpu.memory_space<hbm>>) target(%arg11 : memref<128xi32, #tpu.memory_space<vmem>>) target_semaphore(%arg19 : memref<!tpu.dma_semaphore, #tpu.memory_space<semaphore_mem>>)
    } else {
    }
    %ge3A_52 = arith.constant 2500 : i32
    %ge3A_53 = arith.cmpi sge, %add3A_46, %ge3A_52 : i32
    %convert_element_type3A_54 = arith.extui %ge3A_53 : i1 to i32
    %cond3A_55 = arith.constant 0 : i32
    %cond3A_56 = arith.cmpi ne, %convert_element_type3A_54, %cond3A_55 : i32
    scf.if %cond3A_56 {
      %sub3A_148 = arith.constant 2500 : i32
      %sub3A_149 = arith.subi %add3A_46, %sub3A_148 : i32
      %dma_start3A_150 = arith.constant 0 : i32
      %dma_start3A_151 = arith.constant 0 : i32
      %dma_start3A_152 = tpu.memref_slice %arg4[%dma_start3A_150, %sub3A_149, %dma_start3A_151] : memref<2x92x128xi32, #tpu.memory_space<hbm>> -> memref<1x1x128xi32, #tpu.memory_space<hbm>>
      %dma_start3A_153 = tpu.memref_squeeze %dma_start3A_152 : memref<1x1x128xi32, #tpu.memory_space<hbm>> -> memref<128xi32, #tpu.memory_space<hbm>>
      %dma_start3A_154 = arith.constant 0 : i32
      %dma_start3A_155 = tpu.memref_slice %arg4[%dma_start3A_150, %sub3A_149, %dma_start3A_154] : memref<2x92x128xi32, #tpu.memory_space<hbm>> -> memref<1x1x128xi32, #tpu.memory_space<hbm>>
      %dma_start3A_156 = tpu.memref_squeeze %dma_start3A_155 : memref<1x1x128xi32, #tpu.memory_space<hbm>> -> memref<128xi32, #tpu.memory_space<hbm>>
      tpu.enqueue_dma source(%dma_start3A_156 : memref<128xi32, #tpu.memory_space<hbm>>) target(%arg11 : memref<128xi32, #tpu.memory_space<vmem>>) target_semaphore(%arg19 : memref<!tpu.dma_semaphore, #tpu.memory_space<semaphore_mem>>)
    } else {
    }
    %add3A_57 = arith.constant 2 : i32
    %add3A_58 = arith.addi %select_n3A_8, %add3A_57 : i32
    %lt3A_59 = arith.constant 2500 : i32
    %lt3A_60 = arith.cmpi slt, %add3A_58, %lt3A_59 : i32
    %convert_element_type3A_61 = arith.extui %lt3A_60 : i1 to i32
    %cond3A_62 = arith.constant 2 : i32
    %cond3A_63 = arith.constant 0 : i32
    %cond3A_64 = arith.cmpi ne, %convert_element_type3A_61, %cond3A_63 : i32
    scf.if %cond3A_64 {
      %mul3A_148 = arith.constant 128 : i32
      %mul3A_149 = arith.muli %add3A_58, %mul3A_148 : i32
      %dma_start3A_150 = arith.constant 1 : i32
      %dma_start3A_151 = arith.constant 0 : i32
      %dma_start3A_152 = tpu.memref_slice %arg13[%cond3A_62, %dma_start3A_151] : memref<3x128xi32, #tpu.memory_space<vmem>> -> memref<1x128xi32, #tpu.memory_space<vmem>>
      %dma_start3A_153 = tpu.memref_squeeze %dma_start3A_152 : memref<1x128xi32, #tpu.memory_space<vmem>> -> memref<128xi32, #tpu.memory_space<vmem>>
      %dma_start3A_154 = tpu.memref_slice %arg3[%dma_start3A_150, %mul3A_149] : memref<2x320000xi32, #tpu.memory_space<hbm>> -> memref<1x128xi32, #tpu.memory_space<hbm>>
      %dma_start3A_155 = tpu.memref_squeeze %dma_start3A_154 : memref<1x128xi32, #tpu.memory_space<hbm>> -> memref<128xi32, #tpu.memory_space<hbm>>
      %dma_start3A_156 = arith.constant 0 : i32
      %dma_start3A_157 = tpu.memref_slice %arg13[%cond3A_62, %dma_start3A_156] : memref<3x128xi32, #tpu.memory_space<vmem>> -> memref<1x128xi32, #tpu.memory_space<vmem>>
      %dma_start3A_158 = tpu.memref_squeeze %dma_start3A_157 : memref<1x128xi32, #tpu.memory_space<vmem>> -> memref<128xi32, #tpu.memory_space<vmem>>
      %dma_start3A_159 = tpu.memref_slice %arg3[%dma_start3A_150, %mul3A_149] : memref<2x320000xi32, #tpu.memory_space<hbm>> -> memref<1x128xi32, #tpu.memory_space<hbm>>
      %dma_start3A_160 = tpu.memref_squeeze %dma_start3A_159 : memref<1x128xi32, #tpu.memory_space<hbm>> -> memref<128xi32, #tpu.memory_space<hbm>>
      tpu.enqueue_dma source(%dma_start3A_160 : memref<128xi32, #tpu.memory_space<hbm>>) target(%dma_start3A_158 : memref<128xi32, #tpu.memory_space<vmem>>) target_semaphore(%arg23 : memref<!tpu.dma_semaphore, #tpu.memory_space<semaphore_mem>>)
    } else {
    }
    %ge3A_65 = arith.constant 2500 : i32
    %ge3A_66 = arith.cmpi sge, %add3A_58, %ge3A_65 : i32
    %convert_element_type3A_67 = arith.extui %ge3A_66 : i1 to i32
    %cond3A_68 = arith.constant 2 : i32
    %cond3A_69 = arith.constant 0 : i32
    %cond3A_70 = arith.cmpi ne, %convert_element_type3A_67, %cond3A_69 : i32
    scf.if %cond3A_70 {
      %sub3A_148 = arith.constant 2500 : i32
      %sub3A_149 = arith.subi %add3A_58, %sub3A_148 : i32
      %dma_start3A_150 = arith.constant 1 : i32
      %dma_start3A_151 = arith.constant 0 : i32
      %dma_start3A_152 = tpu.memref_slice %arg13[%cond3A_68, %dma_start3A_151] : memref<3x128xi32, #tpu.memory_space<vmem>> -> memref<1x128xi32, #tpu.memory_space<vmem>>
      %dma_start3A_153 = tpu.memref_squeeze %dma_start3A_152 : memref<1x128xi32, #tpu.memory_space<vmem>> -> memref<128xi32, #tpu.memory_space<vmem>>
      %dma_start3A_154 = arith.constant 0 : i32
      %dma_start3A_155 = tpu.memref_slice %arg4[%dma_start3A_150, %sub3A_149, %dma_start3A_154] : memref<2x92x128xi32, #tpu.memory_space<hbm>> -> memref<1x1x128xi32, #tpu.memory_space<hbm>>
      %dma_start3A_156 = tpu.memref_squeeze %dma_start3A_155 : memref<1x1x128xi32, #tpu.memory_space<hbm>> -> memref<128xi32, #tpu.memory_space<hbm>>
      %dma_start3A_157 = arith.constant 0 : i32
      %dma_start3A_158 = tpu.memref_slice %arg13[%cond3A_68, %dma_start3A_157] : memref<3x128xi32, #tpu.memory_space<vmem>> -> memref<1x128xi32, #tpu.memory_space<vmem>>
      %dma_start3A_159 = tpu.memref_squeeze %dma_start3A_158 : memref<1x128xi32, #tpu.memory_space<vmem>> -> memref<128xi32, #tpu.memory_space<vmem>>
      %dma_start3A_160 = arith.constant 0 : i32
      %dma_start3A_161 = tpu.memref_slice %arg4[%dma_start3A_150, %sub3A_149, %dma_start3A_160] : memref<2x92x128xi32, #tpu.memory_space<hbm>> -> memref<1x1x128xi32, #tpu.memory_space<hbm>>
      %dma_start3A_162 = tpu.memref_squeeze %dma_start3A_161 : memref<1x1x128xi32, #tpu.memory_space<hbm>> -> memref<128xi32, #tpu.memory_space<hbm>>
      tpu.enqueue_dma source(%dma_start3A_162 : memref<128xi32, #tpu.memory_space<hbm>>) target(%dma_start3A_159 : memref<128xi32, #tpu.memory_space<vmem>>) target_semaphore(%arg23 : memref<!tpu.dma_semaphore, #tpu.memory_space<semaphore_mem>>)
    } else {
    }
    %add3A_71 = arith.constant 2 : i32
    %add3A_72 = arith.addi %select_n3A_8, %add3A_71 : i32
    %lt3A_73 = arith.constant 2500 : i32
    %lt3A_74 = arith.cmpi slt, %add3A_72, %lt3A_73 : i32
    %convert_element_type3A_75 = arith.extui %lt3A_74 : i1 to i32
    %cond3A_76 = arith.constant 0 : i32
    %cond3A_77 = arith.cmpi ne, %convert_element_type3A_75, %cond3A_76 : i32
    scf.if %cond3A_77 {
      %mul3A_148 = arith.constant 128 : i32
      %mul3A_149 = arith.muli %add3A_72, %mul3A_148 : i32
      %dma_start3A_150 = arith.constant 0 : i32
      %dma_start3A_151 = tpu.memref_slice %arg3[%dma_start3A_150, %mul3A_149] : memref<2x320000xi32, #tpu.memory_space<hbm>> -> memref<1x128xi32, #tpu.memory_space<hbm>>
      %dma_start3A_152 = tpu.memref_squeeze %dma_start3A_151 : memref<1x128xi32, #tpu.memory_space<hbm>> -> memref<128xi32, #tpu.memory_space<hbm>>
      %dma_start3A_153 = tpu.memref_slice %arg3[%dma_start3A_150, %mul3A_149] : memref<2x320000xi32, #tpu.memory_space<hbm>> -> memref<1x128xi32, #tpu.memory_space<hbm>>
      %dma_start3A_154 = tpu.memref_squeeze %dma_start3A_153 : memref<1x128xi32, #tpu.memory_space<hbm>> -> memref<128xi32, #tpu.memory_space<hbm>>
      tpu.enqueue_dma source(%dma_start3A_154 : memref<128xi32, #tpu.memory_space<hbm>>) target(%arg12 : memref<128xi32, #tpu.memory_space<vmem>>) target_semaphore(%arg20 : memref<!tpu.dma_semaphore, #tpu.memory_space<semaphore_mem>>)
    } else {
    }
    %ge3A_78 = arith.constant 2500 : i32
    %ge3A_79 = arith.cmpi sge, %add3A_72, %ge3A_78 : i32
    %convert_element_type3A_80 = arith.extui %ge3A_79 : i1 to i32
    %cond3A_81 = arith.constant 0 : i32
    %cond3A_82 = arith.cmpi ne, %convert_element_type3A_80, %cond3A_81 : i32
    scf.if %cond3A_82 {
      %sub3A_148 = arith.constant 2500 : i32
      %sub3A_149 = arith.subi %add3A_72, %sub3A_148 : i32
      %dma_start3A_150 = arith.constant 0 : i32
      %dma_start3A_151 = arith.constant 0 : i32
      %dma_start3A_152 = tpu.memref_slice %arg4[%dma_start3A_150, %sub3A_149, %dma_start3A_151] : memref<2x92x128xi32, #tpu.memory_space<hbm>> -> memref<1x1x128xi32, #tpu.memory_space<hbm>>
      %dma_start3A_153 = tpu.memref_squeeze %dma_start3A_152 : memref<1x1x128xi32, #tpu.memory_space<hbm>> -> memref<128xi32, #tpu.memory_space<hbm>>
      %dma_start3A_154 = arith.constant 0 : i32
      %dma_start3A_155 = tpu.memref_slice %arg4[%dma_start3A_150, %sub3A_149, %dma_start3A_154] : memref<2x92x128xi32, #tpu.memory_space<hbm>> -> memref<1x1x128xi32, #tpu.memory_space<hbm>>
      %dma_start3A_156 = tpu.memref_squeeze %dma_start3A_155 : memref<1x1x128xi32, #tpu.memory_space<hbm>> -> memref<128xi32, #tpu.memory_space<hbm>>
      tpu.enqueue_dma source(%dma_start3A_156 : memref<128xi32, #tpu.memory_space<hbm>>) target(%arg12 : memref<128xi32, #tpu.memory_space<vmem>>) target_semaphore(%arg20 : memref<!tpu.dma_semaphore, #tpu.memory_space<semaphore_mem>>)
    } else {
    }
    %dma_wait3A = arith.constant 0 : i32
    %dma_wait3A_83 = arith.constant 0 : i32
    %dma_wait3A_84 = arith.constant 0 : i32
    %dma_wait3A_85 = tpu.memref_slice %arg4[%dma_wait3A, %dma_wait3A_83, %dma_wait3A_84] : memref<2x92x128xi32, #tpu.memory_space<hbm>> -> memref<1x1x128xi32, #tpu.memory_space<hbm>>
    %dma_wait3A_86 = tpu.memref_squeeze %dma_wait3A_85 : memref<1x1x128xi32, #tpu.memory_space<hbm>> -> memref<128xi32, #tpu.memory_space<hbm>>
    %dma_wait3A_87 = arith.constant 0 : i32
    %dma_wait3A_88 = tpu.memref_slice %arg4[%dma_wait3A, %dma_wait3A_83, %dma_wait3A_87] : memref<2x92x128xi32, #tpu.memory_space<hbm>> -> memref<1x1x128xi32, #tpu.memory_space<hbm>>
    %dma_wait3A_89 = tpu.memref_squeeze %dma_wait3A_88 : memref<1x1x128xi32, #tpu.memory_space<hbm>> -> memref<128xi32, #tpu.memory_space<hbm>>
    tpu.wait_dma2 semaphore(%arg18 : memref<!tpu.dma_semaphore, #tpu.memory_space<semaphore_mem>>) src(%dma_wait3A_89 : memref<128xi32, #tpu.memory_space<hbm>>) dst(%arg10 : memref<128xi32, #tpu.memory_space<vmem>>)
    %dma_start3A = arith.constant 0 : i32
    %dma_start3A_90 = arith.constant 0 : i32
    %dma_start3A_91 = tpu.memref_slice %arg2[%dma_start3A, %dma_start3A_90] : memref<10000x128xf32, #tpu.memory_space<hbm>> -> memref<10000x128xf32, #tpu.memory_space<hbm>>
    tpu.enqueue_indirect_dma source(%dma_start3A_91 : memref<10000x128xf32, #tpu.memory_space<hbm>>) target(%arg7 : memref<128x128xf32, #tpu.memory_space<vmem>>) offsets(%arg10 : memref<128xi32, #tpu.memory_space<vmem>>) semaphore(%arg15 : memref<!tpu.dma_semaphore, #tpu.memory_space<semaphore_mem>>)
    %dma_wait3A_92 = arith.constant 0 : i32
    %dma_wait3A_93 = arith.constant 0 : i32
    %dma_wait3A_94 = arith.constant 0 : i32
    %dma_wait3A_95 = tpu.memref_slice %arg4[%dma_wait3A_92, %dma_wait3A_93, %dma_wait3A_94] : memref<2x92x128xi32, #tpu.memory_space<hbm>> -> memref<1x1x128xi32, #tpu.memory_space<hbm>>
    %dma_wait3A_96 = tpu.memref_squeeze %dma_wait3A_95 : memref<1x1x128xi32, #tpu.memory_space<hbm>> -> memref<128xi32, #tpu.memory_space<hbm>>
    %dma_wait3A_97 = arith.constant 0 : i32
    %dma_wait3A_98 = tpu.memref_slice %arg4[%dma_wait3A_92, %dma_wait3A_93, %dma_wait3A_97] : memref<2x92x128xi32, #tpu.memory_space<hbm>> -> memref<1x1x128xi32, #tpu.memory_space<hbm>>
    %dma_wait3A_99 = tpu.memref_squeeze %dma_wait3A_98 : memref<1x1x128xi32, #tpu.memory_space<hbm>> -> memref<128xi32, #tpu.memory_space<hbm>>
    tpu.wait_dma2 semaphore(%arg19 : memref<!tpu.dma_semaphore, #tpu.memory_space<semaphore_mem>>) src(%dma_wait3A_99 : memref<128xi32, #tpu.memory_space<hbm>>) dst(%arg11 : memref<128xi32, #tpu.memory_space<vmem>>)
    %dma_start3A_100 = arith.constant 0 : i32
    %dma_start3A_101 = arith.constant 0 : i32
    %dma_start3A_102 = tpu.memref_slice %arg2[%dma_start3A_100, %dma_start3A_101] : memref<10000x128xf32, #tpu.memory_space<hbm>> -> memref<10000x128xf32, #tpu.memory_space<hbm>>
    tpu.enqueue_indirect_dma source(%dma_start3A_102 : memref<10000x128xf32, #tpu.memory_space<hbm>>) target(%arg8 : memref<128x128xf32, #tpu.memory_space<vmem>>) offsets(%arg11 : memref<128xi32, #tpu.memory_space<vmem>>) semaphore(%arg16 : memref<!tpu.dma_semaphore, #tpu.memory_space<semaphore_mem>>)
    %dma_wait3A_103 = arith.constant 0 : i32
    %dma_wait3A_104 = arith.constant 0 : i32
    %dma_wait3A_105 = arith.constant 0 : i32
    %dma_wait3A_106 = tpu.memref_slice %arg4[%dma_wait3A_103, %dma_wait3A_104, %dma_wait3A_105] : memref<2x92x128xi32, #tpu.memory_space<hbm>> -> memref<1x1x128xi32, #tpu.memory_space<hbm>>
    %dma_wait3A_107 = tpu.memref_squeeze %dma_wait3A_106 : memref<1x1x128xi32, #tpu.memory_space<hbm>> -> memref<128xi32, #tpu.memory_space<hbm>>
    %dma_wait3A_108 = arith.constant 0 : i32
    %dma_wait3A_109 = tpu.memref_slice %arg4[%dma_wait3A_103, %dma_wait3A_104, %dma_wait3A_108] : memref<2x92x128xi32, #tpu.memory_space<hbm>> -> memref<1x1x128xi32, #tpu.memory_space<hbm>>
    %dma_wait3A_110 = tpu.memref_squeeze %dma_wait3A_109 : memref<1x1x128xi32, #tpu.memory_space<hbm>> -> memref<128xi32, #tpu.memory_space<hbm>>
    tpu.wait_dma2 semaphore(%arg20 : memref<!tpu.dma_semaphore, #tpu.memory_space<semaphore_mem>>) src(%dma_wait3A_110 : memref<128xi32, #tpu.memory_space<hbm>>) dst(%arg12 : memref<128xi32, #tpu.memory_space<vmem>>)
    %dma_start3A_111 = arith.constant 0 : i32
    %dma_start3A_112 = arith.constant 0 : i32
    %dma_start3A_113 = tpu.memref_slice %arg2[%dma_start3A_111, %dma_start3A_112] : memref<10000x128xf32, #tpu.memory_space<hbm>> -> memref<10000x128xf32, #tpu.memory_space<hbm>>
    tpu.enqueue_indirect_dma source(%dma_start3A_113 : memref<10000x128xf32, #tpu.memory_space<hbm>>) target(%arg9 : memref<128x128xf32, #tpu.memory_space<vmem>>) offsets(%arg12 : memref<128xi32, #tpu.memory_space<vmem>>) semaphore(%arg17 : memref<!tpu.dma_semaphore, #tpu.memory_space<semaphore_mem>>)
    %mul3A_114 = arith.constant 632 : i32
    %mul3A_115 = arith.muli %arg1, %mul3A_114 : i32
    "tpu.region"() ({
      %run_scoped3A = tpu.sem_alloc : memref<!tpu.dma_semaphore, #tpu.memory_space<semaphore_mem>>
      %dma_start3A_148 = arith.constant 0 : i32
      %dma_start3A_149 = tpu.memref_slice %arg14[%mul3A_115, %dma_start3A_148] : memref<10112x128xf32, #tpu.memory_space<vmem_shared>> -> memref<632x128xf32, #tpu.memory_space<vmem_shared>>
      tpu.enqueue_dma source(%arg5 : memref<632x128xf32, #tpu.memory_space<hbm>>) target(%dma_start3A_149 : memref<632x128xf32, #tpu.memory_space<vmem_shared>>) target_semaphore(%run_scoped3A : memref<!tpu.dma_semaphore, #tpu.memory_space<semaphore_mem>>)
      %dma_wait3A_150 = arith.constant 0 : i32
      %dma_wait3A_151 = tpu.memref_slice %arg14[%mul3A_115, %dma_wait3A_150] : memref<10112x128xf32, #tpu.memory_space<vmem_shared>> -> memref<632x128xf32, #tpu.memory_space<vmem_shared>>
      tpu.wait_dma2 semaphore(%run_scoped3A : memref<!tpu.dma_semaphore, #tpu.memory_space<semaphore_mem>>) src(%arg5 : memref<632x128xf32, #tpu.memory_space<hbm>>) dst(%dma_wait3A_151 : memref<632x128xf32, #tpu.memory_space<vmem_shared>>)
      tpu.yield
    }) : () -> ()
    %barrier3A = arith.constant 0 : index
    tpu.barrier barrier_id(%barrier3A)
    %jit3A_116 = arith.constant 3 : i32
    %div3A = arith.divsi %select_n3A, %jit3A_116 : i32
    %sign3A = arith.constant 0 : i32
    %sign3A_117 = arith.cmpi sgt, %select_n3A, %sign3A : i32
    %sign3A_118 = arith.extui %sign3A_117 : i1 to i32
    %sign3A_119 = arith.constant 0 : i32
    %sign3A_120 = arith.cmpi slt, %select_n3A, %sign3A_119 : i32
    %sign3A_121 = arith.extui %sign3A_120 : i1 to i32
    %sign3A_122 = arith.subi %sign3A_118, %sign3A_121 : i32
    %sign3A_123 = arith.constant 0 : i32
    %sign3A_124 = arith.cmpi sgt, %jit3A_116, %sign3A_123 : i32
    %sign3A_125 = arith.extui %sign3A_124 : i1 to i32
    %sign3A_126 = arith.constant 0 : i32
    %sign3A_127 = arith.cmpi slt, %jit3A_116, %sign3A_126 : i32
    %sign3A_128 = arith.extui %sign3A_127 : i1 to i32
    %sign3A_129 = arith.subi %sign3A_125, %sign3A_128 : i32
    %ne3A = arith.cmpi ne, %sign3A_122, %sign3A_129 : i32
    %rem3A = arith.remsi %select_n3A, %jit3A_116 : i32
    %ne3A_130 = arith.constant 0 : i32
    %ne3A_131 = arith.cmpi ne, %rem3A, %ne3A_130 : i32
    %and3A = arith.andi %ne3A, %ne3A_131 : i1
    %sub3A = arith.constant 1 : i32
    %sub3A_132 = arith.subi %div3A, %sub3A : i32
    %select_n3A_133 = arith.select %and3A, %sub3A_132, %div3A : i32
    %while3A = arith.constant 0 : i32
    %while3A_134 = arith.constant 0 : i32
    %while3A_135 = arith.subi %select_n3A_133, %while3A_134 : i32
    %while3A_136 = arith.addi %while3A_134, %while3A_135 : i32
    %while3A_137 = arith.constant 1 : i32
    %while3A_138 = arith.divsi %while3A_135, %while3A_137 : i32
    %while3A_139 = arith.muli %while3A_138, %while3A_137 : i32
    %while3A_140 = arith.addi %while3A_134, %while3A_139 : i32
    %while3A_141 = arith.constant 1 : i32
    scf.for %while3A_148 = %while3A_134 to %while3A_140 step %while3A_141  : i32 {
      %mul3A_149 = arith.constant 3 : i32
      %mul3A_150 = arith.muli %while3A_148, %mul3A_149 : i32
      %add3A_151 = arith.constant 0 : i32
      %add3A_152 = arith.addi %mul3A_150, %add3A_151 : i32
      %dma_wait3A_153 = arith.constant 0 : i32
      %dma_wait3A_154 = arith.constant 0 : i32
      %dma_wait3A_155 = tpu.memref_slice %arg2[%dma_wait3A_153, %dma_wait3A_154] : memref<10000x128xf32, #tpu.memory_space<hbm>> -> memref<10000x128xf32, #tpu.memory_space<hbm>>
      tpu.wait_indirect_dma semaphore(%arg15 : memref<!tpu.dma_semaphore, #tpu.memory_space<semaphore_mem>>) src(%dma_wait3A_155 : memref<10000x128xf32, #tpu.memory_space<hbm>>) dst(%arg7 : memref<128x128xf32, #tpu.memory_space<vmem>>)
      %add3A_156 = arith.constant 3 : i32
      %add3A_157 = arith.addi %add3A_152, %add3A_156 : i32
      %lt3A_158 = arith.cmpi slt, %add3A_157, %select_n3A : i32
      %convert_element_type3A_159 = arith.extui %lt3A_158 : i1 to i32
      %cond3A_160 = arith.constant 0 : i32
      %cond3A_161 = arith.cmpi ne, %convert_element_type3A_159, %cond3A_160 : i32
      scf.if %cond3A_161 {
        %add3A_249 = arith.addi %select_n3A_8, %add3A_152 : i32
        %add3A_250 = arith.constant 3 : i32
        %add3A_251 = arith.addi %add3A_249, %add3A_250 : i32
        %lt3A_252 = arith.constant 2500 : i32
        %lt3A_253 = arith.cmpi slt, %add3A_251, %lt3A_252 : i32
        %convert_element_type3A_254 = arith.extui %lt3A_253 : i1 to i32
        %cond3A_255 = arith.constant 0 : i32
        %cond3A_256 = arith.cmpi ne, %convert_element_type3A_254, %cond3A_255 : i32
        scf.if %cond3A_256 {
          %mul3A_262 = arith.constant 128 : i32
          %mul3A_263 = arith.muli %add3A_251, %mul3A_262 : i32
          %dma_start3A_264 = arith.constant 0 : i32
          %dma_start3A_265 = tpu.memref_slice %arg3[%dma_start3A_264, %mul3A_263] : memref<2x320000xi32, #tpu.memory_space<hbm>> -> memref<1x128xi32, #tpu.memory_space<hbm>>
          %dma_start3A_266 = tpu.memref_squeeze %dma_start3A_265 : memref<1x128xi32, #tpu.memory_space<hbm>> -> memref<128xi32, #tpu.memory_space<hbm>>
          %dma_start3A_267 = tpu.memref_slice %arg3[%dma_start3A_264, %mul3A_263] : memref<2x320000xi32, #tpu.memory_space<hbm>> -> memref<1x128xi32, #tpu.memory_space<hbm>>
          %dma_start3A_268 = tpu.memref_squeeze %dma_start3A_267 : memref<1x128xi32, #tpu.memory_space<hbm>> -> memref<128xi32, #tpu.memory_space<hbm>>
          tpu.enqueue_dma source(%dma_start3A_268 : memref<128xi32, #tpu.memory_space<hbm>>) target(%arg10 : memref<128xi32, #tpu.memory_space<vmem>>) target_semaphore(%arg18 : memref<!tpu.dma_semaphore, #tpu.memory_space<semaphore_mem>>)
        } else {
        }
        %ge3A_257 = arith.constant 2500 : i32
        %ge3A_258 = arith.cmpi sge, %add3A_251, %ge3A_257 : i32
        %convert_element_type3A_259 = arith.extui %ge3A_258 : i1 to i32
        %cond3A_260 = arith.constant 0 : i32
        %cond3A_261 = arith.cmpi ne, %convert_element_type3A_259, %cond3A_260 : i32
        scf.if %cond3A_261 {
          %sub3A_262 = arith.constant 2500 : i32
          %sub3A_263 = arith.subi %add3A_251, %sub3A_262 : i32
          %dma_start3A_264 = arith.constant 0 : i32
          %dma_start3A_265 = arith.constant 0 : i32
          %dma_start3A_266 = tpu.memref_slice %arg4[%dma_start3A_264, %sub3A_263, %dma_start3A_265] : memref<2x92x128xi32, #tpu.memory_space<hbm>> -> memref<1x1x128xi32, #tpu.memory_space<hbm>>
          %dma_start3A_267 = tpu.memref_squeeze %dma_start3A_266 : memref<1x1x128xi32, #tpu.memory_space<hbm>> -> memref<128xi32, #tpu.memory_space<hbm>>
          %dma_start3A_268 = arith.constant 0 : i32
          %dma_start3A_269 = tpu.memref_slice %arg4[%dma_start3A_264, %sub3A_263, %dma_start3A_268] : memref<2x92x128xi32, #tpu.memory_space<hbm>> -> memref<1x1x128xi32, #tpu.memory_space<hbm>>
          %dma_start3A_270 = tpu.memref_squeeze %dma_start3A_269 : memref<1x1x128xi32, #tpu.memory_space<hbm>> -> memref<128xi32, #tpu.memory_space<hbm>>
          tpu.enqueue_dma source(%dma_start3A_270 : memref<128xi32, #tpu.memory_space<hbm>>) target(%arg10 : memref<128xi32, #tpu.memory_space<vmem>>) target_semaphore(%arg18 : memref<!tpu.dma_semaphore, #tpu.memory_space<semaphore_mem>>)
        } else {
        }
      } else {
      }
      %dma_wait3A_162 = arith.constant 0 : i32
      %dma_wait3A_163 = arith.constant 0 : i32
      %dma_wait3A_164 = arith.constant 0 : i32
      %dma_wait3A_165 = arith.constant 0 : i32
      %dma_wait3A_166 = tpu.memref_slice %arg13[%dma_wait3A_164, %dma_wait3A_165] : memref<3x128xi32, #tpu.memory_space<vmem>> -> memref<1x128xi32, #tpu.memory_space<vmem>>
      %dma_wait3A_167 = tpu.memref_squeeze %dma_wait3A_166 : memref<1x128xi32, #tpu.memory_space<vmem>> -> memref<128xi32, #tpu.memory_space<vmem>>
      %dma_wait3A_168 = arith.constant 0 : i32
      %dma_wait3A_169 = tpu.memref_slice %arg4[%dma_wait3A_162, %dma_wait3A_163, %dma_wait3A_168] : memref<2x92x128xi32, #tpu.memory_space<hbm>> -> memref<1x1x128xi32, #tpu.memory_space<hbm>>
      %dma_wait3A_170 = tpu.memref_squeeze %dma_wait3A_169 : memref<1x1x128xi32, #tpu.memory_space<hbm>> -> memref<128xi32, #tpu.memory_space<hbm>>
      %dma_wait3A_171 = arith.constant 0 : i32
      %dma_wait3A_172 = tpu.memref_slice %arg13[%dma_wait3A_164, %dma_wait3A_171] : memref<3x128xi32, #tpu.memory_space<vmem>> -> memref<1x128xi32, #tpu.memory_space<vmem>>
      %dma_wait3A_173 = tpu.memref_squeeze %dma_wait3A_172 : memref<1x128xi32, #tpu.memory_space<vmem>> -> memref<128xi32, #tpu.memory_space<vmem>>
      %dma_wait3A_174 = arith.constant 0 : i32
      %dma_wait3A_175 = tpu.memref_slice %arg4[%dma_wait3A_162, %dma_wait3A_163, %dma_wait3A_174] : memref<2x92x128xi32, #tpu.memory_space<hbm>> -> memref<1x1x128xi32, #tpu.memory_space<hbm>>
      %dma_wait3A_176 = tpu.memref_squeeze %dma_wait3A_175 : memref<1x1x128xi32, #tpu.memory_space<hbm>> -> memref<128xi32, #tpu.memory_space<hbm>>
      tpu.wait_dma2 semaphore(%arg21 : memref<!tpu.dma_semaphore, #tpu.memory_space<semaphore_mem>>) src(%dma_wait3A_176 : memref<128xi32, #tpu.memory_space<hbm>>) dst(%dma_wait3A_173 : memref<128xi32, #tpu.memory_space<vmem>>)
      %run_scoped3A = arith.constant 0 : i32
      "tpu.region"() ({
        %run_scoped3A_249 = tpu.sem_alloc : memref<!tpu.dma_semaphore, #tpu.memory_space<semaphore_mem>>
        %dma_start3A_250 = arith.constant 0 : i32
        %dma_start3A_251 = tpu.memref_slice %arg13[%run_scoped3A, %dma_start3A_250] : memref<3x128xi32, #tpu.memory_space<vmem>> -> memref<1x128xi32, #tpu.memory_space<vmem>>
        %dma_start3A_252 = tpu.memref_squeeze %dma_start3A_251 : memref<1x128xi32, #tpu.memory_space<vmem>> -> memref<128xi32, #tpu.memory_space<vmem>>
        %dma_start3A_253 = arith.constant 0 : i32
        %dma_start3A_254 = arith.constant 0 : i32
        %dma_start3A_255 = tpu.memref_slice %arg14[%dma_start3A_253, %dma_start3A_254] : memref<10112x128xf32, #tpu.memory_space<vmem_shared>> -> memref<10112x128xf32, #tpu.memory_space<vmem_shared>>
        tpu.enqueue_indirect_dma source(%arg7 : memref<128x128xf32, #tpu.memory_space<vmem>>) target(%dma_start3A_255 : memref<10112x128xf32, #tpu.memory_space<vmem_shared>>) offsets(%dma_start3A_252 : memref<128xi32, #tpu.memory_space<vmem>>) semaphore(%run_scoped3A_249 : memref<!tpu.dma_semaphore, #tpu.memory_space<semaphore_mem>>) {add = true}
        %dma_wait3A_256 = arith.constant 0 : i32
        %dma_wait3A_257 = tpu.memref_slice %arg13[%run_scoped3A, %dma_wait3A_256] : memref<3x128xi32, #tpu.memory_space<vmem>> -> memref<1x128xi32, #tpu.memory_space<vmem>>
        %dma_wait3A_258 = tpu.memref_squeeze %dma_wait3A_257 : memref<1x128xi32, #tpu.memory_space<vmem>> -> memref<128xi32, #tpu.memory_space<vmem>>
        %dma_wait3A_259 = arith.constant 0 : i32
        %dma_wait3A_260 = arith.constant 0 : i32
        %dma_wait3A_261 = tpu.memref_slice %arg14[%dma_wait3A_259, %dma_wait3A_260] : memref<10112x128xf32, #tpu.memory_space<vmem_shared>> -> memref<10112x128xf32, #tpu.memory_space<vmem_shared>>
        tpu.wait_indirect_dma semaphore(%run_scoped3A_249 : memref<!tpu.dma_semaphore, #tpu.memory_space<semaphore_mem>>) src(%arg7 : memref<128x128xf32, #tpu.memory_space<vmem>>) dst(%dma_wait3A_261 : memref<10112x128xf32, #tpu.memory_space<vmem_shared>>)
        tpu.yield
      }) : () -> ()
      %add3A_177 = arith.constant 3 : i32
      %add3A_178 = arith.addi %add3A_152, %add3A_177 : i32
      %lt3A_179 = arith.cmpi slt, %add3A_178, %select_n3A : i32
      %convert_element_type3A_180 = arith.extui %lt3A_179 : i1 to i32
      %cond3A_181 = arith.constant 0 : i32
      %cond3A_182 = arith.cmpi ne, %convert_element_type3A_180, %cond3A_181 : i32
      scf.if %cond3A_182 {
        %add3A_249 = arith.addi %select_n3A_8, %add3A_152 : i32
        %add3A_250 = arith.constant 3 : i32
        %add3A_251 = arith.addi %add3A_249, %add3A_250 : i32
        %lt3A_252 = arith.constant 2500 : i32
        %lt3A_253 = arith.cmpi slt, %add3A_251, %lt3A_252 : i32
        %convert_element_type3A_254 = arith.extui %lt3A_253 : i1 to i32
        %cond3A_255 = arith.constant 0 : i32
        %cond3A_256 = arith.constant 0 : i32
        %cond3A_257 = arith.cmpi ne, %convert_element_type3A_254, %cond3A_256 : i32
        scf.if %cond3A_257 {
          %mul3A_275 = arith.constant 128 : i32
          %mul3A_276 = arith.muli %add3A_251, %mul3A_275 : i32
          %dma_start3A_277 = arith.constant 1 : i32
          %dma_start3A_278 = arith.constant 0 : i32
          %dma_start3A_279 = tpu.memref_slice %arg13[%cond3A_255, %dma_start3A_278] : memref<3x128xi32, #tpu.memory_space<vmem>> -> memref<1x128xi32, #tpu.memory_space<vmem>>
          %dma_start3A_280 = tpu.memref_squeeze %dma_start3A_279 : memref<1x128xi32, #tpu.memory_space<vmem>> -> memref<128xi32, #tpu.memory_space<vmem>>
          %dma_start3A_281 = tpu.memref_slice %arg3[%dma_start3A_277, %mul3A_276] : memref<2x320000xi32, #tpu.memory_space<hbm>> -> memref<1x128xi32, #tpu.memory_space<hbm>>
          %dma_start3A_282 = tpu.memref_squeeze %dma_start3A_281 : memref<1x128xi32, #tpu.memory_space<hbm>> -> memref<128xi32, #tpu.memory_space<hbm>>
          %dma_start3A_283 = arith.constant 0 : i32
          %dma_start3A_284 = tpu.memref_slice %arg13[%cond3A_255, %dma_start3A_283] : memref<3x128xi32, #tpu.memory_space<vmem>> -> memref<1x128xi32, #tpu.memory_space<vmem>>
          %dma_start3A_285 = tpu.memref_squeeze %dma_start3A_284 : memref<1x128xi32, #tpu.memory_space<vmem>> -> memref<128xi32, #tpu.memory_space<vmem>>
          %dma_start3A_286 = tpu.memref_slice %arg3[%dma_start3A_277, %mul3A_276] : memref<2x320000xi32, #tpu.memory_space<hbm>> -> memref<1x128xi32, #tpu.memory_space<hbm>>
          %dma_start3A_287 = tpu.memref_squeeze %dma_start3A_286 : memref<1x128xi32, #tpu.memory_space<hbm>> -> memref<128xi32, #tpu.memory_space<hbm>>
          tpu.enqueue_dma source(%dma_start3A_287 : memref<128xi32, #tpu.memory_space<hbm>>) target(%dma_start3A_285 : memref<128xi32, #tpu.memory_space<vmem>>) target_semaphore(%arg21 : memref<!tpu.dma_semaphore, #tpu.memory_space<semaphore_mem>>)
        } else {
        }
        %ge3A_258 = arith.constant 2500 : i32
        %ge3A_259 = arith.cmpi sge, %add3A_251, %ge3A_258 : i32
        %convert_element_type3A_260 = arith.extui %ge3A_259 : i1 to i32
        %cond3A_261 = arith.constant 0 : i32
        %cond3A_262 = arith.constant 0 : i32
        %cond3A_263 = arith.cmpi ne, %convert_element_type3A_260, %cond3A_262 : i32
        scf.if %cond3A_263 {
          %sub3A_275 = arith.constant 2500 : i32
          %sub3A_276 = arith.subi %add3A_251, %sub3A_275 : i32
          %dma_start3A_277 = arith.constant 1 : i32
          %dma_start3A_278 = arith.constant 0 : i32
          %dma_start3A_279 = tpu.memref_slice %arg13[%cond3A_261, %dma_start3A_278] : memref<3x128xi32, #tpu.memory_space<vmem>> -> memref<1x128xi32, #tpu.memory_space<vmem>>
          %dma_start3A_280 = tpu.memref_squeeze %dma_start3A_279 : memref<1x128xi32, #tpu.memory_space<vmem>> -> memref<128xi32, #tpu.memory_space<vmem>>
          %dma_start3A_281 = arith.constant 0 : i32
          %dma_start3A_282 = tpu.memref_slice %arg4[%dma_start3A_277, %sub3A_276, %dma_start3A_281] : memref<2x92x128xi32, #tpu.memory_space<hbm>> -> memref<1x1x128xi32, #tpu.memory_space<hbm>>
          %dma_start3A_283 = tpu.memref_squeeze %dma_start3A_282 : memref<1x1x128xi32, #tpu.memory_space<hbm>> -> memref<128xi32, #tpu.memory_space<hbm>>
          %dma_start3A_284 = arith.constant 0 : i32
          %dma_start3A_285 = tpu.memref_slice %arg13[%cond3A_261, %dma_start3A_284] : memref<3x128xi32, #tpu.memory_space<vmem>> -> memref<1x128xi32, #tpu.memory_space<vmem>>
          %dma_start3A_286 = tpu.memref_squeeze %dma_start3A_285 : memref<1x128xi32, #tpu.memory_space<vmem>> -> memref<128xi32, #tpu.memory_space<vmem>>
          %dma_start3A_287 = arith.constant 0 : i32
          %dma_start3A_288 = tpu.memref_slice %arg4[%dma_start3A_277, %sub3A_276, %dma_start3A_287] : memref<2x92x128xi32, #tpu.memory_space<hbm>> -> memref<1x1x128xi32, #tpu.memory_space<hbm>>
          %dma_start3A_289 = tpu.memref_squeeze %dma_start3A_288 : memref<1x1x128xi32, #tpu.memory_space<hbm>> -> memref<128xi32, #tpu.memory_space<hbm>>
          tpu.enqueue_dma source(%dma_start3A_289 : memref<128xi32, #tpu.memory_space<hbm>>) target(%dma_start3A_286 : memref<128xi32, #tpu.memory_space<vmem>>) target_semaphore(%arg21 : memref<!tpu.dma_semaphore, #tpu.memory_space<semaphore_mem>>)
        } else {
        }
        %dma_wait3A_264 = arith.constant 0 : i32
        %dma_wait3A_265 = arith.constant 0 : i32
        %dma_wait3A_266 = arith.constant 0 : i32
        %dma_wait3A_267 = tpu.memref_slice %arg4[%dma_wait3A_264, %dma_wait3A_265, %dma_wait3A_266] : memref<2x92x128xi32, #tpu.memory_space<hbm>> -> memref<1x1x128xi32, #tpu.memory_space<hbm>>
        %dma_wait3A_268 = tpu.memref_squeeze %dma_wait3A_267 : memref<1x1x128xi32, #tpu.memory_space<hbm>> -> memref<128xi32, #tpu.memory_space<hbm>>
        %dma_wait3A_269 = arith.constant 0 : i32
        %dma_wait3A_270 = tpu.memref_slice %arg4[%dma_wait3A_264, %dma_wait3A_265, %dma_wait3A_269] : memref<2x92x128xi32, #tpu.memory_space<hbm>> -> memref<1x1x128xi32, #tpu.memory_space<hbm>>
        %dma_wait3A_271 = tpu.memref_squeeze %dma_wait3A_270 : memref<1x1x128xi32, #tpu.memory_space<hbm>> -> memref<128xi32, #tpu.memory_space<hbm>>
        tpu.wait_dma2 semaphore(%arg18 : memref<!tpu.dma_semaphore, #tpu.memory_space<semaphore_mem>>) src(%dma_wait3A_271 : memref<128xi32, #tpu.memory_space<hbm>>) dst(%arg10 : memref<128xi32, #tpu.memory_space<vmem>>)
        %dma_start3A_272 = arith.constant 0 : i32
        %dma_start3A_273 = arith.constant 0 : i32
        %dma_start3A_274 = tpu.memref_slice %arg2[%dma_start3A_272, %dma_start3A_273] : memref<10000x128xf32, #tpu.memory_space<hbm>> -> memref<10000x128xf32, #tpu.memory_space<hbm>>
        tpu.enqueue_indirect_dma source(%dma_start3A_274 : memref<10000x128xf32, #tpu.memory_space<hbm>>) target(%arg7 : memref<128x128xf32, #tpu.memory_space<vmem>>) offsets(%arg10 : memref<128xi32, #tpu.memory_space<vmem>>) semaphore(%arg15 : memref<!tpu.dma_semaphore, #tpu.memory_space<semaphore_mem>>)
      } else {
      }
      %add3A_183 = arith.constant 1 : i32
      %add3A_184 = arith.addi %mul3A_150, %add3A_183 : i32
      %dma_wait3A_185 = arith.constant 0 : i32
      %dma_wait3A_186 = arith.constant 0 : i32
      %dma_wait3A_187 = tpu.memref_slice %arg2[%dma_wait3A_185, %dma_wait3A_186] : memref<10000x128xf32, #tpu.memory_space<hbm>> -> memref<10000x128xf32, #tpu.memory_space<hbm>>
      tpu.wait_indirect_dma semaphore(%arg16 : memref<!tpu.dma_semaphore, #tpu.memory_space<semaphore_mem>>) src(%dma_wait3A_187 : memref<10000x128xf32, #tpu.memory_space<hbm>>) dst(%arg8 : memref<128x128xf32, #tpu.memory_space<vmem>>)
      %add3A_188 = arith.constant 3 : i32
      %add3A_189 = arith.addi %add3A_184, %add3A_188 : i32
      %lt3A_190 = arith.cmpi slt, %add3A_189, %select_n3A : i32
      %convert_element_type3A_191 = arith.extui %lt3A_190 : i1 to i32
      %cond3A_192 = arith.constant 0 : i32
      %cond3A_193 = arith.cmpi ne, %convert_element_type3A_191, %cond3A_192 : i32
      scf.if %cond3A_193 {
        %add3A_249 = arith.addi %select_n3A_8, %add3A_184 : i32
        %add3A_250 = arith.constant 3 : i32
        %add3A_251 = arith.addi %add3A_249, %add3A_250 : i32
        %lt3A_252 = arith.constant 2500 : i32
        %lt3A_253 = arith.cmpi slt, %add3A_251, %lt3A_252 : i32
        %convert_element_type3A_254 = arith.extui %lt3A_253 : i1 to i32
        %cond3A_255 = arith.constant 0 : i32
        %cond3A_256 = arith.cmpi ne, %convert_element_type3A_254, %cond3A_255 : i32
        scf.if %cond3A_256 {
          %mul3A_262 = arith.constant 128 : i32
          %mul3A_263 = arith.muli %add3A_251, %mul3A_262 : i32
          %dma_start3A_264 = arith.constant 0 : i32
          %dma_start3A_265 = tpu.memref_slice %arg3[%dma_start3A_264, %mul3A_263] : memref<2x320000xi32, #tpu.memory_space<hbm>> -> memref<1x128xi32, #tpu.memory_space<hbm>>
          %dma_start3A_266 = tpu.memref_squeeze %dma_start3A_265 : memref<1x128xi32, #tpu.memory_space<hbm>> -> memref<128xi32, #tpu.memory_space<hbm>>
          %dma_start3A_267 = tpu.memref_slice %arg3[%dma_start3A_264, %mul3A_263] : memref<2x320000xi32, #tpu.memory_space<hbm>> -> memref<1x128xi32, #tpu.memory_space<hbm>>
          %dma_start3A_268 = tpu.memref_squeeze %dma_start3A_267 : memref<1x128xi32, #tpu.memory_space<hbm>> -> memref<128xi32, #tpu.memory_space<hbm>>
          tpu.enqueue_dma source(%dma_start3A_268 : memref<128xi32, #tpu.memory_space<hbm>>) target(%arg11 : memref<128xi32, #tpu.memory_space<vmem>>) target_semaphore(%arg19 : memref<!tpu.dma_semaphore, #tpu.memory_space<semaphore_mem>>)
        } else {
        }
        %ge3A_257 = arith.constant 2500 : i32
        %ge3A_258 = arith.cmpi sge, %add3A_251, %ge3A_257 : i32
        %convert_element_type3A_259 = arith.extui %ge3A_258 : i1 to i32
        %cond3A_260 = arith.constant 0 : i32
        %cond3A_261 = arith.cmpi ne, %convert_element_type3A_259, %cond3A_260 : i32
        scf.if %cond3A_261 {
          %sub3A_262 = arith.constant 2500 : i32
          %sub3A_263 = arith.subi %add3A_251, %sub3A_262 : i32
          %dma_start3A_264 = arith.constant 0 : i32
          %dma_start3A_265 = arith.constant 0 : i32
          %dma_start3A_266 = tpu.memref_slice %arg4[%dma_start3A_264, %sub3A_263, %dma_start3A_265] : memref<2x92x128xi32, #tpu.memory_space<hbm>> -> memref<1x1x128xi32, #tpu.memory_space<hbm>>
          %dma_start3A_267 = tpu.memref_squeeze %dma_start3A_266 : memref<1x1x128xi32, #tpu.memory_space<hbm>> -> memref<128xi32, #tpu.memory_space<hbm>>
          %dma_start3A_268 = arith.constant 0 : i32
          %dma_start3A_269 = tpu.memref_slice %arg4[%dma_start3A_264, %sub3A_263, %dma_start3A_268] : memref<2x92x128xi32, #tpu.memory_space<hbm>> -> memref<1x1x128xi32, #tpu.memory_space<hbm>>
          %dma_start3A_270 = tpu.memref_squeeze %dma_start3A_269 : memref<1x1x128xi32, #tpu.memory_space<hbm>> -> memref<128xi32, #tpu.memory_space<hbm>>
          tpu.enqueue_dma source(%dma_start3A_270 : memref<128xi32, #tpu.memory_space<hbm>>) target(%arg11 : memref<128xi32, #tpu.memory_space<vmem>>) target_semaphore(%arg19 : memref<!tpu.dma_semaphore, #tpu.memory_space<semaphore_mem>>)
        } else {
        }
      } else {
      }
      %dma_wait3A_194 = arith.constant 0 : i32
      %dma_wait3A_195 = arith.constant 0 : i32
      %dma_wait3A_196 = arith.constant 1 : i32
      %dma_wait3A_197 = arith.constant 0 : i32
      %dma_wait3A_198 = tpu.memref_slice %arg13[%dma_wait3A_196, %dma_wait3A_197] : memref<3x128xi32, #tpu.memory_space<vmem>> -> memref<1x128xi32, #tpu.memory_space<vmem>>
      %dma_wait3A_199 = tpu.memref_squeeze %dma_wait3A_198 : memref<1x128xi32, #tpu.memory_space<vmem>> -> memref<128xi32, #tpu.memory_space<vmem>>
      %dma_wait3A_200 = arith.constant 0 : i32
      %dma_wait3A_201 = tpu.memref_slice %arg4[%dma_wait3A_194, %dma_wait3A_195, %dma_wait3A_200] : memref<2x92x128xi32, #tpu.memory_space<hbm>> -> memref<1x1x128xi32, #tpu.memory_space<hbm>>
      %dma_wait3A_202 = tpu.memref_squeeze %dma_wait3A_201 : memref<1x1x128xi32, #tpu.memory_space<hbm>> -> memref<128xi32, #tpu.memory_space<hbm>>
      %dma_wait3A_203 = arith.constant 0 : i32
      %dma_wait3A_204 = tpu.memref_slice %arg13[%dma_wait3A_196, %dma_wait3A_203] : memref<3x128xi32, #tpu.memory_space<vmem>> -> memref<1x128xi32, #tpu.memory_space<vmem>>
      %dma_wait3A_205 = tpu.memref_squeeze %dma_wait3A_204 : memref<1x128xi32, #tpu.memory_space<vmem>> -> memref<128xi32, #tpu.memory_space<vmem>>
      %dma_wait3A_206 = arith.constant 0 : i32
      %dma_wait3A_207 = tpu.memref_slice %arg4[%dma_wait3A_194, %dma_wait3A_195, %dma_wait3A_206] : memref<2x92x128xi32, #tpu.memory_space<hbm>> -> memref<1x1x128xi32, #tpu.memory_space<hbm>>
      %dma_wait3A_208 = tpu.memref_squeeze %dma_wait3A_207 : memref<1x1x128xi32, #tpu.memory_space<hbm>> -> memref<128xi32, #tpu.memory_space<hbm>>
      tpu.wait_dma2 semaphore(%arg22 : memref<!tpu.dma_semaphore, #tpu.memory_space<semaphore_mem>>) src(%dma_wait3A_208 : memref<128xi32, #tpu.memory_space<hbm>>) dst(%dma_wait3A_205 : memref<128xi32, #tpu.memory_space<vmem>>)
      %run_scoped3A_209 = arith.constant 1 : i32
      "tpu.region"() ({
        %run_scoped3A_249 = tpu.sem_alloc : memref<!tpu.dma_semaphore, #tpu.memory_space<semaphore_mem>>
        %dma_start3A_250 = arith.constant 0 : i32
        %dma_start3A_251 = tpu.memref_slice %arg13[%run_scoped3A_209, %dma_start3A_250] : memref<3x128xi32, #tpu.memory_space<vmem>> -> memref<1x128xi32, #tpu.memory_space<vmem>>
        %dma_start3A_252 = tpu.memref_squeeze %dma_start3A_251 : memref<1x128xi32, #tpu.memory_space<vmem>> -> memref<128xi32, #tpu.memory_space<vmem>>
        %dma_start3A_253 = arith.constant 0 : i32
        %dma_start3A_254 = arith.constant 0 : i32
        %dma_start3A_255 = tpu.memref_slice %arg14[%dma_start3A_253, %dma_start3A_254] : memref<10112x128xf32, #tpu.memory_space<vmem_shared>> -> memref<10112x128xf32, #tpu.memory_space<vmem_shared>>
        tpu.enqueue_indirect_dma source(%arg8 : memref<128x128xf32, #tpu.memory_space<vmem>>) target(%dma_start3A_255 : memref<10112x128xf32, #tpu.memory_space<vmem_shared>>) offsets(%dma_start3A_252 : memref<128xi32, #tpu.memory_space<vmem>>) semaphore(%run_scoped3A_249 : memref<!tpu.dma_semaphore, #tpu.memory_space<semaphore_mem>>) {add = true}
        %dma_wait3A_256 = arith.constant 0 : i32
        %dma_wait3A_257 = tpu.memref_slice %arg13[%run_scoped3A_209, %dma_wait3A_256] : memref<3x128xi32, #tpu.memory_space<vmem>> -> memref<1x128xi32, #tpu.memory_space<vmem>>
        %dma_wait3A_258 = tpu.memref_squeeze %dma_wait3A_257 : memref<1x128xi32, #tpu.memory_space<vmem>> -> memref<128xi32, #tpu.memory_space<vmem>>
        %dma_wait3A_259 = arith.constant 0 : i32
        %dma_wait3A_260 = arith.constant 0 : i32
        %dma_wait3A_261 = tpu.memref_slice %arg14[%dma_wait3A_259, %dma_wait3A_260] : memref<10112x128xf32, #tpu.memory_space<vmem_shared>> -> memref<10112x128xf32, #tpu.memory_space<vmem_shared>>
        tpu.wait_indirect_dma semaphore(%run_scoped3A_249 : memref<!tpu.dma_semaphore, #tpu.memory_space<semaphore_mem>>) src(%arg8 : memref<128x128xf32, #tpu.memory_space<vmem>>) dst(%dma_wait3A_261 : memref<10112x128xf32, #tpu.memory_space<vmem_shared>>)
        tpu.yield
      }) : () -> ()
      %add3A_210 = arith.constant 3 : i32
      %add3A_211 = arith.addi %add3A_184, %add3A_210 : i32
      %lt3A_212 = arith.cmpi slt, %add3A_211, %select_n3A : i32
      %convert_element_type3A_213 = arith.extui %lt3A_212 : i1 to i32
      %cond3A_214 = arith.constant 0 : i32
      %cond3A_215 = arith.cmpi ne, %convert_element_type3A_213, %cond3A_214 : i32
      scf.if %cond3A_215 {
        %add3A_249 = arith.addi %select_n3A_8, %add3A_184 : i32
        %add3A_250 = arith.constant 3 : i32
        %add3A_251 = arith.addi %add3A_249, %add3A_250 : i32
        %lt3A_252 = arith.constant 2500 : i32
        %lt3A_253 = arith.cmpi slt, %add3A_251, %lt3A_252 : i32
        %convert_element_type3A_254 = arith.extui %lt3A_253 : i1 to i32
        %cond3A_255 = arith.constant 1 : i32
        %cond3A_256 = arith.constant 0 : i32
        %cond3A_257 = arith.cmpi ne, %convert_element_type3A_254, %cond3A_256 : i32
        scf.if %cond3A_257 {
          %mul3A_275 = arith.constant 128 : i32
          %mul3A_276 = arith.muli %add3A_251, %mul3A_275 : i32
          %dma_start3A_277 = arith.constant 1 : i32
          %dma_start3A_278 = arith.constant 0 : i32
          %dma_start3A_279 = tpu.memref_slice %arg13[%cond3A_255, %dma_start3A_278] : memref<3x128xi32, #tpu.memory_space<vmem>> -> memref<1x128xi32, #tpu.memory_space<vmem>>
          %dma_start3A_280 = tpu.memref_squeeze %dma_start3A_279 : memref<1x128xi32, #tpu.memory_space<vmem>> -> memref<128xi32, #tpu.memory_space<vmem>>
          %dma_start3A_281 = tpu.memref_slice %arg3[%dma_start3A_277, %mul3A_276] : memref<2x320000xi32, #tpu.memory_space<hbm>> -> memref<1x128xi32, #tpu.memory_space<hbm>>
          %dma_start3A_282 = tpu.memref_squeeze %dma_start3A_281 : memref<1x128xi32, #tpu.memory_space<hbm>> -> memref<128xi32, #tpu.memory_space<hbm>>
          %dma_start3A_283 = arith.constant 0 : i32
          %dma_start3A_284 = tpu.memref_slice %arg13[%cond3A_255, %dma_start3A_283] : memref<3x128xi32, #tpu.memory_space<vmem>> -> memref<1x128xi32, #tpu.memory_space<vmem>>
          %dma_start3A_285 = tpu.memref_squeeze %dma_start3A_284 : memref<1x128xi32, #tpu.memory_space<vmem>> -> memref<128xi32, #tpu.memory_space<vmem>>
          %dma_start3A_286 = tpu.memref_slice %arg3[%dma_start3A_277, %mul3A_276] : memref<2x320000xi32, #tpu.memory_space<hbm>> -> memref<1x128xi32, #tpu.memory_space<hbm>>
          %dma_start3A_287 = tpu.memref_squeeze %dma_start3A_286 : memref<1x128xi32, #tpu.memory_space<hbm>> -> memref<128xi32, #tpu.memory_space<hbm>>
          tpu.enqueue_dma source(%dma_start3A_287 : memref<128xi32, #tpu.memory_space<hbm>>) target(%dma_start3A_285 : memref<128xi32, #tpu.memory_space<vmem>>) target_semaphore(%arg22 : memref<!tpu.dma_semaphore, #tpu.memory_space<semaphore_mem>>)
        } else {
        }
        %ge3A_258 = arith.constant 2500 : i32
        %ge3A_259 = arith.cmpi sge, %add3A_251, %ge3A_258 : i32
        %convert_element_type3A_260 = arith.extui %ge3A_259 : i1 to i32
        %cond3A_261 = arith.constant 1 : i32
        %cond3A_262 = arith.constant 0 : i32
        %cond3A_263 = arith.cmpi ne, %convert_element_type3A_260, %cond3A_262 : i32
        scf.if %cond3A_263 {
          %sub3A_275 = arith.constant 2500 : i32
          %sub3A_276 = arith.subi %add3A_251, %sub3A_275 : i32
          %dma_start3A_277 = arith.constant 1 : i32
          %dma_start3A_278 = arith.constant 0 : i32
          %dma_start3A_279 = tpu.memref_slice %arg13[%cond3A_261, %dma_start3A_278] : memref<3x128xi32, #tpu.memory_space<vmem>> -> memref<1x128xi32, #tpu.memory_space<vmem>>
          %dma_start3A_280 = tpu.memref_squeeze %dma_start3A_279 : memref<1x128xi32, #tpu.memory_space<vmem>> -> memref<128xi32, #tpu.memory_space<vmem>>
          %dma_start3A_281 = arith.constant 0 : i32
          %dma_start3A_282 = tpu.memref_slice %arg4[%dma_start3A_277, %sub3A_276, %dma_start3A_281] : memref<2x92x128xi32, #tpu.memory_space<hbm>> -> memref<1x1x128xi32, #tpu.memory_space<hbm>>
          %dma_start3A_283 = tpu.memref_squeeze %dma_start3A_282 : memref<1x1x128xi32, #tpu.memory_space<hbm>> -> memref<128xi32, #tpu.memory_space<hbm>>
          %dma_start3A_284 = arith.constant 0 : i32
          %dma_start3A_285 = tpu.memref_slice %arg13[%cond3A_261, %dma_start3A_284] : memref<3x128xi32, #tpu.memory_space<vmem>> -> memref<1x128xi32, #tpu.memory_space<vmem>>
          %dma_start3A_286 = tpu.memref_squeeze %dma_start3A_285 : memref<1x128xi32, #tpu.memory_space<vmem>> -> memref<128xi32, #tpu.memory_space<vmem>>
          %dma_start3A_287 = arith.constant 0 : i32
          %dma_start3A_288 = tpu.memref_slice %arg4[%dma_start3A_277, %sub3A_276, %dma_start3A_287] : memref<2x92x128xi32, #tpu.memory_space<hbm>> -> memref<1x1x128xi32, #tpu.memory_space<hbm>>
          %dma_start3A_289 = tpu.memref_squeeze %dma_start3A_288 : memref<1x1x128xi32, #tpu.memory_space<hbm>> -> memref<128xi32, #tpu.memory_space<hbm>>
          tpu.enqueue_dma source(%dma_start3A_289 : memref<128xi32, #tpu.memory_space<hbm>>) target(%dma_start3A_286 : memref<128xi32, #tpu.memory_space<vmem>>) target_semaphore(%arg22 : memref<!tpu.dma_semaphore, #tpu.memory_space<semaphore_mem>>)
        } else {
        }
        %dma_wait3A_264 = arith.constant 0 : i32
        %dma_wait3A_265 = arith.constant 0 : i32
        %dma_wait3A_266 = arith.constant 0 : i32
        %dma_wait3A_267 = tpu.memref_slice %arg4[%dma_wait3A_264, %dma_wait3A_265, %dma_wait3A_266] : memref<2x92x128xi32, #tpu.memory_space<hbm>> -> memref<1x1x128xi32, #tpu.memory_space<hbm>>
        %dma_wait3A_268 = tpu.memref_squeeze %dma_wait3A_267 : memref<1x1x128xi32, #tpu.memory_space<hbm>> -> memref<128xi32, #tpu.memory_space<hbm>>
        %dma_wait3A_269 = arith.constant 0 : i32
        %dma_wait3A_270 = tpu.memref_slice %arg4[%dma_wait3A_264, %dma_wait3A_265, %dma_wait3A_269] : memref<2x92x128xi32, #tpu.memory_space<hbm>> -> memref<1x1x128xi32, #tpu.memory_space<hbm>>
        %dma_wait3A_271 = tpu.memref_squeeze %dma_wait3A_270 : memref<1x1x128xi32, #tpu.memory_space<hbm>> -> memref<128xi32, #tpu.memory_space<hbm>>
        tpu.wait_dma2 semaphore(%arg19 : memref<!tpu.dma_semaphore, #tpu.memory_space<semaphore_mem>>) src(%dma_wait3A_271 : memref<128xi32, #tpu.memory_space<hbm>>) dst(%arg11 : memref<128xi32, #tpu.memory_space<vmem>>)
        %dma_start3A_272 = arith.constant 0 : i32
        %dma_start3A_273 = arith.constant 0 : i32
        %dma_start3A_274 = tpu.memref_slice %arg2[%dma_start3A_272, %dma_start3A_273] : memref<10000x128xf32, #tpu.memory_space<hbm>> -> memref<10000x128xf32, #tpu.memory_space<hbm>>
        tpu.enqueue_indirect_dma source(%dma_start3A_274 : memref<10000x128xf32, #tpu.memory_space<hbm>>) target(%arg8 : memref<128x128xf32, #tpu.memory_space<vmem>>) offsets(%arg11 : memref<128xi32, #tpu.memory_space<vmem>>) semaphore(%arg16 : memref<!tpu.dma_semaphore, #tpu.memory_space<semaphore_mem>>)
      } else {
      }
      %add3A_216 = arith.constant 2 : i32
      %add3A_217 = arith.addi %mul3A_150, %add3A_216 : i32
      %dma_wait3A_218 = arith.constant 0 : i32
      %dma_wait3A_219 = arith.constant 0 : i32
      %dma_wait3A_220 = tpu.memref_slice %arg2[%dma_wait3A_218, %dma_wait3A_219] : memref<10000x128xf32, #tpu.memory_space<hbm>> -> memref<10000x128xf32, #tpu.memory_space<hbm>>
      tpu.wait_indirect_dma semaphore(%arg17 : memref<!tpu.dma_semaphore, #tpu.memory_space<semaphore_mem>>) src(%dma_wait3A_220 : memref<10000x128xf32, #tpu.memory_space<hbm>>) dst(%arg9 : memref<128x128xf32, #tpu.memory_space<vmem>>)
      %add3A_221 = arith.constant 3 : i32
      %add3A_222 = arith.addi %add3A_217, %add3A_221 : i32
      %lt3A_223 = arith.cmpi slt, %add3A_222, %select_n3A : i32
      %convert_element_type3A_224 = arith.extui %lt3A_223 : i1 to i32
      %cond3A_225 = arith.constant 0 : i32
      %cond3A_226 = arith.cmpi ne, %convert_element_type3A_224, %cond3A_225 : i32
      scf.if %cond3A_226 {
        %add3A_249 = arith.addi %select_n3A_8, %add3A_217 : i32
        %add3A_250 = arith.constant 3 : i32
        %add3A_251 = arith.addi %add3A_249, %add3A_250 : i32
        %lt3A_252 = arith.constant 2500 : i32
        %lt3A_253 = arith.cmpi slt, %add3A_251, %lt3A_252 : i32
        %convert_element_type3A_254 = arith.extui %lt3A_253 : i1 to i32
        %cond3A_255 = arith.constant 0 : i32
        %cond3A_256 = arith.cmpi ne, %convert_element_type3A_254, %cond3A_255 : i32
        scf.if %cond3A_256 {
          %mul3A_262 = arith.constant 128 : i32
          %mul3A_263 = arith.muli %add3A_251, %mul3A_262 : i32
          %dma_start3A_264 = arith.constant 0 : i32
          %dma_start3A_265 = tpu.memref_slice %arg3[%dma_start3A_264, %mul3A_263] : memref<2x320000xi32, #tpu.memory_space<hbm>> -> memref<1x128xi32, #tpu.memory_space<hbm>>
          %dma_start3A_266 = tpu.memref_squeeze %dma_start3A_265 : memref<1x128xi32, #tpu.memory_space<hbm>> -> memref<128xi32, #tpu.memory_space<hbm>>
          %dma_start3A_267 = tpu.memref_slice %arg3[%dma_start3A_264, %mul3A_263] : memref<2x320000xi32, #tpu.memory_space<hbm>> -> memref<1x128xi32, #tpu.memory_space<hbm>>
          %dma_start3A_268 = tpu.memref_squeeze %dma_start3A_267 : memref<1x128xi32, #tpu.memory_space<hbm>> -> memref<128xi32, #tpu.memory_space<hbm>>
          tpu.enqueue_dma source(%dma_start3A_268 : memref<128xi32, #tpu.memory_space<hbm>>) target(%arg12 : memref<128xi32, #tpu.memory_space<vmem>>) target_semaphore(%arg20 : memref<!tpu.dma_semaphore, #tpu.memory_space<semaphore_mem>>)
        } else {
        }
        %ge3A_257 = arith.constant 2500 : i32
        %ge3A_258 = arith.cmpi sge, %add3A_251, %ge3A_257 : i32
        %convert_element_type3A_259 = arith.extui %ge3A_258 : i1 to i32
        %cond3A_260 = arith.constant 0 : i32
        %cond3A_261 = arith.cmpi ne, %convert_element_type3A_259, %cond3A_260 : i32
        scf.if %cond3A_261 {
          %sub3A_262 = arith.constant 2500 : i32
          %sub3A_263 = arith.subi %add3A_251, %sub3A_262 : i32
          %dma_start3A_264 = arith.constant 0 : i32
          %dma_start3A_265 = arith.constant 0 : i32
          %dma_start3A_266 = tpu.memref_slice %arg4[%dma_start3A_264, %sub3A_263, %dma_start3A_265] : memref<2x92x128xi32, #tpu.memory_space<hbm>> -> memref<1x1x128xi32, #tpu.memory_space<hbm>>
          %dma_start3A_267 = tpu.memref_squeeze %dma_start3A_266 : memref<1x1x128xi32, #tpu.memory_space<hbm>> -> memref<128xi32, #tpu.memory_space<hbm>>
          %dma_start3A_268 = arith.constant 0 : i32
          %dma_start3A_269 = tpu.memref_slice %arg4[%dma_start3A_264, %sub3A_263, %dma_start3A_268] : memref<2x92x128xi32, #tpu.memory_space<hbm>> -> memref<1x1x128xi32, #tpu.memory_space<hbm>>
          %dma_start3A_270 = tpu.memref_squeeze %dma_start3A_269 : memref<1x1x128xi32, #tpu.memory_space<hbm>> -> memref<128xi32, #tpu.memory_space<hbm>>
          tpu.enqueue_dma source(%dma_start3A_270 : memref<128xi32, #tpu.memory_space<hbm>>) target(%arg12 : memref<128xi32, #tpu.memory_space<vmem>>) target_semaphore(%arg20 : memref<!tpu.dma_semaphore, #tpu.memory_space<semaphore_mem>>)
        } else {
        }
      } else {
      }
      %dma_wait3A_227 = arith.constant 0 : i32
      %dma_wait3A_228 = arith.constant 0 : i32
      %dma_wait3A_229 = arith.constant 2 : i32
      %dma_wait3A_230 = arith.constant 0 : i32
      %dma_wait3A_231 = tpu.memref_slice %arg13[%dma_wait3A_229, %dma_wait3A_230] : memref<3x128xi32, #tpu.memory_space<vmem>> -> memref<1x128xi32, #tpu.memory_space<vmem>>
      %dma_wait3A_232 = tpu.memref_squeeze %dma_wait3A_231 : memref<1x128xi32, #tpu.memory_space<vmem>> -> memref<128xi32, #tpu.memory_space<vmem>>
      %dma_wait3A_233 = arith.constant 0 : i32
      %dma_wait3A_234 = tpu.memref_slice %arg4[%dma_wait3A_227, %dma_wait3A_228, %dma_wait3A_233] : memref<2x92x128xi32, #tpu.memory_space<hbm>> -> memref<1x1x128xi32, #tpu.memory_space<hbm>>
      %dma_wait3A_235 = tpu.memref_squeeze %dma_wait3A_234 : memref<1x1x128xi32, #tpu.memory_space<hbm>> -> memref<128xi32, #tpu.memory_space<hbm>>
      %dma_wait3A_236 = arith.constant 0 : i32
      %dma_wait3A_237 = tpu.memref_slice %arg13[%dma_wait3A_229, %dma_wait3A_236] : memref<3x128xi32, #tpu.memory_space<vmem>> -> memref<1x128xi32, #tpu.memory_space<vmem>>
      %dma_wait3A_238 = tpu.memref_squeeze %dma_wait3A_237 : memref<1x128xi32, #tpu.memory_space<vmem>> -> memref<128xi32, #tpu.memory_space<vmem>>
      %dma_wait3A_239 = arith.constant 0 : i32
      %dma_wait3A_240 = tpu.memref_slice %arg4[%dma_wait3A_227, %dma_wait3A_228, %dma_wait3A_239] : memref<2x92x128xi32, #tpu.memory_space<hbm>> -> memref<1x1x128xi32, #tpu.memory_space<hbm>>
      %dma_wait3A_241 = tpu.memref_squeeze %dma_wait3A_240 : memref<1x1x128xi32, #tpu.memory_space<hbm>> -> memref<128xi32, #tpu.memory_space<hbm>>
      tpu.wait_dma2 semaphore(%arg23 : memref<!tpu.dma_semaphore, #tpu.memory_space<semaphore_mem>>) src(%dma_wait3A_241 : memref<128xi32, #tpu.memory_space<hbm>>) dst(%dma_wait3A_238 : memref<128xi32, #tpu.memory_space<vmem>>)
      %run_scoped3A_242 = arith.constant 2 : i32
      "tpu.region"() ({
        %run_scoped3A_249 = tpu.sem_alloc : memref<!tpu.dma_semaphore, #tpu.memory_space<semaphore_mem>>
        %dma_start3A_250 = arith.constant 0 : i32
        %dma_start3A_251 = tpu.memref_slice %arg13[%run_scoped3A_242, %dma_start3A_250] : memref<3x128xi32, #tpu.memory_space<vmem>> -> memref<1x128xi32, #tpu.memory_space<vmem>>
        %dma_start3A_252 = tpu.memref_squeeze %dma_start3A_251 : memref<1x128xi32, #tpu.memory_space<vmem>> -> memref<128xi32, #tpu.memory_space<vmem>>
        %dma_start3A_253 = arith.constant 0 : i32
        %dma_start3A_254 = arith.constant 0 : i32
        %dma_start3A_255 = tpu.memref_slice %arg14[%dma_start3A_253, %dma_start3A_254] : memref<10112x128xf32, #tpu.memory_space<vmem_shared>> -> memref<10112x128xf32, #tpu.memory_space<vmem_shared>>
        tpu.enqueue_indirect_dma source(%arg9 : memref<128x128xf32, #tpu.memory_space<vmem>>) target(%dma_start3A_255 : memref<10112x128xf32, #tpu.memory_space<vmem_shared>>) offsets(%dma_start3A_252 : memref<128xi32, #tpu.memory_space<vmem>>) semaphore(%run_scoped3A_249 : memref<!tpu.dma_semaphore, #tpu.memory_space<semaphore_mem>>) {add = true}
        %dma_wait3A_256 = arith.constant 0 : i32
        %dma_wait3A_257 = tpu.memref_slice %arg13[%run_scoped3A_242, %dma_wait3A_256] : memref<3x128xi32, #tpu.memory_space<vmem>> -> memref<1x128xi32, #tpu.memory_space<vmem>>
        %dma_wait3A_258 = tpu.memref_squeeze %dma_wait3A_257 : memref<1x128xi32, #tpu.memory_space<vmem>> -> memref<128xi32, #tpu.memory_space<vmem>>
        %dma_wait3A_259 = arith.constant 0 : i32
        %dma_wait3A_260 = arith.constant 0 : i32
        %dma_wait3A_261 = tpu.memref_slice %arg14[%dma_wait3A_259, %dma_wait3A_260] : memref<10112x128xf32, #tpu.memory_space<vmem_shared>> -> memref<10112x128xf32, #tpu.memory_space<vmem_shared>>
        tpu.wait_indirect_dma semaphore(%run_scoped3A_249 : memref<!tpu.dma_semaphore, #tpu.memory_space<semaphore_mem>>) src(%arg9 : memref<128x128xf32, #tpu.memory_space<vmem>>) dst(%dma_wait3A_261 : memref<10112x128xf32, #tpu.memory_space<vmem_shared>>)
        tpu.yield
      }) : () -> ()
      %add3A_243 = arith.constant 3 : i32
      %add3A_244 = arith.addi %add3A_217, %add3A_243 : i32
      %lt3A_245 = arith.cmpi slt, %add3A_244, %select_n3A : i32
      %convert_element_type3A_246 = arith.extui %lt3A_245 : i1 to i32
      %cond3A_247 = arith.constant 0 : i32
      %cond3A_248 = arith.cmpi ne, %convert_element_type3A_246, %cond3A_247 : i32
      scf.if %cond3A_248 {
        %add3A_249 = arith.addi %select_n3A_8, %add3A_217 : i32
        %add3A_250 = arith.constant 3 : i32
        %add3A_251 = arith.addi %add3A_249, %add3A_250 : i32
        %lt3A_252 = arith.constant 2500 : i32
        %lt3A_253 = arith.cmpi slt, %add3A_251, %lt3A_252 : i32
        %convert_element_type3A_254 = arith.extui %lt3A_253 : i1 to i32
        %cond3A_255 = arith.constant 2 : i32
        %cond3A_256 = arith.constant 0 : i32
        %cond3A_257 = arith.cmpi ne, %convert_element_type3A_254, %cond3A_256 : i32
        scf.if %cond3A_257 {
          %mul3A_275 = arith.constant 128 : i32
          %mul3A_276 = arith.muli %add3A_251, %mul3A_275 : i32
          %dma_start3A_277 = arith.constant 1 : i32
          %dma_start3A_278 = arith.constant 0 : i32
          %dma_start3A_279 = tpu.memref_slice %arg13[%cond3A_255, %dma_start3A_278] : memref<3x128xi32, #tpu.memory_space<vmem>> -> memref<1x128xi32, #tpu.memory_space<vmem>>
          %dma_start3A_280 = tpu.memref_squeeze %dma_start3A_279 : memref<1x128xi32, #tpu.memory_space<vmem>> -> memref<128xi32, #tpu.memory_space<vmem>>
          %dma_start3A_281 = tpu.memref_slice %arg3[%dma_start3A_277, %mul3A_276] : memref<2x320000xi32, #tpu.memory_space<hbm>> -> memref<1x128xi32, #tpu.memory_space<hbm>>
          %dma_start3A_282 = tpu.memref_squeeze %dma_start3A_281 : memref<1x128xi32, #tpu.memory_space<hbm>> -> memref<128xi32, #tpu.memory_space<hbm>>
          %dma_start3A_283 = arith.constant 0 : i32
          %dma_start3A_284 = tpu.memref_slice %arg13[%cond3A_255, %dma_start3A_283] : memref<3x128xi32, #tpu.memory_space<vmem>> -> memref<1x128xi32, #tpu.memory_space<vmem>>
          %dma_start3A_285 = tpu.memref_squeeze %dma_start3A_284 : memref<1x128xi32, #tpu.memory_space<vmem>> -> memref<128xi32, #tpu.memory_space<vmem>>
          %dma_start3A_286 = tpu.memref_slice %arg3[%dma_start3A_277, %mul3A_276] : memref<2x320000xi32, #tpu.memory_space<hbm>> -> memref<1x128xi32, #tpu.memory_space<hbm>>
          %dma_start3A_287 = tpu.memref_squeeze %dma_start3A_286 : memref<1x128xi32, #tpu.memory_space<hbm>> -> memref<128xi32, #tpu.memory_space<hbm>>
          tpu.enqueue_dma source(%dma_start3A_287 : memref<128xi32, #tpu.memory_space<hbm>>) target(%dma_start3A_285 : memref<128xi32, #tpu.memory_space<vmem>>) target_semaphore(%arg23 : memref<!tpu.dma_semaphore, #tpu.memory_space<semaphore_mem>>)
        } else {
        }
        %ge3A_258 = arith.constant 2500 : i32
        %ge3A_259 = arith.cmpi sge, %add3A_251, %ge3A_258 : i32
        %convert_element_type3A_260 = arith.extui %ge3A_259 : i1 to i32
        %cond3A_261 = arith.constant 2 : i32
        %cond3A_262 = arith.constant 0 : i32
        %cond3A_263 = arith.cmpi ne, %convert_element_type3A_260, %cond3A_262 : i32
        scf.if %cond3A_263 {
          %sub3A_275 = arith.constant 2500 : i32
          %sub3A_276 = arith.subi %add3A_251, %sub3A_275 : i32
          %dma_start3A_277 = arith.constant 1 : i32
          %dma_start3A_278 = arith.constant 0 : i32
          %dma_start3A_279 = tpu.memref_slice %arg13[%cond3A_261, %dma_start3A_278] : memref<3x128xi32, #tpu.memory_space<vmem>> -> memref<1x128xi32, #tpu.memory_space<vmem>>
          %dma_start3A_280 = tpu.memref_squeeze %dma_start3A_279 : memref<1x128xi32, #tpu.memory_space<vmem>> -> memref<128xi32, #tpu.memory_space<vmem>>
          %dma_start3A_281 = arith.constant 0 : i32
          %dma_start3A_282 = tpu.memref_slice %arg4[%dma_start3A_277, %sub3A_276, %dma_start3A_281] : memref<2x92x128xi32, #tpu.memory_space<hbm>> -> memref<1x1x128xi32, #tpu.memory_space<hbm>>
          %dma_start3A_283 = tpu.memref_squeeze %dma_start3A_282 : memref<1x1x128xi32, #tpu.memory_space<hbm>> -> memref<128xi32, #tpu.memory_space<hbm>>
          %dma_start3A_284 = arith.constant 0 : i32
          %dma_start3A_285 = tpu.memref_slice %arg13[%cond3A_261, %dma_start3A_284] : memref<3x128xi32, #tpu.memory_space<vmem>> -> memref<1x128xi32, #tpu.memory_space<vmem>>
          %dma_start3A_286 = tpu.memref_squeeze %dma_start3A_285 : memref<1x128xi32, #tpu.memory_space<vmem>> -> memref<128xi32, #tpu.memory_space<vmem>>
          %dma_start3A_287 = arith.constant 0 : i32
          %dma_start3A_288 = tpu.memref_slice %arg4[%dma_start3A_277, %sub3A_276, %dma_start3A_287] : memref<2x92x128xi32, #tpu.memory_space<hbm>> -> memref<1x1x128xi32, #tpu.memory_space<hbm>>
          %dma_start3A_289 = tpu.memref_squeeze %dma_start3A_288 : memref<1x1x128xi32, #tpu.memory_space<hbm>> -> memref<128xi32, #tpu.memory_space<hbm>>
          tpu.enqueue_dma source(%dma_start3A_289 : memref<128xi32, #tpu.memory_space<hbm>>) target(%dma_start3A_286 : memref<128xi32, #tpu.memory_space<vmem>>) target_semaphore(%arg23 : memref<!tpu.dma_semaphore, #tpu.memory_space<semaphore_mem>>)
        } else {
        }
        %dma_wait3A_264 = arith.constant 0 : i32
        %dma_wait3A_265 = arith.constant 0 : i32
        %dma_wait3A_266 = arith.constant 0 : i32
        %dma_wait3A_267 = tpu.memref_slice %arg4[%dma_wait3A_264, %dma_wait3A_265, %dma_wait3A_266] : memref<2x92x128xi32, #tpu.memory_space<hbm>> -> memref<1x1x128xi32, #tpu.memory_space<hbm>>
        %dma_wait3A_268 = tpu.memref_squeeze %dma_wait3A_267 : memref<1x1x128xi32, #tpu.memory_space<hbm>> -> memref<128xi32, #tpu.memory_space<hbm>>
        %dma_wait3A_269 = arith.constant 0 : i32
        %dma_wait3A_270 = tpu.memref_slice %arg4[%dma_wait3A_264, %dma_wait3A_265, %dma_wait3A_269] : memref<2x92x128xi32, #tpu.memory_space<hbm>> -> memref<1x1x128xi32, #tpu.memory_space<hbm>>
        %dma_wait3A_271 = tpu.memref_squeeze %dma_wait3A_270 : memref<1x1x128xi32, #tpu.memory_space<hbm>> -> memref<128xi32, #tpu.memory_space<hbm>>
        tpu.wait_dma2 semaphore(%arg20 : memref<!tpu.dma_semaphore, #tpu.memory_space<semaphore_mem>>) src(%dma_wait3A_271 : memref<128xi32, #tpu.memory_space<hbm>>) dst(%arg12 : memref<128xi32, #tpu.memory_space<vmem>>)
        %dma_start3A_272 = arith.constant 0 : i32
        %dma_start3A_273 = arith.constant 0 : i32
        %dma_start3A_274 = tpu.memref_slice %arg2[%dma_start3A_272, %dma_start3A_273] : memref<10000x128xf32, #tpu.memory_space<hbm>> -> memref<10000x128xf32, #tpu.memory_space<hbm>>
        tpu.enqueue_indirect_dma source(%dma_start3A_274 : memref<10000x128xf32, #tpu.memory_space<hbm>>) target(%arg9 : memref<128x128xf32, #tpu.memory_space<vmem>>) offsets(%arg12 : memref<128xi32, #tpu.memory_space<vmem>>) semaphore(%arg17 : memref<!tpu.dma_semaphore, #tpu.memory_space<semaphore_mem>>)
      } else {
      }
    }
    %while3A_142 = arith.constant 1 : i32
    scf.for %while3A_148 = %while3A_140 to %while3A_136 step %while3A_142  : i32 {
      %mul3A_149 = arith.constant 3 : i32
      %mul3A_150 = arith.muli %while3A_148, %mul3A_149 : i32
      %add3A_151 = arith.constant 0 : i32
      %add3A_152 = arith.addi %mul3A_150, %add3A_151 : i32
      %dma_wait3A_153 = arith.constant 0 : i32
      %dma_wait3A_154 = arith.constant 0 : i32
      %dma_wait3A_155 = tpu.memref_slice %arg2[%dma_wait3A_153, %dma_wait3A_154] : memref<10000x128xf32, #tpu.memory_space<hbm>> -> memref<10000x128xf32, #tpu.memory_space<hbm>>
      tpu.wait_indirect_dma semaphore(%arg15 : memref<!tpu.dma_semaphore, #tpu.memory_space<semaphore_mem>>) src(%dma_wait3A_155 : memref<10000x128xf32, #tpu.memory_space<hbm>>) dst(%arg7 : memref<128x128xf32, #tpu.memory_space<vmem>>)
      %add3A_156 = arith.constant 3 : i32
      %add3A_157 = arith.addi %add3A_152, %add3A_156 : i32
      %lt3A_158 = arith.cmpi slt, %add3A_157, %select_n3A : i32
      %convert_element_type3A_159 = arith.extui %lt3A_158 : i1 to i32
      %cond3A_160 = arith.constant 0 : i32
      %cond3A_161 = arith.cmpi ne, %convert_element_type3A_159, %cond3A_160 : i32
      scf.if %cond3A_161 {
        %add3A_249 = arith.addi %select_n3A_8, %add3A_152 : i32
        %add3A_250 = arith.constant 3 : i32
        %add3A_251 = arith.addi %add3A_249, %add3A_250 : i32
        %lt3A_252 = arith.constant 2500 : i32
        %lt3A_253 = arith.cmpi slt, %add3A_251, %lt3A_252 : i32
        %convert_element_type3A_254 = arith.extui %lt3A_253 : i1 to i32
        %cond3A_255 = arith.constant 0 : i32
        %cond3A_256 = arith.cmpi ne, %convert_element_type3A_254, %cond3A_255 : i32
        scf.if %cond3A_256 {
          %mul3A_262 = arith.constant 128 : i32
          %mul3A_263 = arith.muli %add3A_251, %mul3A_262 : i32
          %dma_start3A_264 = arith.constant 0 : i32
          %dma_start3A_265 = tpu.memref_slice %arg3[%dma_start3A_264, %mul3A_263] : memref<2x320000xi32, #tpu.memory_space<hbm>> -> memref<1x128xi32, #tpu.memory_space<hbm>>
          %dma_start3A_266 = tpu.memref_squeeze %dma_start3A_265 : memref<1x128xi32, #tpu.memory_space<hbm>> -> memref<128xi32, #tpu.memory_space<hbm>>
          %dma_start3A_267 = tpu.memref_slice %arg3[%dma_start3A_264, %mul3A_263] : memref<2x320000xi32, #tpu.memory_space<hbm>> -> memref<1x128xi32, #tpu.memory_space<hbm>>
          %dma_start3A_268 = tpu.memref_squeeze %dma_start3A_267 : memref<1x128xi32, #tpu.memory_space<hbm>> -> memref<128xi32, #tpu.memory_space<hbm>>
          tpu.enqueue_dma source(%dma_start3A_268 : memref<128xi32, #tpu.memory_space<hbm>>) target(%arg10 : memref<128xi32, #tpu.memory_space<vmem>>) target_semaphore(%arg18 : memref<!tpu.dma_semaphore, #tpu.memory_space<semaphore_mem>>)
        } else {
        }
        %ge3A_257 = arith.constant 2500 : i32
        %ge3A_258 = arith.cmpi sge, %add3A_251, %ge3A_257 : i32
        %convert_element_type3A_259 = arith.extui %ge3A_258 : i1 to i32
        %cond3A_260 = arith.constant 0 : i32
        %cond3A_261 = arith.cmpi ne, %convert_element_type3A_259, %cond3A_260 : i32
        scf.if %cond3A_261 {
          %sub3A_262 = arith.constant 2500 : i32
          %sub3A_263 = arith.subi %add3A_251, %sub3A_262 : i32
          %dma_start3A_264 = arith.constant 0 : i32
          %dma_start3A_265 = arith.constant 0 : i32
          %dma_start3A_266 = tpu.memref_slice %arg4[%dma_start3A_264, %sub3A_263, %dma_start3A_265] : memref<2x92x128xi32, #tpu.memory_space<hbm>> -> memref<1x1x128xi32, #tpu.memory_space<hbm>>
          %dma_start3A_267 = tpu.memref_squeeze %dma_start3A_266 : memref<1x1x128xi32, #tpu.memory_space<hbm>> -> memref<128xi32, #tpu.memory_space<hbm>>
          %dma_start3A_268 = arith.constant 0 : i32
          %dma_start3A_269 = tpu.memref_slice %arg4[%dma_start3A_264, %sub3A_263, %dma_start3A_268] : memref<2x92x128xi32, #tpu.memory_space<hbm>> -> memref<1x1x128xi32, #tpu.memory_space<hbm>>
          %dma_start3A_270 = tpu.memref_squeeze %dma_start3A_269 : memref<1x1x128xi32, #tpu.memory_space<hbm>> -> memref<128xi32, #tpu.memory_space<hbm>>
          tpu.enqueue_dma source(%dma_start3A_270 : memref<128xi32, #tpu.memory_space<hbm>>) target(%arg10 : memref<128xi32, #tpu.memory_space<vmem>>) target_semaphore(%arg18 : memref<!tpu.dma_semaphore, #tpu.memory_space<semaphore_mem>>)
        } else {
        }
      } else {
      }
      %dma_wait3A_162 = arith.constant 0 : i32
      %dma_wait3A_163 = arith.constant 0 : i32
      %dma_wait3A_164 = arith.constant 0 : i32
      %dma_wait3A_165 = arith.constant 0 : i32
      %dma_wait3A_166 = tpu.memref_slice %arg13[%dma_wait3A_164, %dma_wait3A_165] : memref<3x128xi32, #tpu.memory_space<vmem>> -> memref<1x128xi32, #tpu.memory_space<vmem>>
      %dma_wait3A_167 = tpu.memref_squeeze %dma_wait3A_166 : memref<1x128xi32, #tpu.memory_space<vmem>> -> memref<128xi32, #tpu.memory_space<vmem>>
      %dma_wait3A_168 = arith.constant 0 : i32
      %dma_wait3A_169 = tpu.memref_slice %arg4[%dma_wait3A_162, %dma_wait3A_163, %dma_wait3A_168] : memref<2x92x128xi32, #tpu.memory_space<hbm>> -> memref<1x1x128xi32, #tpu.memory_space<hbm>>
      %dma_wait3A_170 = tpu.memref_squeeze %dma_wait3A_169 : memref<1x1x128xi32, #tpu.memory_space<hbm>> -> memref<128xi32, #tpu.memory_space<hbm>>
      %dma_wait3A_171 = arith.constant 0 : i32
      %dma_wait3A_172 = tpu.memref_slice %arg13[%dma_wait3A_164, %dma_wait3A_171] : memref<3x128xi32, #tpu.memory_space<vmem>> -> memref<1x128xi32, #tpu.memory_space<vmem>>
      %dma_wait3A_173 = tpu.memref_squeeze %dma_wait3A_172 : memref<1x128xi32, #tpu.memory_space<vmem>> -> memref<128xi32, #tpu.memory_space<vmem>>
      %dma_wait3A_174 = arith.constant 0 : i32
      %dma_wait3A_175 = tpu.memref_slice %arg4[%dma_wait3A_162, %dma_wait3A_163, %dma_wait3A_174] : memref<2x92x128xi32, #tpu.memory_space<hbm>> -> memref<1x1x128xi32, #tpu.memory_space<hbm>>
      %dma_wait3A_176 = tpu.memref_squeeze %dma_wait3A_175 : memref<1x1x128xi32, #tpu.memory_space<hbm>> -> memref<128xi32, #tpu.memory_space<hbm>>
      tpu.wait_dma2 semaphore(%arg21 : memref<!tpu.dma_semaphore, #tpu.memory_space<semaphore_mem>>) src(%dma_wait3A_176 : memref<128xi32, #tpu.memory_space<hbm>>) dst(%dma_wait3A_173 : memref<128xi32, #tpu.memory_space<vmem>>)
      %run_scoped3A = arith.constant 0 : i32
      "tpu.region"() ({
        %run_scoped3A_249 = tpu.sem_alloc : memref<!tpu.dma_semaphore, #tpu.memory_space<semaphore_mem>>
        %dma_start3A_250 = arith.constant 0 : i32
        %dma_start3A_251 = tpu.memref_slice %arg13[%run_scoped3A, %dma_start3A_250] : memref<3x128xi32, #tpu.memory_space<vmem>> -> memref<1x128xi32, #tpu.memory_space<vmem>>
        %dma_start3A_252 = tpu.memref_squeeze %dma_start3A_251 : memref<1x128xi32, #tpu.memory_space<vmem>> -> memref<128xi32, #tpu.memory_space<vmem>>
        %dma_start3A_253 = arith.constant 0 : i32
        %dma_start3A_254 = arith.constant 0 : i32
        %dma_start3A_255 = tpu.memref_slice %arg14[%dma_start3A_253, %dma_start3A_254] : memref<10112x128xf32, #tpu.memory_space<vmem_shared>> -> memref<10112x128xf32, #tpu.memory_space<vmem_shared>>
        tpu.enqueue_indirect_dma source(%arg7 : memref<128x128xf32, #tpu.memory_space<vmem>>) target(%dma_start3A_255 : memref<10112x128xf32, #tpu.memory_space<vmem_shared>>) offsets(%dma_start3A_252 : memref<128xi32, #tpu.memory_space<vmem>>) semaphore(%run_scoped3A_249 : memref<!tpu.dma_semaphore, #tpu.memory_space<semaphore_mem>>) {add = true}
        %dma_wait3A_256 = arith.constant 0 : i32
        %dma_wait3A_257 = tpu.memref_slice %arg13[%run_scoped3A, %dma_wait3A_256] : memref<3x128xi32, #tpu.memory_space<vmem>> -> memref<1x128xi32, #tpu.memory_space<vmem>>
        %dma_wait3A_258 = tpu.memref_squeeze %dma_wait3A_257 : memref<1x128xi32, #tpu.memory_space<vmem>> -> memref<128xi32, #tpu.memory_space<vmem>>
        %dma_wait3A_259 = arith.constant 0 : i32
        %dma_wait3A_260 = arith.constant 0 : i32
        %dma_wait3A_261 = tpu.memref_slice %arg14[%dma_wait3A_259, %dma_wait3A_260] : memref<10112x128xf32, #tpu.memory_space<vmem_shared>> -> memref<10112x128xf32, #tpu.memory_space<vmem_shared>>
        tpu.wait_indirect_dma semaphore(%run_scoped3A_249 : memref<!tpu.dma_semaphore, #tpu.memory_space<semaphore_mem>>) src(%arg7 : memref<128x128xf32, #tpu.memory_space<vmem>>) dst(%dma_wait3A_261 : memref<10112x128xf32, #tpu.memory_space<vmem_shared>>)
        tpu.yield
      }) : () -> ()
      %add3A_177 = arith.constant 3 : i32
      %add3A_178 = arith.addi %add3A_152, %add3A_177 : i32
      %lt3A_179 = arith.cmpi slt, %add3A_178, %select_n3A : i32
      %convert_element_type3A_180 = arith.extui %lt3A_179 : i1 to i32
      %cond3A_181 = arith.constant 0 : i32
      %cond3A_182 = arith.cmpi ne, %convert_element_type3A_180, %cond3A_181 : i32
      scf.if %cond3A_182 {
        %add3A_249 = arith.addi %select_n3A_8, %add3A_152 : i32
        %add3A_250 = arith.constant 3 : i32
        %add3A_251 = arith.addi %add3A_249, %add3A_250 : i32
        %lt3A_252 = arith.constant 2500 : i32
        %lt3A_253 = arith.cmpi slt, %add3A_251, %lt3A_252 : i32
        %convert_element_type3A_254 = arith.extui %lt3A_253 : i1 to i32
        %cond3A_255 = arith.constant 0 : i32
        %cond3A_256 = arith.constant 0 : i32
        %cond3A_257 = arith.cmpi ne, %convert_element_type3A_254, %cond3A_256 : i32
        scf.if %cond3A_257 {
          %mul3A_275 = arith.constant 128 : i32
          %mul3A_276 = arith.muli %add3A_251, %mul3A_275 : i32
          %dma_start3A_277 = arith.constant 1 : i32
          %dma_start3A_278 = arith.constant 0 : i32
          %dma_start3A_279 = tpu.memref_slice %arg13[%cond3A_255, %dma_start3A_278] : memref<3x128xi32, #tpu.memory_space<vmem>> -> memref<1x128xi32, #tpu.memory_space<vmem>>
          %dma_start3A_280 = tpu.memref_squeeze %dma_start3A_279 : memref<1x128xi32, #tpu.memory_space<vmem>> -> memref<128xi32, #tpu.memory_space<vmem>>
          %dma_start3A_281 = tpu.memref_slice %arg3[%dma_start3A_277, %mul3A_276] : memref<2x320000xi32, #tpu.memory_space<hbm>> -> memref<1x128xi32, #tpu.memory_space<hbm>>
          %dma_start3A_282 = tpu.memref_squeeze %dma_start3A_281 : memref<1x128xi32, #tpu.memory_space<hbm>> -> memref<128xi32, #tpu.memory_space<hbm>>
          %dma_start3A_283 = arith.constant 0 : i32
          %dma_start3A_284 = tpu.memref_slice %arg13[%cond3A_255, %dma_start3A_283] : memref<3x128xi32, #tpu.memory_space<vmem>> -> memref<1x128xi32, #tpu.memory_space<vmem>>
          %dma_start3A_285 = tpu.memref_squeeze %dma_start3A_284 : memref<1x128xi32, #tpu.memory_space<vmem>> -> memref<128xi32, #tpu.memory_space<vmem>>
          %dma_start3A_286 = tpu.memref_slice %arg3[%dma_start3A_277, %mul3A_276] : memref<2x320000xi32, #tpu.memory_space<hbm>> -> memref<1x128xi32, #tpu.memory_space<hbm>>
          %dma_start3A_287 = tpu.memref_squeeze %dma_start3A_286 : memref<1x128xi32, #tpu.memory_space<hbm>> -> memref<128xi32, #tpu.memory_space<hbm>>
          tpu.enqueue_dma source(%dma_start3A_287 : memref<128xi32, #tpu.memory_space<hbm>>) target(%dma_start3A_285 : memref<128xi32, #tpu.memory_space<vmem>>) target_semaphore(%arg21 : memref<!tpu.dma_semaphore, #tpu.memory_space<semaphore_mem>>)
        } else {
        }
        %ge3A_258 = arith.constant 2500 : i32
        %ge3A_259 = arith.cmpi sge, %add3A_251, %ge3A_258 : i32
        %convert_element_type3A_260 = arith.extui %ge3A_259 : i1 to i32
        %cond3A_261 = arith.constant 0 : i32
        %cond3A_262 = arith.constant 0 : i32
        %cond3A_263 = arith.cmpi ne, %convert_element_type3A_260, %cond3A_262 : i32
        scf.if %cond3A_263 {
          %sub3A_275 = arith.constant 2500 : i32
          %sub3A_276 = arith.subi %add3A_251, %sub3A_275 : i32
          %dma_start3A_277 = arith.constant 1 : i32
          %dma_start3A_278 = arith.constant 0 : i32
          %dma_start3A_279 = tpu.memref_slice %arg13[%cond3A_261, %dma_start3A_278] : memref<3x128xi32, #tpu.memory_space<vmem>> -> memref<1x128xi32, #tpu.memory_space<vmem>>
          %dma_start3A_280 = tpu.memref_squeeze %dma_start3A_279 : memref<1x128xi32, #tpu.memory_space<vmem>> -> memref<128xi32, #tpu.memory_space<vmem>>
          %dma_start3A_281 = arith.constant 0 : i32
          %dma_start3A_282 = tpu.memref_slice %arg4[%dma_start3A_277, %sub3A_276, %dma_start3A_281] : memref<2x92x128xi32, #tpu.memory_space<hbm>> -> memref<1x1x128xi32, #tpu.memory_space<hbm>>
          %dma_start3A_283 = tpu.memref_squeeze %dma_start3A_282 : memref<1x1x128xi32, #tpu.memory_space<hbm>> -> memref<128xi32, #tpu.memory_space<hbm>>
          %dma_start3A_284 = arith.constant 0 : i32
          %dma_start3A_285 = tpu.memref_slice %arg13[%cond3A_261, %dma_start3A_284] : memref<3x128xi32, #tpu.memory_space<vmem>> -> memref<1x128xi32, #tpu.memory_space<vmem>>
          %dma_start3A_286 = tpu.memref_squeeze %dma_start3A_285 : memref<1x128xi32, #tpu.memory_space<vmem>> -> memref<128xi32, #tpu.memory_space<vmem>>
          %dma_start3A_287 = arith.constant 0 : i32
          %dma_start3A_288 = tpu.memref_slice %arg4[%dma_start3A_277, %sub3A_276, %dma_start3A_287] : memref<2x92x128xi32, #tpu.memory_space<hbm>> -> memref<1x1x128xi32, #tpu.memory_space<hbm>>
          %dma_start3A_289 = tpu.memref_squeeze %dma_start3A_288 : memref<1x1x128xi32, #tpu.memory_space<hbm>> -> memref<128xi32, #tpu.memory_space<hbm>>
          tpu.enqueue_dma source(%dma_start3A_289 : memref<128xi32, #tpu.memory_space<hbm>>) target(%dma_start3A_286 : memref<128xi32, #tpu.memory_space<vmem>>) target_semaphore(%arg21 : memref<!tpu.dma_semaphore, #tpu.memory_space<semaphore_mem>>)
        } else {
        }
        %dma_wait3A_264 = arith.constant 0 : i32
        %dma_wait3A_265 = arith.constant 0 : i32
        %dma_wait3A_266 = arith.constant 0 : i32
        %dma_wait3A_267 = tpu.memref_slice %arg4[%dma_wait3A_264, %dma_wait3A_265, %dma_wait3A_266] : memref<2x92x128xi32, #tpu.memory_space<hbm>> -> memref<1x1x128xi32, #tpu.memory_space<hbm>>
        %dma_wait3A_268 = tpu.memref_squeeze %dma_wait3A_267 : memref<1x1x128xi32, #tpu.memory_space<hbm>> -> memref<128xi32, #tpu.memory_space<hbm>>
        %dma_wait3A_269 = arith.constant 0 : i32
        %dma_wait3A_270 = tpu.memref_slice %arg4[%dma_wait3A_264, %dma_wait3A_265, %dma_wait3A_269] : memref<2x92x128xi32, #tpu.memory_space<hbm>> -> memref<1x1x128xi32, #tpu.memory_space<hbm>>
        %dma_wait3A_271 = tpu.memref_squeeze %dma_wait3A_270 : memref<1x1x128xi32, #tpu.memory_space<hbm>> -> memref<128xi32, #tpu.memory_space<hbm>>
        tpu.wait_dma2 semaphore(%arg18 : memref<!tpu.dma_semaphore, #tpu.memory_space<semaphore_mem>>) src(%dma_wait3A_271 : memref<128xi32, #tpu.memory_space<hbm>>) dst(%arg10 : memref<128xi32, #tpu.memory_space<vmem>>)
        %dma_start3A_272 = arith.constant 0 : i32
        %dma_start3A_273 = arith.constant 0 : i32
        %dma_start3A_274 = tpu.memref_slice %arg2[%dma_start3A_272, %dma_start3A_273] : memref<10000x128xf32, #tpu.memory_space<hbm>> -> memref<10000x128xf32, #tpu.memory_space<hbm>>
        tpu.enqueue_indirect_dma source(%dma_start3A_274 : memref<10000x128xf32, #tpu.memory_space<hbm>>) target(%arg7 : memref<128x128xf32, #tpu.memory_space<vmem>>) offsets(%arg10 : memref<128xi32, #tpu.memory_space<vmem>>) semaphore(%arg15 : memref<!tpu.dma_semaphore, #tpu.memory_space<semaphore_mem>>)
      } else {
      }
      %add3A_183 = arith.constant 1 : i32
      %add3A_184 = arith.addi %mul3A_150, %add3A_183 : i32
      %dma_wait3A_185 = arith.constant 0 : i32
      %dma_wait3A_186 = arith.constant 0 : i32
      %dma_wait3A_187 = tpu.memref_slice %arg2[%dma_wait3A_185, %dma_wait3A_186] : memref<10000x128xf32, #tpu.memory_space<hbm>> -> memref<10000x128xf32, #tpu.memory_space<hbm>>
      tpu.wait_indirect_dma semaphore(%arg16 : memref<!tpu.dma_semaphore, #tpu.memory_space<semaphore_mem>>) src(%dma_wait3A_187 : memref<10000x128xf32, #tpu.memory_space<hbm>>) dst(%arg8 : memref<128x128xf32, #tpu.memory_space<vmem>>)
      %add3A_188 = arith.constant 3 : i32
      %add3A_189 = arith.addi %add3A_184, %add3A_188 : i32
      %lt3A_190 = arith.cmpi slt, %add3A_189, %select_n3A : i32
      %convert_element_type3A_191 = arith.extui %lt3A_190 : i1 to i32
      %cond3A_192 = arith.constant 0 : i32
      %cond3A_193 = arith.cmpi ne, %convert_element_type3A_191, %cond3A_192 : i32
      scf.if %cond3A_193 {
        %add3A_249 = arith.addi %select_n3A_8, %add3A_184 : i32
        %add3A_250 = arith.constant 3 : i32
        %add3A_251 = arith.addi %add3A_249, %add3A_250 : i32
        %lt3A_252 = arith.constant 2500 : i32
        %lt3A_253 = arith.cmpi slt, %add3A_251, %lt3A_252 : i32
        %convert_element_type3A_254 = arith.extui %lt3A_253 : i1 to i32
        %cond3A_255 = arith.constant 0 : i32
        %cond3A_256 = arith.cmpi ne, %convert_element_type3A_254, %cond3A_255 : i32
        scf.if %cond3A_256 {
          %mul3A_262 = arith.constant 128 : i32
          %mul3A_263 = arith.muli %add3A_251, %mul3A_262 : i32
          %dma_start3A_264 = arith.constant 0 : i32
          %dma_start3A_265 = tpu.memref_slice %arg3[%dma_start3A_264, %mul3A_263] : memref<2x320000xi32, #tpu.memory_space<hbm>> -> memref<1x128xi32, #tpu.memory_space<hbm>>
          %dma_start3A_266 = tpu.memref_squeeze %dma_start3A_265 : memref<1x128xi32, #tpu.memory_space<hbm>> -> memref<128xi32, #tpu.memory_space<hbm>>
          %dma_start3A_267 = tpu.memref_slice %arg3[%dma_start3A_264, %mul3A_263] : memref<2x320000xi32, #tpu.memory_space<hbm>> -> memref<1x128xi32, #tpu.memory_space<hbm>>
          %dma_start3A_268 = tpu.memref_squeeze %dma_start3A_267 : memref<1x128xi32, #tpu.memory_space<hbm>> -> memref<128xi32, #tpu.memory_space<hbm>>
          tpu.enqueue_dma source(%dma_start3A_268 : memref<128xi32, #tpu.memory_space<hbm>>) target(%arg11 : memref<128xi32, #tpu.memory_space<vmem>>) target_semaphore(%arg19 : memref<!tpu.dma_semaphore, #tpu.memory_space<semaphore_mem>>)
        } else {
        }
        %ge3A_257 = arith.constant 2500 : i32
        %ge3A_258 = arith.cmpi sge, %add3A_251, %ge3A_257 : i32
        %convert_element_type3A_259 = arith.extui %ge3A_258 : i1 to i32
        %cond3A_260 = arith.constant 0 : i32
        %cond3A_261 = arith.cmpi ne, %convert_element_type3A_259, %cond3A_260 : i32
        scf.if %cond3A_261 {
          %sub3A_262 = arith.constant 2500 : i32
          %sub3A_263 = arith.subi %add3A_251, %sub3A_262 : i32
          %dma_start3A_264 = arith.constant 0 : i32
          %dma_start3A_265 = arith.constant 0 : i32
          %dma_start3A_266 = tpu.memref_slice %arg4[%dma_start3A_264, %sub3A_263, %dma_start3A_265] : memref<2x92x128xi32, #tpu.memory_space<hbm>> -> memref<1x1x128xi32, #tpu.memory_space<hbm>>
          %dma_start3A_267 = tpu.memref_squeeze %dma_start3A_266 : memref<1x1x128xi32, #tpu.memory_space<hbm>> -> memref<128xi32, #tpu.memory_space<hbm>>
          %dma_start3A_268 = arith.constant 0 : i32
          %dma_start3A_269 = tpu.memref_slice %arg4[%dma_start3A_264, %sub3A_263, %dma_start3A_268] : memref<2x92x128xi32, #tpu.memory_space<hbm>> -> memref<1x1x128xi32, #tpu.memory_space<hbm>>
          %dma_start3A_270 = tpu.memref_squeeze %dma_start3A_269 : memref<1x1x128xi32, #tpu.memory_space<hbm>> -> memref<128xi32, #tpu.memory_space<hbm>>
          tpu.enqueue_dma source(%dma_start3A_270 : memref<128xi32, #tpu.memory_space<hbm>>) target(%arg11 : memref<128xi32, #tpu.memory_space<vmem>>) target_semaphore(%arg19 : memref<!tpu.dma_semaphore, #tpu.memory_space<semaphore_mem>>)
        } else {
        }
      } else {
      }
      %dma_wait3A_194 = arith.constant 0 : i32
      %dma_wait3A_195 = arith.constant 0 : i32
      %dma_wait3A_196 = arith.constant 1 : i32
      %dma_wait3A_197 = arith.constant 0 : i32
      %dma_wait3A_198 = tpu.memref_slice %arg13[%dma_wait3A_196, %dma_wait3A_197] : memref<3x128xi32, #tpu.memory_space<vmem>> -> memref<1x128xi32, #tpu.memory_space<vmem>>
      %dma_wait3A_199 = tpu.memref_squeeze %dma_wait3A_198 : memref<1x128xi32, #tpu.memory_space<vmem>> -> memref<128xi32, #tpu.memory_space<vmem>>
      %dma_wait3A_200 = arith.constant 0 : i32
      %dma_wait3A_201 = tpu.memref_slice %arg4[%dma_wait3A_194, %dma_wait3A_195, %dma_wait3A_200] : memref<2x92x128xi32, #tpu.memory_space<hbm>> -> memref<1x1x128xi32, #tpu.memory_space<hbm>>
      %dma_wait3A_202 = tpu.memref_squeeze %dma_wait3A_201 : memref<1x1x128xi32, #tpu.memory_space<hbm>> -> memref<128xi32, #tpu.memory_space<hbm>>
      %dma_wait3A_203 = arith.constant 0 : i32
      %dma_wait3A_204 = tpu.memref_slice %arg13[%dma_wait3A_196, %dma_wait3A_203] : memref<3x128xi32, #tpu.memory_space<vmem>> -> memref<1x128xi32, #tpu.memory_space<vmem>>
      %dma_wait3A_205 = tpu.memref_squeeze %dma_wait3A_204 : memref<1x128xi32, #tpu.memory_space<vmem>> -> memref<128xi32, #tpu.memory_space<vmem>>
      %dma_wait3A_206 = arith.constant 0 : i32
      %dma_wait3A_207 = tpu.memref_slice %arg4[%dma_wait3A_194, %dma_wait3A_195, %dma_wait3A_206] : memref<2x92x128xi32, #tpu.memory_space<hbm>> -> memref<1x1x128xi32, #tpu.memory_space<hbm>>
      %dma_wait3A_208 = tpu.memref_squeeze %dma_wait3A_207 : memref<1x1x128xi32, #tpu.memory_space<hbm>> -> memref<128xi32, #tpu.memory_space<hbm>>
      tpu.wait_dma2 semaphore(%arg22 : memref<!tpu.dma_semaphore, #tpu.memory_space<semaphore_mem>>) src(%dma_wait3A_208 : memref<128xi32, #tpu.memory_space<hbm>>) dst(%dma_wait3A_205 : memref<128xi32, #tpu.memory_space<vmem>>)
      %run_scoped3A_209 = arith.constant 1 : i32
      "tpu.region"() ({
        %run_scoped3A_249 = tpu.sem_alloc : memref<!tpu.dma_semaphore, #tpu.memory_space<semaphore_mem>>
        %dma_start3A_250 = arith.constant 0 : i32
        %dma_start3A_251 = tpu.memref_slice %arg13[%run_scoped3A_209, %dma_start3A_250] : memref<3x128xi32, #tpu.memory_space<vmem>> -> memref<1x128xi32, #tpu.memory_space<vmem>>
        %dma_start3A_252 = tpu.memref_squeeze %dma_start3A_251 : memref<1x128xi32, #tpu.memory_space<vmem>> -> memref<128xi32, #tpu.memory_space<vmem>>
        %dma_start3A_253 = arith.constant 0 : i32
        %dma_start3A_254 = arith.constant 0 : i32
        %dma_start3A_255 = tpu.memref_slice %arg14[%dma_start3A_253, %dma_start3A_254] : memref<10112x128xf32, #tpu.memory_space<vmem_shared>> -> memref<10112x128xf32, #tpu.memory_space<vmem_shared>>
        tpu.enqueue_indirect_dma source(%arg8 : memref<128x128xf32, #tpu.memory_space<vmem>>) target(%dma_start3A_255 : memref<10112x128xf32, #tpu.memory_space<vmem_shared>>) offsets(%dma_start3A_252 : memref<128xi32, #tpu.memory_space<vmem>>) semaphore(%run_scoped3A_249 : memref<!tpu.dma_semaphore, #tpu.memory_space<semaphore_mem>>) {add = true}
        %dma_wait3A_256 = arith.constant 0 : i32
        %dma_wait3A_257 = tpu.memref_slice %arg13[%run_scoped3A_209, %dma_wait3A_256] : memref<3x128xi32, #tpu.memory_space<vmem>> -> memref<1x128xi32, #tpu.memory_space<vmem>>
        %dma_wait3A_258 = tpu.memref_squeeze %dma_wait3A_257 : memref<1x128xi32, #tpu.memory_space<vmem>> -> memref<128xi32, #tpu.memory_space<vmem>>
        %dma_wait3A_259 = arith.constant 0 : i32
        %dma_wait3A_260 = arith.constant 0 : i32
        %dma_wait3A_261 = tpu.memref_slice %arg14[%dma_wait3A_259, %dma_wait3A_260] : memref<10112x128xf32, #tpu.memory_space<vmem_shared>> -> memref<10112x128xf32, #tpu.memory_space<vmem_shared>>
        tpu.wait_indirect_dma semaphore(%run_scoped3A_249 : memref<!tpu.dma_semaphore, #tpu.memory_space<semaphore_mem>>) src(%arg8 : memref<128x128xf32, #tpu.memory_space<vmem>>) dst(%dma_wait3A_261 : memref<10112x128xf32, #tpu.memory_space<vmem_shared>>)
        tpu.yield
      }) : () -> ()
      %add3A_210 = arith.constant 3 : i32
      %add3A_211 = arith.addi %add3A_184, %add3A_210 : i32
      %lt3A_212 = arith.cmpi slt, %add3A_211, %select_n3A : i32
      %convert_element_type3A_213 = arith.extui %lt3A_212 : i1 to i32
      %cond3A_214 = arith.constant 0 : i32
      %cond3A_215 = arith.cmpi ne, %convert_element_type3A_213, %cond3A_214 : i32
      scf.if %cond3A_215 {
        %add3A_249 = arith.addi %select_n3A_8, %add3A_184 : i32
        %add3A_250 = arith.constant 3 : i32
        %add3A_251 = arith.addi %add3A_249, %add3A_250 : i32
        %lt3A_252 = arith.constant 2500 : i32
        %lt3A_253 = arith.cmpi slt, %add3A_251, %lt3A_252 : i32
        %convert_element_type3A_254 = arith.extui %lt3A_253 : i1 to i32
        %cond3A_255 = arith.constant 1 : i32
        %cond3A_256 = arith.constant 0 : i32
        %cond3A_257 = arith.cmpi ne, %convert_element_type3A_254, %cond3A_256 : i32
        scf.if %cond3A_257 {
          %mul3A_275 = arith.constant 128 : i32
          %mul3A_276 = arith.muli %add3A_251, %mul3A_275 : i32
          %dma_start3A_277 = arith.constant 1 : i32
          %dma_start3A_278 = arith.constant 0 : i32
          %dma_start3A_279 = tpu.memref_slice %arg13[%cond3A_255, %dma_start3A_278] : memref<3x128xi32, #tpu.memory_space<vmem>> -> memref<1x128xi32, #tpu.memory_space<vmem>>
          %dma_start3A_280 = tpu.memref_squeeze %dma_start3A_279 : memref<1x128xi32, #tpu.memory_space<vmem>> -> memref<128xi32, #tpu.memory_space<vmem>>
          %dma_start3A_281 = tpu.memref_slice %arg3[%dma_start3A_277, %mul3A_276] : memref<2x320000xi32, #tpu.memory_space<hbm>> -> memref<1x128xi32, #tpu.memory_space<hbm>>
          %dma_start3A_282 = tpu.memref_squeeze %dma_start3A_281 : memref<1x128xi32, #tpu.memory_space<hbm>> -> memref<128xi32, #tpu.memory_space<hbm>>
          %dma_start3A_283 = arith.constant 0 : i32
          %dma_start3A_284 = tpu.memref_slice %arg13[%cond3A_255, %dma_start3A_283] : memref<3x128xi32, #tpu.memory_space<vmem>> -> memref<1x128xi32, #tpu.memory_space<vmem>>
          %dma_start3A_285 = tpu.memref_squeeze %dma_start3A_284 : memref<1x128xi32, #tpu.memory_space<vmem>> -> memref<128xi32, #tpu.memory_space<vmem>>
          %dma_start3A_286 = tpu.memref_slice %arg3[%dma_start3A_277, %mul3A_276] : memref<2x320000xi32, #tpu.memory_space<hbm>> -> memref<1x128xi32, #tpu.memory_space<hbm>>
          %dma_start3A_287 = tpu.memref_squeeze %dma_start3A_286 : memref<1x128xi32, #tpu.memory_space<hbm>> -> memref<128xi32, #tpu.memory_space<hbm>>
          tpu.enqueue_dma source(%dma_start3A_287 : memref<128xi32, #tpu.memory_space<hbm>>) target(%dma_start3A_285 : memref<128xi32, #tpu.memory_space<vmem>>) target_semaphore(%arg22 : memref<!tpu.dma_semaphore, #tpu.memory_space<semaphore_mem>>)
        } else {
        }
        %ge3A_258 = arith.constant 2500 : i32
        %ge3A_259 = arith.cmpi sge, %add3A_251, %ge3A_258 : i32
        %convert_element_type3A_260 = arith.extui %ge3A_259 : i1 to i32
        %cond3A_261 = arith.constant 1 : i32
        %cond3A_262 = arith.constant 0 : i32
        %cond3A_263 = arith.cmpi ne, %convert_element_type3A_260, %cond3A_262 : i32
        scf.if %cond3A_263 {
          %sub3A_275 = arith.constant 2500 : i32
          %sub3A_276 = arith.subi %add3A_251, %sub3A_275 : i32
          %dma_start3A_277 = arith.constant 1 : i32
          %dma_start3A_278 = arith.constant 0 : i32
          %dma_start3A_279 = tpu.memref_slice %arg13[%cond3A_261, %dma_start3A_278] : memref<3x128xi32, #tpu.memory_space<vmem>> -> memref<1x128xi32, #tpu.memory_space<vmem>>
          %dma_start3A_280 = tpu.memref_squeeze %dma_start3A_279 : memref<1x128xi32, #tpu.memory_space<vmem>> -> memref<128xi32, #tpu.memory_space<vmem>>
          %dma_start3A_281 = arith.constant 0 : i32
          %dma_start3A_282 = tpu.memref_slice %arg4[%dma_start3A_277, %sub3A_276, %dma_start3A_281] : memref<2x92x128xi32, #tpu.memory_space<hbm>> -> memref<1x1x128xi32, #tpu.memory_space<hbm>>
          %dma_start3A_283 = tpu.memref_squeeze %dma_start3A_282 : memref<1x1x128xi32, #tpu.memory_space<hbm>> -> memref<128xi32, #tpu.memory_space<hbm>>
          %dma_start3A_284 = arith.constant 0 : i32
          %dma_start3A_285 = tpu.memref_slice %arg13[%cond3A_261, %dma_start3A_284] : memref<3x128xi32, #tpu.memory_space<vmem>> -> memref<1x128xi32, #tpu.memory_space<vmem>>
          %dma_start3A_286 = tpu.memref_squeeze %dma_start3A_285 : memref<1x128xi32, #tpu.memory_space<vmem>> -> memref<128xi32, #tpu.memory_space<vmem>>
          %dma_start3A_287 = arith.constant 0 : i32
          %dma_start3A_288 = tpu.memref_slice %arg4[%dma_start3A_277, %sub3A_276, %dma_start3A_287] : memref<2x92x128xi32, #tpu.memory_space<hbm>> -> memref<1x1x128xi32, #tpu.memory_space<hbm>>
          %dma_start3A_289 = tpu.memref_squeeze %dma_start3A_288 : memref<1x1x128xi32, #tpu.memory_space<hbm>> -> memref<128xi32, #tpu.memory_space<hbm>>
          tpu.enqueue_dma source(%dma_start3A_289 : memref<128xi32, #tpu.memory_space<hbm>>) target(%dma_start3A_286 : memref<128xi32, #tpu.memory_space<vmem>>) target_semaphore(%arg22 : memref<!tpu.dma_semaphore, #tpu.memory_space<semaphore_mem>>)
        } else {
        }
        %dma_wait3A_264 = arith.constant 0 : i32
        %dma_wait3A_265 = arith.constant 0 : i32
        %dma_wait3A_266 = arith.constant 0 : i32
        %dma_wait3A_267 = tpu.memref_slice %arg4[%dma_wait3A_264, %dma_wait3A_265, %dma_wait3A_266] : memref<2x92x128xi32, #tpu.memory_space<hbm>> -> memref<1x1x128xi32, #tpu.memory_space<hbm>>
        %dma_wait3A_268 = tpu.memref_squeeze %dma_wait3A_267 : memref<1x1x128xi32, #tpu.memory_space<hbm>> -> memref<128xi32, #tpu.memory_space<hbm>>
        %dma_wait3A_269 = arith.constant 0 : i32
        %dma_wait3A_270 = tpu.memref_slice %arg4[%dma_wait3A_264, %dma_wait3A_265, %dma_wait3A_269] : memref<2x92x128xi32, #tpu.memory_space<hbm>> -> memref<1x1x128xi32, #tpu.memory_space<hbm>>
        %dma_wait3A_271 = tpu.memref_squeeze %dma_wait3A_270 : memref<1x1x128xi32, #tpu.memory_space<hbm>> -> memref<128xi32, #tpu.memory_space<hbm>>
        tpu.wait_dma2 semaphore(%arg19 : memref<!tpu.dma_semaphore, #tpu.memory_space<semaphore_mem>>) src(%dma_wait3A_271 : memref<128xi32, #tpu.memory_space<hbm>>) dst(%arg11 : memref<128xi32, #tpu.memory_space<vmem>>)
        %dma_start3A_272 = arith.constant 0 : i32
        %dma_start3A_273 = arith.constant 0 : i32
        %dma_start3A_274 = tpu.memref_slice %arg2[%dma_start3A_272, %dma_start3A_273] : memref<10000x128xf32, #tpu.memory_space<hbm>> -> memref<10000x128xf32, #tpu.memory_space<hbm>>
        tpu.enqueue_indirect_dma source(%dma_start3A_274 : memref<10000x128xf32, #tpu.memory_space<hbm>>) target(%arg8 : memref<128x128xf32, #tpu.memory_space<vmem>>) offsets(%arg11 : memref<128xi32, #tpu.memory_space<vmem>>) semaphore(%arg16 : memref<!tpu.dma_semaphore, #tpu.memory_space<semaphore_mem>>)
      } else {
      }
      %add3A_216 = arith.constant 2 : i32
      %add3A_217 = arith.addi %mul3A_150, %add3A_216 : i32
      %dma_wait3A_218 = arith.constant 0 : i32
      %dma_wait3A_219 = arith.constant 0 : i32
      %dma_wait3A_220 = tpu.memref_slice %arg2[%dma_wait3A_218, %dma_wait3A_219] : memref<10000x128xf32, #tpu.memory_space<hbm>> -> memref<10000x128xf32, #tpu.memory_space<hbm>>
      tpu.wait_indirect_dma semaphore(%arg17 : memref<!tpu.dma_semaphore, #tpu.memory_space<semaphore_mem>>) src(%dma_wait3A_220 : memref<10000x128xf32, #tpu.memory_space<hbm>>) dst(%arg9 : memref<128x128xf32, #tpu.memory_space<vmem>>)
      %add3A_221 = arith.constant 3 : i32
      %add3A_222 = arith.addi %add3A_217, %add3A_221 : i32
      %lt3A_223 = arith.cmpi slt, %add3A_222, %select_n3A : i32
      %convert_element_type3A_224 = arith.extui %lt3A_223 : i1 to i32
      %cond3A_225 = arith.constant 0 : i32
      %cond3A_226 = arith.cmpi ne, %convert_element_type3A_224, %cond3A_225 : i32
      scf.if %cond3A_226 {
        %add3A_249 = arith.addi %select_n3A_8, %add3A_217 : i32
        %add3A_250 = arith.constant 3 : i32
        %add3A_251 = arith.addi %add3A_249, %add3A_250 : i32
        %lt3A_252 = arith.constant 2500 : i32
        %lt3A_253 = arith.cmpi slt, %add3A_251, %lt3A_252 : i32
        %convert_element_type3A_254 = arith.extui %lt3A_253 : i1 to i32
        %cond3A_255 = arith.constant 0 : i32
        %cond3A_256 = arith.cmpi ne, %convert_element_type3A_254, %cond3A_255 : i32
        scf.if %cond3A_256 {
          %mul3A_262 = arith.constant 128 : i32
          %mul3A_263 = arith.muli %add3A_251, %mul3A_262 : i32
          %dma_start3A_264 = arith.constant 0 : i32
          %dma_start3A_265 = tpu.memref_slice %arg3[%dma_start3A_264, %mul3A_263] : memref<2x320000xi32, #tpu.memory_space<hbm>> -> memref<1x128xi32, #tpu.memory_space<hbm>>
          %dma_start3A_266 = tpu.memref_squeeze %dma_start3A_265 : memref<1x128xi32, #tpu.memory_space<hbm>> -> memref<128xi32, #tpu.memory_space<hbm>>
          %dma_start3A_267 = tpu.memref_slice %arg3[%dma_start3A_264, %mul3A_263] : memref<2x320000xi32, #tpu.memory_space<hbm>> -> memref<1x128xi32, #tpu.memory_space<hbm>>
          %dma_start3A_268 = tpu.memref_squeeze %dma_start3A_267 : memref<1x128xi32, #tpu.memory_space<hbm>> -> memref<128xi32, #tpu.memory_space<hbm>>
          tpu.enqueue_dma source(%dma_start3A_268 : memref<128xi32, #tpu.memory_space<hbm>>) target(%arg12 : memref<128xi32, #tpu.memory_space<vmem>>) target_semaphore(%arg20 : memref<!tpu.dma_semaphore, #tpu.memory_space<semaphore_mem>>)
        } else {
        }
        %ge3A_257 = arith.constant 2500 : i32
        %ge3A_258 = arith.cmpi sge, %add3A_251, %ge3A_257 : i32
        %convert_element_type3A_259 = arith.extui %ge3A_258 : i1 to i32
        %cond3A_260 = arith.constant 0 : i32
        %cond3A_261 = arith.cmpi ne, %convert_element_type3A_259, %cond3A_260 : i32
        scf.if %cond3A_261 {
          %sub3A_262 = arith.constant 2500 : i32
          %sub3A_263 = arith.subi %add3A_251, %sub3A_262 : i32
          %dma_start3A_264 = arith.constant 0 : i32
          %dma_start3A_265 = arith.constant 0 : i32
          %dma_start3A_266 = tpu.memref_slice %arg4[%dma_start3A_264, %sub3A_263, %dma_start3A_265] : memref<2x92x128xi32, #tpu.memory_space<hbm>> -> memref<1x1x128xi32, #tpu.memory_space<hbm>>
          %dma_start3A_267 = tpu.memref_squeeze %dma_start3A_266 : memref<1x1x128xi32, #tpu.memory_space<hbm>> -> memref<128xi32, #tpu.memory_space<hbm>>
          %dma_start3A_268 = arith.constant 0 : i32
          %dma_start3A_269 = tpu.memref_slice %arg4[%dma_start3A_264, %sub3A_263, %dma_start3A_268] : memref<2x92x128xi32, #tpu.memory_space<hbm>> -> memref<1x1x128xi32, #tpu.memory_space<hbm>>
          %dma_start3A_270 = tpu.memref_squeeze %dma_start3A_269 : memref<1x1x128xi32, #tpu.memory_space<hbm>> -> memref<128xi32, #tpu.memory_space<hbm>>
          tpu.enqueue_dma source(%dma_start3A_270 : memref<128xi32, #tpu.memory_space<hbm>>) target(%arg12 : memref<128xi32, #tpu.memory_space<vmem>>) target_semaphore(%arg20 : memref<!tpu.dma_semaphore, #tpu.memory_space<semaphore_mem>>)
        } else {
        }
      } else {
      }
      %dma_wait3A_227 = arith.constant 0 : i32
      %dma_wait3A_228 = arith.constant 0 : i32
      %dma_wait3A_229 = arith.constant 2 : i32
      %dma_wait3A_230 = arith.constant 0 : i32
      %dma_wait3A_231 = tpu.memref_slice %arg13[%dma_wait3A_229, %dma_wait3A_230] : memref<3x128xi32, #tpu.memory_space<vmem>> -> memref<1x128xi32, #tpu.memory_space<vmem>>
      %dma_wait3A_232 = tpu.memref_squeeze %dma_wait3A_231 : memref<1x128xi32, #tpu.memory_space<vmem>> -> memref<128xi32, #tpu.memory_space<vmem>>
      %dma_wait3A_233 = arith.constant 0 : i32
      %dma_wait3A_234 = tpu.memref_slice %arg4[%dma_wait3A_227, %dma_wait3A_228, %dma_wait3A_233] : memref<2x92x128xi32, #tpu.memory_space<hbm>> -> memref<1x1x128xi32, #tpu.memory_space<hbm>>
      %dma_wait3A_235 = tpu.memref_squeeze %dma_wait3A_234 : memref<1x1x128xi32, #tpu.memory_space<hbm>> -> memref<128xi32, #tpu.memory_space<hbm>>
      %dma_wait3A_236 = arith.constant 0 : i32
      %dma_wait3A_237 = tpu.memref_slice %arg13[%dma_wait3A_229, %dma_wait3A_236] : memref<3x128xi32, #tpu.memory_space<vmem>> -> memref<1x128xi32, #tpu.memory_space<vmem>>
      %dma_wait3A_238 = tpu.memref_squeeze %dma_wait3A_237 : memref<1x128xi32, #tpu.memory_space<vmem>> -> memref<128xi32, #tpu.memory_space<vmem>>
      %dma_wait3A_239 = arith.constant 0 : i32
      %dma_wait3A_240 = tpu.memref_slice %arg4[%dma_wait3A_227, %dma_wait3A_228, %dma_wait3A_239] : memref<2x92x128xi32, #tpu.memory_space<hbm>> -> memref<1x1x128xi32, #tpu.memory_space<hbm>>
      %dma_wait3A_241 = tpu.memref_squeeze %dma_wait3A_240 : memref<1x1x128xi32, #tpu.memory_space<hbm>> -> memref<128xi32, #tpu.memory_space<hbm>>
      tpu.wait_dma2 semaphore(%arg23 : memref<!tpu.dma_semaphore, #tpu.memory_space<semaphore_mem>>) src(%dma_wait3A_241 : memref<128xi32, #tpu.memory_space<hbm>>) dst(%dma_wait3A_238 : memref<128xi32, #tpu.memory_space<vmem>>)
      %run_scoped3A_242 = arith.constant 2 : i32
      "tpu.region"() ({
        %run_scoped3A_249 = tpu.sem_alloc : memref<!tpu.dma_semaphore, #tpu.memory_space<semaphore_mem>>
        %dma_start3A_250 = arith.constant 0 : i32
        %dma_start3A_251 = tpu.memref_slice %arg13[%run_scoped3A_242, %dma_start3A_250] : memref<3x128xi32, #tpu.memory_space<vmem>> -> memref<1x128xi32, #tpu.memory_space<vmem>>
        %dma_start3A_252 = tpu.memref_squeeze %dma_start3A_251 : memref<1x128xi32, #tpu.memory_space<vmem>> -> memref<128xi32, #tpu.memory_space<vmem>>
        %dma_start3A_253 = arith.constant 0 : i32
        %dma_start3A_254 = arith.constant 0 : i32
        %dma_start3A_255 = tpu.memref_slice %arg14[%dma_start3A_253, %dma_start3A_254] : memref<10112x128xf32, #tpu.memory_space<vmem_shared>> -> memref<10112x128xf32, #tpu.memory_space<vmem_shared>>
        tpu.enqueue_indirect_dma source(%arg9 : memref<128x128xf32, #tpu.memory_space<vmem>>) target(%dma_start3A_255 : memref<10112x128xf32, #tpu.memory_space<vmem_shared>>) offsets(%dma_start3A_252 : memref<128xi32, #tpu.memory_space<vmem>>) semaphore(%run_scoped3A_249 : memref<!tpu.dma_semaphore, #tpu.memory_space<semaphore_mem>>) {add = true}
        %dma_wait3A_256 = arith.constant 0 : i32
        %dma_wait3A_257 = tpu.memref_slice %arg13[%run_scoped3A_242, %dma_wait3A_256] : memref<3x128xi32, #tpu.memory_space<vmem>> -> memref<1x128xi32, #tpu.memory_space<vmem>>
        %dma_wait3A_258 = tpu.memref_squeeze %dma_wait3A_257 : memref<1x128xi32, #tpu.memory_space<vmem>> -> memref<128xi32, #tpu.memory_space<vmem>>
        %dma_wait3A_259 = arith.constant 0 : i32
        %dma_wait3A_260 = arith.constant 0 : i32
        %dma_wait3A_261 = tpu.memref_slice %arg14[%dma_wait3A_259, %dma_wait3A_260] : memref<10112x128xf32, #tpu.memory_space<vmem_shared>> -> memref<10112x128xf32, #tpu.memory_space<vmem_shared>>
        tpu.wait_indirect_dma semaphore(%run_scoped3A_249 : memref<!tpu.dma_semaphore, #tpu.memory_space<semaphore_mem>>) src(%arg9 : memref<128x128xf32, #tpu.memory_space<vmem>>) dst(%dma_wait3A_261 : memref<10112x128xf32, #tpu.memory_space<vmem_shared>>)
        tpu.yield
      }) : () -> ()
      %add3A_243 = arith.constant 3 : i32
      %add3A_244 = arith.addi %add3A_217, %add3A_243 : i32
      %lt3A_245 = arith.cmpi slt, %add3A_244, %select_n3A : i32
      %convert_element_type3A_246 = arith.extui %lt3A_245 : i1 to i32
      %cond3A_247 = arith.constant 0 : i32
      %cond3A_248 = arith.cmpi ne, %convert_element_type3A_246, %cond3A_247 : i32
      scf.if %cond3A_248 {
        %add3A_249 = arith.addi %select_n3A_8, %add3A_217 : i32
        %add3A_250 = arith.constant 3 : i32
        %add3A_251 = arith.addi %add3A_249, %add3A_250 : i32
        %lt3A_252 = arith.constant 2500 : i32
        %lt3A_253 = arith.cmpi slt, %add3A_251, %lt3A_252 : i32
        %convert_element_type3A_254 = arith.extui %lt3A_253 : i1 to i32
        %cond3A_255 = arith.constant 2 : i32
        %cond3A_256 = arith.constant 0 : i32
        %cond3A_257 = arith.cmpi ne, %convert_element_type3A_254, %cond3A_256 : i32
        scf.if %cond3A_257 {
          %mul3A_275 = arith.constant 128 : i32
          %mul3A_276 = arith.muli %add3A_251, %mul3A_275 : i32
          %dma_start3A_277 = arith.constant 1 : i32
          %dma_start3A_278 = arith.constant 0 : i32
          %dma_start3A_279 = tpu.memref_slice %arg13[%cond3A_255, %dma_start3A_278] : memref<3x128xi32, #tpu.memory_space<vmem>> -> memref<1x128xi32, #tpu.memory_space<vmem>>
          %dma_start3A_280 = tpu.memref_squeeze %dma_start3A_279 : memref<1x128xi32, #tpu.memory_space<vmem>> -> memref<128xi32, #tpu.memory_space<vmem>>
          %dma_start3A_281 = tpu.memref_slice %arg3[%dma_start3A_277, %mul3A_276] : memref<2x320000xi32, #tpu.memory_space<hbm>> -> memref<1x128xi32, #tpu.memory_space<hbm>>
          %dma_start3A_282 = tpu.memref_squeeze %dma_start3A_281 : memref<1x128xi32, #tpu.memory_space<hbm>> -> memref<128xi32, #tpu.memory_space<hbm>>
          %dma_start3A_283 = arith.constant 0 : i32
          %dma_start3A_284 = tpu.memref_slice %arg13[%cond3A_255, %dma_start3A_283] : memref<3x128xi32, #tpu.memory_space<vmem>> -> memref<1x128xi32, #tpu.memory_space<vmem>>
          %dma_start3A_285 = tpu.memref_squeeze %dma_start3A_284 : memref<1x128xi32, #tpu.memory_space<vmem>> -> memref<128xi32, #tpu.memory_space<vmem>>
          %dma_start3A_286 = tpu.memref_slice %arg3[%dma_start3A_277, %mul3A_276] : memref<2x320000xi32, #tpu.memory_space<hbm>> -> memref<1x128xi32, #tpu.memory_space<hbm>>
          %dma_start3A_287 = tpu.memref_squeeze %dma_start3A_286 : memref<1x128xi32, #tpu.memory_space<hbm>> -> memref<128xi32, #tpu.memory_space<hbm>>
          tpu.enqueue_dma source(%dma_start3A_287 : memref<128xi32, #tpu.memory_space<hbm>>) target(%dma_start3A_285 : memref<128xi32, #tpu.memory_space<vmem>>) target_semaphore(%arg23 : memref<!tpu.dma_semaphore, #tpu.memory_space<semaphore_mem>>)
        } else {
        }
        %ge3A_258 = arith.constant 2500 : i32
        %ge3A_259 = arith.cmpi sge, %add3A_251, %ge3A_258 : i32
        %convert_element_type3A_260 = arith.extui %ge3A_259 : i1 to i32
        %cond3A_261 = arith.constant 2 : i32
        %cond3A_262 = arith.constant 0 : i32
        %cond3A_263 = arith.cmpi ne, %convert_element_type3A_260, %cond3A_262 : i32
        scf.if %cond3A_263 {
          %sub3A_275 = arith.constant 2500 : i32
          %sub3A_276 = arith.subi %add3A_251, %sub3A_275 : i32
          %dma_start3A_277 = arith.constant 1 : i32
          %dma_start3A_278 = arith.constant 0 : i32
          %dma_start3A_279 = tpu.memref_slice %arg13[%cond3A_261, %dma_start3A_278] : memref<3x128xi32, #tpu.memory_space<vmem>> -> memref<1x128xi32, #tpu.memory_space<vmem>>
          %dma_start3A_280 = tpu.memref_squeeze %dma_start3A_279 : memref<1x128xi32, #tpu.memory_space<vmem>> -> memref<128xi32, #tpu.memory_space<vmem>>
          %dma_start3A_281 = arith.constant 0 : i32
          %dma_start3A_282 = tpu.memref_slice %arg4[%dma_start3A_277, %sub3A_276, %dma_start3A_281] : memref<2x92x128xi32, #tpu.memory_space<hbm>> -> memref<1x1x128xi32, #tpu.memory_space<hbm>>
          %dma_start3A_283 = tpu.memref_squeeze %dma_start3A_282 : memref<1x1x128xi32, #tpu.memory_space<hbm>> -> memref<128xi32, #tpu.memory_space<hbm>>
          %dma_start3A_284 = arith.constant 0 : i32
          %dma_start3A_285 = tpu.memref_slice %arg13[%cond3A_261, %dma_start3A_284] : memref<3x128xi32, #tpu.memory_space<vmem>> -> memref<1x128xi32, #tpu.memory_space<vmem>>
          %dma_start3A_286 = tpu.memref_squeeze %dma_start3A_285 : memref<1x128xi32, #tpu.memory_space<vmem>> -> memref<128xi32, #tpu.memory_space<vmem>>
          %dma_start3A_287 = arith.constant 0 : i32
          %dma_start3A_288 = tpu.memref_slice %arg4[%dma_start3A_277, %sub3A_276, %dma_start3A_287] : memref<2x92x128xi32, #tpu.memory_space<hbm>> -> memref<1x1x128xi32, #tpu.memory_space<hbm>>
          %dma_start3A_289 = tpu.memref_squeeze %dma_start3A_288 : memref<1x1x128xi32, #tpu.memory_space<hbm>> -> memref<128xi32, #tpu.memory_space<hbm>>
          tpu.enqueue_dma source(%dma_start3A_289 : memref<128xi32, #tpu.memory_space<hbm>>) target(%dma_start3A_286 : memref<128xi32, #tpu.memory_space<vmem>>) target_semaphore(%arg23 : memref<!tpu.dma_semaphore, #tpu.memory_space<semaphore_mem>>)
        } else {
        }
        %dma_wait3A_264 = arith.constant 0 : i32
        %dma_wait3A_265 = arith.constant 0 : i32
        %dma_wait3A_266 = arith.constant 0 : i32
        %dma_wait3A_267 = tpu.memref_slice %arg4[%dma_wait3A_264, %dma_wait3A_265, %dma_wait3A_266] : memref<2x92x128xi32, #tpu.memory_space<hbm>> -> memref<1x1x128xi32, #tpu.memory_space<hbm>>
        %dma_wait3A_268 = tpu.memref_squeeze %dma_wait3A_267 : memref<1x1x128xi32, #tpu.memory_space<hbm>> -> memref<128xi32, #tpu.memory_space<hbm>>
        %dma_wait3A_269 = arith.constant 0 : i32
        %dma_wait3A_270 = tpu.memref_slice %arg4[%dma_wait3A_264, %dma_wait3A_265, %dma_wait3A_269] : memref<2x92x128xi32, #tpu.memory_space<hbm>> -> memref<1x1x128xi32, #tpu.memory_space<hbm>>
        %dma_wait3A_271 = tpu.memref_squeeze %dma_wait3A_270 : memref<1x1x128xi32, #tpu.memory_space<hbm>> -> memref<128xi32, #tpu.memory_space<hbm>>
        tpu.wait_dma2 semaphore(%arg20 : memref<!tpu.dma_semaphore, #tpu.memory_space<semaphore_mem>>) src(%dma_wait3A_271 : memref<128xi32, #tpu.memory_space<hbm>>) dst(%arg12 : memref<128xi32, #tpu.memory_space<vmem>>)
        %dma_start3A_272 = arith.constant 0 : i32
        %dma_start3A_273 = arith.constant 0 : i32
        %dma_start3A_274 = tpu.memref_slice %arg2[%dma_start3A_272, %dma_start3A_273] : memref<10000x128xf32, #tpu.memory_space<hbm>> -> memref<10000x128xf32, #tpu.memory_space<hbm>>
        tpu.enqueue_indirect_dma source(%dma_start3A_274 : memref<10000x128xf32, #tpu.memory_space<hbm>>) target(%arg9 : memref<128x128xf32, #tpu.memory_space<vmem>>) offsets(%arg12 : memref<128xi32, #tpu.memory_space<vmem>>) semaphore(%arg17 : memref<!tpu.dma_semaphore, #tpu.memory_space<semaphore_mem>>)
      } else {
      }
    }
    %barrier3A_143 = arith.constant 0 : index
    tpu.barrier barrier_id(%barrier3A_143)
    %mul3A_144 = arith.constant 632 : i32
    %mul3A_145 = arith.muli %arg1, %mul3A_144 : i32
    %mul3A_146 = arith.constant 632 : i32
    %mul3A_147 = arith.muli %arg1, %mul3A_146 : i32
    "tpu.region"() ({
      %run_scoped3A = tpu.sem_alloc : memref<!tpu.dma_semaphore, #tpu.memory_space<semaphore_mem>>
      %dma_start3A_148 = arith.constant 0 : i32
      %dma_start3A_149 = tpu.memref_slice %arg6[%arg0, %mul3A_147, %dma_start3A_148] : memref<2x10112x128xf32, #tpu.memory_space<hbm>> -> memref<1x632x128xf32, #tpu.memory_space<hbm>>
      %dma_start3A_150 = tpu.memref_squeeze %dma_start3A_149 : memref<1x632x128xf32, #tpu.memory_space<hbm>> -> memref<632x128xf32, #tpu.memory_space<hbm>>
      %dma_start3A_151 = arith.constant 0 : i32
      %dma_start3A_152 = tpu.memref_slice %arg14[%mul3A_145, %dma_start3A_151] : memref<10112x128xf32, #tpu.memory_space<vmem_shared>> -> memref<632x128xf32, #tpu.memory_space<vmem_shared>>
      tpu.enqueue_dma source(%dma_start3A_152 : memref<632x128xf32, #tpu.memory_space<vmem_shared>>) target(%dma_start3A_150 : memref<632x128xf32, #tpu.memory_space<hbm>>) target_semaphore(%run_scoped3A : memref<!tpu.dma_semaphore, #tpu.memory_space<semaphore_mem>>)
      %dma_wait3A_153 = arith.constant 0 : i32
      %dma_wait3A_154 = tpu.memref_slice %arg6[%arg0, %mul3A_147, %dma_wait3A_153] : memref<2x10112x128xf32, #tpu.memory_space<hbm>> -> memref<1x632x128xf32, #tpu.memory_space<hbm>>
      %dma_wait3A_155 = tpu.memref_squeeze %dma_wait3A_154 : memref<1x632x128xf32, #tpu.memory_space<hbm>> -> memref<632x128xf32, #tpu.memory_space<hbm>>
      %dma_wait3A_156 = arith.constant 0 : i32
      %dma_wait3A_157 = tpu.memref_slice %arg14[%mul3A_145, %dma_wait3A_156] : memref<10112x128xf32, #tpu.memory_space<vmem_shared>> -> memref<632x128xf32, #tpu.memory_space<vmem_shared>>
      tpu.wait_dma2 semaphore(%run_scoped3A : memref<!tpu.dma_semaphore, #tpu.memory_space<semaphore_mem>>) src(%dma_wait3A_157 : memref<632x128xf32, #tpu.memory_space<vmem_shared>>) dst(%dma_wait3A_155 : memref<632x128xf32, #tpu.memory_space<hbm>>)
      tpu.yield
    }) : () -> ()
    return
  }
}

module attributes {stable_mosaic.version = 14 : i64} {
  func.func @_layer_body(%arg0: i32, %arg1: memref<2x2000x128xf32, #tpu.memory_space<vmem>>, %arg2: memref<128x128xf32, #tpu.memory_space<vmem>>, %arg3: memref<1x128xf32, #tpu.memory_space<vmem>>, %arg4: memref<2000x128xf32, #tpu.memory_space<vmem>>) attributes {dimension_semantics = [#tpu.dimension_semantics<arbitrary>], iteration_bounds = array<i64: 5>, scalar_prefetch = 0 : i64, scratch_operands = 0 : i64, tpu.core_type = #tpu.core_type<tc>, window_params = [{transform_indices = @transform_0, window_bounds = array<i64: 2, 2000, 128>}, {pipeline_mode = #tpu.pipeline_mode<synchronous>, transform_indices = @transform_1, window_bounds = array<i64: 128, 128>}, {pipeline_mode = #tpu.pipeline_mode<synchronous>, transform_indices = @transform_2, window_bounds = array<i64: 1, 128>}, {transform_indices = @transform_3, window_bounds = array<i64: 2000, 128>}]} {
    %get3A = arith.constant 0 : index
    %get3A_0 = arith.constant 0 : index
    %get3A_1 = arith.constant 0 : index
    %get3A_2 = vector.load %arg1[%get3A, %get3A_0, %get3A_1] : memref<2x2000x128xf32, #tpu.memory_space<vmem>>, vector<1x2000x128xf32>
    %get3A_3 = vector.shape_cast %get3A_2 : vector<1x2000x128xf32> to vector<2000x128xf32>
    %get3A_4 = arith.constant 1 : index
    %get3A_5 = arith.constant 0 : index
    %get3A_6 = arith.constant 0 : index
    %get3A_7 = vector.load %arg1[%get3A_4, %get3A_5, %get3A_6] : memref<2x2000x128xf32, #tpu.memory_space<vmem>>, vector<1x2000x128xf32>
    %get3A_8 = vector.shape_cast %get3A_7 : vector<1x2000x128xf32> to vector<2000x128xf32>
    %add3A = arith.addf %get3A_3, %get3A_8 : vector<2000x128xf32>
    %get3A_9 = arith.constant 0 : index
    %get3A_10 = arith.constant 0 : index
    %get3A_11 = vector.load %arg2[%get3A_9, %get3A_10] : memref<128x128xf32, #tpu.memory_space<vmem>>, vector<128x128xf32>
    %dot_general3A = arith.constant dense<0.000000e+00> : vector<2000x128xf32>
    %dot_general3A_12 = tpu.matmul %add3A, %get3A_11, %dot_general3A {dimension_numbers = #tpu.dot_dimension_numbers<[1], [0], [0], [1], [0, 0, 1, 1], [], []>, transpose_lhs_hint = false} : vector<2000x128xf32>, vector<128x128xf32>, vector<2000x128xf32> -> vector<2000x128xf32>
    %get3A_13 = arith.constant 0 : index
    %get3A_14 = arith.constant 0 : index
    %get3A_15 = vector.load %arg3[%get3A_13, %get3A_14] : memref<1x128xf32, #tpu.memory_space<vmem>>, vector<1x128xf32>
    %add3A_16 = vector.broadcast %get3A_15 : vector<1x128xf32> to vector<2000x128xf32>
    %add3A_17 = arith.addf %dot_general3A_12, %add3A_16 : vector<2000x128xf32>
    %tanh3A = math.tanh %add3A_17 : vector<2000x128xf32>
    %swap3A = arith.constant 0 : index
    %swap3A_18 = arith.constant 0 : index
    %swap3A_19 = vector.load %arg4[%swap3A, %swap3A_18] : memref<2000x128xf32, #tpu.memory_space<vmem>>, vector<2000x128xf32>
    tpu.vector_store %arg4[%swap3A, %swap3A_18], %tanh3A {strides = array<i32>} : memref<2000x128xf32, #tpu.memory_space<vmem>>, vector<2000x128xf32>,
    return
  }
  func.func @transform_0(%arg0: i32) -> (i32, i32, i32) {
    %c0_i32 = arith.constant 0 : i32
    %c0_i32_0 = arith.constant 0 : i32
    %c0_i32_1 = arith.constant 0 : i32
    return %c0_i32, %arg0, %c0_i32_0 : i32, i32, i32
  }
  func.func @transform_1(%arg0: i32) -> (i32, i32) {
    %c0_i32 = arith.constant 0 : i32
    %c0_i32_0 = arith.constant 0 : i32
    %c0_i32_1 = arith.constant 0 : i32
    return %c0_i32, %c0_i32_0 : i32, i32
  }
  func.func @transform_2(%arg0: i32) -> (i32, i32) {
    %c0_i32 = arith.constant 0 : i32
    %c0_i32_0 = arith.constant 0 : i32
    %c0_i32_1 = arith.constant 0 : i32
    return %c0_i32, %c0_i32_0 : i32, i32
  }
  func.func @transform_3(%arg0: i32) -> (i32, i32) {
    %c0_i32 = arith.constant 0 : i32
    %c0_i32_0 = arith.constant 0 : i32
    return %arg0, %c0_i32 : i32, i32
  }
}

module attributes {stable_mosaic.version = 14 : i64} {
  func.func @_final_body(%arg0: i32, %arg1: memref<2x2000x128xf32, #tpu.memory_space<vmem>>, %arg2: memref<128x128xf32, #tpu.memory_space<vmem>>, %arg3: memref<1x128xf32, #tpu.memory_space<vmem>>, %arg4: memref<128x128xf32, #tpu.memory_space<vmem>>, %arg5: memref<1x128xf32, #tpu.memory_space<vmem>>, %arg6: memref<1x128xf32, #tpu.memory_space<vmem>>, %arg7: memref<1x128xf32, #tpu.memory_space<vmem>>) attributes {dimension_semantics = [#tpu.dimension_semantics<arbitrary>], iteration_bounds = array<i64: 5>, scalar_prefetch = 0 : i64, scratch_operands = 1 : i64, tpu.core_type = #tpu.core_type<tc>, window_params = [{transform_indices = @transform_0, window_bounds = array<i64: 2, 2000, 128>}, {pipeline_mode = #tpu.pipeline_mode<synchronous>, transform_indices = @transform_1, window_bounds = array<i64: 128, 128>}, {pipeline_mode = #tpu.pipeline_mode<synchronous>, transform_indices = @transform_2, window_bounds = array<i64: 1, 128>}, {pipeline_mode = #tpu.pipeline_mode<synchronous>, transform_indices = @transform_3, window_bounds = array<i64: 128, 128>}, {pipeline_mode = #tpu.pipeline_mode<synchronous>, transform_indices = @transform_4, window_bounds = array<i64: 1, 128>}, {pipeline_mode = #tpu.pipeline_mode<synchronous>, transform_indices = @transform_5, window_bounds = array<i64: 1, 128>}]} {
    %eq3A = arith.constant 0 : i32
    %eq3A_0 = arith.cmpi eq, %arg0, %eq3A : i32
    %convert_element_type3A = arith.extui %eq3A_0 : i1 to i32
    %cond3A = arith.constant 0 : i32
    %cond3A_1 = arith.cmpi ne, %convert_element_type3A, %cond3A : i32
    scf.if %cond3A_1 {
      %broadcast_in_dim3A_45 = arith.constant 0.000000e+00 : f32
      %broadcast_in_dim3A_46 = vector.broadcast %broadcast_in_dim3A_45 : f32 to vector<1x128xf32>
      %swap3A_47 = arith.constant 0 : index
      %swap3A_48 = arith.constant 0 : index
      %swap3A_49 = vector.load %arg7[%swap3A_47, %swap3A_48] : memref<1x128xf32, #tpu.memory_space<vmem>>, vector<1x128xf32>
      tpu.vector_store %arg7[%swap3A_47, %swap3A_48], %broadcast_in_dim3A_46 {strides = array<i32>} : memref<1x128xf32, #tpu.memory_space<vmem>>, vector<1x128xf32>,
    } else {
    }
    %get3A = arith.constant 0 : index
    %get3A_2 = arith.constant 0 : index
    %get3A_3 = arith.constant 0 : index
    %get3A_4 = vector.load %arg1[%get3A, %get3A_2, %get3A_3] : memref<2x2000x128xf32, #tpu.memory_space<vmem>>, vector<1x2000x128xf32>
    %get3A_5 = vector.shape_cast %get3A_4 : vector<1x2000x128xf32> to vector<2000x128xf32>
    %get3A_6 = arith.constant 1 : index
    %get3A_7 = arith.constant 0 : index
    %get3A_8 = arith.constant 0 : index
    %get3A_9 = vector.load %arg1[%get3A_6, %get3A_7, %get3A_8] : memref<2x2000x128xf32, #tpu.memory_space<vmem>>, vector<1x2000x128xf32>
    %get3A_10 = vector.shape_cast %get3A_9 : vector<1x2000x128xf32> to vector<2000x128xf32>
    %add3A = arith.addf %get3A_5, %get3A_10 : vector<2000x128xf32>
    %get3A_11 = arith.constant 0 : index
    %get3A_12 = arith.constant 0 : index
    %get3A_13 = vector.load %arg2[%get3A_11, %get3A_12] : memref<128x128xf32, #tpu.memory_space<vmem>>, vector<128x128xf32>
    %dot_general3A = arith.constant dense<0.000000e+00> : vector<2000x128xf32>
    %dot_general3A_14 = tpu.matmul %add3A, %get3A_13, %dot_general3A {dimension_numbers = #tpu.dot_dimension_numbers<[1], [0], [0], [1], [0, 0, 1, 1], [], []>, transpose_lhs_hint = false} : vector<2000x128xf32>, vector<128x128xf32>, vector<2000x128xf32> -> vector<2000x128xf32>
    %get3A_15 = arith.constant 0 : index
    %get3A_16 = arith.constant 0 : index
    %get3A_17 = vector.load %arg3[%get3A_15, %get3A_16] : memref<1x128xf32, #tpu.memory_space<vmem>>, vector<1x128xf32>
    %add3A_18 = vector.broadcast %get3A_17 : vector<1x128xf32> to vector<2000x128xf32>
    %add3A_19 = arith.addf %dot_general3A_14, %add3A_18 : vector<2000x128xf32>
    %tanh3A = math.tanh %add3A_19 : vector<2000x128xf32>
    %get3A_20 = arith.constant 0 : index
    %get3A_21 = arith.constant 0 : index
    %get3A_22 = vector.load %arg7[%get3A_20, %get3A_21] : memref<1x128xf32, #tpu.memory_space<vmem>>, vector<1x128xf32>
    %reduce_sum3A = arith.constant dense<0.000000e+00> : vector<128xf32>
    %reduce_sum3A_23 = vector.multi_reduction <add>, %tanh3A, %reduce_sum3A [0] : vector<2000x128xf32> to vector<128xf32>
    %broadcast_in_dim3A = vector.shape_cast %reduce_sum3A_23 : vector<128xf32> to vector<1x128xf32>
    %add3A_24 = arith.addf %get3A_22, %broadcast_in_dim3A : vector<1x128xf32>
    %swap3A = arith.constant 0 : index
    %swap3A_25 = arith.constant 0 : index
    %swap3A_26 = vector.load %arg7[%swap3A, %swap3A_25] : memref<1x128xf32, #tpu.memory_space<vmem>>, vector<1x128xf32>
    tpu.vector_store %arg7[%swap3A, %swap3A_25], %add3A_24 {strides = array<i32>} : memref<1x128xf32, #tpu.memory_space<vmem>>, vector<1x128xf32>,
    %get3A_27 = arith.constant 0 : index
    %get3A_28 = arith.constant 0 : index
    %get3A_29 = vector.load %arg7[%get3A_27, %get3A_28] : memref<1x128xf32, #tpu.memory_space<vmem>>, vector<1x128xf32>
    %mul3A = arith.constant 9.99999974E-5 : f32
    %mul3A_30 = vector.broadcast %mul3A : f32 to vector<1x128xf32>
    %mul3A_31 = arith.mulf %get3A_29, %mul3A_30 : vector<1x128xf32>
    %get3A_32 = arith.constant 0 : index
    %get3A_33 = arith.constant 0 : index
    %get3A_34 = vector.load %arg4[%get3A_32, %get3A_33] : memref<128x128xf32, #tpu.memory_space<vmem>>, vector<128x128xf32>
    %dot_general3A_35 = arith.constant dense<0.000000e+00> : vector<1x128xf32>
    %dot_general3A_36 = tpu.matmul %mul3A_31, %get3A_34, %dot_general3A_35 {dimension_numbers = #tpu.dot_dimension_numbers<[1], [0], [0], [1], [0, 0, 1, 1], [], []>, transpose_lhs_hint = false} : vector<1x128xf32>, vector<128x128xf32>, vector<1x128xf32> -> vector<1x128xf32>
    %get3A_37 = arith.constant 0 : index
    %get3A_38 = arith.constant 0 : index
    %get3A_39 = vector.load %arg5[%get3A_37, %get3A_38] : memref<1x128xf32, #tpu.memory_space<vmem>>, vector<1x128xf32>
    %add3A_40 = arith.addf %dot_general3A_36, %get3A_39 : vector<1x128xf32>
    %tanh3A_41 = math.tanh %add3A_40 : vector<1x128xf32>
    %swap3A_42 = arith.constant 0 : index
    %swap3A_43 = arith.constant 0 : index
    %swap3A_44 = vector.load %arg6[%swap3A_42, %swap3A_43] : memref<1x128xf32, #tpu.memory_space<vmem>>, vector<1x128xf32>
    tpu.vector_store %arg6[%swap3A_42, %swap3A_43], %tanh3A_41 {strides = array<i32>} : memref<1x128xf32, #tpu.memory_space<vmem>>, vector<1x128xf32>,
    return
  }
  func.func @transform_0(%arg0: i32) -> (i32, i32, i32) {
    %c0_i32 = arith.constant 0 : i32
    %c0_i32_0 = arith.constant 0 : i32
    %c0_i32_1 = arith.constant 0 : i32
    return %c0_i32, %arg0, %c0_i32_0 : i32, i32, i32
  }
  func.func @transform_1(%arg0: i32) -> (i32, i32) {
    %c0_i32 = arith.constant 0 : i32
    %c0_i32_0 = arith.constant 0 : i32
    %c0_i32_1 = arith.constant 0 : i32
    return %c0_i32, %c0_i32_0 : i32, i32
  }
  func.func @transform_2(%arg0: i32) -> (i32, i32) {
    %c0_i32 = arith.constant 0 : i32
    %c0_i32_0 = arith.constant 0 : i32
    %c0_i32_1 = arith.constant 0 : i32
    return %c0_i32, %c0_i32_0 : i32, i32
  }
  func.func @transform_3(%arg0: i32) -> (i32, i32) {
    %c0_i32 = arith.constant 0 : i32
    %c0_i32_0 = arith.constant 0 : i32
    %c0_i32_1 = arith.constant 0 : i32
    return %c0_i32, %c0_i32_0 : i32, i32
  }
  func.func @transform_4(%arg0: i32) -> (i32, i32) {
    %c0_i32 = arith.constant 0 : i32
    %c0_i32_0 = arith.constant 0 : i32
    %c0_i32_1 = arith.constant 0 : i32
    return %c0_i32, %c0_i32_0 : i32, i32
  }
  func.func @transform_5(%arg0: i32) -> (i32, i32) {
    %c0_i32 = arith.constant 0 : i32
    %c0_i32_0 = arith.constant 0 : i32
    %c0_i32_1 = arith.constant 0 : i32
    return %c0_i32, %c0_i32_0 : i32, i32
  }
}

</mosaic_0001>

<sc_bundles>
// kernel: kernel.11.cloned.1.call-start
scs
__scs_entry_jumppad:
0x0: {  	(pc) =	sbr.rel $0x88, $3  }
0x1: {  	(tag) =	ssettag $0x0;
	lr =	simm.s32 $0x1  }
0x2: {  	[smem:$0x3F97] =	sst lr;
	_ =	strace $0xD0000000  }
0x3: {  	_ = 	snop  }
0x4: {  	_ = 	snop  }
0x5: {  	_ = 	snop  }
0x6: {  	_ = 	snop  }
0x7: {  	_ = 	snop  }
__scs_overlays_trampoline_lowered:
0x8: {  	[smem:$0x3FA6] =	sst s0  }
0x9: {  	[smem:$0x3FA7] =	sst s1  }
0xa: {  	[smem:$0x3FA8] =	sst s2  }
0xb: {  	[smem:$0x3FA9] =	sst s3  }
0xc: {  	[smem:$0x3FAA] =	sst s4  }
0xd: {  	[smem:$0x3FAB] =	sst s5  }
0xe: {  	[smem:$0x3FAC] =	sst s6  }
0xf: {  	[smem:$0x3FAD] =	sst s7  }
0x10: {  	[smem:$0x3FAE] =	sst s8  }
0x11: {  	[smem:$0x3FAF] =	sst s9;
	s0 =	simm.s32 @!p0 $0x0  }
0x12: {  	s1 =	sld [smem:$0x3F95];
	s0 =	simm.s32 @p0 $0x1  }
0x13: {  	[smem:$0x3FB0] =	sst s0;
	s0 =	simm.s32 @!p1 $0x0  }
0x14: {  	s2 =	sld [smem:$0x3F94];
	s0 =	simm.s32 @p1 $0x1  }
0x15: {  	[smem:$0x3FB1] =	sst s0;
	s0 =	simm.s32 @!p2 $0x0  }
0x16: {  	s3 =	sld [smem:$0x3FDB];
	s0 =	simm.s32 @p2 $0x1  }
0x17: {  	s4 =	simm.s32 $0x1BF5;
	[smem:$0x3FB3] =	sst s0  }
0x18: {  	s0 =	sld [smem:$0x3F96];
	_ =	swait.ge [sflag:s4], $0x0  }
0x19: {  	s7 =	sld [smem:$0x3F97]  }
0x1a: {  	s8 =	sadd.s32 $0xFFFFE003, lr  }
0x1b: {  	s9 =	sadd.s32 $0xFFFFFEF7, lr;
	s5 =	simm.s32 $0xFFFFFFFF;
	p2 =	slt.u32 s8, $0xFFFFF086  }
0x1c: {  	p1 =	slt.u32 s9, $0xF7A;
	s5 =	simm.s32 @!p2 $0x0  }
0x1d: {  	s5 =	simm.s32 @p1 $0x1;
	p0 =	seq.s32 s7, s2  }
0x1e: {  	s7 =	smul.u32 @!p0 $0xF7A, s2;
	p2 =	seq.s32 @!p0 s5, $0x0  }
0x1f: {  	s9 =	smul.u32 $0xF7A, s1;
	s8 =	simm.s32 @!p0 $0x1BF5;
	p2 =	por !p2, p0  }
0x20: {  	[sflag:s8] =	ssyncset.s32 @!p0 $0xFFFFF086;
	s6 =	sadd.s32 @!p0 s3, s7;
	s7 =	simm.s32 @!p0 $0x108  }
0x21: {  	s3 =	sadd.s32 s3, s9;
	s6 =	sadd.s32 @!p0 $0x88, s6;
	s7 =	simm.s32 @p2 $0x1082  }
0x22: {  	[simem:s7], [sflag:s8] =	dma.local @!p0 [hbm:s6], $0xF7A  }
0x23: {  	s9 =	sor.u32 $0xD0000000, s2;
	s6 =	simm.s32 $0x108;
	_ =	swait.ge @!p0 [sflag:s8], $0x0  }
0x24: {  	s3 =	sadd.s32 $0x88, s3;
	s6 =	simm.s32 @!p1 $0x1082;
	[sflag:s4] =	ssyncset.s32 $0xFFFFF086  }
0x25: {  	[simem:s6], [sflag:s4] =	dma.local [hbm:s3], $0xF7A  }
0x26: {  	[smem:$0x3F97] =	sst s1;
	(tag) =	ssettag s2;
	_ =	strace s9  }
0x27: {  	s1 =	sld [smem:$0x3FA7]  }
0x28: {  	s2 =	sld [smem:$0x3FA8]  }
0x29: {  	s4 =	sld [smem:$0x3FAA]  }
0x2a: {  	p0 =	seq.s32 s5, $0x0;
	s5 =	sld [smem:$0x3FAB]  }
0x2b: {  	s6 =	sld [smem:$0x3FAC]  }
0x2c: {  	s7 =	sld [smem:$0x3FAD]  }
0x2d: {  	s3 =	simm.s32 $0x108;
	s8 =	sld [smem:$0x3FAE]  }
0x2e: {  	s3 =	simm.s32 @!p0 $0x1082;
	s9 =	sld [smem:$0x3FAF]  }
0x2f: {  	lr =	sadd.s32 s0, s3;
	s0 =	sld [smem:$0x3FA6]  }
0x30: {  	s3 =	sld [smem:$0x3FA9]  }
0x31: {  	[smem:$0x3FB2] =	sst s10  }
0x32: {  	s10 =	sld [smem:$0x3FB0];
	_ =	sdelay $0x3  }
0x33: {  	p0 =	seq.s32 s10, $0x1;
	s10 =	sld [smem:$0x3FB2];
	_ =	sdelay $0x3  }
0x34: {  	[smem:$0x3FB2] =	sst s10  }
0x35: {  	s10 =	sld [smem:$0x3FB1];
	_ =	sdelay $0x3  }
0x36: {  	p1 =	seq.s32 s10, $0x1;
	s10 =	sld [smem:$0x3FB2];
	_ =	sdelay $0x3  }
0x37: {  	[smem:$0x3FB2] =	sst s10  }
0x38: {  	s10 =	sld [smem:$0x3FB3]  }
0x39: {  	_ = 	snop;
	(pc) =	sbr.ind lr, $3  }
0x3a: {  	_ = 	snop  }
0x3b: {  	_ = 	snop  }
0x3c: {  	p2 =	seq.s32 s10, $0x1;
	s10 =	sld [smem:$0x3FB2]  }
0x3d: {  	_ =	shalt  }
0x3e: {  	_ =	shalt  }
0x3f: {  	_ =	shalt  }
0x40: {  	_ =	shalt  }
0x41: {  	_ =	shalt  }
0x42: {  	_ =	shalt  }
0x43: {  	_ =	shalt  }
0x44: {  	_ =	shalt  }
0x45: {  	_ =	shalt  }
0x46: {  	_ =	shalt  }
0x47: {  	_ =	shalt  }
0x48: {  	_ =	shalt  }
0x49: {  	_ =	shalt  }
0x4a: {  	_ =	shalt  }
0x4b: {  	_ =	shalt  }
0x4c: {  	_ =	shalt  }
0x4d: {  	_ =	shalt  }
0x4e: {  	_ =	shalt  }
0x4f: {  	_ =	shalt  }
0x50: {  	_ =	shalt  }
0x51: {  	_ =	shalt  }
0x52: {  	_ =	shalt  }
0x53: {  	_ =	shalt  }
0x54: {  	_ =	shalt  }
0x55: {  	_ =	shalt  }
0x56: {  	_ =	shalt  }
0x57: {  	_ =	shalt  }
0x58: {  	_ =	shalt  }
0x59: {  	_ =	shalt  }
0x5a: {  	_ =	shalt  }
0x5b: {  	_ =	shalt  }
0x5c: {  	_ =	shalt  }
0x5d: {  	_ =	shalt  }
0x5e: {  	_ =	shalt  }
0x5f: {  	_ =	shalt  }
0x60: {  	_ =	shalt  }
0x61: {  	_ =	shalt  }
0x62: {  	_ =	shalt  }
0x63: {  	_ =	shalt  }
0x64: {  	_ =	shalt  }
0x65: {  	_ =	shalt  }
0x66: {  	_ =	shalt  }
0x67: {  	_ =	shalt  }
0x68: {  	_ =	shalt  }
0x69: {  	_ =	shalt  }
0x6a: {  	_ =	shalt  }
0x6b: {  	_ =	shalt  }
0x6c: {  	_ =	shalt  }
0x6d: {  	_ =	shalt  }
0x6e: {  	_ =	shalt  }
0x6f: {  	_ =	shalt  }
0x70: {  	_ =	shalt  }
0x71: {  	_ =	shalt  }
0x72: {  	_ =	shalt  }
0x73: {  	_ =	shalt  }
0x74: {  	_ =	shalt  }
0x75: {  	_ =	shalt  }
0x76: {  	_ =	shalt  }
0x77: {  	_ =	shalt  }
0x78: {  	_ =	shalt  }
0x79: {  	_ =	shalt  }
0x7a: {  	_ =	shalt  }
0x7b: {  	_ =	shalt  }
0x7c: {  	_ =	shalt  }
0x7d: {  	_ =	shalt  }
0x7e: {  	_ =	shalt  }
0x7f: {  	_ =	shalt  }
0x80: {  	_ =	shalt  }
0x81: {  	_ =	shalt  }
0x82: {  	_ =	shalt  }
0x83: {  	_ =	shalt  }
0x84: {  	_ =	shalt  }
0x85: {  	_ =	shalt  }
0x86: {  	_ =	shalt  }
0x87: {  	_ =	shalt  }
.Lfunc_end0:
.L_simem_size_0:
called_computation.1_lowered:
.L_overlay_start_0:
0x88: {  	s2 =	sld [smem:$0x3FD9]  }
0x89: {  	s3 =	sld [smem:$0x3FFE];
	_ =	sdelay $0x1  }
0x8a: {  	s1 =	srdreg.scid  }
0x8b: {  	s0 =	sand.u32 $0x1, s1  }
0x8c: {  	s17 =	sshll.u32 s0, $0xA;
	s2 =	sadd.s32 s3, s2  }
0x8d: {  	s2 =	sadd.s32 s2, s17  }
0x8e: {  	[smem:$0x3FBE] =	sst s2  }
0x8f: {  	_ = 	snop  }
0x90: {  	s2 =	sld [smem:$0x3FC8];
	(tm) =	ssettm $0x1  }
0x91: {  	s18 =	sld [smem:$0x3FFB];
	_ =	sdelay $0x3  }
0x92: {  	_ =	strace s18  }
0x93: {  	s3 =	sld [smem:$0x3FFC];
	_ =	sdelay $0x3  }
0x94: {  	_ =	strace s3  }
0x95: {  	s3 =	sld [smem:$0x3FFD];
	_ =	sdelay $0x3  }
0x96: {  	_ =	strace s3  }
0x97: {  	_ =	strace $0x8FFFFFFF  }
0x98: {  	s19 =	sld [smem:$0x3FDB];
	_ =	sdelay $0x1  }
0x99: {  	s4 =	simm.s32 $_scs_section_size  }
0x9a: {  	s5 =	simm.s32 $_size__tile_overlayer_lowered;
	s6 =	simm.s32 $_tile_overlayer_lowered  }
0x9b: {  	s22 =	simm.s32 $0x1BFF;
	s21 =	sshll.u32 s6, $0x1;
	s3 =	sadd.s32 s4, s19  }
0x9c: {  	s7 =	simm.s32 $0x0;
	s20 =	sshll.u32 s5, $0x1;
	s5 =	sadd.s32 s21, s3  }
0x9d: {  	[timem:s7], [sflag:s22] =	dma.local [hbm:s5], s20  }
0x9e: {  	_ =	swait.ge [sflag:s22], s20  }
0x9f: {  	s4 =	ssub.s32 $0x0, s20;
	[sflag:s22] =	ssyncset.done $0x0  }
0xa0: {  	[sflag:s22] =	ssyncadd.s32 s4;
	_ =	sdelay $0x1  }
0xa1: {  	s23 =	simm.s32 $0x1B8B  }
0xa2: {  	_ =	swait.ge [sflag:s23], $0x1  }
0xa3: {  	[sflag:s23] =	ssyncset.done $0x0  }
0xa4: {  	s25 =	simm.s32 $0x1B8E;
	s24 =	sld [smem:$0x3FFE];
	[sflag:s23] =	ssyncadd.s32 $0xFFFFFFFF  }
0xa5: {  	s26 =	simm.s32 $execute0_lowered;
	[smem:$0x3FD2] =	sst s25  }
0xa6: {  	s5 =	sshll.u32 s26, $0x1;
	_ =	strace $0x80000049;
	[dreg:$0x1] =	wrdreg $0xFFFFFFFF  }
0xa7: {  	s28 =	simm.s32 $_size_execute0_lowered;
	s3 =	sadd.s32 s3, s5;
	[dreg:$0x0] =	wrdreg $0x0  }
0xa8: {  	s5 =	sshll.u32 s28, $0x1;
	[dreg:$0x2] =	wrdreg s3  }
0xa9: {  	[dreg:$0x3] =	wrdreg s5  }
0xaa: {  	[dreg:$0x4] =	wrdreg $0xC0  }
0xab: {  	_ =	task [dreg:s7], $0x5FFFF  }
0xac: {  	[dreg:$0x1] =	wrdreg $0xFFFFFFFF  }
0xad: {  	[dreg:$0x0] =	wrdreg $0x60  }
0xae: {  	[dreg:$0x2] =	wrdreg s24  }
0xaf: {  	[dreg:$0x3] =	wrdreg s2  }
0xb0: {  	[dreg:$0x4] =	wrdreg $0xC3800  }
0xb1: {  	[dreg:$0x5] =	wrdreg $0x9  }
0xb2: {  	_ =	task.clear_ibuf [dreg:s7], $0x6FFFF;
	_ =	strace $0x90000049  }
0xb3: {  	s29 =	simm.s32 $0x9;
	_ =	strace $0x8000004B  }
0xb4: {  	_ =	swait.ge [sflag:s29], $0x1  }
0xb5: {  	[sflag:s29] =	ssyncadd.s32 $0xFFFFFFFF  }
0xb6: {  	_ =	strace $0x9000004B  }
0xb7: {  	_ =	sfence  }
0xb8: {  	s30 =	sld [smem:$0x0];
	_ =	sdelay $0x2  }
0xb9: {  	s31 =	sshll.u32 s1, $0xD;
	s1 =	sshrl.u32 s1, $0x2  }
0xba: {  	s3 =	sand.u32 $0x4000, s31;
	s1 =	sadd.s32 s1, s30  }
0xbb: {  	s0 =	sor.u32 s3, s0;
	s1 =	sshll.u32 s1, $0x11  }
0xbc: {  	s0 =	sor.u32 s1, s0  }
0xbd: {  	s0 =	sadd.s32 $0x8F2B, s0  }
0xbe: {  	[sflag:s0] =	ssyncadd.remote.s32 $0x1  }
0xbf: {  	_ =	sfence.sel $0xFFFF  }
0xc0: {  	[dreg:$0x0] =	wrdreg $0xFFFFFFFF;
	(pc) =	sbr.abs _section_cstart, $3  }
0xc1: {  	[dreg:$0x1] =	wrdreg $0xFFFFFFFF  }
0xc2: {  	_ =	task.clear_ibuf [dreg:s7], $0x2FFFF;
	_ =	strace $0x9FFFFFFF  }
0xc3: {  	(tm) =	ssettm $0x7FFFFFFF  }
tec
execute0_lowered:
.L_overlay_start_1:
0x0: {  	(tag) =	ssettag $0x1  }
0x1: {  	s0 =	rddreg [dreg:$0x0]  }
0x2: {  	s2 =	rddreg [dreg:$0x1]  }
0x3: {  	s1 =	rddreg [dreg:$0x2];
	s3 =	srdreg.scid  }
0x4: {  	s17 =	stileid.u32;
	s28 =	simm.s32 $0xC080;
	s30 =	simm.s32 $0xC100  }
0x5: {  	s31 =	simm.s32 $0x4;
	s7 =	sand.u32 $0x1, s3;
	s8 =	smul.u32 $0x13C00, s17  }
0x6: {  	s3 =	simm.s32 $0x0;
	s4 =	sadd.s32 $0x5C00, s0;
	s9 =	smul.u32 $0x54, s17  }
0x7: {  	s5 =	sadd.s32 $0x2800, s0;
	s25 =	sadd.s32 $0x3400, s0;
	s10 =	smul.u32 $0x4E, s17  }
0x8: {  	s19 =	sadd.s32 $0x10, s2;
	s6 =	smul.u32 $0x13C000, s7;
	[smem:$0x7FF] =	sst s3  }
0x9: {  	s11 =	ssub.s32 $0x2, s7;
	p0 =	seq.s32 s7, $0x0;
	_ =	strace $0x8000004A  }
0xa: {  	[dreg:$0x8] =	wrdreg s25;
	s7 =	sadd.s32 $0x4E0, s9;
	s26 =	sshrl.u32 s11, $0x1  }
0xb: {  	s9 =	simm.s32 $0x4E;
	s8 =	sadd.s32 s8, s6;
	s7 =	smov.u32 @p0 s10  }
0xc: {  	s9 =	simm.s32 @!p0 $0x54;
	s8 =	sshrl.u32 s8, $0x3;
	s10 =	sshll.u32 s7, $0x7  }
0xd: {  	s13 =	sshll.u32 s7, $0x4;
	s18 =	sshll.u32 s7, $0x5;
	s25 =	sadd.s32 $0xFFFFFFFD, s9  }
0xe: {  	p0 =	slt.u32 s7, $0x9C4;
	p1 =	slt.u32 s7, $0x9C2;
	s0 =	sadd.s32 s8, s0  }
0xf: {  	s8 =	ssub.s32 s11, s26;
	s6 =	sadd.s32 $0xFFFB1E00, s10;
	s12 =	sadd.s32 $0xFFFB1E80, s10  }
0x10: {  	s14 =	sadd.s32 $0xFFF63C0, s13;
	s16 =	sadd.s32 $0xFFF63D0, s13;
	s20 =	sadd.s32 s18, s19  }
0x11: {  	s23 =	sadd.s32 $0xFFFB1F00, s10;
	s13 =	sadd.s32 $0x40, s18;
	s26 =	smul.u32 $0x4F000, s17  }
0x12: {  	[dreg:$0x4] =	wrdreg s25;
	s17 =	sadd.s32 $0xFFFFFFFC, s9;
	s29 =	sadd.s32 $0xFFFB1F80, s10  }
0x13: {  	s11 =	sand.u32 $0x7FFFFF00, s6;
	s12 =	sand.u32 $0x7FFFFF80, s12;
	[dreg:$0xc] =	wrdreg s20  }
0x14: {  	s14 =	sand.u32 $0xFFFFFE0, s14;
	s24 =	sadd.s32 s13, s19;
	[dreg:$0x5] =	wrdreg s17  }
0x15: {  	s0 =	sadd.s32 $0x2CE00, s0;
	s11 =	sadd.s32 $0x3000, s11;
	[dreg:$0xf] =	wrdreg s24  }
0x16: {  	s12 =	sadd.s32 $0x3000, s12;
	s14 =	sadd.s32 s5, s14;
	[dreg:$0x15] =	wrdreg s0  }
0x17: {  	s24 =	sshrl.u32 s26, $0x2;
	s26 =	smax.u32 s8, $0x1;
	[dreg:$0xa] =	wrdreg s14  }
0x18: {  	s11 =	sshrl.u32 s11, $0x3;
	s25 =	sadd.s32 s24, s1;
	[dreg:$0x16] =	wrdreg s26  }
0x19: {  	s12 =	sshrl.u32 s12, $0x3;
	s11 =	sadd.s32 s5, s11;
	[dreg:$0x14] =	wrdreg s25  }
0x1a: {  	s0 =	simm.s32 $0x80;
	s15 =	sadd.s32 s5, s12;
	[dreg:$0x9] =	wrdreg s11  }
0x1b: {  	s14 =	simm.s32 $0x2;
	s12 =	sadd.s32 s2, s18;
	[dreg:$0xb] =	wrdreg s15  }
0x1c: {  	s11 =	sand.u32 $0xFFFFFF0, s16;
	s15 =	sor.u32 $0x20, s18;
	s16 =	sadd.s32 $0xFFFB4F00, s10  }
0x1d: {  	s10 =	simm.s32 $0xC000;
	s21 =	sadd.s32 s15, s19;
	s22 =	sadd.s32 s2, s15  }
0x1e: {  	s2 =	sadd.s32 s2, s13;
	s18 =	sshrl.u32 s16, $0x3;
	[dreg:$0xd] =	wrdreg s21  }
0x1f: {  	s19 =	smul.u32 $0x56, s9;
	s20 =	sadd.s32 s5, s11;
	[dreg:$0xe] =	wrdreg s22  }
0x20: {  	s9 =	sadd.s32 $0xFFFFFFFB, s9;
	s11 =	simm.s32 $0xA;
	[dreg:$0x10] =	wrdreg s2  }
0x21: {  	s13 =	simm.s32 $0x1;
	[dreg:$0x11] =	wrdreg s20;
	s21 =	sadd.s32 s5, s18  }
0x22: {  	s22 =	sshrl.u32 s23, $0x3;
	[dreg:$0x6] =	wrdreg s9;
	s2 =	sshrl.u32 s19, $0x8  }
0x23: {  	[dreg:$0x12] =	wrdreg s21;
	s23 =	sadd.s32 s5, s22;
	s2 =	smul.u32 $0x60, s2  }
0x24: {  	s15 =	simm.s32 $0x3;
	s16 =	simm.s32 $0x0;
	[dreg:$0x13] =	wrdreg s23  }
0x25: {  	s9 =	simm.s32 $0x6;
	[dreg:$0x7] =	wrdreg s2;
	s2 =	simm.s32 $0x5  }
.LBB2_1:
.Ltmp0:
0x26: {  	(pc) =	sbr.rel @!p0 .LBB2_2-.Ltmp0, $1  }
0x27: {  	_ =	sdelay $0x3  }
0x28: {  	s6 =	rddreg [dreg:$0xc];
	s8 =	simm.s32 $0xC180  }
0x29: {  	[tilespmem:s8], [sflag:$0x7] =	stream.linear.gather [hbm4b:s6+s3], $0x80, $0x38;
	[tilespmem:$0x1FF80] =	vst v63  }
0x2a: {  	s24 =	rddreg [dreg:$0xd]  }
0x2b: {  	[tilespmem:s10], [sflag:$0x4] =	stream.linear.gather [hbm4b:s12+s3], $0x80, $0x38;
	[tilespmem:$0x1FF80] =	vst v63  }
.Ltmp1:
0x2c: {  	s26 =	rddreg [dreg:$0xe];
	(pc) =	sbr.rel @p1 .LBB2_5-.Ltmp1, $4  }
.Ltmp2:
0x2d: {  	s25 =	simm.s32 $0xC200;
	s23 =	rddreg [dreg:$0x10];
	(pc) =	sbr.rel @!p1 .LBB2_4-.Ltmp2, $4  }
0x2e: {  	[tilespmem:s25], [sflag:$0x8] =	stream.linear.gather [hbm4b:s24+s3], $0x80, $0x38;
	[tilespmem:$0x1FF80] =	vst v63  }
0x2f: {  	s8 =	rddreg [dreg:$0xf]  }
0x30: {  	[tilespmem:s28], [sflag:$0x5] =	stream.linear.gather [hbm4b:s26+s3], $0x80, $0x38;
	[tilespmem:$0x1FF80] =	vst v63  }
0x31: {  	_ = 	snop  }
.LBB2_2:
0x32: {  	s6 =	rddreg [dreg:$0x9];
	s8 =	simm.s32 $0xC180  }
0x33: {  	[tilespmem:s8], [sflag:$0x7] =	stream.linear.gather [hbm4b:s6+s3], $0x80, $0x38;
	[tilespmem:$0x1FF80] =	vst v63  }
0x34: {  	s23 =	rddreg [dreg:$0xa]  }
0x35: {  	[tilespmem:s10], [sflag:$0x4] =	stream.linear.gather [hbm4b:s23+s3], $0x80, $0x38;
	[tilespmem:$0x1FF80] =	vst v63  }
0x36: {  	s24 =	rddreg [dreg:$0xb];
	s25 =	simm.s32 $0xC200  }
0x37: {  	[tilespmem:s25], [sflag:$0x8] =	stream.linear.gather [hbm4b:s24+s3], $0x80, $0x38;
	[tilespmem:$0x1FF80] =	vst v63  }
0x38: {  	s26 =	rddreg [dreg:$0x11]  }
0x39: {  	[tilespmem:s28], [sflag:$0x5] =	stream.linear.gather [hbm4b:s26+s3], $0x80, $0x38;
	[tilespmem:$0x1FF80] =	vst v63  }
.LBB2_4:
0x3a: {  	s8 =	rddreg [dreg:$0x12]  }
0x3b: {  	s23 =	rddreg [dreg:$0x13]  }
.LBB2_5:
0x3c: {  	s17 =	simm.s32 $0x0;
	s6 =	simm.s32 $0xC280  }
0x3d: {  	[tilespmem:s6], [sflag:$0x9] =	stream.linear.gather [hbm4b:s8+s17], $0x80, $0x38;
	[tilespmem:$0x1FF80] =	vst v63  }
0x3e: {  	_ = 	snop  }
0x3f: {  	[tilespmem:s30], [sflag:$0x6] =	stream.linear.gather [hbm4b:s23+s17], $0x80, $0x38;
	[tilespmem:$0x1FF80] =	vst v63  }
0x40: {  	_ =	swait.ge [sflag:s31], $0x80  }
0x41: {  	[sflag:s31] =	ssyncset.done $0x0  }
0x42: {  	[sflag:s31] =	ssyncadd.s32 $0xFFFFFF80  }
0x43: {  	[tilespmem:s17], [sflag:$0x1] =	stream.indirect.gather [hbm4b:s4+s0], $0x80, s10, s0, $0xb8;
	[tilespmem:$0x1FF80] =	vst v63  }
0x44: {  	_ =	swait.ge [sflag:s2], $0x80  }
0x45: {  	[sflag:s2] =	ssyncset.done $0x0  }
0x46: {  	s19 =	simm.s32 $0x4000;
	s21 =	stileid.u32;
	[sflag:s2] =	ssyncadd.s32 $0xFFFFFF80  }
0x47: {  	[tilespmem:s19], [sflag:$0x2] =	stream.indirect.gather [hbm4b:s4+s0], $0x80, s28, s0, $0xb8;
	[tilespmem:$0x1FF80] =	vst v63  }
0x48: {  	s20 =	simm.s32 $0x8000;
	s22 =	sshll.u32 s21, $0x6;
	_ =	swait.ge [sflag:s9], $0x80  }
0x49: {  	s24 =	sor.u32 $0x1C0A, s22;
	[sflag:s9] =	ssyncset.done $0x0;
	s23 =	rddreg [dreg:$0x14]  }
0x4a: {  	s25 =	rddreg [dreg:$0x8];
	[sflag:s9] =	ssyncadd.s32 $0xFFFFFF80;
	s26 =	sshrl.u32 s23, $0x3  }
0x4b: {  	[tilespmem:s20], [sflag:$0x3] =	stream.indirect.gather [hbm4b:s4+s0], $0x80, s30, s0, $0xb8;
	[tilespmem:$0x1FF80] =	vst v63  }
0x4c: {  	[spmem:s26], [sflag:s24] =	dma.local [hbm:s25], $0x2780  }
0x4d: {  	_ =	swait.ge [sflag:s11], $0x2780  }
0x4e: {  	[sflag:s11] =	ssyncset.done $0x0  }
0x4f: {  	[sflag:s11] =	ssyncadd.s32 $0xFFFFD880  }
0x50: {  	s8 =	simm.s32 $0x0;
	s23 =	smov.u32 s29;
	[bflag:$0x0] =	sbarrier.arrive $0xFFFF  }
.LBB2_6:
0x51: {  	_ =	swait.ge [sflag:s13], $0x4000  }
0x52: {  	s10 =	rddreg [dreg:$0x4]  }
0x53: {  	[sflag:s13] =	ssyncset.done $0x0;
	p2 =	sge.u32 s17, s10  }
0x54: {  	[sflag:s13] =	ssyncadd.s32 $0xFFFFC000;
	s10 =	simm.s32 @p2 $0x7  }
0x55: {  	_ =	swait.ge @p2 [sflag:s10], $0x80  }
0x56: {  	s18 =	simm.s32 @p2 $0xC180;
	[sflag:s10] =	ssyncset.done @p2 $0x0  }
0x57: {  	s19 =	simm.s32 @p2 $0x0;
	[sflag:s10] =	ssyncadd.s32 @p2 $0xFFFFFF80;
	s10 =	simm.s32 @p2 $0x80  }
0x58: {  	[spmem:s1] =	stream.indirect.scatter.add.f32 @p2 [tilespmem:s19], [sflag:$0xA], $0x80, s18, s10, $0xb8;
	[tilespmem:$0x1FF80] =	vst v63  }
0x59: {  	s10 =	simm.s32 @p2 $0xA  }
0x5a: {  	_ =	swait.ge @p2 [sflag:s10], $0x4000  }
0x5b: {  	[sflag:s10] =	ssyncset.done @p2 $0x0  }
0x5c: {  	[sflag:s10] =	ssyncadd.s32 @p2 $0xFFFFC000;
	s10 =	sadd.s32 @!p2 s17, s7  }
0x5d: {  	s18 =	sadd.s32 @!p2 s8, s12;
	p4 =	sgt.u32 @!p2 s10, $0x9C0;
	s10 =	sshrl.u32 @!p2 s23, $0x3  }
0x5e: {  	s18 =	sadd.s32 @!p2 $0x60, s18;
	s10 =	sadd.s32 @!p2 s5, s10;
	p3 =	por !p4, p2  }
0x5f: {  	s19 =	simm.s32 @!p2 $0xC000;
	s10 =	smov.u32 @p3 s18;
	s18 =	simm.s32 @!p2 $0x0  }
0x60: {  	[tilespmem:s19], [sflag:$0x4] =	stream.linear.gather @!p2 [hbm4b:s10+s18], $0x80, $0x38;
	[tilespmem:$0x1FF80] =	vst v63  }
0x61: {  	s10 =	simm.s32 @!p2 $0x7  }
0x62: {  	s6 =	simm.s32 @!p2 $0xC180;
	s21 =	simm.s32 @!p2 $0xA;
	_ =	swait.ge @!p2 [sflag:s10], $0x80  }
0x63: {  	p4 =	por p4, p2;
	s20 =	sand.u32 @!p3 $0xFFFFFF80, s23;
	[sflag:s10] =	ssyncset.done @!p2 $0x0  }
0x64: {  	s20 =	sadd.s32 @!p3 $0x3000, s20;
	[sflag:s10] =	ssyncadd.s32 @!p2 $0xFFFFFF80;
	s10 =	simm.s32 @!p2 $0x80  }
0x65: {  	[spmem:s1] =	stream.indirect.scatter.add.f32 @!p2 [tilespmem:s18], [sflag:$0xA], $0x80, s6, s10, $0xb8;
	[tilespmem:$0x1FF80] =	vst v63  }
0x66: {  	s22 =	sadd.s32 @!p4 s8, s12;
	s20 =	sshrl.u32 @!p3 s20, $0x3;
	_ =	swait.ge @!p2 [sflag:s21], $0x4000  }
0x67: {  	s22 =	sadd.s32 @!p4 $0x70, s22;
	s20 =	sadd.s32 @!p3 s5, s20;
	[sflag:s21] =	ssyncset.done @!p2 $0x0  }
0x68: {  	s20 =	smov.u32 @p3 s22;
	[sflag:s21] =	ssyncadd.s32 @!p2 $0xFFFFC000  }
0x69: {  	[tilespmem:s6], [sflag:$0x7] =	stream.linear.gather @!p2 [hbm4b:s20+s18], $0x80, $0x38;
	[tilespmem:$0x1FF80] =	vst v63  }
0x6a: {  	s6 =	simm.s32 @!p2 $0x4  }
0x6b: {  	_ =	swait.ge @!p2 [sflag:s6], $0x80  }
0x6c: {  	[sflag:s6] =	ssyncset.done @!p2 $0x0  }
0x6d: {  	[sflag:s6] =	ssyncadd.s32 @!p2 $0xFFFFFF80  }
0x6e: {  	[tilespmem:s18], [sflag:$0x1] =	stream.indirect.gather @!p2 [hbm4b:s4+s10], $0x80, s19, s10, $0xb8;
	[tilespmem:$0x1FF80] =	vst v63  }
0x6f: {  	_ =	swait.ge [sflag:s14], $0x4000  }
0x70: {  	s21 =	rddreg [dreg:$0x5]  }
0x71: {  	[sflag:s14] =	ssyncset.done $0x0;
	p2 =	sge.u32 s17, s21  }
0x72: {  	[sflag:s14] =	ssyncadd.s32 $0xFFFFC000;
	s6 =	simm.s32 @p2 $0x8  }
0x73: {  	_ =	swait.ge @p2 [sflag:s6], $0x80  }
0x74: {  	s10 =	simm.s32 @p2 $0xC200;
	[sflag:s6] =	ssyncset.done @p2 $0x0  }
0x75: {  	s18 =	simm.s32 @p2 $0x4000;
	[sflag:s6] =	ssyncadd.s32 @p2 $0xFFFFFF80;
	s6 =	simm.s32 @p2 $0x80  }
0x76: {  	[spmem:s1] =	stream.indirect.scatter.add.f32 @p2 [tilespmem:s18], [sflag:$0xA], $0x80, s10, s6, $0xb8;
	[tilespmem:$0x1FF80] =	vst v63  }
0x77: {  	s6 =	sadd.s32 @!p2 s17, s7  }
0x78: {  	s6 =	sadd.s32 @!p2 $0x1, s6  }
0x79: {  	p4 =	sgt.u32 @!p2 s6, $0x9C0  }
0x7a: {  	s6 =	simm.s32 @p2 $0xA;
	p3 =	por !p4, p2  }
0x7b: {  	_ =	swait.ge @p2 [sflag:s6], $0x4000;
	p4 =	por p4, p2;
	s10 =	sadd.s32 @!p3 $0x80, s23  }
0x7c: {  	[sflag:s6] =	ssyncset.done @p2 $0x0;
	s19 =	sadd.s32 @!p4 s8, s12;
	s18 =	sshrl.u32 @!p3 s10, $0x3  }
0x7d: {  	[sflag:s6] =	ssyncadd.s32 @p2 $0xFFFFC000;
	s6 =	sadd.s32 @!p3 s5, s18;
	s18 =	sadd.s32 @!p4 $0x80, s19  }
0x7e: {  	s20 =	simm.s32 @!p2 $0xC080;
	s6 =	smov.u32 @p3 s18;
	s18 =	simm.s32 @!p2 $0x0  }
0x7f: {  	[tilespmem:s20], [sflag:$0x5] =	stream.linear.gather @!p2 [hbm4b:s6+s18], $0x80, $0x38;
	[tilespmem:$0x1FF80] =	vst v63  }
0x80: {  	s6 =	simm.s32 @!p2 $0x8  }
0x81: {  	s21 =	simm.s32 @!p2 $0xC200;
	s22 =	simm.s32 @!p2 $0x4000;
	_ =	swait.ge @!p2 [sflag:s6], $0x80  }
0x82: {  	s25 =	simm.s32 @!p2 $0xA;
	s10 =	sand.u32 @!p3 $0xFFFFFF80, s10;
	[sflag:s6] =	ssyncset.done @!p2 $0x0  }
0x83: {  	s10 =	sadd.s32 @!p3 $0x3000, s10;
	[sflag:s6] =	ssyncadd.s32 @!p2 $0xFFFFFF80;
	s6 =	simm.s32 @!p2 $0x80  }
0x84: {  	[spmem:s1] =	stream.indirect.scatter.add.f32 @!p2 [tilespmem:s22], [sflag:$0xA], $0x80, s21, s6, $0xb8;
	[tilespmem:$0x1FF80] =	vst v63  }
0x85: {  	s10 =	sshrl.u32 @!p3 s10, $0x3;
	_ =	swait.ge @!p2 [sflag:s25], $0x4000  }
0x86: {  	s19 =	sadd.s32 @!p4 $0x90, s19;
	s10 =	sadd.s32 @!p3 s5, s10;
	[sflag:s25] =	ssyncset.done @!p2 $0x0  }
0x87: {  	s10 =	smov.u32 @p3 s19;
	[sflag:s25] =	ssyncadd.s32 @!p2 $0xFFFFC000  }
0x88: {  	[tilespmem:s21], [sflag:$0x8] =	stream.linear.gather @!p2 [hbm4b:s10+s18], $0x80, $0x38;
	[tilespmem:$0x1FF80] =	vst v63  }
0x89: {  	s10 =	simm.s32 @!p2 $0x5  }
0x8a: {  	_ =	swait.ge @!p2 [sflag:s10], $0x80  }
0x8b: {  	[sflag:s10] =	ssyncset.done @!p2 $0x0  }
0x8c: {  	[sflag:s10] =	ssyncadd.s32 @!p2 $0xFFFFFF80  }
0x8d: {  	[tilespmem:s22], [sflag:$0x2] =	stream.indirect.gather @!p2 [hbm4b:s4+s6], $0x80, s20, s6, $0xb8;
	[tilespmem:$0x1FF80] =	vst v63  }
0x8e: {  	_ =	swait.ge [sflag:s15], $0x4000  }
0x8f: {  	s22 =	rddreg [dreg:$0x6]  }
0x90: {  	[sflag:s15] =	ssyncset.done $0x0;
	p2 =	sge.u32 s17, s22  }
0x91: {  	[sflag:s15] =	ssyncadd.s32 $0xFFFFC000;
	s6 =	simm.s32 @p2 $0x9  }
0x92: {  	_ =	swait.ge @p2 [sflag:s6], $0x80  }
0x93: {  	s10 =	simm.s32 @p2 $0xC280;
	[sflag:s6] =	ssyncset.done @p2 $0x0  }
0x94: {  	s18 =	simm.s32 @p2 $0x8000;
	[sflag:s6] =	ssyncadd.s32 @p2 $0xFFFFFF80;
	s6 =	simm.s32 @p2 $0x80  }
0x95: {  	[spmem:s1] =	stream.indirect.scatter.add.f32 @p2 [tilespmem:s18], [sflag:$0xA], $0x80, s10, s6, $0xb8;
	[tilespmem:$0x1FF80] =	vst v63  }
0x96: {  	s6 =	sadd.s32 @!p2 s17, s7  }
0x97: {  	s6 =	sadd.s32 @!p2 $0x2, s6  }
0x98: {  	p4 =	sgt.u32 @!p2 s6, $0x9C0  }
0x99: {  	s6 =	simm.s32 @p2 $0xA;
	p3 =	por !p4, p2  }
0x9a: {  	_ =	swait.ge @p2 [sflag:s6], $0x4000;
	p4 =	por p4, p2;
	s10 =	sadd.s32 @!p3 $0x100, s23  }
0x9b: {  	[sflag:s6] =	ssyncset.done @p2 $0x0;
	s19 =	sadd.s32 @!p4 s8, s12;
	s18 =	sshrl.u32 @!p3 s10, $0x3  }
0x9c: {  	[sflag:s6] =	ssyncadd.s32 @p2 $0xFFFFC000;
	s6 =	sadd.s32 @!p3 s5, s18;
	s18 =	sadd.s32 @!p4 $0xA0, s19  }
0x9d: {  	s20 =	simm.s32 @!p2 $0xC100;
	s6 =	smov.u32 @p3 s18;
	s18 =	simm.s32 @!p2 $0x0  }
0x9e: {  	[tilespmem:s20], [sflag:$0x6] =	stream.linear.gather @!p2 [hbm4b:s6+s18], $0x80, $0x38;
	[tilespmem:$0x1FF80] =	vst v63  }
0x9f: {  	s6 =	simm.s32 @!p2 $0x9  }
0xa0: {  	s21 =	simm.s32 @!p2 $0xC280;
	s22 =	simm.s32 @!p2 $0x8000;
	_ =	swait.ge @!p2 [sflag:s6], $0x80  }
0xa1: {  	s25 =	simm.s32 @!p2 $0xA;
	s10 =	sand.u32 @!p3 $0xFFFFFF80, s10;
	[sflag:s6] =	ssyncset.done @!p2 $0x0  }
0xa2: {  	s10 =	sadd.s32 @!p3 $0x3000, s10;
	[sflag:s6] =	ssyncadd.s32 @!p2 $0xFFFFFF80;
	s6 =	simm.s32 @!p2 $0x80  }
0xa3: {  	[spmem:s1] =	stream.indirect.scatter.add.f32 @!p2 [tilespmem:s22], [sflag:$0xA], $0x80, s21, s6, $0xb8;
	[tilespmem:$0x1FF80] =	vst v63  }
0xa4: {  	s10 =	sshrl.u32 @!p3 s10, $0x3;
	_ =	swait.ge @!p2 [sflag:s25], $0x4000  }
0xa5: {  	s19 =	sadd.s32 @!p4 $0xB0, s19;
	s10 =	sadd.s32 @!p3 s5, s10;
	[sflag:s25] =	ssyncset.done @!p2 $0x0  }
0xa6: {  	s10 =	smov.u32 @p3 s19;
	[sflag:s25] =	ssyncadd.s32 @!p2 $0xFFFFC000  }
0xa7: {  	[tilespmem:s21], [sflag:$0x9] =	stream.linear.gather @!p2 [hbm4b:s10+s18], $0x80, $0x38;
	[tilespmem:$0x1FF80] =	vst v63  }
0xa8: {  	s10 =	simm.s32 @!p2 $0x6  }
0xa9: {  	_ =	swait.ge @!p2 [sflag:s10], $0x80  }
0xaa: {  	[sflag:s10] =	ssyncset.done @!p2 $0x0  }
0xab: {  	s8 =	sadd.s32 $0x60, s8;
	s25 =	rddreg [dreg:$0x7];
	[sflag:s10] =	ssyncadd.s32 @!p2 $0xFFFFFF80  }
0xac: {  	[tilespmem:s22], [sflag:$0x3] =	stream.indirect.gather @!p2 [hbm4b:s4+s6], $0x80, s20, s6, $0xb8;
	[tilespmem:$0x1FF80] =	vst v63  }
0xad: {  	p2 =	sne.s32 s25, s8  }
.Ltmp3:
0xae: {  	_ = 	snop;
	(pc) =	sbr.rel @p2 .LBB2_6-.Ltmp3, $2  }
0xaf: {  	_ =	sdelay $0x2  }
0xb0: {  	s17 =	sadd.s32 $0x3, s17;
	s23 =	sadd.s32 $0x180, s23  }
0xb1: {  	[bflag:$0x0] =	sbarrier.arrive $0xFFFF  }
0xb2: {  	s6 =	rddreg [dreg:$0x15]  }
0xb3: {  	[hbm:s6], [sflag:s24] =	dma.local [spmem:s26], $0x2780  }
0xb4: {  	_ =	swait.ge [sflag:s11], $0x2780  }
0xb5: {  	s16 =	sadd.s32 $0x1, s16;
	s26 =	rddreg [dreg:$0x16]  }
0xb6: {  	p2 =	sne.s32 s16, s26  }
.Ltmp4:
0xb7: {  	_ = 	snop;
	(pc) =	sbr.rel @p2 .LBB2_1-.Ltmp4, $3  }
0xb8: {  	_ =	sdelay $0x1  }
0xb9: {  	[sflag:s11] =	ssyncset.done $0x0  }
0xba: {  	s10 =	simm.s32 $0xC000;
	[sflag:s11] =	ssyncadd.s32 $0xFFFFD880  }
0xbb: {  	_ =	sfence.sel $0x180000  }
0xbc: {  	[bflag:$0x0] =	sbarrier.arrive $0xFFFF  }
0xbd: {  	_ =	strace $0x9000004A  }
0xbe: {  	s0 =	stileid.u32;
	[bflag:$0x2] =	sbarrier.arrive $0xFFFF  }
0xbf: {  	p0 =	sne.s32 s0, $0x0;
	s0 =	rddreg [dreg:$0x3]  }
0xc0: {  	s0 =	sadd.s32 @!p0 $0x100000, s0  }
0xc1: {  	[sflag:s0] =	ssyncadd.tile.s32 @!p0 $0x1;
	_ =	shalt  }
.Lfunc_end2:
_tile_overlayer_lowered:
.L_overlay_start_2:
0xc2: {  	(tag) =	ssettag $0x2  }
0xc3: {  	s0 =	rddreg [dreg:$0x0];
	s2 =	stileid.u32  }
0xc4: {  	s1 =	rddreg [dreg:$0x1];
	p0 =	sne.s32 s2, $0x0  }
0xc5: {  	s3 =	rddreg [dreg:$0x2];
	[bflag:$0x3] =	sbarrier.arrive $0xFFFF;
	s2 =	simm.s32 @!p0 $0x1C0A  }
0xc6: {  	[timem:s3], [sflag:s2] =	dma.local @!p0 [hbm:s0], s1  }
0xc7: {  	s0 =	simm.s32 @!p0 $0xA  }
0xc8: {  	_ =	swait.ge @!p0 [sflag:s0], s1  }
0xc9: {  	s1 =	ssub.s32 @!p0 $0x0, s1;
	[sflag:s0] =	ssyncset.done @!p0 $0x0  }
0xca: {  	[sflag:s0] =	ssyncadd.s32 @!p0 s1  }
0xcb: {  	[bflag:$0x3] =	sbarrier.arrive $0xFFFF  }
0xcc: {  	_ =	shalt  }

// kernel: kernel.14.cloned.1.call-start
scs
__scs_entry_jumppad:
0x0: {  	(pc) =	sbr.rel $0x88, $3  }
0x1: {  	(tag) =	ssettag $0x0;
	lr =	simm.s32 $0x1  }
0x2: {  	[smem:$0x3F97] =	sst lr;
	_ =	strace $0xD0000000  }
0x3: {  	_ = 	snop  }
0x4: {  	_ = 	snop  }
0x5: {  	_ = 	snop  }
0x6: {  	_ = 	snop  }
0x7: {  	_ = 	snop  }
__scs_overlays_trampoline_lowered:
0x8: {  	[smem:$0x3FA6] =	sst s0  }
0x9: {  	[smem:$0x3FA7] =	sst s1  }
0xa: {  	[smem:$0x3FA8] =	sst s2  }
0xb: {  	[smem:$0x3FA9] =	sst s3  }
0xc: {  	[smem:$0x3FAA] =	sst s4  }
0xd: {  	[smem:$0x3FAB] =	sst s5  }
0xe: {  	[smem:$0x3FAC] =	sst s6  }
0xf: {  	[smem:$0x3FAD] =	sst s7  }
0x10: {  	[smem:$0x3FAE] =	sst s8  }
0x11: {  	[smem:$0x3FAF] =	sst s9;
	s0 =	simm.s32 @!p0 $0x0  }
0x12: {  	s1 =	sld [smem:$0x3F95];
	s0 =	simm.s32 @p0 $0x1  }
0x13: {  	[smem:$0x3FB0] =	sst s0;
	s0 =	simm.s32 @!p1 $0x0  }
0x14: {  	s2 =	sld [smem:$0x3F94];
	s0 =	simm.s32 @p1 $0x1  }
0x15: {  	[smem:$0x3FB1] =	sst s0;
	s0 =	simm.s32 @!p2 $0x0  }
0x16: {  	s3 =	sld [smem:$0x3FDB];
	s0 =	simm.s32 @p2 $0x1  }
0x17: {  	s4 =	simm.s32 $0x1BF5;
	[smem:$0x3FB3] =	sst s0  }
0x18: {  	s0 =	sld [smem:$0x3F96];
	_ =	swait.ge [sflag:s4], $0x0  }
0x19: {  	s7 =	sld [smem:$0x3F97]  }
0x1a: {  	s8 =	sadd.s32 $0xFFFFE003, lr  }
0x1b: {  	s9 =	sadd.s32 $0xFFFFFEF7, lr;
	s5 =	simm.s32 $0xFFFFFFFF;
	p2 =	slt.u32 s8, $0xFFFFF086  }
0x1c: {  	p1 =	slt.u32 s9, $0xF7A;
	s5 =	simm.s32 @!p2 $0x0  }
0x1d: {  	s5 =	simm.s32 @p1 $0x1;
	p0 =	seq.s32 s7, s2  }
0x1e: {  	s7 =	smul.u32 @!p0 $0xF7A, s2;
	p2 =	seq.s32 @!p0 s5, $0x0  }
0x1f: {  	s9 =	smul.u32 $0xF7A, s1;
	s8 =	simm.s32 @!p0 $0x1BF5;
	p2 =	por !p2, p0  }
0x20: {  	[sflag:s8] =	ssyncset.s32 @!p0 $0xFFFFF086;
	s6 =	sadd.s32 @!p0 s3, s7;
	s7 =	simm.s32 @!p0 $0x108  }
0x21: {  	s3 =	sadd.s32 s3, s9;
	s6 =	sadd.s32 @!p0 $0x88, s6;
	s7 =	simm.s32 @p2 $0x1082  }
0x22: {  	[simem:s7], [sflag:s8] =	dma.local @!p0 [hbm:s6], $0xF7A  }
0x23: {  	s9 =	sor.u32 $0xD0000000, s2;
	s6 =	simm.s32 $0x108;
	_ =	swait.ge @!p0 [sflag:s8], $0x0  }
0x24: {  	s3 =	sadd.s32 $0x88, s3;
	s6 =	simm.s32 @!p1 $0x1082;
	[sflag:s4] =	ssyncset.s32 $0xFFFFF086  }
0x25: {  	[simem:s6], [sflag:s4] =	dma.local [hbm:s3], $0xF7A  }
0x26: {  	[smem:$0x3F97] =	sst s1;
	(tag) =	ssettag s2;
	_ =	strace s9  }
0x27: {  	s1 =	sld [smem:$0x3FA7]  }
0x28: {  	s2 =	sld [smem:$0x3FA8]  }
0x29: {  	s4 =	sld [smem:$0x3FAA]  }
0x2a: {  	p0 =	seq.s32 s5, $0x0;
	s5 =	sld [smem:$0x3FAB]  }
0x2b: {  	s6 =	sld [smem:$0x3FAC]  }
0x2c: {  	s7 =	sld [smem:$0x3FAD]  }
0x2d: {  	s3 =	simm.s32 $0x108;
	s8 =	sld [smem:$0x3FAE]  }
0x2e: {  	s3 =	simm.s32 @!p0 $0x1082;
	s9 =	sld [smem:$0x3FAF]  }
0x2f: {  	lr =	sadd.s32 s0, s3;
	s0 =	sld [smem:$0x3FA6]  }
0x30: {  	s3 =	sld [smem:$0x3FA9]  }
0x31: {  	[smem:$0x3FB2] =	sst s10  }
0x32: {  	s10 =	sld [smem:$0x3FB0];
	_ =	sdelay $0x3  }
0x33: {  	p0 =	seq.s32 s10, $0x1;
	s10 =	sld [smem:$0x3FB2];
	_ =	sdelay $0x3  }
0x34: {  	[smem:$0x3FB2] =	sst s10  }
0x35: {  	s10 =	sld [smem:$0x3FB1];
	_ =	sdelay $0x3  }
0x36: {  	p1 =	seq.s32 s10, $0x1;
	s10 =	sld [smem:$0x3FB2];
	_ =	sdelay $0x3  }
0x37: {  	[smem:$0x3FB2] =	sst s10  }
0x38: {  	s10 =	sld [smem:$0x3FB3]  }
0x39: {  	_ = 	snop;
	(pc) =	sbr.ind lr, $3  }
0x3a: {  	_ = 	snop  }
0x3b: {  	_ = 	snop  }
0x3c: {  	p2 =	seq.s32 s10, $0x1;
	s10 =	sld [smem:$0x3FB2]  }
0x3d: {  	_ =	shalt  }
0x3e: {  	_ =	shalt  }
0x3f: {  	_ =	shalt  }
0x40: {  	_ =	shalt  }
0x41: {  	_ =	shalt  }
0x42: {  	_ =	shalt  }
0x43: {  	_ =	shalt  }
0x44: {  	_ =	shalt  }
0x45: {  	_ =	shalt  }
0x46: {  	_ =	shalt  }
0x47: {  	_ =	shalt  }
0x48: {  	_ =	shalt  }
0x49: {  	_ =	shalt  }
0x4a: {  	_ =	shalt  }
0x4b: {  	_ =	shalt  }
0x4c: {  	_ =	shalt  }
0x4d: {  	_ =	shalt  }
0x4e: {  	_ =	shalt  }
0x4f: {  	_ =	shalt  }
0x50: {  	_ =	shalt  }
0x51: {  	_ =	shalt  }
0x52: {  	_ =	shalt  }
0x53: {  	_ =	shalt  }
0x54: {  	_ =	shalt  }
0x55: {  	_ =	shalt  }
0x56: {  	_ =	shalt  }
0x57: {  	_ =	shalt  }
0x58: {  	_ =	shalt  }
0x59: {  	_ =	shalt  }
0x5a: {  	_ =	shalt  }
0x5b: {  	_ =	shalt  }
0x5c: {  	_ =	shalt  }
0x5d: {  	_ =	shalt  }
0x5e: {  	_ =	shalt  }
0x5f: {  	_ =	shalt  }
0x60: {  	_ =	shalt  }
0x61: {  	_ =	shalt  }
0x62: {  	_ =	shalt  }
0x63: {  	_ =	shalt  }
0x64: {  	_ =	shalt  }
0x65: {  	_ =	shalt  }
0x66: {  	_ =	shalt  }
0x67: {  	_ =	shalt  }
0x68: {  	_ =	shalt  }
0x69: {  	_ =	shalt  }
0x6a: {  	_ =	shalt  }
0x6b: {  	_ =	shalt  }
0x6c: {  	_ =	shalt  }
0x6d: {  	_ =	shalt  }
0x6e: {  	_ =	shalt  }
0x6f: {  	_ =	shalt  }
0x70: {  	_ =	shalt  }
0x71: {  	_ =	shalt  }
0x72: {  	_ =	shalt  }
0x73: {  	_ =	shalt  }
0x74: {  	_ =	shalt  }
0x75: {  	_ =	shalt  }
0x76: {  	_ =	shalt  }
0x77: {  	_ =	shalt  }
0x78: {  	_ =	shalt  }
0x79: {  	_ =	shalt  }
0x7a: {  	_ =	shalt  }
0x7b: {  	_ =	shalt  }
0x7c: {  	_ =	shalt  }
0x7d: {  	_ =	shalt  }
0x7e: {  	_ =	shalt  }
0x7f: {  	_ =	shalt  }
0x80: {  	_ =	shalt  }
0x81: {  	_ =	shalt  }
0x82: {  	_ =	shalt  }
0x83: {  	_ =	shalt  }
0x84: {  	_ =	shalt  }
0x85: {  	_ =	shalt  }
0x86: {  	_ =	shalt  }
0x87: {  	_ =	shalt  }
.Lfunc_end0:
.L_simem_size_0:
called_computation.2_lowered:
.L_overlay_start_0:
0x88: {  	s2 =	sld [smem:$0x3FD9]  }
0x89: {  	s3 =	sld [smem:$0x3FFE];
	_ =	sdelay $0x1  }
0x8a: {  	s1 =	srdreg.scid  }
0x8b: {  	s0 =	sand.u32 $0x1, s1  }
0x8c: {  	s17 =	sshll.u32 s0, $0xA;
	s2 =	sadd.s32 s3, s2  }
0x8d: {  	s2 =	sadd.s32 s2, s17  }
0x8e: {  	[smem:$0x3FBE] =	sst s2  }
0x8f: {  	_ = 	snop  }
0x90: {  	s2 =	sld [smem:$0x3FC8];
	(tm) =	ssettm $0x1  }
0x91: {  	s18 =	sld [smem:$0x3FFB];
	_ =	sdelay $0x3  }
0x92: {  	_ =	strace s18  }
0x93: {  	s3 =	sld [smem:$0x3FFC];
	_ =	sdelay $0x3  }
0x94: {  	_ =	strace s3  }
0x95: {  	s3 =	sld [smem:$0x3FFD];
	_ =	sdelay $0x3  }
0x96: {  	_ =	strace s3  }
0x97: {  	_ =	strace $0x8FFFFFFF  }
0x98: {  	s19 =	sld [smem:$0x3FDB];
	_ =	sdelay $0x1  }
0x99: {  	s4 =	simm.s32 $_scs_section_size  }
0x9a: {  	s5 =	simm.s32 $_size__tile_overlayer_lowered;
	s6 =	simm.s32 $_tile_overlayer_lowered  }
0x9b: {  	s22 =	simm.s32 $0x1BFF;
	s21 =	sshll.u32 s6, $0x1;
	s3 =	sadd.s32 s4, s19  }
0x9c: {  	s7 =	simm.s32 $0x0;
	s20 =	sshll.u32 s5, $0x1;
	s5 =	sadd.s32 s21, s3  }
0x9d: {  	[timem:s7], [sflag:s22] =	dma.local [hbm:s5], s20  }
0x9e: {  	_ =	swait.ge [sflag:s22], s20  }
0x9f: {  	s4 =	ssub.s32 $0x0, s20;
	[sflag:s22] =	ssyncset.done $0x0  }
0xa0: {  	[sflag:s22] =	ssyncadd.s32 s4;
	_ =	sdelay $0x1  }
0xa1: {  	s23 =	simm.s32 $0x1B8B  }
0xa2: {  	_ =	swait.ge [sflag:s23], $0x1  }
0xa3: {  	[sflag:s23] =	ssyncset.done $0x0  }
0xa4: {  	s25 =	simm.s32 $0x1B8E;
	s24 =	sld [smem:$0x3FFE];
	[sflag:s23] =	ssyncadd.s32 $0xFFFFFFFF  }
0xa5: {  	s26 =	simm.s32 $execute0_lowered;
	[smem:$0x3FD2] =	sst s25  }
0xa6: {  	s5 =	sshll.u32 s26, $0x1;
	_ =	strace $0x8000004C;
	[dreg:$0x1] =	wrdreg $0xFFFFFFFF  }
0xa7: {  	s28 =	simm.s32 $_size_execute0_lowered;
	s3 =	sadd.s32 s3, s5;
	[dreg:$0x0] =	wrdreg $0x0  }
0xa8: {  	s5 =	sshll.u32 s28, $0x1;
	[dreg:$0x2] =	wrdreg s3  }
0xa9: {  	[dreg:$0x3] =	wrdreg s5  }
0xaa: {  	[dreg:$0x4] =	wrdreg $0xC0  }
0xab: {  	_ =	task [dreg:s7], $0x5FFFF  }
0xac: {  	[dreg:$0x1] =	wrdreg $0xFFFFFFFF  }
0xad: {  	[dreg:$0x0] =	wrdreg $0x60  }
0xae: {  	[dreg:$0x2] =	wrdreg s24  }
0xaf: {  	[dreg:$0x3] =	wrdreg s2  }
0xb0: {  	[dreg:$0x4] =	wrdreg $0xC3800  }
0xb1: {  	[dreg:$0x5] =	wrdreg $0x9  }
0xb2: {  	_ =	task.clear_ibuf [dreg:s7], $0x6FFFF;
	_ =	strace $0x9000004C  }
0xb3: {  	s29 =	simm.s32 $0x9;
	_ =	strace $0x8000004E  }
0xb4: {  	_ =	swait.ge [sflag:s29], $0x1  }
0xb5: {  	[sflag:s29] =	ssyncadd.s32 $0xFFFFFFFF  }
0xb6: {  	_ =	strace $0x9000004E  }
0xb7: {  	_ =	sfence  }
0xb8: {  	s30 =	sld [smem:$0x0];
	_ =	sdelay $0x2  }
0xb9: {  	s31 =	sshll.u32 s1, $0xD;
	s1 =	sshrl.u32 s1, $0x2  }
0xba: {  	s3 =	sand.u32 $0x4000, s31;
	s1 =	sadd.s32 s1, s30  }
0xbb: {  	s0 =	sor.u32 s3, s0;
	s1 =	sshll.u32 s1, $0x11  }
0xbc: {  	s0 =	sor.u32 s1, s0  }
0xbd: {  	s0 =	sadd.s32 $0x8F2B, s0  }
0xbe: {  	[sflag:s0] =	ssyncadd.remote.s32 $0x1  }
0xbf: {  	_ =	sfence.sel $0xFFFF  }
0xc0: {  	[dreg:$0x0] =	wrdreg $0xFFFFFFFF;
	(pc) =	sbr.abs _section_cstart, $3  }
0xc1: {  	[dreg:$0x1] =	wrdreg $0xFFFFFFFF  }
0xc2: {  	_ =	task.clear_ibuf [dreg:s7], $0x2FFFF;
	_ =	strace $0x9FFFFFFF  }
0xc3: {  	(tm) =	ssettm $0x7FFFFFFF  }
tec
execute0_lowered:
.L_overlay_start_1:
0x0: {  	(tag) =	ssettag $0x1  }
0x1: {  	s0 =	rddreg [dreg:$0x0]  }
0x2: {  	s2 =	rddreg [dreg:$0x1]  }
0x3: {  	s1 =	rddreg [dreg:$0x2];
	s3 =	srdreg.scid  }
0x4: {  	s17 =	stileid.u32;
	s28 =	simm.s32 $0xC080;
	s30 =	simm.s32 $0xC100  }
0x5: {  	s31 =	simm.s32 $0x4;
	s7 =	sand.u32 $0x1, s3;
	s8 =	smul.u32 $0x13C00, s17  }
0x6: {  	s3 =	simm.s32 $0x0;
	s4 =	sadd.s32 $0x5C00, s0;
	s9 =	smul.u32 $0x54, s17  }
0x7: {  	s5 =	sadd.s32 $0x2800, s0;
	s25 =	sadd.s32 $0x3400, s0;
	s10 =	smul.u32 $0x4E, s17  }
0x8: {  	s19 =	sadd.s32 $0x10, s2;
	s6 =	smul.u32 $0x13C000, s7;
	[smem:$0x7FF] =	sst s3  }
0x9: {  	s11 =	ssub.s32 $0x2, s7;
	p0 =	seq.s32 s7, $0x0;
	_ =	strace $0x8000004D  }
0xa: {  	[dreg:$0x8] =	wrdreg s25;
	s7 =	sadd.s32 $0x4E0, s9;
	s26 =	sshrl.u32 s11, $0x1  }
0xb: {  	s9 =	simm.s32 $0x4E;
	s8 =	sadd.s32 s8, s6;
	s7 =	smov.u32 @p0 s10  }
0xc: {  	s9 =	simm.s32 @!p0 $0x54;
	s8 =	sshrl.u32 s8, $0x3;
	s10 =	sshll.u32 s7, $0x7  }
0xd: {  	s13 =	sshll.u32 s7, $0x4;
	s18 =	sshll.u32 s7, $0x5;
	s25 =	sadd.s32 $0xFFFFFFFD, s9  }
0xe: {  	p0 =	slt.u32 s7, $0x9C4;
	p1 =	slt.u32 s7, $0x9C2;
	s0 =	sadd.s32 s8, s0  }
0xf: {  	s8 =	ssub.s32 s11, s26;
	s6 =	sadd.s32 $0xFFFB1E00, s10;
	s12 =	sadd.s32 $0xFFFB1E80, s10  }
0x10: {  	s14 =	sadd.s32 $0xFFF63C0, s13;
	s16 =	sadd.s32 $0xFFF63D0, s13;
	s20 =	sadd.s32 s18, s19  }
0x11: {  	s23 =	sadd.s32 $0xFFFB1F00, s10;
	s13 =	sadd.s32 $0x40, s18;
	s26 =	smul.u32 $0x4F000, s17  }
0x12: {  	[dreg:$0x4] =	wrdreg s25;
	s17 =	sadd.s32 $0xFFFFFFFC, s9;
	s29 =	sadd.s32 $0xFFFB1F80, s10  }
0x13: {  	s11 =	sand.u32 $0x7FFFFF00, s6;
	s12 =	sand.u32 $0x7FFFFF80, s12;
	[dreg:$0xc] =	wrdreg s20  }
0x14: {  	s14 =	sand.u32 $0xFFFFFE0, s14;
	s24 =	sadd.s32 s13, s19;
	[dreg:$0x5] =	wrdreg s17  }
0x15: {  	s0 =	sadd.s32 $0x2CE00, s0;
	s11 =	sadd.s32 $0x3000, s11;
	[dreg:$0xf] =	wrdreg s24  }
0x16: {  	s12 =	sadd.s32 $0x3000, s12;
	s14 =	sadd.s32 s5, s14;
	[dreg:$0x15] =	wrdreg s0  }
0x17: {  	s24 =	sshrl.u32 s26, $0x2;
	s26 =	smax.u32 s8, $0x1;
	[dreg:$0xa] =	wrdreg s14  }
0x18: {  	s11 =	sshrl.u32 s11, $0x3;
	s25 =	sadd.s32 s24, s1;
	[dreg:$0x16] =	wrdreg s26  }
0x19: {  	s12 =	sshrl.u32 s12, $0x3;
	s11 =	sadd.s32 s5, s11;
	[dreg:$0x14] =	wrdreg s25  }
0x1a: {  	s0 =	simm.s32 $0x80;
	s15 =	sadd.s32 s5, s12;
	[dreg:$0x9] =	wrdreg s11  }
0x1b: {  	s14 =	simm.s32 $0x2;
	s12 =	sadd.s32 s2, s18;
	[dreg:$0xb] =	wrdreg s15  }
0x1c: {  	s11 =	sand.u32 $0xFFFFFF0, s16;
	s15 =	sor.u32 $0x20, s18;
	s16 =	sadd.s32 $0xFFFB4F00, s10  }
0x1d: {  	s10 =	simm.s32 $0xC000;
	s21 =	sadd.s32 s15, s19;
	s22 =	sadd.s32 s2, s15  }
0x1e: {  	s2 =	sadd.s32 s2, s13;
	s18 =	sshrl.u32 s16, $0x3;
	[dreg:$0xd] =	wrdreg s21  }
0x1f: {  	s19 =	smul.u32 $0x56, s9;
	s20 =	sadd.s32 s5, s11;
	[dreg:$0xe] =	wrdreg s22  }
0x20: {  	s9 =	sadd.s32 $0xFFFFFFFB, s9;
	s11 =	simm.s32 $0xA;
	[dreg:$0x10] =	wrdreg s2  }
0x21: {  	s13 =	simm.s32 $0x1;
	[dreg:$0x11] =	wrdreg s20;
	s21 =	sadd.s32 s5, s18  }
0x22: {  	s22 =	sshrl.u32 s23, $0x3;
	[dreg:$0x6] =	wrdreg s9;
	s2 =	sshrl.u32 s19, $0x8  }
0x23: {  	[dreg:$0x12] =	wrdreg s21;
	s23 =	sadd.s32 s5, s22;
	s2 =	smul.u32 $0x60, s2  }
0x24: {  	s15 =	simm.s32 $0x3;
	s16 =	simm.s32 $0x0;
	[dreg:$0x13] =	wrdreg s23  }
0x25: {  	s9 =	simm.s32 $0x6;
	[dreg:$0x7] =	wrdreg s2;
	s2 =	simm.s32 $0x5  }
.LBB2_1:
.Ltmp0:
0x26: {  	(pc) =	sbr.rel @!p0 .LBB2_2-.Ltmp0, $1  }
0x27: {  	_ =	sdelay $0x3  }
0x28: {  	s6 =	rddreg [dreg:$0xc];
	s8 =	simm.s32 $0xC180  }
0x29: {  	[tilespmem:s8], [sflag:$0x7] =	stream.linear.gather [hbm4b:s6+s3], $0x80, $0x38;
	[tilespmem:$0x1FF80] =	vst v63  }
0x2a: {  	s24 =	rddreg [dreg:$0xd]  }
0x2b: {  	[tilespmem:s10], [sflag:$0x4] =	stream.linear.gather [hbm4b:s12+s3], $0x80, $0x38;
	[tilespmem:$0x1FF80] =	vst v63  }
.Ltmp1:
0x2c: {  	s26 =	rddreg [dreg:$0xe];
	(pc) =	sbr.rel @p1 .LBB2_5-.Ltmp1, $4  }
.Ltmp2:
0x2d: {  	s25 =	simm.s32 $0xC200;
	s23 =	rddreg [dreg:$0x10];
	(pc) =	sbr.rel @!p1 .LBB2_4-.Ltmp2, $4  }
0x2e: {  	[tilespmem:s25], [sflag:$0x8] =	stream.linear.gather [hbm4b:s24+s3], $0x80, $0x38;
	[tilespmem:$0x1FF80] =	vst v63  }
0x2f: {  	s8 =	rddreg [dreg:$0xf]  }
0x30: {  	[tilespmem:s28], [sflag:$0x5] =	stream.linear.gather [hbm4b:s26+s3], $0x80, $0x38;
	[tilespmem:$0x1FF80] =	vst v63  }
0x31: {  	_ = 	snop  }
.LBB2_2:
0x32: {  	s6 =	rddreg [dreg:$0x9];
	s8 =	simm.s32 $0xC180  }
0x33: {  	[tilespmem:s8], [sflag:$0x7] =	stream.linear.gather [hbm4b:s6+s3], $0x80, $0x38;
	[tilespmem:$0x1FF80] =	vst v63  }
0x34: {  	s23 =	rddreg [dreg:$0xa]  }
0x35: {  	[tilespmem:s10], [sflag:$0x4] =	stream.linear.gather [hbm4b:s23+s3], $0x80, $0x38;
	[tilespmem:$0x1FF80] =	vst v63  }
0x36: {  	s24 =	rddreg [dreg:$0xb];
	s25 =	simm.s32 $0xC200  }
0x37: {  	[tilespmem:s25], [sflag:$0x8] =	stream.linear.gather [hbm4b:s24+s3], $0x80, $0x38;
	[tilespmem:$0x1FF80] =	vst v63  }
0x38: {  	s26 =	rddreg [dreg:$0x11]  }
0x39: {  	[tilespmem:s28], [sflag:$0x5] =	stream.linear.gather [hbm4b:s26+s3], $0x80, $0x38;
	[tilespmem:$0x1FF80] =	vst v63  }
.LBB2_4:
0x3a: {  	s8 =	rddreg [dreg:$0x12]  }
0x3b: {  	s23 =	rddreg [dreg:$0x13]  }
.LBB2_5:
0x3c: {  	s17 =	simm.s32 $0x0;
	s6 =	simm.s32 $0xC280  }
0x3d: {  	[tilespmem:s6], [sflag:$0x9] =	stream.linear.gather [hbm4b:s8+s17], $0x80, $0x38;
	[tilespmem:$0x1FF80] =	vst v63  }
0x3e: {  	_ = 	snop  }
0x3f: {  	[tilespmem:s30], [sflag:$0x6] =	stream.linear.gather [hbm4b:s23+s17], $0x80, $0x38;
	[tilespmem:$0x1FF80] =	vst v63  }
0x40: {  	_ =	swait.ge [sflag:s31], $0x80  }
0x41: {  	[sflag:s31] =	ssyncset.done $0x0  }
0x42: {  	[sflag:s31] =	ssyncadd.s32 $0xFFFFFF80  }
0x43: {  	[tilespmem:s17], [sflag:$0x1] =	stream.indirect.gather [hbm4b:s4+s0], $0x80, s10, s0, $0xb8;
	[tilespmem:$0x1FF80] =	vst v63  }
0x44: {  	_ =	swait.ge [sflag:s2], $0x80  }
0x45: {  	[sflag:s2] =	ssyncset.done $0x0  }
0x46: {  	s19 =	simm.s32 $0x4000;
	s21 =	stileid.u32;
	[sflag:s2] =	ssyncadd.s32 $0xFFFFFF80  }
0x47: {  	[tilespmem:s19], [sflag:$0x2] =	stream.indirect.gather [hbm4b:s4+s0], $0x80, s28, s0, $0xb8;
	[tilespmem:$0x1FF80] =	vst v63  }
0x48: {  	s20 =	simm.s32 $0x8000;
	s22 =	sshll.u32 s21, $0x6;
	_ =	swait.ge [sflag:s9], $0x80  }
0x49: {  	s24 =	sor.u32 $0x1C0A, s22;
	[sflag:s9] =	ssyncset.done $0x0;
	s23 =	rddreg [dreg:$0x14]  }
0x4a: {  	s25 =	rddreg [dreg:$0x8];
	[sflag:s9] =	ssyncadd.s32 $0xFFFFFF80;
	s26 =	sshrl.u32 s23, $0x3  }
0x4b: {  	[tilespmem:s20], [sflag:$0x3] =	stream.indirect.gather [hbm4b:s4+s0], $0x80, s30, s0, $0xb8;
	[tilespmem:$0x1FF80] =	vst v63  }
0x4c: {  	[spmem:s26], [sflag:s24] =	dma.local [hbm:s25], $0x2780  }
0x4d: {  	_ =	swait.ge [sflag:s11], $0x2780  }
0x4e: {  	[sflag:s11] =	ssyncset.done $0x0  }
0x4f: {  	[sflag:s11] =	ssyncadd.s32 $0xFFFFD880  }
0x50: {  	s8 =	simm.s32 $0x0;
	s23 =	smov.u32 s29;
	[bflag:$0x0] =	sbarrier.arrive $0xFFFF  }
.LBB2_6:
0x51: {  	_ =	swait.ge [sflag:s13], $0x4000  }
0x52: {  	s10 =	rddreg [dreg:$0x4]  }
0x53: {  	[sflag:s13] =	ssyncset.done $0x0;
	p2 =	sge.u32 s17, s10  }
0x54: {  	[sflag:s13] =	ssyncadd.s32 $0xFFFFC000;
	s10 =	simm.s32 @p2 $0x7  }
0x55: {  	_ =	swait.ge @p2 [sflag:s10], $0x80  }
0x56: {  	s18 =	simm.s32 @p2 $0xC180;
	[sflag:s10] =	ssyncset.done @p2 $0x0  }
0x57: {  	s19 =	simm.s32 @p2 $0x0;
	[sflag:s10] =	ssyncadd.s32 @p2 $0xFFFFFF80;
	s10 =	simm.s32 @p2 $0x80  }
0x58: {  	[spmem:s1] =	stream.indirect.scatter.add.f32 @p2 [tilespmem:s19], [sflag:$0xA], $0x80, s18, s10, $0xb8;
	[tilespmem:$0x1FF80] =	vst v63  }
0x59: {  	s10 =	simm.s32 @p2 $0xA  }
0x5a: {  	_ =	swait.ge @p2 [sflag:s10], $0x4000  }
0x5b: {  	[sflag:s10] =	ssyncset.done @p2 $0x0  }
0x5c: {  	[sflag:s10] =	ssyncadd.s32 @p2 $0xFFFFC000;
	s10 =	sadd.s32 @!p2 s17, s7  }
0x5d: {  	s18 =	sadd.s32 @!p2 s8, s12;
	p4 =	sgt.u32 @!p2 s10, $0x9C0;
	s10 =	sshrl.u32 @!p2 s23, $0x3  }
0x5e: {  	s18 =	sadd.s32 @!p2 $0x60, s18;
	s10 =	sadd.s32 @!p2 s5, s10;
	p3 =	por !p4, p2  }
0x5f: {  	s19 =	simm.s32 @!p2 $0xC000;
	s10 =	smov.u32 @p3 s18;
	s18 =	simm.s32 @!p2 $0x0  }
0x60: {  	[tilespmem:s19], [sflag:$0x4] =	stream.linear.gather @!p2 [hbm4b:s10+s18], $0x80, $0x38;
	[tilespmem:$0x1FF80] =	vst v63  }
0x61: {  	s10 =	simm.s32 @!p2 $0x7  }
0x62: {  	s6 =	simm.s32 @!p2 $0xC180;
	s21 =	simm.s32 @!p2 $0xA;
	_ =	swait.ge @!p2 [sflag:s10], $0x80  }
0x63: {  	p4 =	por p4, p2;
	s20 =	sand.u32 @!p3 $0xFFFFFF80, s23;
	[sflag:s10] =	ssyncset.done @!p2 $0x0  }
0x64: {  	s20 =	sadd.s32 @!p3 $0x3000, s20;
	[sflag:s10] =	ssyncadd.s32 @!p2 $0xFFFFFF80;
	s10 =	simm.s32 @!p2 $0x80  }
0x65: {  	[spmem:s1] =	stream.indirect.scatter.add.f32 @!p2 [tilespmem:s18], [sflag:$0xA], $0x80, s6, s10, $0xb8;
	[tilespmem:$0x1FF80] =	vst v63  }
0x66: {  	s22 =	sadd.s32 @!p4 s8, s12;
	s20 =	sshrl.u32 @!p3 s20, $0x3;
	_ =	swait.ge @!p2 [sflag:s21], $0x4000  }
0x67: {  	s22 =	sadd.s32 @!p4 $0x70, s22;
	s20 =	sadd.s32 @!p3 s5, s20;
	[sflag:s21] =	ssyncset.done @!p2 $0x0  }
0x68: {  	s20 =	smov.u32 @p3 s22;
	[sflag:s21] =	ssyncadd.s32 @!p2 $0xFFFFC000  }
0x69: {  	[tilespmem:s6], [sflag:$0x7] =	stream.linear.gather @!p2 [hbm4b:s20+s18], $0x80, $0x38;
	[tilespmem:$0x1FF80] =	vst v63  }
0x6a: {  	s6 =	simm.s32 @!p2 $0x4  }
0x6b: {  	_ =	swait.ge @!p2 [sflag:s6], $0x80  }
0x6c: {  	[sflag:s6] =	ssyncset.done @!p2 $0x0  }
0x6d: {  	[sflag:s6] =	ssyncadd.s32 @!p2 $0xFFFFFF80  }
0x6e: {  	[tilespmem:s18], [sflag:$0x1] =	stream.indirect.gather @!p2 [hbm4b:s4+s10], $0x80, s19, s10, $0xb8;
	[tilespmem:$0x1FF80] =	vst v63  }
0x6f: {  	_ =	swait.ge [sflag:s14], $0x4000  }
0x70: {  	s21 =	rddreg [dreg:$0x5]  }
0x71: {  	[sflag:s14] =	ssyncset.done $0x0;
	p2 =	sge.u32 s17, s21  }
0x72: {  	[sflag:s14] =	ssyncadd.s32 $0xFFFFC000;
	s6 =	simm.s32 @p2 $0x8  }
0x73: {  	_ =	swait.ge @p2 [sflag:s6], $0x80  }
0x74: {  	s10 =	simm.s32 @p2 $0xC200;
	[sflag:s6] =	ssyncset.done @p2 $0x0  }
0x75: {  	s18 =	simm.s32 @p2 $0x4000;
	[sflag:s6] =	ssyncadd.s32 @p2 $0xFFFFFF80;
	s6 =	simm.s32 @p2 $0x80  }
0x76: {  	[spmem:s1] =	stream.indirect.scatter.add.f32 @p2 [tilespmem:s18], [sflag:$0xA], $0x80, s10, s6, $0xb8;
	[tilespmem:$0x1FF80] =	vst v63  }
0x77: {  	s6 =	sadd.s32 @!p2 s17, s7  }
0x78: {  	s6 =	sadd.s32 @!p2 $0x1, s6  }
0x79: {  	p4 =	sgt.u32 @!p2 s6, $0x9C0  }
0x7a: {  	s6 =	simm.s32 @p2 $0xA;
	p3 =	por !p4, p2  }
0x7b: {  	_ =	swait.ge @p2 [sflag:s6], $0x4000;
	p4 =	por p4, p2;
	s10 =	sadd.s32 @!p3 $0x80, s23  }
0x7c: {  	[sflag:s6] =	ssyncset.done @p2 $0x0;
	s19 =	sadd.s32 @!p4 s8, s12;
	s18 =	sshrl.u32 @!p3 s10, $0x3  }
0x7d: {  	[sflag:s6] =	ssyncadd.s32 @p2 $0xFFFFC000;
	s6 =	sadd.s32 @!p3 s5, s18;
	s18 =	sadd.s32 @!p4 $0x80, s19  }
0x7e: {  	s20 =	simm.s32 @!p2 $0xC080;
	s6 =	smov.u32 @p3 s18;
	s18 =	simm.s32 @!p2 $0x0  }
0x7f: {  	[tilespmem:s20], [sflag:$0x5] =	stream.linear.gather @!p2 [hbm4b:s6+s18], $0x80, $0x38;
	[tilespmem:$0x1FF80] =	vst v63  }
0x80: {  	s6 =	simm.s32 @!p2 $0x8  }
0x81: {  	s21 =	simm.s32 @!p2 $0xC200;
	s22 =	simm.s32 @!p2 $0x4000;
	_ =	swait.ge @!p2 [sflag:s6], $0x80  }
0x82: {  	s25 =	simm.s32 @!p2 $0xA;
	s10 =	sand.u32 @!p3 $0xFFFFFF80, s10;
	[sflag:s6] =	ssyncset.done @!p2 $0x0  }
0x83: {  	s10 =	sadd.s32 @!p3 $0x3000, s10;
	[sflag:s6] =	ssyncadd.s32 @!p2 $0xFFFFFF80;
	s6 =	simm.s32 @!p2 $0x80  }
0x84: {  	[spmem:s1] =	stream.indirect.scatter.add.f32 @!p2 [tilespmem:s22], [sflag:$0xA], $0x80, s21, s6, $0xb8;
	[tilespmem:$0x1FF80] =	vst v63  }
0x85: {  	s10 =	sshrl.u32 @!p3 s10, $0x3;
	_ =	swait.ge @!p2 [sflag:s25], $0x4000  }
0x86: {  	s19 =	sadd.s32 @!p4 $0x90, s19;
	s10 =	sadd.s32 @!p3 s5, s10;
	[sflag:s25] =	ssyncset.done @!p2 $0x0  }
0x87: {  	s10 =	smov.u32 @p3 s19;
	[sflag:s25] =	ssyncadd.s32 @!p2 $0xFFFFC000  }
0x88: {  	[tilespmem:s21], [sflag:$0x8] =	stream.linear.gather @!p2 [hbm4b:s10+s18], $0x80, $0x38;
	[tilespmem:$0x1FF80] =	vst v63  }
0x89: {  	s10 =	simm.s32 @!p2 $0x5  }
0x8a: {  	_ =	swait.ge @!p2 [sflag:s10], $0x80  }
0x8b: {  	[sflag:s10] =	ssyncset.done @!p2 $0x0  }
0x8c: {  	[sflag:s10] =	ssyncadd.s32 @!p2 $0xFFFFFF80  }
0x8d: {  	[tilespmem:s22], [sflag:$0x2] =	stream.indirect.gather @!p2 [hbm4b:s4+s6], $0x80, s20, s6, $0xb8;
	[tilespmem:$0x1FF80] =	vst v63  }
0x8e: {  	_ =	swait.ge [sflag:s15], $0x4000  }
0x8f: {  	s22 =	rddreg [dreg:$0x6]  }
0x90: {  	[sflag:s15] =	ssyncset.done $0x0;
	p2 =	sge.u32 s17, s22  }
0x91: {  	[sflag:s15] =	ssyncadd.s32 $0xFFFFC000;
	s6 =	simm.s32 @p2 $0x9  }
0x92: {  	_ =	swait.ge @p2 [sflag:s6], $0x80  }
0x93: {  	s10 =	simm.s32 @p2 $0xC280;
	[sflag:s6] =	ssyncset.done @p2 $0x0  }
0x94: {  	s18 =	simm.s32 @p2 $0x8000;
	[sflag:s6] =	ssyncadd.s32 @p2 $0xFFFFFF80;
	s6 =	simm.s32 @p2 $0x80  }
0x95: {  	[spmem:s1] =	stream.indirect.scatter.add.f32 @p2 [tilespmem:s18], [sflag:$0xA], $0x80, s10, s6, $0xb8;
	[tilespmem:$0x1FF80] =	vst v63  }
0x96: {  	s6 =	sadd.s32 @!p2 s17, s7  }
0x97: {  	s6 =	sadd.s32 @!p2 $0x2, s6  }
0x98: {  	p4 =	sgt.u32 @!p2 s6, $0x9C0  }
0x99: {  	s6 =	simm.s32 @p2 $0xA;
	p3 =	por !p4, p2  }
0x9a: {  	_ =	swait.ge @p2 [sflag:s6], $0x4000;
	p4 =	por p4, p2;
	s10 =	sadd.s32 @!p3 $0x100, s23  }
0x9b: {  	[sflag:s6] =	ssyncset.done @p2 $0x0;
	s19 =	sadd.s32 @!p4 s8, s12;
	s18 =	sshrl.u32 @!p3 s10, $0x3  }
0x9c: {  	[sflag:s6] =	ssyncadd.s32 @p2 $0xFFFFC000;
	s6 =	sadd.s32 @!p3 s5, s18;
	s18 =	sadd.s32 @!p4 $0xA0, s19  }
0x9d: {  	s20 =	simm.s32 @!p2 $0xC100;
	s6 =	smov.u32 @p3 s18;
	s18 =	simm.s32 @!p2 $0x0  }
0x9e: {  	[tilespmem:s20], [sflag:$0x6] =	stream.linear.gather @!p2 [hbm4b:s6+s18], $0x80, $0x38;
	[tilespmem:$0x1FF80] =	vst v63  }
0x9f: {  	s6 =	simm.s32 @!p2 $0x9  }
0xa0: {  	s21 =	simm.s32 @!p2 $0xC280;
	s22 =	simm.s32 @!p2 $0x8000;
	_ =	swait.ge @!p2 [sflag:s6], $0x80  }
0xa1: {  	s25 =	simm.s32 @!p2 $0xA;
	s10 =	sand.u32 @!p3 $0xFFFFFF80, s10;
	[sflag:s6] =	ssyncset.done @!p2 $0x0  }
0xa2: {  	s10 =	sadd.s32 @!p3 $0x3000, s10;
	[sflag:s6] =	ssyncadd.s32 @!p2 $0xFFFFFF80;
	s6 =	simm.s32 @!p2 $0x80  }
0xa3: {  	[spmem:s1] =	stream.indirect.scatter.add.f32 @!p2 [tilespmem:s22], [sflag:$0xA], $0x80, s21, s6, $0xb8;
	[tilespmem:$0x1FF80] =	vst v63  }
0xa4: {  	s10 =	sshrl.u32 @!p3 s10, $0x3;
	_ =	swait.ge @!p2 [sflag:s25], $0x4000  }
0xa5: {  	s19 =	sadd.s32 @!p4 $0xB0, s19;
	s10 =	sadd.s32 @!p3 s5, s10;
	[sflag:s25] =	ssyncset.done @!p2 $0x0  }
0xa6: {  	s10 =	smov.u32 @p3 s19;
	[sflag:s25] =	ssyncadd.s32 @!p2 $0xFFFFC000  }
0xa7: {  	[tilespmem:s21], [sflag:$0x9] =	stream.linear.gather @!p2 [hbm4b:s10+s18], $0x80, $0x38;
	[tilespmem:$0x1FF80] =	vst v63  }
0xa8: {  	s10 =	simm.s32 @!p2 $0x6  }
0xa9: {  	_ =	swait.ge @!p2 [sflag:s10], $0x80  }
0xaa: {  	[sflag:s10] =	ssyncset.done @!p2 $0x0  }
0xab: {  	s8 =	sadd.s32 $0x60, s8;
	s25 =	rddreg [dreg:$0x7];
	[sflag:s10] =	ssyncadd.s32 @!p2 $0xFFFFFF80  }
0xac: {  	[tilespmem:s22], [sflag:$0x3] =	stream.indirect.gather @!p2 [hbm4b:s4+s6], $0x80, s20, s6, $0xb8;
	[tilespmem:$0x1FF80] =	vst v63  }
0xad: {  	p2 =	sne.s32 s25, s8  }
.Ltmp3:
0xae: {  	_ = 	snop;
	(pc) =	sbr.rel @p2 .LBB2_6-.Ltmp3, $2  }
0xaf: {  	_ =	sdelay $0x2  }
0xb0: {  	s17 =	sadd.s32 $0x3, s17;
	s23 =	sadd.s32 $0x180, s23  }
0xb1: {  	[bflag:$0x0] =	sbarrier.arrive $0xFFFF  }
0xb2: {  	s6 =	rddreg [dreg:$0x15]  }
0xb3: {  	[hbm:s6], [sflag:s24] =	dma.local [spmem:s26], $0x2780  }
0xb4: {  	_ =	swait.ge [sflag:s11], $0x2780  }
0xb5: {  	s16 =	sadd.s32 $0x1, s16;
	s26 =	rddreg [dreg:$0x16]  }
0xb6: {  	p2 =	sne.s32 s16, s26  }
.Ltmp4:
0xb7: {  	_ = 	snop;
	(pc) =	sbr.rel @p2 .LBB2_1-.Ltmp4, $3  }
0xb8: {  	_ =	sdelay $0x1  }
0xb9: {  	[sflag:s11] =	ssyncset.done $0x0  }
0xba: {  	s10 =	simm.s32 $0xC000;
	[sflag:s11] =	ssyncadd.s32 $0xFFFFD880  }
0xbb: {  	_ =	sfence.sel $0x180000  }
0xbc: {  	[bflag:$0x0] =	sbarrier.arrive $0xFFFF  }
0xbd: {  	_ =	strace $0x9000004D  }
0xbe: {  	s0 =	stileid.u32;
	[bflag:$0x2] =	sbarrier.arrive $0xFFFF  }
0xbf: {  	p0 =	sne.s32 s0, $0x0;
	s0 =	rddreg [dreg:$0x3]  }
0xc0: {  	s0 =	sadd.s32 @!p0 $0x100000, s0  }
0xc1: {  	[sflag:s0] =	ssyncadd.tile.s32 @!p0 $0x1;
	_ =	shalt  }
.Lfunc_end2:
_tile_overlayer_lowered:
.L_overlay_start_2:
0xc2: {  	(tag) =	ssettag $0x2  }
0xc3: {  	s0 =	rddreg [dreg:$0x0];
	s2 =	stileid.u32  }
0xc4: {  	s1 =	rddreg [dreg:$0x1];
	p0 =	sne.s32 s2, $0x0  }
0xc5: {  	s3 =	rddreg [dreg:$0x2];
	[bflag:$0x3] =	sbarrier.arrive $0xFFFF;
	s2 =	simm.s32 @!p0 $0x1C0A  }
0xc6: {  	[timem:s3], [sflag:s2] =	dma.local @!p0 [hbm:s0], s1  }
0xc7: {  	s0 =	simm.s32 @!p0 $0xA  }
0xc8: {  	_ =	swait.ge @!p0 [sflag:s0], s1  }
0xc9: {  	s1 =	ssub.s32 @!p0 $0x0, s1;
	[sflag:s0] =	ssyncset.done @!p0 $0x0  }
0xca: {  	[sflag:s0] =	ssyncadd.s32 @!p0 s1  }
0xcb: {  	[bflag:$0x3] =	sbarrier.arrive $0xFFFF  }
0xcc: {  	_ =	shalt  }

// kernel: kernel.8.cloned.1.call-start
scs
__scs_entry_jumppad:
0x0: {  	(pc) =	sbr.rel $0x88, $3  }
0x1: {  	(tag) =	ssettag $0x0;
	lr =	simm.s32 $0x1  }
0x2: {  	[smem:$0x3F97] =	sst lr;
	_ =	strace $0xD0000000  }
0x3: {  	_ = 	snop  }
0x4: {  	_ = 	snop  }
0x5: {  	_ = 	snop  }
0x6: {  	_ = 	snop  }
0x7: {  	_ = 	snop  }
__scs_overlays_trampoline_lowered:
0x8: {  	[smem:$0x3FA6] =	sst s0  }
0x9: {  	[smem:$0x3FA7] =	sst s1  }
0xa: {  	[smem:$0x3FA8] =	sst s2  }
0xb: {  	[smem:$0x3FA9] =	sst s3  }
0xc: {  	[smem:$0x3FAA] =	sst s4  }
0xd: {  	[smem:$0x3FAB] =	sst s5  }
0xe: {  	[smem:$0x3FAC] =	sst s6  }
0xf: {  	[smem:$0x3FAD] =	sst s7  }
0x10: {  	[smem:$0x3FAE] =	sst s8  }
0x11: {  	[smem:$0x3FAF] =	sst s9;
	s0 =	simm.s32 @!p0 $0x0  }
0x12: {  	s1 =	sld [smem:$0x3F95];
	s0 =	simm.s32 @p0 $0x1  }
0x13: {  	[smem:$0x3FB0] =	sst s0;
	s0 =	simm.s32 @!p1 $0x0  }
0x14: {  	s2 =	sld [smem:$0x3F94];
	s0 =	simm.s32 @p1 $0x1  }
0x15: {  	[smem:$0x3FB1] =	sst s0;
	s0 =	simm.s32 @!p2 $0x0  }
0x16: {  	s3 =	sld [smem:$0x3FDB];
	s0 =	simm.s32 @p2 $0x1  }
0x17: {  	s4 =	simm.s32 $0x1BF5;
	[smem:$0x3FB3] =	sst s0  }
0x18: {  	s0 =	sld [smem:$0x3F96];
	_ =	swait.ge [sflag:s4], $0x0  }
0x19: {  	s7 =	sld [smem:$0x3F97]  }
0x1a: {  	s8 =	sadd.s32 $0xFFFFE003, lr  }
0x1b: {  	s9 =	sadd.s32 $0xFFFFFEF7, lr;
	s5 =	simm.s32 $0xFFFFFFFF;
	p2 =	slt.u32 s8, $0xFFFFF086  }
0x1c: {  	p1 =	slt.u32 s9, $0xF7A;
	s5 =	simm.s32 @!p2 $0x0  }
0x1d: {  	s5 =	simm.s32 @p1 $0x1;
	p0 =	seq.s32 s7, s2  }
0x1e: {  	s7 =	smul.u32 @!p0 $0xF7A, s2;
	p2 =	seq.s32 @!p0 s5, $0x0  }
0x1f: {  	s9 =	smul.u32 $0xF7A, s1;
	s8 =	simm.s32 @!p0 $0x1BF5;
	p2 =	por !p2, p0  }
0x20: {  	[sflag:s8] =	ssyncset.s32 @!p0 $0xFFFFF086;
	s6 =	sadd.s32 @!p0 s3, s7;
	s7 =	simm.s32 @!p0 $0x108  }
0x21: {  	s3 =	sadd.s32 s3, s9;
	s6 =	sadd.s32 @!p0 $0x88, s6;
	s7 =	simm.s32 @p2 $0x1082  }
0x22: {  	[simem:s7], [sflag:s8] =	dma.local @!p0 [hbm:s6], $0xF7A  }
0x23: {  	s9 =	sor.u32 $0xD0000000, s2;
	s6 =	simm.s32 $0x108;
	_ =	swait.ge @!p0 [sflag:s8], $0x0  }
0x24: {  	s3 =	sadd.s32 $0x88, s3;
	s6 =	simm.s32 @!p1 $0x1082;
	[sflag:s4] =	ssyncset.s32 $0xFFFFF086  }
0x25: {  	[simem:s6], [sflag:s4] =	dma.local [hbm:s3], $0xF7A  }
0x26: {  	[smem:$0x3F97] =	sst s1;
	(tag) =	ssettag s2;
	_ =	strace s9  }
0x27: {  	s1 =	sld [smem:$0x3FA7]  }
0x28: {  	s2 =	sld [smem:$0x3FA8]  }
0x29: {  	s4 =	sld [smem:$0x3FAA]  }
0x2a: {  	p0 =	seq.s32 s5, $0x0;
	s5 =	sld [smem:$0x3FAB]  }
0x2b: {  	s6 =	sld [smem:$0x3FAC]  }
0x2c: {  	s7 =	sld [smem:$0x3FAD]  }
0x2d: {  	s3 =	simm.s32 $0x108;
	s8 =	sld [smem:$0x3FAE]  }
0x2e: {  	s3 =	simm.s32 @!p0 $0x1082;
	s9 =	sld [smem:$0x3FAF]  }
0x2f: {  	lr =	sadd.s32 s0, s3;
	s0 =	sld [smem:$0x3FA6]  }
0x30: {  	s3 =	sld [smem:$0x3FA9]  }
0x31: {  	[smem:$0x3FB2] =	sst s10  }
0x32: {  	s10 =	sld [smem:$0x3FB0];
	_ =	sdelay $0x3  }
0x33: {  	p0 =	seq.s32 s10, $0x1;
	s10 =	sld [smem:$0x3FB2];
	_ =	sdelay $0x3  }
0x34: {  	[smem:$0x3FB2] =	sst s10  }
0x35: {  	s10 =	sld [smem:$0x3FB1];
	_ =	sdelay $0x3  }
0x36: {  	p1 =	seq.s32 s10, $0x1;
	s10 =	sld [smem:$0x3FB2];
	_ =	sdelay $0x3  }
0x37: {  	[smem:$0x3FB2] =	sst s10  }
0x38: {  	s10 =	sld [smem:$0x3FB3]  }
0x39: {  	_ = 	snop;
	(pc) =	sbr.ind lr, $3  }
0x3a: {  	_ = 	snop  }
0x3b: {  	_ = 	snop  }
0x3c: {  	p2 =	seq.s32 s10, $0x1;
	s10 =	sld [smem:$0x3FB2]  }
0x3d: {  	_ =	shalt  }
0x3e: {  	_ =	shalt  }
0x3f: {  	_ =	shalt  }
0x40: {  	_ =	shalt  }
0x41: {  	_ =	shalt  }
0x42: {  	_ =	shalt  }
0x43: {  	_ =	shalt  }
0x44: {  	_ =	shalt  }
0x45: {  	_ =	shalt  }
0x46: {  	_ =	shalt  }
0x47: {  	_ =	shalt  }
0x48: {  	_ =	shalt  }
0x49: {  	_ =	shalt  }
0x4a: {  	_ =	shalt  }
0x4b: {  	_ =	shalt  }
0x4c: {  	_ =	shalt  }
0x4d: {  	_ =	shalt  }
0x4e: {  	_ =	shalt  }
0x4f: {  	_ =	shalt  }
0x50: {  	_ =	shalt  }
0x51: {  	_ =	shalt  }
0x52: {  	_ =	shalt  }
0x53: {  	_ =	shalt  }
0x54: {  	_ =	shalt  }
0x55: {  	_ =	shalt  }
0x56: {  	_ =	shalt  }
0x57: {  	_ =	shalt  }
0x58: {  	_ =	shalt  }
0x59: {  	_ =	shalt  }
0x5a: {  	_ =	shalt  }
0x5b: {  	_ =	shalt  }
0x5c: {  	_ =	shalt  }
0x5d: {  	_ =	shalt  }
0x5e: {  	_ =	shalt  }
0x5f: {  	_ =	shalt  }
0x60: {  	_ =	shalt  }
0x61: {  	_ =	shalt  }
0x62: {  	_ =	shalt  }
0x63: {  	_ =	shalt  }
0x64: {  	_ =	shalt  }
0x65: {  	_ =	shalt  }
0x66: {  	_ =	shalt  }
0x67: {  	_ =	shalt  }
0x68: {  	_ =	shalt  }
0x69: {  	_ =	shalt  }
0x6a: {  	_ =	shalt  }
0x6b: {  	_ =	shalt  }
0x6c: {  	_ =	shalt  }
0x6d: {  	_ =	shalt  }
0x6e: {  	_ =	shalt  }
0x6f: {  	_ =	shalt  }
0x70: {  	_ =	shalt  }
0x71: {  	_ =	shalt  }
0x72: {  	_ =	shalt  }
0x73: {  	_ =	shalt  }
0x74: {  	_ =	shalt  }
0x75: {  	_ =	shalt  }
0x76: {  	_ =	shalt  }
0x77: {  	_ =	shalt  }
0x78: {  	_ =	shalt  }
0x79: {  	_ =	shalt  }
0x7a: {  	_ =	shalt  }
0x7b: {  	_ =	shalt  }
0x7c: {  	_ =	shalt  }
0x7d: {  	_ =	shalt  }
0x7e: {  	_ =	shalt  }
0x7f: {  	_ =	shalt  }
0x80: {  	_ =	shalt  }
0x81: {  	_ =	shalt  }
0x82: {  	_ =	shalt  }
0x83: {  	_ =	shalt  }
0x84: {  	_ =	shalt  }
0x85: {  	_ =	shalt  }
0x86: {  	_ =	shalt  }
0x87: {  	_ =	shalt  }
.Lfunc_end0:
.L_simem_size_0:
called_computation_lowered:
.L_overlay_start_0:
0x88: {  	s2 =	sld [smem:$0x3FD9]  }
0x89: {  	s3 =	sld [smem:$0x3FFE];
	_ =	sdelay $0x1  }
0x8a: {  	s1 =	srdreg.scid  }
0x8b: {  	s0 =	sand.u32 $0x1, s1  }
0x8c: {  	s17 =	sshll.u32 s0, $0xA;
	s2 =	sadd.s32 s3, s2  }
0x8d: {  	s2 =	sadd.s32 s2, s17  }
0x8e: {  	[smem:$0x3FBE] =	sst s2  }
0x8f: {  	_ = 	snop  }
0x90: {  	s2 =	sld [smem:$0x3FC9]  }
0x91: {  	s18 =	sld [smem:$0x3FC8];
	(tm) =	ssettm $0x1  }
0x92: {  	s4 =	sld [smem:$0x3FFB];
	_ =	sdelay $0x3  }
0x93: {  	_ =	strace s4  }
0x94: {  	s4 =	sld [smem:$0x3FFC];
	_ =	sdelay $0x3  }
0x95: {  	_ =	strace s4  }
0x96: {  	s4 =	sld [smem:$0x3FFD];
	_ =	sdelay $0x3  }
0x97: {  	_ =	strace s4  }
0x98: {  	_ =	strace $0x8FFFFFFF  }
0x99: {  	s19 =	sld [smem:$0x3FDB];
	_ =	sdelay $0x1  }
0x9a: {  	s5 =	simm.s32 $_scs_section_size  }
0x9b: {  	s6 =	simm.s32 $_size__tile_overlayer_lowered;
	s7 =	simm.s32 $_tile_overlayer_lowered  }
0x9c: {  	s22 =	simm.s32 $0x1BFF;
	s21 =	sshll.u32 s7, $0x1;
	s4 =	sadd.s32 s5, s19  }
0x9d: {  	s8 =	simm.s32 $0x0;
	s20 =	sshll.u32 s6, $0x1;
	s6 =	sadd.s32 s21, s4  }
0x9e: {  	[timem:s8], [sflag:s22] =	dma.local [hbm:s6], s20  }
0x9f: {  	_ =	swait.ge [sflag:s22], s20  }
0xa0: {  	s5 =	ssub.s32 $0x0, s20;
	[sflag:s22] =	ssyncset.done $0x0  }
0xa1: {  	[sflag:s22] =	ssyncadd.s32 s5;
	_ =	sdelay $0x1  }
0xa2: {  	s23 =	simm.s32 $0x1B8B  }
0xa3: {  	_ =	swait.ge [sflag:s23], $0x1  }
0xa4: {  	[sflag:s23] =	ssyncset.done $0x0  }
0xa5: {  	s25 =	simm.s32 $0x1B8E;
	s24 =	sld [smem:$0x3FFE];
	[sflag:s23] =	ssyncadd.s32 $0xFFFFFFFF  }
0xa6: {  	s26 =	simm.s32 $execute0_lowered;
	[smem:$0x3FD2] =	sst s25  }
0xa7: {  	s6 =	sshll.u32 s26, $0x1;
	_ =	strace $0x80000046;
	[dreg:$0x1] =	wrdreg $0xFFFFFFFF  }
0xa8: {  	s28 =	simm.s32 $_size_execute0_lowered;
	s4 =	sadd.s32 s4, s6;
	[dreg:$0x0] =	wrdreg $0x0  }
0xa9: {  	s6 =	sshll.u32 s28, $0x1;
	[dreg:$0x2] =	wrdreg s4  }
0xaa: {  	[dreg:$0x3] =	wrdreg s6  }
0xab: {  	[dreg:$0x4] =	wrdreg $0xC0  }
0xac: {  	_ =	task [dreg:s8], $0x5FFFF  }
0xad: {  	[dreg:$0x1] =	wrdreg $0xFFFFFFFF  }
0xae: {  	[dreg:$0x0] =	wrdreg $0x60  }
0xaf: {  	[dreg:$0x2] =	wrdreg s2  }
0xb0: {  	[dreg:$0x3] =	wrdreg s18  }
0xb1: {  	[dreg:$0x4] =	wrdreg s24  }
0xb2: {  	[dreg:$0x5] =	wrdreg $0xC3800  }
0xb3: {  	[dreg:$0x6] =	wrdreg $0x9  }
0xb4: {  	_ =	task.clear_ibuf [dreg:s8], $0x7FFFF;
	_ =	strace $0x90000046  }
0xb5: {  	s29 =	simm.s32 $0x9;
	_ =	strace $0x80000048  }
0xb6: {  	_ =	swait.ge [sflag:s29], $0x1  }
0xb7: {  	[sflag:s29] =	ssyncadd.s32 $0xFFFFFFFF  }
0xb8: {  	_ =	strace $0x90000048  }
0xb9: {  	_ =	sfence  }
0xba: {  	s30 =	sld [smem:$0x0];
	_ =	sdelay $0x2  }
0xbb: {  	s31 =	sshll.u32 s1, $0xD;
	s1 =	sshrl.u32 s1, $0x2  }
0xbc: {  	s3 =	sand.u32 $0x4000, s31;
	s1 =	sadd.s32 s1, s30  }
0xbd: {  	s0 =	sor.u32 s3, s0;
	s1 =	sshll.u32 s1, $0x11  }
0xbe: {  	s0 =	sor.u32 s1, s0  }
0xbf: {  	s0 =	sadd.s32 $0x8F2B, s0  }
0xc0: {  	[sflag:s0] =	ssyncadd.remote.s32 $0x1  }
0xc1: {  	_ =	sfence.sel $0xFFFF  }
0xc2: {  	[dreg:$0x0] =	wrdreg $0xFFFFFFFF;
	(pc) =	sbr.abs _section_cstart, $3  }
0xc3: {  	[dreg:$0x1] =	wrdreg $0xFFFFFFFF  }
0xc4: {  	_ =	task.clear_ibuf [dreg:s8], $0x2FFFF;
	_ =	strace $0x9FFFFFFF  }
0xc5: {  	(tm) =	ssettm $0x7FFFFFFF  }
tec
execute0_lowered:
.L_overlay_start_1:
0x0: {  	(tag) =	ssettag $0x1  }
0x1: {  	s1 =	rddreg [dreg:$0x0]  }
0x2: {  	s0 =	rddreg [dreg:$0x1]  }
0x3: {  	s3 =	rddreg [dreg:$0x2]  }
0x4: {  	s2 =	rddreg [dreg:$0x3]  }
0x5: {  	s4 =	srdreg.scid;
	s17 =	stileid.u32;
	s28 =	simm.s32 $0xC080  }
0x6: {  	s30 =	simm.s32 $0xC100;
	s31 =	simm.s32 $0x4;
	s8 =	smul.u32 $0x13C00, s17  }
0x7: {  	s7 =	sand.u32 $0x1, s4;
	s4 =	simm.s32 $0x0;
	s9 =	smul.u32 $0x54, s17  }
0x8: {  	s5 =	sadd.s32 $0x2800, s3;
	s25 =	sadd.s32 $0x3400, s3;
	s10 =	smul.u32 $0x4E, s17  }
0x9: {  	s19 =	sadd.s32 $0x10, s0;
	s6 =	smul.u32 $0x13C000, s7;
	[smem:$0x7FF] =	sst s4  }
0xa: {  	s11 =	ssub.s32 $0x2, s7;
	p0 =	seq.s32 s7, $0x0;
	_ =	strace $0x80000047  }
0xb: {  	[dreg:$0x9] =	wrdreg s25;
	s7 =	sadd.s32 $0x4E0, s9;
	s26 =	sshrl.u32 s11, $0x1  }
0xc: {  	s9 =	simm.s32 $0x4E;
	s8 =	sadd.s32 s8, s6;
	s7 =	smov.u32 @p0 s10  }
0xd: {  	s9 =	simm.s32 @!p0 $0x54;
	s8 =	sshrl.u32 s8, $0x3;
	s10 =	sshll.u32 s7, $0x7  }
0xe: {  	s13 =	sshll.u32 s7, $0x4;
	s18 =	sshll.u32 s7, $0x5;
	s25 =	sadd.s32 $0xFFFFFFFD, s9  }
0xf: {  	p0 =	slt.u32 s7, $0x9C4;
	p1 =	slt.u32 s7, $0x9C2;
	s3 =	sadd.s32 s8, s3  }
0x10: {  	s8 =	ssub.s32 s11, s26;
	s6 =	sadd.s32 $0xFFFB1E00, s10;
	s12 =	sadd.s32 $0xFFFB1E80, s10  }
0x11: {  	s14 =	sadd.s32 $0xFFF63C0, s13;
	s16 =	sadd.s32 $0xFFF63D0, s13;
	s20 =	sadd.s32 s18, s19  }
0x12: {  	s23 =	sadd.s32 $0xFFFB1F00, s10;
	s13 =	sadd.s32 $0x40, s18;
	s26 =	smul.u32 $0x4F000, s17  }
0x13: {  	[dreg:$0x5] =	wrdreg s25;
	s17 =	sadd.s32 $0xFFFFFFFC, s9;
	s29 =	sadd.s32 $0xFFFB1F80, s10  }
0x14: {  	s11 =	sand.u32 $0x7FFFFF00, s6;
	s12 =	sand.u32 $0x7FFFFF80, s12;
	[dreg:$0xd] =	wrdreg s20  }
0x15: {  	s14 =	sand.u32 $0xFFFFFE0, s14;
	s24 =	sadd.s32 s13, s19;
	[dreg:$0x6] =	wrdreg s17  }
0x16: {  	s3 =	sadd.s32 $0x5C00, s3;
	s11 =	sadd.s32 $0x3000, s11;
	[dreg:$0x10] =	wrdreg s24  }
0x17: {  	s12 =	sadd.s32 $0x3000, s12;
	s14 =	sadd.s32 s5, s14;
	[dreg:$0x16] =	wrdreg s3  }
0x18: {  	s24 =	sshrl.u32 s26, $0x2;
	s26 =	smax.u32 s8, $0x1;
	[dreg:$0xb] =	wrdreg s14  }
0x19: {  	s11 =	sshrl.u32 s11, $0x3;
	s25 =	sadd.s32 s24, s2;
	[dreg:$0x17] =	wrdreg s26  }
0x1a: {  	s12 =	sshrl.u32 s12, $0x3;
	s11 =	sadd.s32 s5, s11;
	[dreg:$0x15] =	wrdreg s25  }
0x1b: {  	s8 =	simm.s32 $0x5;
	s15 =	sadd.s32 s5, s12;
	[dreg:$0xa] =	wrdreg s11  }
0x1c: {  	s14 =	simm.s32 $0x2;
	s12 =	sadd.s32 s0, s18;
	[dreg:$0xc] =	wrdreg s15  }
0x1d: {  	s11 =	sand.u32 $0xFFFFFF0, s16;
	s15 =	sor.u32 $0x20, s18;
	s16 =	sadd.s32 $0xFFFB4F00, s10  }
0x1e: {  	s10 =	simm.s32 $0xC000;
	s21 =	sadd.s32 s15, s19;
	s22 =	sadd.s32 s0, s15  }
0x1f: {  	s0 =	sadd.s32 s0, s13;
	s18 =	sshrl.u32 s16, $0x3;
	[dreg:$0xe] =	wrdreg s21  }
0x20: {  	s19 =	smul.u32 $0x56, s9;
	s20 =	sadd.s32 s5, s11;
	[dreg:$0xf] =	wrdreg s22  }
0x21: {  	s9 =	sadd.s32 $0xFFFFFFFB, s9;
	s11 =	simm.s32 $0xA;
	[dreg:$0x11] =	wrdreg s0  }
0x22: {  	s13 =	simm.s32 $0x1;
	[dreg:$0x12] =	wrdreg s20;
	s21 =	sadd.s32 s5, s18  }
0x23: {  	s22 =	sshrl.u32 s23, $0x3;
	[dreg:$0x7] =	wrdreg s9;
	s0 =	sshrl.u32 s19, $0x8  }
0x24: {  	[dreg:$0x13] =	wrdreg s21;
	s23 =	sadd.s32 s5, s22;
	s0 =	smul.u32 $0x60, s0  }
0x25: {  	s15 =	simm.s32 $0x3;
	s16 =	simm.s32 $0x0;
	[dreg:$0x14] =	wrdreg s23  }
0x26: {  	s9 =	simm.s32 $0x6;
	[dreg:$0x8] =	wrdreg s0;
	s0 =	simm.s32 $0x80  }
.LBB2_1:
.Ltmp0:
0x27: {  	(pc) =	sbr.rel @!p0 .LBB2_2-.Ltmp0, $1  }
0x28: {  	_ =	sdelay $0x3  }
0x29: {  	s3 =	rddreg [dreg:$0xd];
	s6 =	simm.s32 $0xC180  }
0x2a: {  	[tilespmem:s6], [sflag:$0x7] =	stream.linear.gather [hbm4b:s3+s4], $0x80, $0x38;
	[tilespmem:$0x1FF80] =	vst v63  }
0x2b: {  	s24 =	rddreg [dreg:$0xe]  }
0x2c: {  	[tilespmem:s10], [sflag:$0x4] =	stream.linear.gather [hbm4b:s12+s4], $0x80, $0x38;
	[tilespmem:$0x1FF80] =	vst v63  }
.Ltmp1:
0x2d: {  	s26 =	rddreg [dreg:$0xf];
	(pc) =	sbr.rel @p1 .LBB2_5-.Ltmp1, $4  }
.Ltmp2:
0x2e: {  	s25 =	simm.s32 $0xC200;
	s23 =	rddreg [dreg:$0x11];
	(pc) =	sbr.rel @!p1 .LBB2_4-.Ltmp2, $4  }
0x2f: {  	[tilespmem:s25], [sflag:$0x8] =	stream.linear.gather [hbm4b:s24+s4], $0x80, $0x38;
	[tilespmem:$0x1FF80] =	vst v63  }
0x30: {  	s3 =	rddreg [dreg:$0x10]  }
0x31: {  	[tilespmem:s28], [sflag:$0x5] =	stream.linear.gather [hbm4b:s26+s4], $0x80, $0x38;
	[tilespmem:$0x1FF80] =	vst v63  }
0x32: {  	_ = 	snop  }
.LBB2_2:
0x33: {  	s3 =	rddreg [dreg:$0xa];
	s6 =	simm.s32 $0xC180  }
0x34: {  	[tilespmem:s6], [sflag:$0x7] =	stream.linear.gather [hbm4b:s3+s4], $0x80, $0x38;
	[tilespmem:$0x1FF80] =	vst v63  }
0x35: {  	s23 =	rddreg [dreg:$0xb]  }
0x36: {  	[tilespmem:s10], [sflag:$0x4] =	stream.linear.gather [hbm4b:s23+s4], $0x80, $0x38;
	[tilespmem:$0x1FF80] =	vst v63  }
0x37: {  	s24 =	rddreg [dreg:$0xc];
	s25 =	simm.s32 $0xC200  }
0x38: {  	[tilespmem:s25], [sflag:$0x8] =	stream.linear.gather [hbm4b:s24+s4], $0x80, $0x38;
	[tilespmem:$0x1FF80] =	vst v63  }
0x39: {  	s26 =	rddreg [dreg:$0x12]  }
0x3a: {  	[tilespmem:s28], [sflag:$0x5] =	stream.linear.gather [hbm4b:s26+s4], $0x80, $0x38;
	[tilespmem:$0x1FF80] =	vst v63  }
.LBB2_4:
0x3b: {  	s3 =	rddreg [dreg:$0x13]  }
0x3c: {  	s23 =	rddreg [dreg:$0x14]  }
.LBB2_5:
0x3d: {  	s17 =	simm.s32 $0x0;
	s6 =	simm.s32 $0xC280  }
0x3e: {  	[tilespmem:s6], [sflag:$0x9] =	stream.linear.gather [hbm4b:s3+s17], $0x80, $0x38;
	[tilespmem:$0x1FF80] =	vst v63  }
0x3f: {  	_ = 	snop  }
0x40: {  	[tilespmem:s30], [sflag:$0x6] =	stream.linear.gather [hbm4b:s23+s17], $0x80, $0x38;
	[tilespmem:$0x1FF80] =	vst v63  }
0x41: {  	_ =	swait.ge [sflag:s31], $0x80  }
0x42: {  	[sflag:s31] =	ssyncset.done $0x0  }
0x43: {  	[sflag:s31] =	ssyncadd.s32 $0xFFFFFF80  }
0x44: {  	[tilespmem:s17], [sflag:$0x1] =	stream.indirect.gather [hbm4b:s1+s0], $0x80, s10, s0, $0xb8;
	[tilespmem:$0x1FF80] =	vst v63  }
0x45: {  	_ =	swait.ge [sflag:s8], $0x80  }
0x46: {  	[sflag:s8] =	ssyncset.done $0x0  }
0x47: {  	s20 =	simm.s32 $0x4000;
	s22 =	stileid.u32;
	[sflag:s8] =	ssyncadd.s32 $0xFFFFFF80  }
0x48: {  	[tilespmem:s20], [sflag:$0x2] =	stream.indirect.gather [hbm4b:s1+s0], $0x80, s28, s0, $0xb8;
	[tilespmem:$0x1FF80] =	vst v63  }
0x49: {  	s21 =	simm.s32 $0x8000;
	s3 =	sshll.u32 s22, $0x6;
	_ =	swait.ge [sflag:s9], $0x80  }
0x4a: {  	s24 =	sor.u32 $0x1C0A, s3;
	[sflag:s9] =	ssyncset.done $0x0;
	s23 =	rddreg [dreg:$0x15]  }
0x4b: {  	s25 =	rddreg [dreg:$0x9];
	[sflag:s9] =	ssyncadd.s32 $0xFFFFFF80;
	s26 =	sshrl.u32 s23, $0x3  }
0x4c: {  	[tilespmem:s21], [sflag:$0x3] =	stream.indirect.gather [hbm4b:s1+s0], $0x80, s30, s0, $0xb8;
	[tilespmem:$0x1FF80] =	vst v63  }
0x4d: {  	[spmem:s26], [sflag:s24] =	dma.local [hbm:s25], $0x2780  }
0x4e: {  	_ =	swait.ge [sflag:s11], $0x2780  }
0x4f: {  	[sflag:s11] =	ssyncset.done $0x0  }
0x50: {  	[sflag:s11] =	ssyncadd.s32 $0xFFFFD880  }
0x51: {  	s3 =	simm.s32 $0x0;
	s23 =	smov.u32 s29;
	[bflag:$0x0] =	sbarrier.arrive $0xFFFF  }
.LBB2_6:
0x52: {  	_ =	swait.ge [sflag:s13], $0x4000  }
0x53: {  	s10 =	rddreg [dreg:$0x5]  }
0x54: {  	[sflag:s13] =	ssyncset.done $0x0;
	p2 =	sge.u32 s17, s10  }
0x55: {  	[sflag:s13] =	ssyncadd.s32 $0xFFFFC000;
	s10 =	simm.s32 @p2 $0x7  }
0x56: {  	_ =	swait.ge @p2 [sflag:s10], $0x80  }
0x57: {  	s18 =	simm.s32 @p2 $0xC180;
	[sflag:s10] =	ssyncset.done @p2 $0x0  }
0x58: {  	s19 =	simm.s32 @p2 $0x0;
	[sflag:s10] =	ssyncadd.s32 @p2 $0xFFFFFF80;
	s10 =	simm.s32 @p2 $0x80  }
0x59: {  	[spmem:s2] =	stream.indirect.scatter.add.f32 @p2 [tilespmem:s19], [sflag:$0xA], $0x80, s18, s10, $0xb8;
	[tilespmem:$0x1FF80] =	vst v63  }
0x5a: {  	s10 =	simm.s32 @p2 $0xA  }
0x5b: {  	_ =	swait.ge @p2 [sflag:s10], $0x4000  }
0x5c: {  	[sflag:s10] =	ssyncset.done @p2 $0x0  }
0x5d: {  	[sflag:s10] =	ssyncadd.s32 @p2 $0xFFFFC000;
	s10 =	sadd.s32 @!p2 s17, s7  }
0x5e: {  	s18 =	sadd.s32 @!p2 s3, s12;
	p4 =	sgt.u32 @!p2 s10, $0x9C0;
	s10 =	sshrl.u32 @!p2 s23, $0x3  }
0x5f: {  	s18 =	sadd.s32 @!p2 $0x60, s18;
	s10 =	sadd.s32 @!p2 s5, s10;
	p3 =	por !p4, p2  }
0x60: {  	s19 =	simm.s32 @!p2 $0xC000;
	s10 =	smov.u32 @p3 s18;
	s18 =	simm.s32 @!p2 $0x0  }
0x61: {  	[tilespmem:s19], [sflag:$0x4] =	stream.linear.gather @!p2 [hbm4b:s10+s18], $0x80, $0x38;
	[tilespmem:$0x1FF80] =	vst v63  }
0x62: {  	s10 =	simm.s32 @!p2 $0x7  }
0x63: {  	s6 =	simm.s32 @!p2 $0xC180;
	s21 =	simm.s32 @!p2 $0xA;
	_ =	swait.ge @!p2 [sflag:s10], $0x80  }
0x64: {  	p4 =	por p4, p2;
	s20 =	sand.u32 @!p3 $0xFFFFFF80, s23;
	[sflag:s10] =	ssyncset.done @!p2 $0x0  }
0x65: {  	s20 =	sadd.s32 @!p3 $0x3000, s20;
	[sflag:s10] =	ssyncadd.s32 @!p2 $0xFFFFFF80;
	s10 =	simm.s32 @!p2 $0x80  }
0x66: {  	[spmem:s2] =	stream.indirect.scatter.add.f32 @!p2 [tilespmem:s18], [sflag:$0xA], $0x80, s6, s10, $0xb8;
	[tilespmem:$0x1FF80] =	vst v63  }
0x67: {  	s22 =	sadd.s32 @!p4 s3, s12;
	s20 =	sshrl.u32 @!p3 s20, $0x3;
	_ =	swait.ge @!p2 [sflag:s21], $0x4000  }
0x68: {  	s22 =	sadd.s32 @!p4 $0x70, s22;
	s20 =	sadd.s32 @!p3 s5, s20;
	[sflag:s21] =	ssyncset.done @!p2 $0x0  }
0x69: {  	s20 =	smov.u32 @p3 s22;
	[sflag:s21] =	ssyncadd.s32 @!p2 $0xFFFFC000  }
0x6a: {  	[tilespmem:s6], [sflag:$0x7] =	stream.linear.gather @!p2 [hbm4b:s20+s18], $0x80, $0x38;
	[tilespmem:$0x1FF80] =	vst v63  }
0x6b: {  	s6 =	simm.s32 @!p2 $0x4  }
0x6c: {  	_ =	swait.ge @!p2 [sflag:s6], $0x80  }
0x6d: {  	[sflag:s6] =	ssyncset.done @!p2 $0x0  }
0x6e: {  	[sflag:s6] =	ssyncadd.s32 @!p2 $0xFFFFFF80  }
0x6f: {  	[tilespmem:s18], [sflag:$0x1] =	stream.indirect.gather @!p2 [hbm4b:s1+s10], $0x80, s19, s10, $0xb8;
	[tilespmem:$0x1FF80] =	vst v63  }
0x70: {  	_ =	swait.ge [sflag:s14], $0x4000  }
0x71: {  	s21 =	rddreg [dreg:$0x6]  }
0x72: {  	[sflag:s14] =	ssyncset.done $0x0;
	p2 =	sge.u32 s17, s21  }
0x73: {  	[sflag:s14] =	ssyncadd.s32 $0xFFFFC000;
	s6 =	simm.s32 @p2 $0x8  }
0x74: {  	_ =	swait.ge @p2 [sflag:s6], $0x80  }
0x75: {  	s10 =	simm.s32 @p2 $0xC200;
	[sflag:s6] =	ssyncset.done @p2 $0x0  }
0x76: {  	s18 =	simm.s32 @p2 $0x4000;
	[sflag:s6] =	ssyncadd.s32 @p2 $0xFFFFFF80;
	s6 =	simm.s32 @p2 $0x80  }
0x77: {  	[spmem:s2] =	stream.indirect.scatter.add.f32 @p2 [tilespmem:s18], [sflag:$0xA], $0x80, s10, s6, $0xb8;
	[tilespmem:$0x1FF80] =	vst v63  }
0x78: {  	s6 =	sadd.s32 @!p2 s17, s7  }
0x79: {  	s6 =	sadd.s32 @!p2 $0x1, s6  }
0x7a: {  	p4 =	sgt.u32 @!p2 s6, $0x9C0  }
0x7b: {  	s6 =	simm.s32 @p2 $0xA;
	p3 =	por !p4, p2  }
0x7c: {  	_ =	swait.ge @p2 [sflag:s6], $0x4000;
	p4 =	por p4, p2;
	s10 =	sadd.s32 @!p3 $0x80, s23  }
0x7d: {  	[sflag:s6] =	ssyncset.done @p2 $0x0;
	s19 =	sadd.s32 @!p4 s3, s12;
	s18 =	sshrl.u32 @!p3 s10, $0x3  }
0x7e: {  	[sflag:s6] =	ssyncadd.s32 @p2 $0xFFFFC000;
	s6 =	sadd.s32 @!p3 s5, s18;
	s18 =	sadd.s32 @!p4 $0x80, s19  }
0x7f: {  	s20 =	simm.s32 @!p2 $0xC080;
	s6 =	smov.u32 @p3 s18;
	s18 =	simm.s32 @!p2 $0x0  }
0x80: {  	[tilespmem:s20], [sflag:$0x5] =	stream.linear.gather @!p2 [hbm4b:s6+s18], $0x80, $0x38;
	[tilespmem:$0x1FF80] =	vst v63  }
0x81: {  	s6 =	simm.s32 @!p2 $0x8  }
0x82: {  	s21 =	simm.s32 @!p2 $0xC200;
	s22 =	simm.s32 @!p2 $0x4000;
	_ =	swait.ge @!p2 [sflag:s6], $0x80  }
0x83: {  	s25 =	simm.s32 @!p2 $0xA;
	s10 =	sand.u32 @!p3 $0xFFFFFF80, s10;
	[sflag:s6] =	ssyncset.done @!p2 $0x0  }
0x84: {  	s10 =	sadd.s32 @!p3 $0x3000, s10;
	[sflag:s6] =	ssyncadd.s32 @!p2 $0xFFFFFF80;
	s6 =	simm.s32 @!p2 $0x80  }
0x85: {  	[spmem:s2] =	stream.indirect.scatter.add.f32 @!p2 [tilespmem:s22], [sflag:$0xA], $0x80, s21, s6, $0xb8;
	[tilespmem:$0x1FF80] =	vst v63  }
0x86: {  	s10 =	sshrl.u32 @!p3 s10, $0x3;
	_ =	swait.ge @!p2 [sflag:s25], $0x4000  }
0x87: {  	s19 =	sadd.s32 @!p4 $0x90, s19;
	s10 =	sadd.s32 @!p3 s5, s10;
	[sflag:s25] =	ssyncset.done @!p2 $0x0  }
0x88: {  	s10 =	smov.u32 @p3 s19;
	[sflag:s25] =	ssyncadd.s32 @!p2 $0xFFFFC000  }
0x89: {  	[tilespmem:s21], [sflag:$0x8] =	stream.linear.gather @!p2 [hbm4b:s10+s18], $0x80, $0x38;
	[tilespmem:$0x1FF80] =	vst v63  }
0x8a: {  	s10 =	simm.s32 @!p2 $0x5  }
0x8b: {  	_ =	swait.ge @!p2 [sflag:s10], $0x80  }
0x8c: {  	[sflag:s10] =	ssyncset.done @!p2 $0x0  }
0x8d: {  	[sflag:s10] =	ssyncadd.s32 @!p2 $0xFFFFFF80  }
0x8e: {  	[tilespmem:s22], [sflag:$0x2] =	stream.indirect.gather @!p2 [hbm4b:s1+s6], $0x80, s20, s6, $0xb8;
	[tilespmem:$0x1FF80] =	vst v63  }
0x8f: {  	_ =	swait.ge [sflag:s15], $0x4000  }
0x90: {  	s22 =	rddreg [dreg:$0x7]  }
0x91: {  	[sflag:s15] =	ssyncset.done $0x0;
	p2 =	sge.u32 s17, s22  }
0x92: {  	[sflag:s15] =	ssyncadd.s32 $0xFFFFC000;
	s6 =	simm.s32 @p2 $0x9  }
0x93: {  	_ =	swait.ge @p2 [sflag:s6], $0x80  }
0x94: {  	s10 =	simm.s32 @p2 $0xC280;
	[sflag:s6] =	ssyncset.done @p2 $0x0  }
0x95: {  	s18 =	simm.s32 @p2 $0x8000;
	[sflag:s6] =	ssyncadd.s32 @p2 $0xFFFFFF80;
	s6 =	simm.s32 @p2 $0x80  }
0x96: {  	[spmem:s2] =	stream.indirect.scatter.add.f32 @p2 [tilespmem:s18], [sflag:$0xA], $0x80, s10, s6, $0xb8;
	[tilespmem:$0x1FF80] =	vst v63  }
0x97: {  	s6 =	sadd.s32 @!p2 s17, s7  }
0x98: {  	s6 =	sadd.s32 @!p2 $0x2, s6  }
0x99: {  	p4 =	sgt.u32 @!p2 s6, $0x9C0  }
0x9a: {  	s6 =	simm.s32 @p2 $0xA;
	p3 =	por !p4, p2  }
0x9b: {  	_ =	swait.ge @p2 [sflag:s6], $0x4000;
	p4 =	por p4, p2;
	s10 =	sadd.s32 @!p3 $0x100, s23  }
0x9c: {  	[sflag:s6] =	ssyncset.done @p2 $0x0;
	s19 =	sadd.s32 @!p4 s3, s12;
	s18 =	sshrl.u32 @!p3 s10, $0x3  }
0x9d: {  	[sflag:s6] =	ssyncadd.s32 @p2 $0xFFFFC000;
	s6 =	sadd.s32 @!p3 s5, s18;
	s18 =	sadd.s32 @!p4 $0xA0, s19  }
0x9e: {  	s20 =	simm.s32 @!p2 $0xC100;
	s6 =	smov.u32 @p3 s18;
	s18 =	simm.s32 @!p2 $0x0  }
0x9f: {  	[tilespmem:s20], [sflag:$0x6] =	stream.linear.gather @!p2 [hbm4b:s6+s18], $0x80, $0x38;
	[tilespmem:$0x1FF80] =	vst v63  }
0xa0: {  	s6 =	simm.s32 @!p2 $0x9  }
0xa1: {  	s21 =	simm.s32 @!p2 $0xC280;
	s22 =	simm.s32 @!p2 $0x8000;
	_ =	swait.ge @!p2 [sflag:s6], $0x80  }
0xa2: {  	s25 =	simm.s32 @!p2 $0xA;
	s10 =	sand.u32 @!p3 $0xFFFFFF80, s10;
	[sflag:s6] =	ssyncset.done @!p2 $0x0  }
0xa3: {  	s10 =	sadd.s32 @!p3 $0x3000, s10;
	[sflag:s6] =	ssyncadd.s32 @!p2 $0xFFFFFF80;
	s6 =	simm.s32 @!p2 $0x80  }
0xa4: {  	[spmem:s2] =	stream.indirect.scatter.add.f32 @!p2 [tilespmem:s22], [sflag:$0xA], $0x80, s21, s6, $0xb8;
	[tilespmem:$0x1FF80] =	vst v63  }
0xa5: {  	s10 =	sshrl.u32 @!p3 s10, $0x3;
	_ =	swait.ge @!p2 [sflag:s25], $0x4000  }
0xa6: {  	s19 =	sadd.s32 @!p4 $0xB0, s19;
	s10 =	sadd.s32 @!p3 s5, s10;
	[sflag:s25] =	ssyncset.done @!p2 $0x0  }
0xa7: {  	s10 =	smov.u32 @p3 s19;
	[sflag:s25] =	ssyncadd.s32 @!p2 $0xFFFFC000  }
0xa8: {  	[tilespmem:s21], [sflag:$0x9] =	stream.linear.gather @!p2 [hbm4b:s10+s18], $0x80, $0x38;
	[tilespmem:$0x1FF80] =	vst v63  }
0xa9: {  	s10 =	simm.s32 @!p2 $0x6  }
0xaa: {  	_ =	swait.ge @!p2 [sflag:s10], $0x80  }
0xab: {  	[sflag:s10] =	ssyncset.done @!p2 $0x0  }
0xac: {  	s3 =	sadd.s32 $0x60, s3;
	s25 =	rddreg [dreg:$0x8];
	[sflag:s10] =	ssyncadd.s32 @!p2 $0xFFFFFF80  }
0xad: {  	[tilespmem:s22], [sflag:$0x3] =	stream.indirect.gather @!p2 [hbm4b:s1+s6], $0x80, s20, s6, $0xb8;
	[tilespmem:$0x1FF80] =	vst v63  }
0xae: {  	p2 =	sne.s32 s25, s3  }
.Ltmp3:
0xaf: {  	_ = 	snop;
	(pc) =	sbr.rel @p2 .LBB2_6-.Ltmp3, $2  }
0xb0: {  	_ =	sdelay $0x2  }
0xb1: {  	s17 =	sadd.s32 $0x3, s17;
	s23 =	sadd.s32 $0x180, s23  }
0xb2: {  	[bflag:$0x0] =	sbarrier.arrive $0xFFFF  }
0xb3: {  	s3 =	rddreg [dreg:$0x16]  }
0xb4: {  	[hbm:s3], [sflag:s24] =	dma.local [spmem:s26], $0x2780  }
0xb5: {  	_ =	swait.ge [sflag:s11], $0x2780  }
0xb6: {  	s16 =	sadd.s32 $0x1, s16;
	s26 =	rddreg [dreg:$0x17]  }
0xb7: {  	p2 =	sne.s32 s16, s26  }
.Ltmp4:
0xb8: {  	_ = 	snop;
	(pc) =	sbr.rel @p2 .LBB2_1-.Ltmp4, $3  }
0xb9: {  	_ =	sdelay $0x1  }
0xba: {  	[sflag:s11] =	ssyncset.done $0x0  }
0xbb: {  	s10 =	simm.s32 $0xC000;
	[sflag:s11] =	ssyncadd.s32 $0xFFFFD880  }
0xbc: {  	_ =	sfence.sel $0x180000  }
0xbd: {  	[bflag:$0x0] =	sbarrier.arrive $0xFFFF  }
0xbe: {  	_ =	strace $0x90000047  }
0xbf: {  	s0 =	stileid.u32;
	[bflag:$0x2] =	sbarrier.arrive $0xFFFF  }
0xc0: {  	p0 =	sne.s32 s0, $0x0;
	s0 =	rddreg [dreg:$0x4]  }
0xc1: {  	s0 =	sadd.s32 @!p0 $0x100000, s0  }
0xc2: {  	[sflag:s0] =	ssyncadd.tile.s32 @!p0 $0x1;
	_ =	shalt  }
.Lfunc_end2:
_tile_overlayer_lowered:
.L_overlay_start_2:
0xc3: {  	(tag) =	ssettag $0x2  }
0xc4: {  	s0 =	rddreg [dreg:$0x0];
	s2 =	stileid.u32  }
0xc5: {  	s1 =	rddreg [dreg:$0x1];
	p0 =	sne.s32 s2, $0x0  }
0xc6: {  	s3 =	rddreg [dreg:$0x2];
	[bflag:$0x3] =	sbarrier.arrive $0xFFFF;
	s2 =	simm.s32 @!p0 $0x1C0A  }
0xc7: {  	[timem:s3], [sflag:s2] =	dma.local @!p0 [hbm:s0], s1  }
0xc8: {  	s0 =	simm.s32 @!p0 $0xA  }
0xc9: {  	_ =	swait.ge @!p0 [sflag:s0], s1  }
0xca: {  	s1 =	ssub.s32 @!p0 $0x0, s1;
	[sflag:s0] =	ssyncset.done @!p0 $0x0  }
0xcb: {  	[sflag:s0] =	ssyncadd.s32 @!p0 s1  }
0xcc: {  	[bflag:$0x3] =	sbarrier.arrive $0xFFFF  }
0xcd: {  	_ =	shalt  }

</sc_bundles>
